<compile_context>
chip_gen: v7x
topology: tpu7x:2x2x1
jax: 0.10.2.dev20260603
libtpu: 0.0.44.dev20260713+nightly
codegen_flags: <defaults>
</compile_context>

<pallas_src>
import dataclasses
import functools

import jax
import jax.numpy as jnp
from jax import lax
from jax._src import config as _jax_config
from jax.experimental import pallas as pl
from jax.experimental.pallas import tpu as pltpu
from jax.experimental.pallas import tpu_sc as plsc

P = 1000003
T = 100004
MAGIC = 2814637182
C32 = 95508
MMASK = 0x1FFFFFFF

B, S = 4096, 200
N_ELEMS = B * S
ROWS128 = N_ELEMS // 128
BBF = 800

NUM_TILES = 32
GROUP = 10
HALF = N_ELEMS // 2
PER_TILE = HALF // GROUP
CHUNK = 5120
NCHUNK = PER_TILE // CHUNK
TPAD = 100016


def _u32(c):
    return jnp.uint32(c)


def _srl(a, k):
    return lax.shift_right_logical(a, _u32(k))


def _mulhilo(a, b_const):
    a0 = a & _u32(0xFFFF)
    a1 = _srl(a, 16)
    b0 = _u32(b_const & 0xFFFF)
    b1 = _u32(b_const >> 16)
    t00 = a0 * b0
    t01 = a0 * b1
    t10 = a1 * b0
    t11 = a1 * b1
    mid = _srl(t00, 16) + (t01 & _u32(0xFFFF)) + (t10 & _u32(0xFFFF))
    hi = t11 + _srl(t01, 16) + _srl(t10, 16) + _srl(mid, 16)
    lo = (mid << _u32(16)) | (t00 & _u32(0xFFFF))
    return hi, lo


def _pair_add(h, l, w):
    lo = l + w
    return h + (lo < w).astype(jnp.uint32), lo


def _pair_mul_p(h, l):
    mh, ml = _mulhilo(l, P)
    return mh + h * _u32(P), ml


def _rem_t(v):
    q = _srl(_mulhilo(v, MAGIC)[0], 16)
    return v - q * _u32(T)


def _cond_sub(v, k):
    d = v - _u32(k)
    return jnp.where(_srl(d, 31) == _u32(0), d, v)


def _idx_small(h, l):
    t = h * _u32(C32)
    s = t + l
    c = (s < t).astype(jnp.uint32)
    v = _rem_t(s) + c * _u32(C32)
    return _cond_sub(v, T)


def _idx_general(h, l):
    ah, al = _mulhilo(h, C32)
    b = ah * _u32(C32)
    s1 = b + al
    c1 = (s1 < b).astype(jnp.uint32)
    s = s1 + l
    c2 = (s < l).astype(jnp.uint32)
    v = _rem_t(s) + (c1 + c2) * _u32(C32)
    v = _cond_sub(v, 2 * T)
    return _cond_sub(v, T)


def _hash_body(x_ref, s1_ref, s2_ref, s3_ref, o2_ref, o3_ref, o4_ref):
    def u(ref):
        return lax.bitcast_convert_type(ref[...], jnp.uint32)

    x, x1, x2, x3 = u(x_ref), u(s1_ref), u(s2_ref), u(s3_ref)
    h2h, h2l = _mulhilo(x1, P)
    h2h, h2l = _pair_add(h2h, h2l, x)
    bh, bl = _mulhilo(x2, P)
    bh, bl = _pair_add(bh, bl, x1)
    h3h, h3l = _pair_mul_p(bh, bl)
    h3h, h3l = _pair_add(h3h, h3l, x)
    ch, cl = _mulhilo(x3, P)
    ch, cl = _pair_add(ch, cl, x2)
    dh, dl = _pair_mul_p(ch, cl)
    dh, dl = _pair_add(dh, dl, x1)
    th, tl = _pair_mul_p(dh, dl)
    th, tl = _pair_add(th, tl, x)
    rh = th & _u32(MMASK)
    al = _srl(th, 29)
    rl = tl + al
    rh = rh + (rl < al).astype(jnp.uint32)
    ge_m = (rh == _u32(0x20000000)) | ((rh == _u32(MMASK)) & (rl == _u32(0xFFFFFFFF)))
    sub_l = rl + _u32(1)
    sub_h = rh + (sub_l < _u32(1)).astype(jnp.uint32) - _u32(0x20000000)
    rh = jnp.where(ge_m, sub_h, rh)
    rl = jnp.where(ge_m, sub_l, rl)
    neg = _srl(th, 31) == _u32(1)
    small = _srl(rl, 3) == _u32(0)
    tiny = (rh == _u32(0)) & small
    lo_n = jnp.where(tiny, rl + _u32(0xFFFFFFF7), rl - _u32(8))
    hi_n = jnp.where(tiny, _u32(MMASK), rh - small.astype(jnp.uint32))
    h4h = jnp.where(neg, hi_n, rh)
    h4l = jnp.where(neg, lo_n, rl)

    def s32(v):
        return lax.bitcast_convert_type(v, jnp.int32)

    o2_ref[...] = s32(_idx_small(h2h, h2l))
    o3_ref[...] = s32(_idx_general(h3h, h3l))
    o4_ref[...] = s32(_idx_general(h4h, h4l))


def _hash_indices(xf, xs1, xs2, xs3):
    rows = xf.shape[0] // 128
    out_sd = jax.ShapeDtypeStruct((rows, 128), jnp.int32)
    spec = pl.BlockSpec((BBF, 128), lambda i: (i, 0))
    return pl.pallas_call(
        _hash_body,
        grid=(rows // BBF,),
        in_specs=[spec] * 4,
        out_specs=[spec] * 3,
        out_shape=[out_sd, out_sd, out_sd],
        compiler_params=pltpu.CompilerParams(
            dimension_semantics=("arbitrary",)),
    )(xf.reshape(rows, 128), xs1.reshape(rows, 128),
      xs2.reshape(rows, 128), xs3.reshape(rows, 128))


def _gather_kernel(t2, t3, t4, i2, i3, i4):
    mesh = plsc.VectorSubcoreMesh(core_axis_name="c", subcore_axis_name="s")
    out_sd = jax.ShapeDtypeStruct((HALF,), jnp.int32)
    cp = pltpu.CompilerParams()
    if "needs_layout_passes" in pltpu.CompilerParams.__dataclass_fields__:
        cp = dataclasses.replace(cp, needs_layout_passes=False)

    @functools.partial(
        pl.kernel,
        mesh=mesh,
        compiler_params=cp,
        out_type=[out_sd, out_sd, out_sd],
        scratch_types=[
            pltpu.VMEM((TPAD,), jnp.int32),
            pltpu.VMEM((CHUNK,), jnp.int32),
            pltpu.VMEM((CHUNK,), jnp.int32),
            pltpu.VMEM((CHUNK,), jnp.int32),
            pltpu.VMEM((CHUNK,), jnp.int32),
            pltpu.SemaphoreType.DMA,
            pltpu.SemaphoreType.DMA,
            pltpu.SemaphoreType.DMA,
            pltpu.SemaphoreType.DMA,
            pltpu.SemaphoreType.DMA,
        ],
    )
    def run(t2_hbm, t3_hbm, t4_hbm, i2_hbm, i3_hbm, i4_hbm,
            o2_hbm, o3_hbm, o4_hbm, tab_v, idx_v0, idx_v1, out_v0, out_v1,
            sem_t, sem_in0, sem_in1, sem_out0, sem_out1):
        wid = lax.axis_index("s") * _i32c(2) + lax.axis_index("c")
        idx_bufs = (idx_v0, idx_v1)
        out_bufs = (out_v0, out_v1)
        in_sems = (sem_in0, sem_in1)
        out_sems = (sem_out0, sem_out1)
        work = ((t2_hbm, i2_hbm, o2_hbm),
                (t3_hbm, i3_hbm, o3_hbm),
                (t4_hbm, i4_hbm, o4_hbm))

        def process(t_hbm, i_hbm, o_hbm, base):
            def in_copy(c, buf):
                off = base + _i32c(c * CHUNK)
                return pltpu.make_async_copy(
                    i_hbm.at[pl.ds(off, CHUNK)], idx_bufs[buf], in_sems[buf])

            def out_copy(c, buf):
                off = base + _i32c(c * CHUNK)
                return pltpu.make_async_copy(
                    out_bufs[buf], o_hbm.at[pl.ds(off, CHUNK)], out_sems[buf])

            tcopy = pltpu.make_async_copy(t_hbm, tab_v, sem_t)
            tcopy.start()
            in_copy(0, 0).start()
            tcopy.wait()
            for c in range(NCHUNK):
                buf = c % 2
                in_copy(c, buf).wait()
                if c + 1 < NCHUNK:
                    in_copy(c + 1, (c + 1) % 2).start()
                if c >= 2:
                    out_copy(c - 2, buf).wait()

                @plsc.parallel_loop(0, CHUNK, step=16, unroll=8)
                def _gather(j, _i=idx_bufs[buf], _o=out_bufs[buf]):
                    iv = _i[pl.ds(j, 16)]
                    _o[pl.ds(j, 16)] = plsc.load_gather(tab_v, [iv])

                out_copy(c, buf).start()
            out_copy(NCHUNK - 2, 0).wait()
            out_copy(NCHUNK - 1, 1).wait()

        for g, (t_hbm, i_hbm, o_hbm) in enumerate(work):
            @pl.when((wid >= _i32c(10 * g)) & (wid < _i32c(10 * g + 10)))
            def _(_t=t_hbm, _i=i_hbm, _o=o_hbm, _g=g):
                process(_t, _i, _o, (wid - _i32c(10 * _g)) * _i32c(PER_TILE))

    return run(t2, t3, t4, i2, i3, i4)


def _i32c(c):
    return jnp.int32(c)


def kernel(x, table2, table3, table4):
    with _jax_config.enable_x64(False):
        x32 = x.astype(jnp.int32)
        pad = (0, TPAD - T)
        t2 = jnp.pad(table2.astype(jnp.int32), pad)
        t3 = jnp.pad(table3.astype(jnp.int32), pad)
        t4 = jnp.pad(table4.astype(jnp.int32), pad)
        xf = lax.optimization_barrier(x32.reshape(N_ELEMS))
        pos = jnp.arange(N_ELEMS, dtype=jnp.int32) % jnp.int32(S)
        zero = jnp.zeros((), jnp.int32)

        def shifted(k):
            prev = jnp.concatenate([jnp.zeros((k,), jnp.int32), xf[:-k]])
            return jnp.where(pos >= jnp.int32(k), prev, zero)

        xs1, xs2, xs3 = shifted(1), shifted(2), shifted(3)
        halves = []
        for h in (0, 1):
            sl = slice(h * HALF, (h + 1) * HALF)
            idx2, idx3, idx4 = _hash_indices(xf[sl], xs1[sl], xs2[sl], xs3[sl])
            halves.append(_gather_kernel(
                t2, t3, t4,
                idx2.reshape(HALF), idx3.reshape(HALF), idx4.reshape(HALF)))
        (g2a, g3a, g4a), (g2b, g3b, g4b) = halves
        HB = B // 2

        def plane(a, b):
            return jnp.concatenate(
                [a.reshape(HB, S), b.reshape(HB, S)], axis=0)

        out32 = jnp.stack(
            [plane(g2a, g2b), plane(g3a, g3b), plane(g4a, g4b)], axis=0)
    return out32.astype(jnp.int64)

# --- scband reference (transcript-rebuilt; emitter-appended) ---
"""Pipeline reference for scband-realtime-ngram-processor-36756330119873 (READ-ONLY COPY).

The authoritative reference and input builder live on the scoring server;
editing this copy changes nothing except your own understanding.
"""

import jax, jax.numpy as jnp
import numpy as np

jax.config.update("jax_enable_x64", True)

NGRAM_SIZES = [2, 3, 4]
TABLE_SIZES = {2: 100000, 3: 100000, 4: 100000}
PAD_OFFSET = 4  # special tokens 0..3 reserved, real ngram ids start at 4
MERSENNE = jnp.int64((1 << 61) - 1)
PRIME = jnp.int64(1000003)


def setup_inputs(seed: int = 0) -> dict:
    key = jax.random.key(seed)
    k_x, k2, k3, k4 = jax.random.split(key, 4)
    B, S, VOCAB = 4096, 200, 100000
    x = jax.random.randint(k_x, (B, S), 0, VOCAB, dtype=jnp.int64)
    # The torch module stores ngram_to_idx_tables: Dict[Tuple[int,...], int] per n,
    # mapping an ngram tuple to an id in [4, vocab_size_n + 4). We materialize the
    # equivalent state as hash-indexed lookup tables (one row per hash bucket),
    # which is the dense-array analog of the python dict lookup.
    table2 = jax.random.randint(k2, (TABLE_SIZES[2] + PAD_OFFSET,), 0, TABLE_SIZES[2] + PAD_OFFSET, dtype=jnp.int64)
    table3 = jax.random.randint(k3, (TABLE_SIZES[3] + PAD_OFFSET,), 0, TABLE_SIZES[3] + PAD_OFFSET, dtype=jnp.int64)
    table4 = jax.random.randint(k4, (TABLE_SIZES[4] + PAD_OFFSET,), 0, TABLE_SIZES[4] + PAD_OFFSET, dtype=jnp.int64)
    return {"x": x, "table2": table2, "table3": table3, "table4": table4}


def _ngram_windows(x, n):
    # padded = np.pad(data, ((0,0),(n-1,0)), constant_values=0)
    # windows = as_strided(padded, (B, S, n))  -> windows[b, s, i] = padded[b, s + i]
    B, S = x.shape
    padded = jnp.pad(x, ((0, 0), (n - 1, 0)), mode="constant", constant_values=0)
    return jnp.stack([padded[:, i:i + S] for i in range(n)], axis=-1)  # [B, S, n]


def _compute_ngram_ids(x, n, table):
    windows = _ngram_windows(x, n)  # [B, S, n]
    # polynomial rolling hash of the ngram tuple -> bucket index (dict-lookup analog)
    h = windows[..., 0].astype(jnp.int64)
    for i in range(1, n):
        h = (h * PRIME + windows[..., i]) % MERSENNE
    idx = h % jnp.int64(table.shape[0])
    # gather: lookup_table.get(tuple(window), 0)
    return jnp.take(table, idx, axis=0)  # [B, S]


def reference(x, table2, table3, table4):
    tables = {2: table2, 3: table3, 4: table4}
    # encode_token_ngrams: one id tensor per ngram size
    ngram_tensors = [_compute_ngram_ids(x, n, tables[n]) for n in NGRAM_SIZES]
    # stack_ngrams: stack along new leading dim -> [len(ngram_sizes), B, S]
    return jnp.stack(ngram_tensors, axis=0)

if __name__ == "__main__":
    import jax
    _d = setup_inputs()
    print(jax.jit(kernel)(*tuple(_d.values())))

</pallas_src>

<mosaic_0001>
#map = affine_map<(d0, d1) -> (0)>
module attributes {stable_mosaic.version = 14 : i64} {
  func.func @run(%arg0: i32, %arg1: i32, %arg2: memref<100016xi32, #tpu.memory_space<hbm>>, %arg3: memref<100016xi32, #tpu.memory_space<hbm>>, %arg4: memref<100016xi32, #tpu.memory_space<hbm>>, %arg5: memref<409600xi32, #tpu.memory_space<hbm>>, %arg6: memref<409600xi32, #tpu.memory_space<hbm>>, %arg7: memref<409600xi32, #tpu.memory_space<hbm>>, %arg8: memref<409600xi32, #tpu.memory_space<hbm>>, %arg9: memref<409600xi32, #tpu.memory_space<hbm>>, %arg10: memref<409600xi32, #tpu.memory_space<hbm>>, %arg11: memref<100016xi32, #tpu.memory_space<vmem>>, %arg12: memref<5120xi32, #tpu.memory_space<vmem>>, %arg13: memref<5120xi32, #tpu.memory_space<vmem>>, %arg14: memref<5120xi32, #tpu.memory_space<vmem>>, %arg15: memref<5120xi32, #tpu.memory_space<vmem>>, %arg16: memref<!tpu.dma_semaphore, #tpu.memory_space<semaphore_mem>>, %arg17: memref<!tpu.dma_semaphore, #tpu.memory_space<semaphore_mem>>, %arg18: memref<!tpu.dma_semaphore, #tpu.memory_space<semaphore_mem>>, %arg19: memref<!tpu.dma_semaphore, #tpu.memory_space<semaphore_mem>>, %arg20: memref<!tpu.dma_semaphore, #tpu.memory_space<semaphore_mem>>) attributes {dimension_semantics = [#tpu.dimension_semantics<core_parallel>, #tpu.dimension_semantics<subcore_parallel>], iteration_bounds = array<i64: 2, 16>, scalar_prefetch = 0 : i64, scratch_operands = 10 : i64, tpu.core_type = #tpu.core_type<sc_vector_subcore>, window_params = [{transform_indices = #map}, {transform_indices = #map}, {transform_indices = #map}, {transform_indices = #map}, {transform_indices = #map}, {transform_indices = #map}, {transform_indices = #map}, {transform_indices = #map}, {transform_indices = #map}]} {
    %mul3A = arith.constant 2 : i32
    %mul3A_0 = arith.muli %arg1, %mul3A : i32
    %add3A = arith.addi %mul3A_0, %arg0 : i32
    %ge3A = arith.constant 0 : i32
    %ge3A_1 = arith.cmpi sge, %add3A, %ge3A : i32
    %lt3A = arith.constant 10 : i32
    %lt3A_2 = arith.cmpi slt, %add3A, %lt3A : i32
    %and3A = arith.andi %ge3A_1, %lt3A_2 : i1
    %convert_element_type3A = arith.extui %and3A : i1 to i32
    %cond3A = arith.constant 0 : i32
    %cond3A_3 = arith.cmpi ne, %convert_element_type3A, %cond3A : i32
    scf.if %cond3A_3 {
      %sub3A = arith.constant 0 : i32
      %sub3A_20 = arith.subi %add3A, %sub3A : i32
      %mul3A_21 = arith.constant 40960 : i32
      %mul3A_22 = arith.muli %sub3A_20, %mul3A_21 : i32
      tpu.enqueue_dma source(%arg2 : memref<100016xi32, #tpu.memory_space<hbm>>) target(%arg11 : memref<100016xi32, #tpu.memory_space<vmem>>) target_semaphore(%arg16 : memref<!tpu.dma_semaphore, #tpu.memory_space<semaphore_mem>>)
      %add3A_23 = arith.constant 0 : i32
      %add3A_24 = arith.addi %mul3A_22, %add3A_23 : i32
      %dma_start3A = tpu.memref_slice %arg5[%add3A_24] : memref<409600xi32, #tpu.memory_space<hbm>> -> memref<5120xi32, #tpu.memory_space<hbm>>
      %dma_start3A_25 = tpu.memref_slice %arg5[%add3A_24] : memref<409600xi32, #tpu.memory_space<hbm>> -> memref<5120xi32, #tpu.memory_space<hbm>>
      tpu.enqueue_dma source(%dma_start3A_25 : memref<5120xi32, #tpu.memory_space<hbm>>) target(%arg12 : memref<5120xi32, #tpu.memory_space<vmem>>) target_semaphore(%arg17 : memref<!tpu.dma_semaphore, #tpu.memory_space<semaphore_mem>>)
      tpu.wait_dma2 semaphore(%arg16 : memref<!tpu.dma_semaphore, #tpu.memory_space<semaphore_mem>>) src(%arg2 : memref<100016xi32, #tpu.memory_space<hbm>>) dst(%arg11 : memref<100016xi32, #tpu.memory_space<vmem>>)
      %add3A_26 = arith.constant 0 : i32
      %add3A_27 = arith.addi %mul3A_22, %add3A_26 : i32
      %dma_wait3A = tpu.memref_slice %arg5[%add3A_27] : memref<409600xi32, #tpu.memory_space<hbm>> -> memref<5120xi32, #tpu.memory_space<hbm>>
      %dma_wait3A_28 = tpu.memref_slice %arg5[%add3A_27] : memref<409600xi32, #tpu.memory_space<hbm>> -> memref<5120xi32, #tpu.memory_space<hbm>>
      tpu.wait_dma2 semaphore(%arg17 : memref<!tpu.dma_semaphore, #tpu.memory_space<semaphore_mem>>) src(%dma_wait3A_28 : memref<5120xi32, #tpu.memory_space<hbm>>) dst(%arg12 : memref<5120xi32, #tpu.memory_space<vmem>>)
      %add3A_29 = arith.constant 5120 : i32
      %add3A_30 = arith.addi %mul3A_22, %add3A_29 : i32
      %dma_start3A_31 = tpu.memref_slice %arg5[%add3A_30] : memref<409600xi32, #tpu.memory_space<hbm>> -> memref<5120xi32, #tpu.memory_space<hbm>>
      %dma_start3A_32 = tpu.memref_slice %arg5[%add3A_30] : memref<409600xi32, #tpu.memory_space<hbm>> -> memref<5120xi32, #tpu.memory_space<hbm>>
      tpu.enqueue_dma source(%dma_start3A_32 : memref<5120xi32, #tpu.memory_space<hbm>>) target(%arg13 : memref<5120xi32, #tpu.memory_space<vmem>>) target_semaphore(%arg18 : memref<!tpu.dma_semaphore, #tpu.memory_space<semaphore_mem>>)
      %parallel_loop3A = arith.constant 0 : i32
      %parallel_loop3A_33 = arith.constant 5120 : i32
      %parallel_loop3A_34 = arith.constant 16 : i32
      scf.for %parallel_loop3A_172 = %parallel_loop3A to %parallel_loop3A_33 step %parallel_loop3A_34  : i32 {
        %parallel_loop3A_173 = arith.index_cast %parallel_loop3A_172 : i32 to index
        %parallel_loop3A_174 = tpu.vector_load %arg12[%parallel_loop3A_173] {strides = array<i32>} : memref<5120xi32, #tpu.memory_space<vmem>>, vector<16xi32>,
        %parallel_loop3A_175 = tpu.vector_load_idx %arg11[%parallel_loop3A_174] : memref<100016xi32, #tpu.memory_space<vmem>>[vector<16xi32>], vector<16xi32>,
        %parallel_loop3A_176 = arith.index_cast %parallel_loop3A_172 : i32 to index
        %parallel_loop3A_177 = tpu.vector_load %arg14[%parallel_loop3A_176] {strides = array<i32>} : memref<5120xi32, #tpu.memory_space<vmem>>, vector<16xi32>,
        tpu.vector_store %arg14[%parallel_loop3A_176], %parallel_loop3A_175 {strides = array<i32>} : memref<5120xi32, #tpu.memory_space<vmem>>, vector<16xi32>,
      } {sc.loop_unroll_factor = 8 : i64, sc.parallel_access}
      %add3A_35 = arith.constant 0 : i32
      %add3A_36 = arith.addi %mul3A_22, %add3A_35 : i32
      %dma_start3A_37 = tpu.memref_slice %arg8[%add3A_36] : memref<409600xi32, #tpu.memory_space<hbm>> -> memref<5120xi32, #tpu.memory_space<hbm>>
      %dma_start3A_38 = tpu.memref_slice %arg8[%add3A_36] : memref<409600xi32, #tpu.memory_space<hbm>> -> memref<5120xi32, #tpu.memory_space<hbm>>
      tpu.enqueue_dma source(%arg14 : memref<5120xi32, #tpu.memory_space<vmem>>) target(%dma_start3A_38 : memref<5120xi32, #tpu.memory_space<hbm>>) target_semaphore(%arg19 : memref<!tpu.dma_semaphore, #tpu.memory_space<semaphore_mem>>)
      %add3A_39 = arith.constant 5120 : i32
      %add3A_40 = arith.addi %mul3A_22, %add3A_39 : i32
      %dma_wait3A_41 = tpu.memref_slice %arg5[%add3A_40] : memref<409600xi32, #tpu.memory_space<hbm>> -> memref<5120xi32, #tpu.memory_space<hbm>>
      %dma_wait3A_42 = tpu.memref_slice %arg5[%add3A_40] : memref<409600xi32, #tpu.memory_space<hbm>> -> memref<5120xi32, #tpu.memory_space<hbm>>
      tpu.wait_dma2 semaphore(%arg18 : memref<!tpu.dma_semaphore, #tpu.memory_space<semaphore_mem>>) src(%dma_wait3A_42 : memref<5120xi32, #tpu.memory_space<hbm>>) dst(%arg13 : memref<5120xi32, #tpu.memory_space<vmem>>)
      %add3A_43 = arith.constant 10240 : i32
      %add3A_44 = arith.addi %mul3A_22, %add3A_43 : i32
      %dma_start3A_45 = tpu.memref_slice %arg5[%add3A_44] : memref<409600xi32, #tpu.memory_space<hbm>> -> memref<5120xi32, #tpu.memory_space<hbm>>
      %dma_start3A_46 = tpu.memref_slice %arg5[%add3A_44] : memref<409600xi32, #tpu.memory_space<hbm>> -> memref<5120xi32, #tpu.memory_space<hbm>>
      tpu.enqueue_dma source(%dma_start3A_46 : memref<5120xi32, #tpu.memory_space<hbm>>) target(%arg12 : memref<5120xi32, #tpu.memory_space<vmem>>) target_semaphore(%arg17 : memref<!tpu.dma_semaphore, #tpu.memory_space<semaphore_mem>>)
      %parallel_loop3A_47 = arith.constant 0 : i32
      %parallel_loop3A_48 = arith.constant 5120 : i32
      %parallel_loop3A_49 = arith.constant 16 : i32
      scf.for %parallel_loop3A_172 = %parallel_loop3A_47 to %parallel_loop3A_48 step %parallel_loop3A_49  : i32 {
        %parallel_loop3A_173 = arith.index_cast %parallel_loop3A_172 : i32 to index
        %parallel_loop3A_174 = tpu.vector_load %arg13[%parallel_loop3A_173] {strides = array<i32>} : memref<5120xi32, #tpu.memory_space<vmem>>, vector<16xi32>,
        %parallel_loop3A_175 = tpu.vector_load_idx %arg11[%parallel_loop3A_174] : memref<100016xi32, #tpu.memory_space<vmem>>[vector<16xi32>], vector<16xi32>,
        %parallel_loop3A_176 = arith.index_cast %parallel_loop3A_172 : i32 to index
        %parallel_loop3A_177 = tpu.vector_load %arg15[%parallel_loop3A_176] {strides = array<i32>} : memref<5120xi32, #tpu.memory_space<vmem>>, vector<16xi32>,
        tpu.vector_store %arg15[%parallel_loop3A_176], %parallel_loop3A_175 {strides = array<i32>} : memref<5120xi32, #tpu.memory_space<vmem>>, vector<16xi32>,
      } {sc.loop_unroll_factor = 8 : i64, sc.parallel_access}
      %add3A_50 = arith.constant 5120 : i32
      %add3A_51 = arith.addi %mul3A_22, %add3A_50 : i32
      %dma_start3A_52 = tpu.memref_slice %arg8[%add3A_51] : memref<409600xi32, #tpu.memory_space<hbm>> -> memref<5120xi32, #tpu.memory_space<hbm>>
      %dma_start3A_53 = tpu.memref_slice %arg8[%add3A_51] : memref<409600xi32, #tpu.memory_space<hbm>> -> memref<5120xi32, #tpu.memory_space<hbm>>
      tpu.enqueue_dma source(%arg15 : memref<5120xi32, #tpu.memory_space<vmem>>) target(%dma_start3A_53 : memref<5120xi32, #tpu.memory_space<hbm>>) target_semaphore(%arg20 : memref<!tpu.dma_semaphore, #tpu.memory_space<semaphore_mem>>)
      %add3A_54 = arith.constant 10240 : i32
      %add3A_55 = arith.addi %mul3A_22, %add3A_54 : i32
      %dma_wait3A_56 = tpu.memref_slice %arg5[%add3A_55] : memref<409600xi32, #tpu.memory_space<hbm>> -> memref<5120xi32, #tpu.memory_space<hbm>>
      %dma_wait3A_57 = tpu.memref_slice %arg5[%add3A_55] : memref<409600xi32, #tpu.memory_space<hbm>> -> memref<5120xi32, #tpu.memory_space<hbm>>
      tpu.wait_dma2 semaphore(%arg17 : memref<!tpu.dma_semaphore, #tpu.memory_space<semaphore_mem>>) src(%dma_wait3A_57 : memref<5120xi32, #tpu.memory_space<hbm>>) dst(%arg12 : memref<5120xi32, #tpu.memory_space<vmem>>)
      %add3A_58 = arith.constant 15360 : i32
      %add3A_59 = arith.addi %mul3A_22, %add3A_58 : i32
      %dma_start3A_60 = tpu.memref_slice %arg5[%add3A_59] : memref<409600xi32, #tpu.memory_space<hbm>> -> memref<5120xi32, #tpu.memory_space<hbm>>
      %dma_start3A_61 = tpu.memref_slice %arg5[%add3A_59] : memref<409600xi32, #tpu.memory_space<hbm>> -> memref<5120xi32, #tpu.memory_space<hbm>>
      tpu.enqueue_dma source(%dma_start3A_61 : memref<5120xi32, #tpu.memory_space<hbm>>) target(%arg13 : memref<5120xi32, #tpu.memory_space<vmem>>) target_semaphore(%arg18 : memref<!tpu.dma_semaphore, #tpu.memory_space<semaphore_mem>>)
      %add3A_62 = arith.constant 0 : i32
      %add3A_63 = arith.addi %mul3A_22, %add3A_62 : i32
      %dma_wait3A_64 = tpu.memref_slice %arg8[%add3A_63] : memref<409600xi32, #tpu.memory_space<hbm>> -> memref<5120xi32, #tpu.memory_space<hbm>>
      %dma_wait3A_65 = tpu.memref_slice %arg8[%add3A_63] : memref<409600xi32, #tpu.memory_space<hbm>> -> memref<5120xi32, #tpu.memory_space<hbm>>
      tpu.wait_dma2 semaphore(%arg19 : memref<!tpu.dma_semaphore, #tpu.memory_space<semaphore_mem>>) src(%arg14 : memref<5120xi32, #tpu.memory_space<vmem>>) dst(%dma_wait3A_65 : memref<5120xi32, #tpu.memory_space<hbm>>)
      %parallel_loop3A_66 = arith.constant 0 : i32
      %parallel_loop3A_67 = arith.constant 5120 : i32
      %parallel_loop3A_68 = arith.constant 16 : i32
      scf.for %parallel_loop3A_172 = %parallel_loop3A_66 to %parallel_loop3A_67 step %parallel_loop3A_68  : i32 {
        %parallel_loop3A_173 = arith.index_cast %parallel_loop3A_172 : i32 to index
        %parallel_loop3A_174 = tpu.vector_load %arg12[%parallel_loop3A_173] {strides = array<i32>} : memref<5120xi32, #tpu.memory_space<vmem>>, vector<16xi32>,
        %parallel_loop3A_175 = tpu.vector_load_idx %arg11[%parallel_loop3A_174] : memref<100016xi32, #tpu.memory_space<vmem>>[vector<16xi32>], vector<16xi32>,
        %parallel_loop3A_176 = arith.index_cast %parallel_loop3A_172 : i32 to index
        %parallel_loop3A_177 = tpu.vector_load %arg14[%parallel_loop3A_176] {strides = array<i32>} : memref<5120xi32, #tpu.memory_space<vmem>>, vector<16xi32>,
        tpu.vector_store %arg14[%parallel_loop3A_176], %parallel_loop3A_175 {strides = array<i32>} : memref<5120xi32, #tpu.memory_space<vmem>>, vector<16xi32>,
      } {sc.loop_unroll_factor = 8 : i64, sc.parallel_access}
      %add3A_69 = arith.constant 10240 : i32
      %add3A_70 = arith.addi %mul3A_22, %add3A_69 : i32
      %dma_start3A_71 = tpu.memref_slice %arg8[%add3A_70] : memref<409600xi32, #tpu.memory_space<hbm>> -> memref<5120xi32, #tpu.memory_space<hbm>>
      %dma_start3A_72 = tpu.memref_slice %arg8[%add3A_70] : memref<409600xi32, #tpu.memory_space<hbm>> -> memref<5120xi32, #tpu.memory_space<hbm>>
      tpu.enqueue_dma source(%arg14 : memref<5120xi32, #tpu.memory_space<vmem>>) target(%dma_start3A_72 : memref<5120xi32, #tpu.memory_space<hbm>>) target_semaphore(%arg19 : memref<!tpu.dma_semaphore, #tpu.memory_space<semaphore_mem>>)
      %add3A_73 = arith.constant 15360 : i32
      %add3A_74 = arith.addi %mul3A_22, %add3A_73 : i32
      %dma_wait3A_75 = tpu.memref_slice %arg5[%add3A_74] : memref<409600xi32, #tpu.memory_space<hbm>> -> memref<5120xi32, #tpu.memory_space<hbm>>
      %dma_wait3A_76 = tpu.memref_slice %arg5[%add3A_74] : memref<409600xi32, #tpu.memory_space<hbm>> -> memref<5120xi32, #tpu.memory_space<hbm>>
      tpu.wait_dma2 semaphore(%arg18 : memref<!tpu.dma_semaphore, #tpu.memory_space<semaphore_mem>>) src(%dma_wait3A_76 : memref<5120xi32, #tpu.memory_space<hbm>>) dst(%arg13 : memref<5120xi32, #tpu.memory_space<vmem>>)
      %add3A_77 = arith.constant 20480 : i32
      %add3A_78 = arith.addi %mul3A_22, %add3A_77 : i32
      %dma_start3A_79 = tpu.memref_slice %arg5[%add3A_78] : memref<409600xi32, #tpu.memory_space<hbm>> -> memref<5120xi32, #tpu.memory_space<hbm>>
      %dma_start3A_80 = tpu.memref_slice %arg5[%add3A_78] : memref<409600xi32, #tpu.memory_space<hbm>> -> memref<5120xi32, #tpu.memory_space<hbm>>
      tpu.enqueue_dma source(%dma_start3A_80 : memref<5120xi32, #tpu.memory_space<hbm>>) target(%arg12 : memref<5120xi32, #tpu.memory_space<vmem>>) target_semaphore(%arg17 : memref<!tpu.dma_semaphore, #tpu.memory_space<semaphore_mem>>)
      %add3A_81 = arith.constant 5120 : i32
      %add3A_82 = arith.addi %mul3A_22, %add3A_81 : i32
      %dma_wait3A_83 = tpu.memref_slice %arg8[%add3A_82] : memref<409600xi32, #tpu.memory_space<hbm>> -> memref<5120xi32, #tpu.memory_space<hbm>>
      %dma_wait3A_84 = tpu.memref_slice %arg8[%add3A_82] : memref<409600xi32, #tpu.memory_space<hbm>> -> memref<5120xi32, #tpu.memory_space<hbm>>
      tpu.wait_dma2 semaphore(%arg20 : memref<!tpu.dma_semaphore, #tpu.memory_space<semaphore_mem>>) src(%arg15 : memref<5120xi32, #tpu.memory_space<vmem>>) dst(%dma_wait3A_84 : memref<5120xi32, #tpu.memory_space<hbm>>)
      %parallel_loop3A_85 = arith.constant 0 : i32
      %parallel_loop3A_86 = arith.constant 5120 : i32
      %parallel_loop3A_87 = arith.constant 16 : i32
      scf.for %parallel_loop3A_172 = %parallel_loop3A_85 to %parallel_loop3A_86 step %parallel_loop3A_87  : i32 {
        %parallel_loop3A_173 = arith.index_cast %parallel_loop3A_172 : i32 to index
        %parallel_loop3A_174 = tpu.vector_load %arg13[%parallel_loop3A_173] {strides = array<i32>} : memref<5120xi32, #tpu.memory_space<vmem>>, vector<16xi32>,
        %parallel_loop3A_175 = tpu.vector_load_idx %arg11[%parallel_loop3A_174] : memref<100016xi32, #tpu.memory_space<vmem>>[vector<16xi32>], vector<16xi32>,
        %parallel_loop3A_176 = arith.index_cast %parallel_loop3A_172 : i32 to index
        %parallel_loop3A_177 = tpu.vector_load %arg15[%parallel_loop3A_176] {strides = array<i32>} : memref<5120xi32, #tpu.memory_space<vmem>>, vector<16xi32>,
        tpu.vector_store %arg15[%parallel_loop3A_176], %parallel_loop3A_175 {strides = array<i32>} : memref<5120xi32, #tpu.memory_space<vmem>>, vector<16xi32>,
      } {sc.loop_unroll_factor = 8 : i64, sc.parallel_access}
      %add3A_88 = arith.constant 15360 : i32
      %add3A_89 = arith.addi %mul3A_22, %add3A_88 : i32
      %dma_start3A_90 = tpu.memref_slice %arg8[%add3A_89] : memref<409600xi32, #tpu.memory_space<hbm>> -> memref<5120xi32, #tpu.memory_space<hbm>>
      %dma_start3A_91 = tpu.memref_slice %arg8[%add3A_89] : memref<409600xi32, #tpu.memory_space<hbm>> -> memref<5120xi32, #tpu.memory_space<hbm>>
      tpu.enqueue_dma source(%arg15 : memref<5120xi32, #tpu.memory_space<vmem>>) target(%dma_start3A_91 : memref<5120xi32, #tpu.memory_space<hbm>>) target_semaphore(%arg20 : memref<!tpu.dma_semaphore, #tpu.memory_space<semaphore_mem>>)
      %add3A_92 = arith.constant 20480 : i32
      %add3A_93 = arith.addi %mul3A_22, %add3A_92 : i32
      %dma_wait3A_94 = tpu.memref_slice %arg5[%add3A_93] : memref<409600xi32, #tpu.memory_space<hbm>> -> memref<5120xi32, #tpu.memory_space<hbm>>
      %dma_wait3A_95 = tpu.memref_slice %arg5[%add3A_93] : memref<409600xi32, #tpu.memory_space<hbm>> -> memref<5120xi32, #tpu.memory_space<hbm>>
      tpu.wait_dma2 semaphore(%arg17 : memref<!tpu.dma_semaphore, #tpu.memory_space<semaphore_mem>>) src(%dma_wait3A_95 : memref<5120xi32, #tpu.memory_space<hbm>>) dst(%arg12 : memref<5120xi32, #tpu.memory_space<vmem>>)
      %add3A_96 = arith.constant 25600 : i32
      %add3A_97 = arith.addi %mul3A_22, %add3A_96 : i32
      %dma_start3A_98 = tpu.memref_slice %arg5[%add3A_97] : memref<409600xi32, #tpu.memory_space<hbm>> -> memref<5120xi32, #tpu.memory_space<hbm>>
      %dma_start3A_99 = tpu.memref_slice %arg5[%add3A_97] : memref<409600xi32, #tpu.memory_space<hbm>> -> memref<5120xi32, #tpu.memory_space<hbm>>
      tpu.enqueue_dma source(%dma_start3A_99 : memref<5120xi32, #tpu.memory_space<hbm>>) target(%arg13 : memref<5120xi32, #tpu.memory_space<vmem>>) target_semaphore(%arg18 : memref<!tpu.dma_semaphore, #tpu.memory_space<semaphore_mem>>)
      %add3A_100 = arith.constant 10240 : i32
      %add3A_101 = arith.addi %mul3A_22, %add3A_100 : i32
      %dma_wait3A_102 = tpu.memref_slice %arg8[%add3A_101] : memref<409600xi32, #tpu.memory_space<hbm>> -> memref<5120xi32, #tpu.memory_space<hbm>>
      %dma_wait3A_103 = tpu.memref_slice %arg8[%add3A_101] : memref<409600xi32, #tpu.memory_space<hbm>> -> memref<5120xi32, #tpu.memory_space<hbm>>
      tpu.wait_dma2 semaphore(%arg19 : memref<!tpu.dma_semaphore, #tpu.memory_space<semaphore_mem>>) src(%arg14 : memref<5120xi32, #tpu.memory_space<vmem>>) dst(%dma_wait3A_103 : memref<5120xi32, #tpu.memory_space<hbm>>)
      %parallel_loop3A_104 = arith.constant 0 : i32
      %parallel_loop3A_105 = arith.constant 5120 : i32
      %parallel_loop3A_106 = arith.constant 16 : i32
      scf.for %parallel_loop3A_172 = %parallel_loop3A_104 to %parallel_loop3A_105 step %parallel_loop3A_106  : i32 {
        %parallel_loop3A_173 = arith.index_cast %parallel_loop3A_172 : i32 to index
        %parallel_loop3A_174 = tpu.vector_load %arg12[%parallel_loop3A_173] {strides = array<i32>} : memref<5120xi32, #tpu.memory_space<vmem>>, vector<16xi32>,
        %parallel_loop3A_175 = tpu.vector_load_idx %arg11[%parallel_loop3A_174] : memref<100016xi32, #tpu.memory_space<vmem>>[vector<16xi32>], vector<16xi32>,
        %parallel_loop3A_176 = arith.index_cast %parallel_loop3A_172 : i32 to index
        %parallel_loop3A_177 = tpu.vector_load %arg14[%parallel_loop3A_176] {strides = array<i32>} : memref<5120xi32, #tpu.memory_space<vmem>>, vector<16xi32>,
        tpu.vector_store %arg14[%parallel_loop3A_176], %parallel_loop3A_175 {strides = array<i32>} : memref<5120xi32, #tpu.memory_space<vmem>>, vector<16xi32>,
      } {sc.loop_unroll_factor = 8 : i64, sc.parallel_access}
      %add3A_107 = arith.constant 20480 : i32
      %add3A_108 = arith.addi %mul3A_22, %add3A_107 : i32
      %dma_start3A_109 = tpu.memref_slice %arg8[%add3A_108] : memref<409600xi32, #tpu.memory_space<hbm>> -> memref<5120xi32, #tpu.memory_space<hbm>>
      %dma_start3A_110 = tpu.memref_slice %arg8[%add3A_108] : memref<409600xi32, #tpu.memory_space<hbm>> -> memref<5120xi32, #tpu.memory_space<hbm>>
      tpu.enqueue_dma source(%arg14 : memref<5120xi32, #tpu.memory_space<vmem>>) target(%dma_start3A_110 : memref<5120xi32, #tpu.memory_space<hbm>>) target_semaphore(%arg19 : memref<!tpu.dma_semaphore, #tpu.memory_space<semaphore_mem>>)
      %add3A_111 = arith.constant 25600 : i32
      %add3A_112 = arith.addi %mul3A_22, %add3A_111 : i32
      %dma_wait3A_113 = tpu.memref_slice %arg5[%add3A_112] : memref<409600xi32, #tpu.memory_space<hbm>> -> memref<5120xi32, #tpu.memory_space<hbm>>
      %dma_wait3A_114 = tpu.memref_slice %arg5[%add3A_112] : memref<409600xi32, #tpu.memory_space<hbm>> -> memref<5120xi32, #tpu.memory_space<hbm>>
      tpu.wait_dma2 semaphore(%arg18 : memref<!tpu.dma_semaphore, #tpu.memory_space<semaphore_mem>>) src(%dma_wait3A_114 : memref<5120xi32, #tpu.memory_space<hbm>>) dst(%arg13 : memref<5120xi32, #tpu.memory_space<vmem>>)
      %add3A_115 = arith.constant 30720 : i32
      %add3A_116 = arith.addi %mul3A_22, %add3A_115 : i32
      %dma_start3A_117 = tpu.memref_slice %arg5[%add3A_116] : memref<409600xi32, #tpu.memory_space<hbm>> -> memref<5120xi32, #tpu.memory_space<hbm>>
      %dma_start3A_118 = tpu.memref_slice %arg5[%add3A_116] : memref<409600xi32, #tpu.memory_space<hbm>> -> memref<5120xi32, #tpu.memory_space<hbm>>
      tpu.enqueue_dma source(%dma_start3A_118 : memref<5120xi32, #tpu.memory_space<hbm>>) target(%arg12 : memref<5120xi32, #tpu.memory_space<vmem>>) target_semaphore(%arg17 : memref<!tpu.dma_semaphore, #tpu.memory_space<semaphore_mem>>)
      %add3A_119 = arith.constant 15360 : i32
      %add3A_120 = arith.addi %mul3A_22, %add3A_119 : i32
      %dma_wait3A_121 = tpu.memref_slice %arg8[%add3A_120] : memref<409600xi32, #tpu.memory_space<hbm>> -> memref<5120xi32, #tpu.memory_space<hbm>>
      %dma_wait3A_122 = tpu.memref_slice %arg8[%add3A_120] : memref<409600xi32, #tpu.memory_space<hbm>> -> memref<5120xi32, #tpu.memory_space<hbm>>
      tpu.wait_dma2 semaphore(%arg20 : memref<!tpu.dma_semaphore, #tpu.memory_space<semaphore_mem>>) src(%arg15 : memref<5120xi32, #tpu.memory_space<vmem>>) dst(%dma_wait3A_122 : memref<5120xi32, #tpu.memory_space<hbm>>)
      %parallel_loop3A_123 = arith.constant 0 : i32
      %parallel_loop3A_124 = arith.constant 5120 : i32
      %parallel_loop3A_125 = arith.constant 16 : i32
      scf.for %parallel_loop3A_172 = %parallel_loop3A_123 to %parallel_loop3A_124 step %parallel_loop3A_125  : i32 {
        %parallel_loop3A_173 = arith.index_cast %parallel_loop3A_172 : i32 to index
        %parallel_loop3A_174 = tpu.vector_load %arg13[%parallel_loop3A_173] {strides = array<i32>} : memref<5120xi32, #tpu.memory_space<vmem>>, vector<16xi32>,
        %parallel_loop3A_175 = tpu.vector_load_idx %arg11[%parallel_loop3A_174] : memref<100016xi32, #tpu.memory_space<vmem>>[vector<16xi32>], vector<16xi32>,
        %parallel_loop3A_176 = arith.index_cast %parallel_loop3A_172 : i32 to index
        %parallel_loop3A_177 = tpu.vector_load %arg15[%parallel_loop3A_176] {strides = array<i32>} : memref<5120xi32, #tpu.memory_space<vmem>>, vector<16xi32>,
        tpu.vector_store %arg15[%parallel_loop3A_176], %parallel_loop3A_175 {strides = array<i32>} : memref<5120xi32, #tpu.memory_space<vmem>>, vector<16xi32>,
      } {sc.loop_unroll_factor = 8 : i64, sc.parallel_access}
      %add3A_126 = arith.constant 25600 : i32
      %add3A_127 = arith.addi %mul3A_22, %add3A_126 : i32
      %dma_start3A_128 = tpu.memref_slice %arg8[%add3A_127] : memref<409600xi32, #tpu.memory_space<hbm>> -> memref<5120xi32, #tpu.memory_space<hbm>>
      %dma_start3A_129 = tpu.memref_slice %arg8[%add3A_127] : memref<409600xi32, #tpu.memory_space<hbm>> -> memref<5120xi32, #tpu.memory_space<hbm>>
      tpu.enqueue_dma source(%arg15 : memref<5120xi32, #tpu.memory_space<vmem>>) target(%dma_start3A_129 : memref<5120xi32, #tpu.memory_space<hbm>>) target_semaphore(%arg20 : memref<!tpu.dma_semaphore, #tpu.memory_space<semaphore_mem>>)
      %add3A_130 = arith.constant 30720 : i32
      %add3A_131 = arith.addi %mul3A_22, %add3A_130 : i32
      %dma_wait3A_132 = tpu.memref_slice %arg5[%add3A_131] : memref<409600xi32, #tpu.memory_space<hbm>> -> memref<5120xi32, #tpu.memory_space<hbm>>
      %dma_wait3A_133 = tpu.memref_slice %arg5[%add3A_131] : memref<409600xi32, #tpu.memory_space<hbm>> -> memref<5120xi32, #tpu.memory_space<hbm>>
      tpu.wait_dma2 semaphore(%arg17 : memref<!tpu.dma_semaphore, #tpu.memory_space<semaphore_mem>>) src(%dma_wait3A_133 : memref<5120xi32, #tpu.memory_space<hbm>>) dst(%arg12 : memref<5120xi32, #tpu.memory_space<vmem>>)
      %add3A_134 = arith.constant 35840 : i32
      %add3A_135 = arith.addi %mul3A_22, %add3A_134 : i32
      %dma_start3A_136 = tpu.memref_slice %arg5[%add3A_135] : memref<409600xi32, #tpu.memory_space<hbm>> -> memref<5120xi32, #tpu.memory_space<hbm>>
      %dma_start3A_137 = tpu.memref_slice %arg5[%add3A_135] : memref<409600xi32, #tpu.memory_space<hbm>> -> memref<5120xi32, #tpu.memory_space<hbm>>
      tpu.enqueue_dma source(%dma_start3A_137 : memref<5120xi32, #tpu.memory_space<hbm>>) target(%arg13 : memref<5120xi32, #tpu.memory_space<vmem>>) target_semaphore(%arg18 : memref<!tpu.dma_semaphore, #tpu.memory_space<semaphore_mem>>)
      %add3A_138 = arith.constant 20480 : i32
      %add3A_139 = arith.addi %mul3A_22, %add3A_138 : i32
      %dma_wait3A_140 = tpu.memref_slice %arg8[%add3A_139] : memref<409600xi32, #tpu.memory_space<hbm>> -> memref<5120xi32, #tpu.memory_space<hbm>>
      %dma_wait3A_141 = tpu.memref_slice %arg8[%add3A_139] : memref<409600xi32, #tpu.memory_space<hbm>> -> memref<5120xi32, #tpu.memory_space<hbm>>
      tpu.wait_dma2 semaphore(%arg19 : memref<!tpu.dma_semaphore, #tpu.memory_space<semaphore_mem>>) src(%arg14 : memref<5120xi32, #tpu.memory_space<vmem>>) dst(%dma_wait3A_141 : memref<5120xi32, #tpu.memory_space<hbm>>)
      %parallel_loop3A_142 = arith.constant 0 : i32
      %parallel_loop3A_143 = arith.constant 5120 : i32
      %parallel_loop3A_144 = arith.constant 16 : i32
      scf.for %parallel_loop3A_172 = %parallel_loop3A_142 to %parallel_loop3A_143 step %parallel_loop3A_144  : i32 {
        %parallel_loop3A_173 = arith.index_cast %parallel_loop3A_172 : i32 to index
        %parallel_loop3A_174 = tpu.vector_load %arg12[%parallel_loop3A_173] {strides = array<i32>} : memref<5120xi32, #tpu.memory_space<vmem>>, vector<16xi32>,
        %parallel_loop3A_175 = tpu.vector_load_idx %arg11[%parallel_loop3A_174] : memref<100016xi32, #tpu.memory_space<vmem>>[vector<16xi32>], vector<16xi32>,
        %parallel_loop3A_176 = arith.index_cast %parallel_loop3A_172 : i32 to index
        %parallel_loop3A_177 = tpu.vector_load %arg14[%parallel_loop3A_176] {strides = array<i32>} : memref<5120xi32, #tpu.memory_space<vmem>>, vector<16xi32>,
        tpu.vector_store %arg14[%parallel_loop3A_176], %parallel_loop3A_175 {strides = array<i32>} : memref<5120xi32, #tpu.memory_space<vmem>>, vector<16xi32>,
      } {sc.loop_unroll_factor = 8 : i64, sc.parallel_access}
      %add3A_145 = arith.constant 30720 : i32
      %add3A_146 = arith.addi %mul3A_22, %add3A_145 : i32
      %dma_start3A_147 = tpu.memref_slice %arg8[%add3A_146] : memref<409600xi32, #tpu.memory_space<hbm>> -> memref<5120xi32, #tpu.memory_space<hbm>>
      %dma_start3A_148 = tpu.memref_slice %arg8[%add3A_146] : memref<409600xi32, #tpu.memory_space<hbm>> -> memref<5120xi32, #tpu.memory_space<hbm>>
      tpu.enqueue_dma source(%arg14 : memref<5120xi32, #tpu.memory_space<vmem>>) target(%dma_start3A_148 : memref<5120xi32, #tpu.memory_space<hbm>>) target_semaphore(%arg19 : memref<!tpu.dma_semaphore, #tpu.memory_space<semaphore_mem>>)
      %add3A_149 = arith.constant 35840 : i32
      %add3A_150 = arith.addi %mul3A_22, %add3A_149 : i32
      %dma_wait3A_151 = tpu.memref_slice %arg5[%add3A_150] : memref<409600xi32, #tpu.memory_space<hbm>> -> memref<5120xi32, #tpu.memory_space<hbm>>
      %dma_wait3A_152 = tpu.memref_slice %arg5[%add3A_150] : memref<409600xi32, #tpu.memory_space<hbm>> -> memref<5120xi32, #tpu.memory_space<hbm>>
      tpu.wait_dma2 semaphore(%arg18 : memref<!tpu.dma_semaphore, #tpu.memory_space<semaphore_mem>>) src(%dma_wait3A_152 : memref<5120xi32, #tpu.memory_space<hbm>>) dst(%arg13 : memref<5120xi32, #tpu.memory_space<vmem>>)
      %add3A_153 = arith.constant 25600 : i32
      %add3A_154 = arith.addi %mul3A_22, %add3A_153 : i32
      %dma_wait3A_155 = tpu.memref_slice %arg8[%add3A_154] : memref<409600xi32, #tpu.memory_space<hbm>> -> memref<5120xi32, #tpu.memory_space<hbm>>
      %dma_wait3A_156 = tpu.memref_slice %arg8[%add3A_154] : memref<409600xi32, #tpu.memory_space<hbm>> -> memref<5120xi32, #tpu.memory_space<hbm>>
      tpu.wait_dma2 semaphore(%arg20 : memref<!tpu.dma_semaphore, #tpu.memory_space<semaphore_mem>>) src(%arg15 : memref<5120xi32, #tpu.memory_space<vmem>>) dst(%dma_wait3A_156 : memref<5120xi32, #tpu.memory_space<hbm>>)
      %parallel_loop3A_157 = arith.constant 0 : i32
      %parallel_loop3A_158 = arith.constant 5120 : i32
      %parallel_loop3A_159 = arith.constant 16 : i32
      scf.for %parallel_loop3A_172 = %parallel_loop3A_157 to %parallel_loop3A_158 step %parallel_loop3A_159  : i32 {
        %parallel_loop3A_173 = arith.index_cast %parallel_loop3A_172 : i32 to index
        %parallel_loop3A_174 = tpu.vector_load %arg13[%parallel_loop3A_173] {strides = array<i32>} : memref<5120xi32, #tpu.memory_space<vmem>>, vector<16xi32>,
        %parallel_loop3A_175 = tpu.vector_load_idx %arg11[%parallel_loop3A_174] : memref<100016xi32, #tpu.memory_space<vmem>>[vector<16xi32>], vector<16xi32>,
        %parallel_loop3A_176 = arith.index_cast %parallel_loop3A_172 : i32 to index
        %parallel_loop3A_177 = tpu.vector_load %arg15[%parallel_loop3A_176] {strides = array<i32>} : memref<5120xi32, #tpu.memory_space<vmem>>, vector<16xi32>,
        tpu.vector_store %arg15[%parallel_loop3A_176], %parallel_loop3A_175 {strides = array<i32>} : memref<5120xi32, #tpu.memory_space<vmem>>, vector<16xi32>,
      } {sc.loop_unroll_factor = 8 : i64, sc.parallel_access}
      %add3A_160 = arith.constant 35840 : i32
      %add3A_161 = arith.addi %mul3A_22, %add3A_160 : i32
      %dma_start3A_162 = tpu.memref_slice %arg8[%add3A_161] : memref<409600xi32, #tpu.memory_space<hbm>> -> memref<5120xi32, #tpu.memory_space<hbm>>
      %dma_start3A_163 = tpu.memref_slice %arg8[%add3A_161] : memref<409600xi32, #tpu.memory_space<hbm>> -> memref<5120xi32, #tpu.memory_space<hbm>>
      tpu.enqueue_dma source(%arg15 : memref<5120xi32, #tpu.memory_space<vmem>>) target(%dma_start3A_163 : memref<5120xi32, #tpu.memory_space<hbm>>) target_semaphore(%arg20 : memref<!tpu.dma_semaphore, #tpu.memory_space<semaphore_mem>>)
      %add3A_164 = arith.constant 30720 : i32
      %add3A_165 = arith.addi %mul3A_22, %add3A_164 : i32
      %dma_wait3A_166 = tpu.memref_slice %arg8[%add3A_165] : memref<409600xi32, #tpu.memory_space<hbm>> -> memref<5120xi32, #tpu.memory_space<hbm>>
      %dma_wait3A_167 = tpu.memref_slice %arg8[%add3A_165] : memref<409600xi32, #tpu.memory_space<hbm>> -> memref<5120xi32, #tpu.memory_space<hbm>>
      tpu.wait_dma2 semaphore(%arg19 : memref<!tpu.dma_semaphore, #tpu.memory_space<semaphore_mem>>) src(%arg14 : memref<5120xi32, #tpu.memory_space<vmem>>) dst(%dma_wait3A_167 : memref<5120xi32, #tpu.memory_space<hbm>>)
      %add3A_168 = arith.constant 35840 : i32
      %add3A_169 = arith.addi %mul3A_22, %add3A_168 : i32
      %dma_wait3A_170 = tpu.memref_slice %arg8[%add3A_169] : memref<409600xi32, #tpu.memory_space<hbm>> -> memref<5120xi32, #tpu.memory_space<hbm>>
      %dma_wait3A_171 = tpu.memref_slice %arg8[%add3A_169] : memref<409600xi32, #tpu.memory_space<hbm>> -> memref<5120xi32, #tpu.memory_space<hbm>>
      tpu.wait_dma2 semaphore(%arg20 : memref<!tpu.dma_semaphore, #tpu.memory_space<semaphore_mem>>) src(%arg15 : memref<5120xi32, #tpu.memory_space<vmem>>) dst(%dma_wait3A_171 : memref<5120xi32, #tpu.memory_space<hbm>>)
    } else {
    }
    %ge3A_4 = arith.constant 10 : i32
    %ge3A_5 = arith.cmpi sge, %add3A, %ge3A_4 : i32
    %lt3A_6 = arith.constant 20 : i32
    %lt3A_7 = arith.cmpi slt, %add3A, %lt3A_6 : i32
    %and3A_8 = arith.andi %ge3A_5, %lt3A_7 : i1
    %convert_element_type3A_9 = arith.extui %and3A_8 : i1 to i32
    %cond3A_10 = arith.constant 0 : i32
    %cond3A_11 = arith.cmpi ne, %convert_element_type3A_9, %cond3A_10 : i32
    scf.if %cond3A_11 {
      %sub3A = arith.constant 10 : i32
      %sub3A_20 = arith.subi %add3A, %sub3A : i32
      %mul3A_21 = arith.constant 40960 : i32
      %mul3A_22 = arith.muli %sub3A_20, %mul3A_21 : i32
      tpu.enqueue_dma source(%arg3 : memref<100016xi32, #tpu.memory_space<hbm>>) target(%arg11 : memref<100016xi32, #tpu.memory_space<vmem>>) target_semaphore(%arg16 : memref<!tpu.dma_semaphore, #tpu.memory_space<semaphore_mem>>)
      %add3A_23 = arith.constant 0 : i32
      %add3A_24 = arith.addi %mul3A_22, %add3A_23 : i32
      %dma_start3A = tpu.memref_slice %arg6[%add3A_24] : memref<409600xi32, #tpu.memory_space<hbm>> -> memref<5120xi32, #tpu.memory_space<hbm>>
      %dma_start3A_25 = tpu.memref_slice %arg6[%add3A_24] : memref<409600xi32, #tpu.memory_space<hbm>> -> memref<5120xi32, #tpu.memory_space<hbm>>
      tpu.enqueue_dma source(%dma_start3A_25 : memref<5120xi32, #tpu.memory_space<hbm>>) target(%arg12 : memref<5120xi32, #tpu.memory_space<vmem>>) target_semaphore(%arg17 : memref<!tpu.dma_semaphore, #tpu.memory_space<semaphore_mem>>)
      tpu.wait_dma2 semaphore(%arg16 : memref<!tpu.dma_semaphore, #tpu.memory_space<semaphore_mem>>) src(%arg3 : memref<100016xi32, #tpu.memory_space<hbm>>) dst(%arg11 : memref<100016xi32, #tpu.memory_space<vmem>>)
      %add3A_26 = arith.constant 0 : i32
      %add3A_27 = arith.addi %mul3A_22, %add3A_26 : i32
      %dma_wait3A = tpu.memref_slice %arg6[%add3A_27] : memref<409600xi32, #tpu.memory_space<hbm>> -> memref<5120xi32, #tpu.memory_space<hbm>>
      %dma_wait3A_28 = tpu.memref_slice %arg6[%add3A_27] : memref<409600xi32, #tpu.memory_space<hbm>> -> memref<5120xi32, #tpu.memory_space<hbm>>
      tpu.wait_dma2 semaphore(%arg17 : memref<!tpu.dma_semaphore, #tpu.memory_space<semaphore_mem>>) src(%dma_wait3A_28 : memref<5120xi32, #tpu.memory_space<hbm>>) dst(%arg12 : memref<5120xi32, #tpu.memory_space<vmem>>)
      %add3A_29 = arith.constant 5120 : i32
      %add3A_30 = arith.addi %mul3A_22, %add3A_29 : i32
      %dma_start3A_31 = tpu.memref_slice %arg6[%add3A_30] : memref<409600xi32, #tpu.memory_space<hbm>> -> memref<5120xi32, #tpu.memory_space<hbm>>
      %dma_start3A_32 = tpu.memref_slice %arg6[%add3A_30] : memref<409600xi32, #tpu.memory_space<hbm>> -> memref<5120xi32, #tpu.memory_space<hbm>>
      tpu.enqueue_dma source(%dma_start3A_32 : memref<5120xi32, #tpu.memory_space<hbm>>) target(%arg13 : memref<5120xi32, #tpu.memory_space<vmem>>) target_semaphore(%arg18 : memref<!tpu.dma_semaphore, #tpu.memory_space<semaphore_mem>>)
      %parallel_loop3A = arith.constant 0 : i32
      %parallel_loop3A_33 = arith.constant 5120 : i32
      %parallel_loop3A_34 = arith.constant 16 : i32
      scf.for %parallel_loop3A_172 = %parallel_loop3A to %parallel_loop3A_33 step %parallel_loop3A_34  : i32 {
        %parallel_loop3A_173 = arith.index_cast %parallel_loop3A_172 : i32 to index
        %parallel_loop3A_174 = tpu.vector_load %arg12[%parallel_loop3A_173] {strides = array<i32>} : memref<5120xi32, #tpu.memory_space<vmem>>, vector<16xi32>,
        %parallel_loop3A_175 = tpu.vector_load_idx %arg11[%parallel_loop3A_174] : memref<100016xi32, #tpu.memory_space<vmem>>[vector<16xi32>], vector<16xi32>,
        %parallel_loop3A_176 = arith.index_cast %parallel_loop3A_172 : i32 to index
        %parallel_loop3A_177 = tpu.vector_load %arg14[%parallel_loop3A_176] {strides = array<i32>} : memref<5120xi32, #tpu.memory_space<vmem>>, vector<16xi32>,
        tpu.vector_store %arg14[%parallel_loop3A_176], %parallel_loop3A_175 {strides = array<i32>} : memref<5120xi32, #tpu.memory_space<vmem>>, vector<16xi32>,
      } {sc.loop_unroll_factor = 8 : i64, sc.parallel_access}
      %add3A_35 = arith.constant 0 : i32
      %add3A_36 = arith.addi %mul3A_22, %add3A_35 : i32
      %dma_start3A_37 = tpu.memref_slice %arg9[%add3A_36] : memref<409600xi32, #tpu.memory_space<hbm>> -> memref<5120xi32, #tpu.memory_space<hbm>>
      %dma_start3A_38 = tpu.memref_slice %arg9[%add3A_36] : memref<409600xi32, #tpu.memory_space<hbm>> -> memref<5120xi32, #tpu.memory_space<hbm>>
      tpu.enqueue_dma source(%arg14 : memref<5120xi32, #tpu.memory_space<vmem>>) target(%dma_start3A_38 : memref<5120xi32, #tpu.memory_space<hbm>>) target_semaphore(%arg19 : memref<!tpu.dma_semaphore, #tpu.memory_space<semaphore_mem>>)
      %add3A_39 = arith.constant 5120 : i32
      %add3A_40 = arith.addi %mul3A_22, %add3A_39 : i32
      %dma_wait3A_41 = tpu.memref_slice %arg6[%add3A_40] : memref<409600xi32, #tpu.memory_space<hbm>> -> memref<5120xi32, #tpu.memory_space<hbm>>
      %dma_wait3A_42 = tpu.memref_slice %arg6[%add3A_40] : memref<409600xi32, #tpu.memory_space<hbm>> -> memref<5120xi32, #tpu.memory_space<hbm>>
      tpu.wait_dma2 semaphore(%arg18 : memref<!tpu.dma_semaphore, #tpu.memory_space<semaphore_mem>>) src(%dma_wait3A_42 : memref<5120xi32, #tpu.memory_space<hbm>>) dst(%arg13 : memref<5120xi32, #tpu.memory_space<vmem>>)
      %add3A_43 = arith.constant 10240 : i32
      %add3A_44 = arith.addi %mul3A_22, %add3A_43 : i32
      %dma_start3A_45 = tpu.memref_slice %arg6[%add3A_44] : memref<409600xi32, #tpu.memory_space<hbm>> -> memref<5120xi32, #tpu.memory_space<hbm>>
      %dma_start3A_46 = tpu.memref_slice %arg6[%add3A_44] : memref<409600xi32, #tpu.memory_space<hbm>> -> memref<5120xi32, #tpu.memory_space<hbm>>
      tpu.enqueue_dma source(%dma_start3A_46 : memref<5120xi32, #tpu.memory_space<hbm>>) target(%arg12 : memref<5120xi32, #tpu.memory_space<vmem>>) target_semaphore(%arg17 : memref<!tpu.dma_semaphore, #tpu.memory_space<semaphore_mem>>)
      %parallel_loop3A_47 = arith.constant 0 : i32
      %parallel_loop3A_48 = arith.constant 5120 : i32
      %parallel_loop3A_49 = arith.constant 16 : i32
      scf.for %parallel_loop3A_172 = %parallel_loop3A_47 to %parallel_loop3A_48 step %parallel_loop3A_49  : i32 {
        %parallel_loop3A_173 = arith.index_cast %parallel_loop3A_172 : i32 to index
        %parallel_loop3A_174 = tpu.vector_load %arg13[%parallel_loop3A_173] {strides = array<i32>} : memref<5120xi32, #tpu.memory_space<vmem>>, vector<16xi32>,
        %parallel_loop3A_175 = tpu.vector_load_idx %arg11[%parallel_loop3A_174] : memref<100016xi32, #tpu.memory_space<vmem>>[vector<16xi32>], vector<16xi32>,
        %parallel_loop3A_176 = arith.index_cast %parallel_loop3A_172 : i32 to index
        %parallel_loop3A_177 = tpu.vector_load %arg15[%parallel_loop3A_176] {strides = array<i32>} : memref<5120xi32, #tpu.memory_space<vmem>>, vector<16xi32>,
        tpu.vector_store %arg15[%parallel_loop3A_176], %parallel_loop3A_175 {strides = array<i32>} : memref<5120xi32, #tpu.memory_space<vmem>>, vector<16xi32>,
      } {sc.loop_unroll_factor = 8 : i64, sc.parallel_access}
      %add3A_50 = arith.constant 5120 : i32
      %add3A_51 = arith.addi %mul3A_22, %add3A_50 : i32
      %dma_start3A_52 = tpu.memref_slice %arg9[%add3A_51] : memref<409600xi32, #tpu.memory_space<hbm>> -> memref<5120xi32, #tpu.memory_space<hbm>>
      %dma_start3A_53 = tpu.memref_slice %arg9[%add3A_51] : memref<409600xi32, #tpu.memory_space<hbm>> -> memref<5120xi32, #tpu.memory_space<hbm>>
      tpu.enqueue_dma source(%arg15 : memref<5120xi32, #tpu.memory_space<vmem>>) target(%dma_start3A_53 : memref<5120xi32, #tpu.memory_space<hbm>>) target_semaphore(%arg20 : memref<!tpu.dma_semaphore, #tpu.memory_space<semaphore_mem>>)
      %add3A_54 = arith.constant 10240 : i32
      %add3A_55 = arith.addi %mul3A_22, %add3A_54 : i32
      %dma_wait3A_56 = tpu.memref_slice %arg6[%add3A_55] : memref<409600xi32, #tpu.memory_space<hbm>> -> memref<5120xi32, #tpu.memory_space<hbm>>
      %dma_wait3A_57 = tpu.memref_slice %arg6[%add3A_55] : memref<409600xi32, #tpu.memory_space<hbm>> -> memref<5120xi32, #tpu.memory_space<hbm>>
      tpu.wait_dma2 semaphore(%arg17 : memref<!tpu.dma_semaphore, #tpu.memory_space<semaphore_mem>>) src(%dma_wait3A_57 : memref<5120xi32, #tpu.memory_space<hbm>>) dst(%arg12 : memref<5120xi32, #tpu.memory_space<vmem>>)
      %add3A_58 = arith.constant 15360 : i32
      %add3A_59 = arith.addi %mul3A_22, %add3A_58 : i32
      %dma_start3A_60 = tpu.memref_slice %arg6[%add3A_59] : memref<409600xi32, #tpu.memory_space<hbm>> -> memref<5120xi32, #tpu.memory_space<hbm>>
      %dma_start3A_61 = tpu.memref_slice %arg6[%add3A_59] : memref<409600xi32, #tpu.memory_space<hbm>> -> memref<5120xi32, #tpu.memory_space<hbm>>
      tpu.enqueue_dma source(%dma_start3A_61 : memref<5120xi32, #tpu.memory_space<hbm>>) target(%arg13 : memref<5120xi32, #tpu.memory_space<vmem>>) target_semaphore(%arg18 : memref<!tpu.dma_semaphore, #tpu.memory_space<semaphore_mem>>)
      %add3A_62 = arith.constant 0 : i32
      %add3A_63 = arith.addi %mul3A_22, %add3A_62 : i32
      %dma_wait3A_64 = tpu.memref_slice %arg9[%add3A_63] : memref<409600xi32, #tpu.memory_space<hbm>> -> memref<5120xi32, #tpu.memory_space<hbm>>
      %dma_wait3A_65 = tpu.memref_slice %arg9[%add3A_63] : memref<409600xi32, #tpu.memory_space<hbm>> -> memref<5120xi32, #tpu.memory_space<hbm>>
      tpu.wait_dma2 semaphore(%arg19 : memref<!tpu.dma_semaphore, #tpu.memory_space<semaphore_mem>>) src(%arg14 : memref<5120xi32, #tpu.memory_space<vmem>>) dst(%dma_wait3A_65 : memref<5120xi32, #tpu.memory_space<hbm>>)
      %parallel_loop3A_66 = arith.constant 0 : i32
      %parallel_loop3A_67 = arith.constant 5120 : i32
      %parallel_loop3A_68 = arith.constant 16 : i32
      scf.for %parallel_loop3A_172 = %parallel_loop3A_66 to %parallel_loop3A_67 step %parallel_loop3A_68  : i32 {
        %parallel_loop3A_173 = arith.index_cast %parallel_loop3A_172 : i32 to index
        %parallel_loop3A_174 = tpu.vector_load %arg12[%parallel_loop3A_173] {strides = array<i32>} : memref<5120xi32, #tpu.memory_space<vmem>>, vector<16xi32>,
        %parallel_loop3A_175 = tpu.vector_load_idx %arg11[%parallel_loop3A_174] : memref<100016xi32, #tpu.memory_space<vmem>>[vector<16xi32>], vector<16xi32>,
        %parallel_loop3A_176 = arith.index_cast %parallel_loop3A_172 : i32 to index
        %parallel_loop3A_177 = tpu.vector_load %arg14[%parallel_loop3A_176] {strides = array<i32>} : memref<5120xi32, #tpu.memory_space<vmem>>, vector<16xi32>,
        tpu.vector_store %arg14[%parallel_loop3A_176], %parallel_loop3A_175 {strides = array<i32>} : memref<5120xi32, #tpu.memory_space<vmem>>, vector<16xi32>,
      } {sc.loop_unroll_factor = 8 : i64, sc.parallel_access}
      %add3A_69 = arith.constant 10240 : i32
      %add3A_70 = arith.addi %mul3A_22, %add3A_69 : i32
      %dma_start3A_71 = tpu.memref_slice %arg9[%add3A_70] : memref<409600xi32, #tpu.memory_space<hbm>> -> memref<5120xi32, #tpu.memory_space<hbm>>
      %dma_start3A_72 = tpu.memref_slice %arg9[%add3A_70] : memref<409600xi32, #tpu.memory_space<hbm>> -> memref<5120xi32, #tpu.memory_space<hbm>>
      tpu.enqueue_dma source(%arg14 : memref<5120xi32, #tpu.memory_space<vmem>>) target(%dma_start3A_72 : memref<5120xi32, #tpu.memory_space<hbm>>) target_semaphore(%arg19 : memref<!tpu.dma_semaphore, #tpu.memory_space<semaphore_mem>>)
      %add3A_73 = arith.constant 15360 : i32
      %add3A_74 = arith.addi %mul3A_22, %add3A_73 : i32
      %dma_wait3A_75 = tpu.memref_slice %arg6[%add3A_74] : memref<409600xi32, #tpu.memory_space<hbm>> -> memref<5120xi32, #tpu.memory_space<hbm>>
      %dma_wait3A_76 = tpu.memref_slice %arg6[%add3A_74] : memref<409600xi32, #tpu.memory_space<hbm>> -> memref<5120xi32, #tpu.memory_space<hbm>>
      tpu.wait_dma2 semaphore(%arg18 : memref<!tpu.dma_semaphore, #tpu.memory_space<semaphore_mem>>) src(%dma_wait3A_76 : memref<5120xi32, #tpu.memory_space<hbm>>) dst(%arg13 : memref<5120xi32, #tpu.memory_space<vmem>>)
      %add3A_77 = arith.constant 20480 : i32
      %add3A_78 = arith.addi %mul3A_22, %add3A_77 : i32
      %dma_start3A_79 = tpu.memref_slice %arg6[%add3A_78] : memref<409600xi32, #tpu.memory_space<hbm>> -> memref<5120xi32, #tpu.memory_space<hbm>>
      %dma_start3A_80 = tpu.memref_slice %arg6[%add3A_78] : memref<409600xi32, #tpu.memory_space<hbm>> -> memref<5120xi32, #tpu.memory_space<hbm>>
      tpu.enqueue_dma source(%dma_start3A_80 : memref<5120xi32, #tpu.memory_space<hbm>>) target(%arg12 : memref<5120xi32, #tpu.memory_space<vmem>>) target_semaphore(%arg17 : memref<!tpu.dma_semaphore, #tpu.memory_space<semaphore_mem>>)
      %add3A_81 = arith.constant 5120 : i32
      %add3A_82 = arith.addi %mul3A_22, %add3A_81 : i32
      %dma_wait3A_83 = tpu.memref_slice %arg9[%add3A_82] : memref<409600xi32, #tpu.memory_space<hbm>> -> memref<5120xi32, #tpu.memory_space<hbm>>
      %dma_wait3A_84 = tpu.memref_slice %arg9[%add3A_82] : memref<409600xi32, #tpu.memory_space<hbm>> -> memref<5120xi32, #tpu.memory_space<hbm>>
      tpu.wait_dma2 semaphore(%arg20 : memref<!tpu.dma_semaphore, #tpu.memory_space<semaphore_mem>>) src(%arg15 : memref<5120xi32, #tpu.memory_space<vmem>>) dst(%dma_wait3A_84 : memref<5120xi32, #tpu.memory_space<hbm>>)
      %parallel_loop3A_85 = arith.constant 0 : i32
      %parallel_loop3A_86 = arith.constant 5120 : i32
      %parallel_loop3A_87 = arith.constant 16 : i32
      scf.for %parallel_loop3A_172 = %parallel_loop3A_85 to %parallel_loop3A_86 step %parallel_loop3A_87  : i32 {
        %parallel_loop3A_173 = arith.index_cast %parallel_loop3A_172 : i32 to index
        %parallel_loop3A_174 = tpu.vector_load %arg13[%parallel_loop3A_173] {strides = array<i32>} : memref<5120xi32, #tpu.memory_space<vmem>>, vector<16xi32>,
        %parallel_loop3A_175 = tpu.vector_load_idx %arg11[%parallel_loop3A_174] : memref<100016xi32, #tpu.memory_space<vmem>>[vector<16xi32>], vector<16xi32>,
        %parallel_loop3A_176 = arith.index_cast %parallel_loop3A_172 : i32 to index
        %parallel_loop3A_177 = tpu.vector_load %arg15[%parallel_loop3A_176] {strides = array<i32>} : memref<5120xi32, #tpu.memory_space<vmem>>, vector<16xi32>,
        tpu.vector_store %arg15[%parallel_loop3A_176], %parallel_loop3A_175 {strides = array<i32>} : memref<5120xi32, #tpu.memory_space<vmem>>, vector<16xi32>,
      } {sc.loop_unroll_factor = 8 : i64, sc.parallel_access}
      %add3A_88 = arith.constant 15360 : i32
      %add3A_89 = arith.addi %mul3A_22, %add3A_88 : i32
      %dma_start3A_90 = tpu.memref_slice %arg9[%add3A_89] : memref<409600xi32, #tpu.memory_space<hbm>> -> memref<5120xi32, #tpu.memory_space<hbm>>
      %dma_start3A_91 = tpu.memref_slice %arg9[%add3A_89] : memref<409600xi32, #tpu.memory_space<hbm>> -> memref<5120xi32, #tpu.memory_space<hbm>>
      tpu.enqueue_dma source(%arg15 : memref<5120xi32, #tpu.memory_space<vmem>>) target(%dma_start3A_91 : memref<5120xi32, #tpu.memory_space<hbm>>) target_semaphore(%arg20 : memref<!tpu.dma_semaphore, #tpu.memory_space<semaphore_mem>>)
      %add3A_92 = arith.constant 20480 : i32
      %add3A_93 = arith.addi %mul3A_22, %add3A_92 : i32
      %dma_wait3A_94 = tpu.memref_slice %arg6[%add3A_93] : memref<409600xi32, #tpu.memory_space<hbm>> -> memref<5120xi32, #tpu.memory_space<hbm>>
      %dma_wait3A_95 = tpu.memref_slice %arg6[%add3A_93] : memref<409600xi32, #tpu.memory_space<hbm>> -> memref<5120xi32, #tpu.memory_space<hbm>>
      tpu.wait_dma2 semaphore(%arg17 : memref<!tpu.dma_semaphore, #tpu.memory_space<semaphore_mem>>) src(%dma_wait3A_95 : memref<5120xi32, #tpu.memory_space<hbm>>) dst(%arg12 : memref<5120xi32, #tpu.memory_space<vmem>>)
      %add3A_96 = arith.constant 25600 : i32
      %add3A_97 = arith.addi %mul3A_22, %add3A_96 : i32
      %dma_start3A_98 = tpu.memref_slice %arg6[%add3A_97] : memref<409600xi32, #tpu.memory_space<hbm>> -> memref<5120xi32, #tpu.memory_space<hbm>>
      %dma_start3A_99 = tpu.memref_slice %arg6[%add3A_97] : memref<409600xi32, #tpu.memory_space<hbm>> -> memref<5120xi32, #tpu.memory_space<hbm>>
      tpu.enqueue_dma source(%dma_start3A_99 : memref<5120xi32, #tpu.memory_space<hbm>>) target(%arg13 : memref<5120xi32, #tpu.memory_space<vmem>>) target_semaphore(%arg18 : memref<!tpu.dma_semaphore, #tpu.memory_space<semaphore_mem>>)
      %add3A_100 = arith.constant 10240 : i32
      %add3A_101 = arith.addi %mul3A_22, %add3A_100 : i32
      %dma_wait3A_102 = tpu.memref_slice %arg9[%add3A_101] : memref<409600xi32, #tpu.memory_space<hbm>> -> memref<5120xi32, #tpu.memory_space<hbm>>
      %dma_wait3A_103 = tpu.memref_slice %arg9[%add3A_101] : memref<409600xi32, #tpu.memory_space<hbm>> -> memref<5120xi32, #tpu.memory_space<hbm>>
      tpu.wait_dma2 semaphore(%arg19 : memref<!tpu.dma_semaphore, #tpu.memory_space<semaphore_mem>>) src(%arg14 : memref<5120xi32, #tpu.memory_space<vmem>>) dst(%dma_wait3A_103 : memref<5120xi32, #tpu.memory_space<hbm>>)
      %parallel_loop3A_104 = arith.constant 0 : i32
      %parallel_loop3A_105 = arith.constant 5120 : i32
      %parallel_loop3A_106 = arith.constant 16 : i32
      scf.for %parallel_loop3A_172 = %parallel_loop3A_104 to %parallel_loop3A_105 step %parallel_loop3A_106  : i32 {
        %parallel_loop3A_173 = arith.index_cast %parallel_loop3A_172 : i32 to index
        %parallel_loop3A_174 = tpu.vector_load %arg12[%parallel_loop3A_173] {strides = array<i32>} : memref<5120xi32, #tpu.memory_space<vmem>>, vector<16xi32>,
        %parallel_loop3A_175 = tpu.vector_load_idx %arg11[%parallel_loop3A_174] : memref<100016xi32, #tpu.memory_space<vmem>>[vector<16xi32>], vector<16xi32>,
        %parallel_loop3A_176 = arith.index_cast %parallel_loop3A_172 : i32 to index
        %parallel_loop3A_177 = tpu.vector_load %arg14[%parallel_loop3A_176] {strides = array<i32>} : memref<5120xi32, #tpu.memory_space<vmem>>, vector<16xi32>,
        tpu.vector_store %arg14[%parallel_loop3A_176], %parallel_loop3A_175 {strides = array<i32>} : memref<5120xi32, #tpu.memory_space<vmem>>, vector<16xi32>,
      } {sc.loop_unroll_factor = 8 : i64, sc.parallel_access}
      %add3A_107 = arith.constant 20480 : i32
      %add3A_108 = arith.addi %mul3A_22, %add3A_107 : i32
      %dma_start3A_109 = tpu.memref_slice %arg9[%add3A_108] : memref<409600xi32, #tpu.memory_space<hbm>> -> memref<5120xi32, #tpu.memory_space<hbm>>
      %dma_start3A_110 = tpu.memref_slice %arg9[%add3A_108] : memref<409600xi32, #tpu.memory_space<hbm>> -> memref<5120xi32, #tpu.memory_space<hbm>>
      tpu.enqueue_dma source(%arg14 : memref<5120xi32, #tpu.memory_space<vmem>>) target(%dma_start3A_110 : memref<5120xi32, #tpu.memory_space<hbm>>) target_semaphore(%arg19 : memref<!tpu.dma_semaphore, #tpu.memory_space<semaphore_mem>>)
      %add3A_111 = arith.constant 25600 : i32
      %add3A_112 = arith.addi %mul3A_22, %add3A_111 : i32
      %dma_wait3A_113 = tpu.memref_slice %arg6[%add3A_112] : memref<409600xi32, #tpu.memory_space<hbm>> -> memref<5120xi32, #tpu.memory_space<hbm>>
      %dma_wait3A_114 = tpu.memref_slice %arg6[%add3A_112] : memref<409600xi32, #tpu.memory_space<hbm>> -> memref<5120xi32, #tpu.memory_space<hbm>>
      tpu.wait_dma2 semaphore(%arg18 : memref<!tpu.dma_semaphore, #tpu.memory_space<semaphore_mem>>) src(%dma_wait3A_114 : memref<5120xi32, #tpu.memory_space<hbm>>) dst(%arg13 : memref<5120xi32, #tpu.memory_space<vmem>>)
      %add3A_115 = arith.constant 30720 : i32
      %add3A_116 = arith.addi %mul3A_22, %add3A_115 : i32
      %dma_start3A_117 = tpu.memref_slice %arg6[%add3A_116] : memref<409600xi32, #tpu.memory_space<hbm>> -> memref<5120xi32, #tpu.memory_space<hbm>>
      %dma_start3A_118 = tpu.memref_slice %arg6[%add3A_116] : memref<409600xi32, #tpu.memory_space<hbm>> -> memref<5120xi32, #tpu.memory_space<hbm>>
      tpu.enqueue_dma source(%dma_start3A_118 : memref<5120xi32, #tpu.memory_space<hbm>>) target(%arg12 : memref<5120xi32, #tpu.memory_space<vmem>>) target_semaphore(%arg17 : memref<!tpu.dma_semaphore, #tpu.memory_space<semaphore_mem>>)
      %add3A_119 = arith.constant 15360 : i32
      %add3A_120 = arith.addi %mul3A_22, %add3A_119 : i32
      %dma_wait3A_121 = tpu.memref_slice %arg9[%add3A_120] : memref<409600xi32, #tpu.memory_space<hbm>> -> memref<5120xi32, #tpu.memory_space<hbm>>
      %dma_wait3A_122 = tpu.memref_slice %arg9[%add3A_120] : memref<409600xi32, #tpu.memory_space<hbm>> -> memref<5120xi32, #tpu.memory_space<hbm>>
      tpu.wait_dma2 semaphore(%arg20 : memref<!tpu.dma_semaphore, #tpu.memory_space<semaphore_mem>>) src(%arg15 : memref<5120xi32, #tpu.memory_space<vmem>>) dst(%dma_wait3A_122 : memref<5120xi32, #tpu.memory_space<hbm>>)
      %parallel_loop3A_123 = arith.constant 0 : i32
      %parallel_loop3A_124 = arith.constant 5120 : i32
      %parallel_loop3A_125 = arith.constant 16 : i32
      scf.for %parallel_loop3A_172 = %parallel_loop3A_123 to %parallel_loop3A_124 step %parallel_loop3A_125  : i32 {
        %parallel_loop3A_173 = arith.index_cast %parallel_loop3A_172 : i32 to index
        %parallel_loop3A_174 = tpu.vector_load %arg13[%parallel_loop3A_173] {strides = array<i32>} : memref<5120xi32, #tpu.memory_space<vmem>>, vector<16xi32>,
        %parallel_loop3A_175 = tpu.vector_load_idx %arg11[%parallel_loop3A_174] : memref<100016xi32, #tpu.memory_space<vmem>>[vector<16xi32>], vector<16xi32>,
        %parallel_loop3A_176 = arith.index_cast %parallel_loop3A_172 : i32 to index
        %parallel_loop3A_177 = tpu.vector_load %arg15[%parallel_loop3A_176] {strides = array<i32>} : memref<5120xi32, #tpu.memory_space<vmem>>, vector<16xi32>,
        tpu.vector_store %arg15[%parallel_loop3A_176], %parallel_loop3A_175 {strides = array<i32>} : memref<5120xi32, #tpu.memory_space<vmem>>, vector<16xi32>,
      } {sc.loop_unroll_factor = 8 : i64, sc.parallel_access}
      %add3A_126 = arith.constant 25600 : i32
      %add3A_127 = arith.addi %mul3A_22, %add3A_126 : i32
      %dma_start3A_128 = tpu.memref_slice %arg9[%add3A_127] : memref<409600xi32, #tpu.memory_space<hbm>> -> memref<5120xi32, #tpu.memory_space<hbm>>
      %dma_start3A_129 = tpu.memref_slice %arg9[%add3A_127] : memref<409600xi32, #tpu.memory_space<hbm>> -> memref<5120xi32, #tpu.memory_space<hbm>>
      tpu.enqueue_dma source(%arg15 : memref<5120xi32, #tpu.memory_space<vmem>>) target(%dma_start3A_129 : memref<5120xi32, #tpu.memory_space<hbm>>) target_semaphore(%arg20 : memref<!tpu.dma_semaphore, #tpu.memory_space<semaphore_mem>>)
      %add3A_130 = arith.constant 30720 : i32
      %add3A_131 = arith.addi %mul3A_22, %add3A_130 : i32
      %dma_wait3A_132 = tpu.memref_slice %arg6[%add3A_131] : memref<409600xi32, #tpu.memory_space<hbm>> -> memref<5120xi32, #tpu.memory_space<hbm>>
      %dma_wait3A_133 = tpu.memref_slice %arg6[%add3A_131] : memref<409600xi32, #tpu.memory_space<hbm>> -> memref<5120xi32, #tpu.memory_space<hbm>>
      tpu.wait_dma2 semaphore(%arg17 : memref<!tpu.dma_semaphore, #tpu.memory_space<semaphore_mem>>) src(%dma_wait3A_133 : memref<5120xi32, #tpu.memory_space<hbm>>) dst(%arg12 : memref<5120xi32, #tpu.memory_space<vmem>>)
      %add3A_134 = arith.constant 35840 : i32
      %add3A_135 = arith.addi %mul3A_22, %add3A_134 : i32
      %dma_start3A_136 = tpu.memref_slice %arg6[%add3A_135] : memref<409600xi32, #tpu.memory_space<hbm>> -> memref<5120xi32, #tpu.memory_space<hbm>>
      %dma_start3A_137 = tpu.memref_slice %arg6[%add3A_135] : memref<409600xi32, #tpu.memory_space<hbm>> -> memref<5120xi32, #tpu.memory_space<hbm>>
      tpu.enqueue_dma source(%dma_start3A_137 : memref<5120xi32, #tpu.memory_space<hbm>>) target(%arg13 : memref<5120xi32, #tpu.memory_space<vmem>>) target_semaphore(%arg18 : memref<!tpu.dma_semaphore, #tpu.memory_space<semaphore_mem>>)
      %add3A_138 = arith.constant 20480 : i32
      %add3A_139 = arith.addi %mul3A_22, %add3A_138 : i32
      %dma_wait3A_140 = tpu.memref_slice %arg9[%add3A_139] : memref<409600xi32, #tpu.memory_space<hbm>> -> memref<5120xi32, #tpu.memory_space<hbm>>
      %dma_wait3A_141 = tpu.memref_slice %arg9[%add3A_139] : memref<409600xi32, #tpu.memory_space<hbm>> -> memref<5120xi32, #tpu.memory_space<hbm>>
      tpu.wait_dma2 semaphore(%arg19 : memref<!tpu.dma_semaphore, #tpu.memory_space<semaphore_mem>>) src(%arg14 : memref<5120xi32, #tpu.memory_space<vmem>>) dst(%dma_wait3A_141 : memref<5120xi32, #tpu.memory_space<hbm>>)
      %parallel_loop3A_142 = arith.constant 0 : i32
      %parallel_loop3A_143 = arith.constant 5120 : i32
      %parallel_loop3A_144 = arith.constant 16 : i32
      scf.for %parallel_loop3A_172 = %parallel_loop3A_142 to %parallel_loop3A_143 step %parallel_loop3A_144  : i32 {
        %parallel_loop3A_173 = arith.index_cast %parallel_loop3A_172 : i32 to index
        %parallel_loop3A_174 = tpu.vector_load %arg12[%parallel_loop3A_173] {strides = array<i32>} : memref<5120xi32, #tpu.memory_space<vmem>>, vector<16xi32>,
        %parallel_loop3A_175 = tpu.vector_load_idx %arg11[%parallel_loop3A_174] : memref<100016xi32, #tpu.memory_space<vmem>>[vector<16xi32>], vector<16xi32>,
        %parallel_loop3A_176 = arith.index_cast %parallel_loop3A_172 : i32 to index
        %parallel_loop3A_177 = tpu.vector_load %arg14[%parallel_loop3A_176] {strides = array<i32>} : memref<5120xi32, #tpu.memory_space<vmem>>, vector<16xi32>,
        tpu.vector_store %arg14[%parallel_loop3A_176], %parallel_loop3A_175 {strides = array<i32>} : memref<5120xi32, #tpu.memory_space<vmem>>, vector<16xi32>,
      } {sc.loop_unroll_factor = 8 : i64, sc.parallel_access}
      %add3A_145 = arith.constant 30720 : i32
      %add3A_146 = arith.addi %mul3A_22, %add3A_145 : i32
      %dma_start3A_147 = tpu.memref_slice %arg9[%add3A_146] : memref<409600xi32, #tpu.memory_space<hbm>> -> memref<5120xi32, #tpu.memory_space<hbm>>
      %dma_start3A_148 = tpu.memref_slice %arg9[%add3A_146] : memref<409600xi32, #tpu.memory_space<hbm>> -> memref<5120xi32, #tpu.memory_space<hbm>>
      tpu.enqueue_dma source(%arg14 : memref<5120xi32, #tpu.memory_space<vmem>>) target(%dma_start3A_148 : memref<5120xi32, #tpu.memory_space<hbm>>) target_semaphore(%arg19 : memref<!tpu.dma_semaphore, #tpu.memory_space<semaphore_mem>>)
      %add3A_149 = arith.constant 35840 : i32
      %add3A_150 = arith.addi %mul3A_22, %add3A_149 : i32
      %dma_wait3A_151 = tpu.memref_slice %arg6[%add3A_150] : memref<409600xi32, #tpu.memory_space<hbm>> -> memref<5120xi32, #tpu.memory_space<hbm>>
      %dma_wait3A_152 = tpu.memref_slice %arg6[%add3A_150] : memref<409600xi32, #tpu.memory_space<hbm>> -> memref<5120xi32, #tpu.memory_space<hbm>>
      tpu.wait_dma2 semaphore(%arg18 : memref<!tpu.dma_semaphore, #tpu.memory_space<semaphore_mem>>) src(%dma_wait3A_152 : memref<5120xi32, #tpu.memory_space<hbm>>) dst(%arg13 : memref<5120xi32, #tpu.memory_space<vmem>>)
      %add3A_153 = arith.constant 25600 : i32
      %add3A_154 = arith.addi %mul3A_22, %add3A_153 : i32
      %dma_wait3A_155 = tpu.memref_slice %arg9[%add3A_154] : memref<409600xi32, #tpu.memory_space<hbm>> -> memref<5120xi32, #tpu.memory_space<hbm>>
      %dma_wait3A_156 = tpu.memref_slice %arg9[%add3A_154] : memref<409600xi32, #tpu.memory_space<hbm>> -> memref<5120xi32, #tpu.memory_space<hbm>>
      tpu.wait_dma2 semaphore(%arg20 : memref<!tpu.dma_semaphore, #tpu.memory_space<semaphore_mem>>) src(%arg15 : memref<5120xi32, #tpu.memory_space<vmem>>) dst(%dma_wait3A_156 : memref<5120xi32, #tpu.memory_space<hbm>>)
      %parallel_loop3A_157 = arith.constant 0 : i32
      %parallel_loop3A_158 = arith.constant 5120 : i32
      %parallel_loop3A_159 = arith.constant 16 : i32
      scf.for %parallel_loop3A_172 = %parallel_loop3A_157 to %parallel_loop3A_158 step %parallel_loop3A_159  : i32 {
        %parallel_loop3A_173 = arith.index_cast %parallel_loop3A_172 : i32 to index
        %parallel_loop3A_174 = tpu.vector_load %arg13[%parallel_loop3A_173] {strides = array<i32>} : memref<5120xi32, #tpu.memory_space<vmem>>, vector<16xi32>,
        %parallel_loop3A_175 = tpu.vector_load_idx %arg11[%parallel_loop3A_174] : memref<100016xi32, #tpu.memory_space<vmem>>[vector<16xi32>], vector<16xi32>,
        %parallel_loop3A_176 = arith.index_cast %parallel_loop3A_172 : i32 to index
        %parallel_loop3A_177 = tpu.vector_load %arg15[%parallel_loop3A_176] {strides = array<i32>} : memref<5120xi32, #tpu.memory_space<vmem>>, vector<16xi32>,
        tpu.vector_store %arg15[%parallel_loop3A_176], %parallel_loop3A_175 {strides = array<i32>} : memref<5120xi32, #tpu.memory_space<vmem>>, vector<16xi32>,
      } {sc.loop_unroll_factor = 8 : i64, sc.parallel_access}
      %add3A_160 = arith.constant 35840 : i32
      %add3A_161 = arith.addi %mul3A_22, %add3A_160 : i32
      %dma_start3A_162 = tpu.memref_slice %arg9[%add3A_161] : memref<409600xi32, #tpu.memory_space<hbm>> -> memref<5120xi32, #tpu.memory_space<hbm>>
      %dma_start3A_163 = tpu.memref_slice %arg9[%add3A_161] : memref<409600xi32, #tpu.memory_space<hbm>> -> memref<5120xi32, #tpu.memory_space<hbm>>
      tpu.enqueue_dma source(%arg15 : memref<5120xi32, #tpu.memory_space<vmem>>) target(%dma_start3A_163 : memref<5120xi32, #tpu.memory_space<hbm>>) target_semaphore(%arg20 : memref<!tpu.dma_semaphore, #tpu.memory_space<semaphore_mem>>)
      %add3A_164 = arith.constant 30720 : i32
      %add3A_165 = arith.addi %mul3A_22, %add3A_164 : i32
      %dma_wait3A_166 = tpu.memref_slice %arg9[%add3A_165] : memref<409600xi32, #tpu.memory_space<hbm>> -> memref<5120xi32, #tpu.memory_space<hbm>>
      %dma_wait3A_167 = tpu.memref_slice %arg9[%add3A_165] : memref<409600xi32, #tpu.memory_space<hbm>> -> memref<5120xi32, #tpu.memory_space<hbm>>
      tpu.wait_dma2 semaphore(%arg19 : memref<!tpu.dma_semaphore, #tpu.memory_space<semaphore_mem>>) src(%arg14 : memref<5120xi32, #tpu.memory_space<vmem>>) dst(%dma_wait3A_167 : memref<5120xi32, #tpu.memory_space<hbm>>)
      %add3A_168 = arith.constant 35840 : i32
      %add3A_169 = arith.addi %mul3A_22, %add3A_168 : i32
      %dma_wait3A_170 = tpu.memref_slice %arg9[%add3A_169] : memref<409600xi32, #tpu.memory_space<hbm>> -> memref<5120xi32, #tpu.memory_space<hbm>>
      %dma_wait3A_171 = tpu.memref_slice %arg9[%add3A_169] : memref<409600xi32, #tpu.memory_space<hbm>> -> memref<5120xi32, #tpu.memory_space<hbm>>
      tpu.wait_dma2 semaphore(%arg20 : memref<!tpu.dma_semaphore, #tpu.memory_space<semaphore_mem>>) src(%arg15 : memref<5120xi32, #tpu.memory_space<vmem>>) dst(%dma_wait3A_171 : memref<5120xi32, #tpu.memory_space<hbm>>)
    } else {
    }
    %ge3A_12 = arith.constant 20 : i32
    %ge3A_13 = arith.cmpi sge, %add3A, %ge3A_12 : i32
    %lt3A_14 = arith.constant 30 : i32
    %lt3A_15 = arith.cmpi slt, %add3A, %lt3A_14 : i32
    %and3A_16 = arith.andi %ge3A_13, %lt3A_15 : i1
    %convert_element_type3A_17 = arith.extui %and3A_16 : i1 to i32
    %cond3A_18 = arith.constant 0 : i32
    %cond3A_19 = arith.cmpi ne, %convert_element_type3A_17, %cond3A_18 : i32
    scf.if %cond3A_19 {
      %sub3A = arith.constant 20 : i32
      %sub3A_20 = arith.subi %add3A, %sub3A : i32
      %mul3A_21 = arith.constant 40960 : i32
      %mul3A_22 = arith.muli %sub3A_20, %mul3A_21 : i32
      tpu.enqueue_dma source(%arg4 : memref<100016xi32, #tpu.memory_space<hbm>>) target(%arg11 : memref<100016xi32, #tpu.memory_space<vmem>>) target_semaphore(%arg16 : memref<!tpu.dma_semaphore, #tpu.memory_space<semaphore_mem>>)
      %add3A_23 = arith.constant 0 : i32
      %add3A_24 = arith.addi %mul3A_22, %add3A_23 : i32
      %dma_start3A = tpu.memref_slice %arg7[%add3A_24] : memref<409600xi32, #tpu.memory_space<hbm>> -> memref<5120xi32, #tpu.memory_space<hbm>>
      %dma_start3A_25 = tpu.memref_slice %arg7[%add3A_24] : memref<409600xi32, #tpu.memory_space<hbm>> -> memref<5120xi32, #tpu.memory_space<hbm>>
      tpu.enqueue_dma source(%dma_start3A_25 : memref<5120xi32, #tpu.memory_space<hbm>>) target(%arg12 : memref<5120xi32, #tpu.memory_space<vmem>>) target_semaphore(%arg17 : memref<!tpu.dma_semaphore, #tpu.memory_space<semaphore_mem>>)
      tpu.wait_dma2 semaphore(%arg16 : memref<!tpu.dma_semaphore, #tpu.memory_space<semaphore_mem>>) src(%arg4 : memref<100016xi32, #tpu.memory_space<hbm>>) dst(%arg11 : memref<100016xi32, #tpu.memory_space<vmem>>)
      %add3A_26 = arith.constant 0 : i32
      %add3A_27 = arith.addi %mul3A_22, %add3A_26 : i32
      %dma_wait3A = tpu.memref_slice %arg7[%add3A_27] : memref<409600xi32, #tpu.memory_space<hbm>> -> memref<5120xi32, #tpu.memory_space<hbm>>
      %dma_wait3A_28 = tpu.memref_slice %arg7[%add3A_27] : memref<409600xi32, #tpu.memory_space<hbm>> -> memref<5120xi32, #tpu.memory_space<hbm>>
      tpu.wait_dma2 semaphore(%arg17 : memref<!tpu.dma_semaphore, #tpu.memory_space<semaphore_mem>>) src(%dma_wait3A_28 : memref<5120xi32, #tpu.memory_space<hbm>>) dst(%arg12 : memref<5120xi32, #tpu.memory_space<vmem>>)
      %add3A_29 = arith.constant 5120 : i32
      %add3A_30 = arith.addi %mul3A_22, %add3A_29 : i32
      %dma_start3A_31 = tpu.memref_slice %arg7[%add3A_30] : memref<409600xi32, #tpu.memory_space<hbm>> -> memref<5120xi32, #tpu.memory_space<hbm>>
      %dma_start3A_32 = tpu.memref_slice %arg7[%add3A_30] : memref<409600xi32, #tpu.memory_space<hbm>> -> memref<5120xi32, #tpu.memory_space<hbm>>
      tpu.enqueue_dma source(%dma_start3A_32 : memref<5120xi32, #tpu.memory_space<hbm>>) target(%arg13 : memref<5120xi32, #tpu.memory_space<vmem>>) target_semaphore(%arg18 : memref<!tpu.dma_semaphore, #tpu.memory_space<semaphore_mem>>)
      %parallel_loop3A = arith.constant 0 : i32
      %parallel_loop3A_33 = arith.constant 5120 : i32
      %parallel_loop3A_34 = arith.constant 16 : i32
      scf.for %parallel_loop3A_172 = %parallel_loop3A to %parallel_loop3A_33 step %parallel_loop3A_34  : i32 {
        %parallel_loop3A_173 = arith.index_cast %parallel_loop3A_172 : i32 to index
        %parallel_loop3A_174 = tpu.vector_load %arg12[%parallel_loop3A_173] {strides = array<i32>} : memref<5120xi32, #tpu.memory_space<vmem>>, vector<16xi32>,
        %parallel_loop3A_175 = tpu.vector_load_idx %arg11[%parallel_loop3A_174] : memref<100016xi32, #tpu.memory_space<vmem>>[vector<16xi32>], vector<16xi32>,
        %parallel_loop3A_176 = arith.index_cast %parallel_loop3A_172 : i32 to index
        %parallel_loop3A_177 = tpu.vector_load %arg14[%parallel_loop3A_176] {strides = array<i32>} : memref<5120xi32, #tpu.memory_space<vmem>>, vector<16xi32>,
        tpu.vector_store %arg14[%parallel_loop3A_176], %parallel_loop3A_175 {strides = array<i32>} : memref<5120xi32, #tpu.memory_space<vmem>>, vector<16xi32>,
      } {sc.loop_unroll_factor = 8 : i64, sc.parallel_access}
      %add3A_35 = arith.constant 0 : i32
      %add3A_36 = arith.addi %mul3A_22, %add3A_35 : i32
      %dma_start3A_37 = tpu.memref_slice %arg10[%add3A_36] : memref<409600xi32, #tpu.memory_space<hbm>> -> memref<5120xi32, #tpu.memory_space<hbm>>
      %dma_start3A_38 = tpu.memref_slice %arg10[%add3A_36] : memref<409600xi32, #tpu.memory_space<hbm>> -> memref<5120xi32, #tpu.memory_space<hbm>>
      tpu.enqueue_dma source(%arg14 : memref<5120xi32, #tpu.memory_space<vmem>>) target(%dma_start3A_38 : memref<5120xi32, #tpu.memory_space<hbm>>) target_semaphore(%arg19 : memref<!tpu.dma_semaphore, #tpu.memory_space<semaphore_mem>>)
      %add3A_39 = arith.constant 5120 : i32
      %add3A_40 = arith.addi %mul3A_22, %add3A_39 : i32
      %dma_wait3A_41 = tpu.memref_slice %arg7[%add3A_40] : memref<409600xi32, #tpu.memory_space<hbm>> -> memref<5120xi32, #tpu.memory_space<hbm>>
      %dma_wait3A_42 = tpu.memref_slice %arg7[%add3A_40] : memref<409600xi32, #tpu.memory_space<hbm>> -> memref<5120xi32, #tpu.memory_space<hbm>>
      tpu.wait_dma2 semaphore(%arg18 : memref<!tpu.dma_semaphore, #tpu.memory_space<semaphore_mem>>) src(%dma_wait3A_42 : memref<5120xi32, #tpu.memory_space<hbm>>) dst(%arg13 : memref<5120xi32, #tpu.memory_space<vmem>>)
      %add3A_43 = arith.constant 10240 : i32
      %add3A_44 = arith.addi %mul3A_22, %add3A_43 : i32
      %dma_start3A_45 = tpu.memref_slice %arg7[%add3A_44] : memref<409600xi32, #tpu.memory_space<hbm>> -> memref<5120xi32, #tpu.memory_space<hbm>>
      %dma_start3A_46 = tpu.memref_slice %arg7[%add3A_44] : memref<409600xi32, #tpu.memory_space<hbm>> -> memref<5120xi32, #tpu.memory_space<hbm>>
      tpu.enqueue_dma source(%dma_start3A_46 : memref<5120xi32, #tpu.memory_space<hbm>>) target(%arg12 : memref<5120xi32, #tpu.memory_space<vmem>>) target_semaphore(%arg17 : memref<!tpu.dma_semaphore, #tpu.memory_space<semaphore_mem>>)
      %parallel_loop3A_47 = arith.constant 0 : i32
      %parallel_loop3A_48 = arith.constant 5120 : i32
      %parallel_loop3A_49 = arith.constant 16 : i32
      scf.for %parallel_loop3A_172 = %parallel_loop3A_47 to %parallel_loop3A_48 step %parallel_loop3A_49  : i32 {
        %parallel_loop3A_173 = arith.index_cast %parallel_loop3A_172 : i32 to index
        %parallel_loop3A_174 = tpu.vector_load %arg13[%parallel_loop3A_173] {strides = array<i32>} : memref<5120xi32, #tpu.memory_space<vmem>>, vector<16xi32>,
        %parallel_loop3A_175 = tpu.vector_load_idx %arg11[%parallel_loop3A_174] : memref<100016xi32, #tpu.memory_space<vmem>>[vector<16xi32>], vector<16xi32>,
        %parallel_loop3A_176 = arith.index_cast %parallel_loop3A_172 : i32 to index
        %parallel_loop3A_177 = tpu.vector_load %arg15[%parallel_loop3A_176] {strides = array<i32>} : memref<5120xi32, #tpu.memory_space<vmem>>, vector<16xi32>,
        tpu.vector_store %arg15[%parallel_loop3A_176], %parallel_loop3A_175 {strides = array<i32>} : memref<5120xi32, #tpu.memory_space<vmem>>, vector<16xi32>,
      } {sc.loop_unroll_factor = 8 : i64, sc.parallel_access}
      %add3A_50 = arith.constant 5120 : i32
      %add3A_51 = arith.addi %mul3A_22, %add3A_50 : i32
      %dma_start3A_52 = tpu.memref_slice %arg10[%add3A_51] : memref<409600xi32, #tpu.memory_space<hbm>> -> memref<5120xi32, #tpu.memory_space<hbm>>
      %dma_start3A_53 = tpu.memref_slice %arg10[%add3A_51] : memref<409600xi32, #tpu.memory_space<hbm>> -> memref<5120xi32, #tpu.memory_space<hbm>>
      tpu.enqueue_dma source(%arg15 : memref<5120xi32, #tpu.memory_space<vmem>>) target(%dma_start3A_53 : memref<5120xi32, #tpu.memory_space<hbm>>) target_semaphore(%arg20 : memref<!tpu.dma_semaphore, #tpu.memory_space<semaphore_mem>>)
      %add3A_54 = arith.constant 10240 : i32
      %add3A_55 = arith.addi %mul3A_22, %add3A_54 : i32
      %dma_wait3A_56 = tpu.memref_slice %arg7[%add3A_55] : memref<409600xi32, #tpu.memory_space<hbm>> -> memref<5120xi32, #tpu.memory_space<hbm>>
      %dma_wait3A_57 = tpu.memref_slice %arg7[%add3A_55] : memref<409600xi32, #tpu.memory_space<hbm>> -> memref<5120xi32, #tpu.memory_space<hbm>>
      tpu.wait_dma2 semaphore(%arg17 : memref<!tpu.dma_semaphore, #tpu.memory_space<semaphore_mem>>) src(%dma_wait3A_57 : memref<5120xi32, #tpu.memory_space<hbm>>) dst(%arg12 : memref<5120xi32, #tpu.memory_space<vmem>>)
      %add3A_58 = arith.constant 15360 : i32
      %add3A_59 = arith.addi %mul3A_22, %add3A_58 : i32
      %dma_start3A_60 = tpu.memref_slice %arg7[%add3A_59] : memref<409600xi32, #tpu.memory_space<hbm>> -> memref<5120xi32, #tpu.memory_space<hbm>>
      %dma_start3A_61 = tpu.memref_slice %arg7[%add3A_59] : memref<409600xi32, #tpu.memory_space<hbm>> -> memref<5120xi32, #tpu.memory_space<hbm>>
      tpu.enqueue_dma source(%dma_start3A_61 : memref<5120xi32, #tpu.memory_space<hbm>>) target(%arg13 : memref<5120xi32, #tpu.memory_space<vmem>>) target_semaphore(%arg18 : memref<!tpu.dma_semaphore, #tpu.memory_space<semaphore_mem>>)
      %add3A_62 = arith.constant 0 : i32
      %add3A_63 = arith.addi %mul3A_22, %add3A_62 : i32
      %dma_wait3A_64 = tpu.memref_slice %arg10[%add3A_63] : memref<409600xi32, #tpu.memory_space<hbm>> -> memref<5120xi32, #tpu.memory_space<hbm>>
      %dma_wait3A_65 = tpu.memref_slice %arg10[%add3A_63] : memref<409600xi32, #tpu.memory_space<hbm>> -> memref<5120xi32, #tpu.memory_space<hbm>>
      tpu.wait_dma2 semaphore(%arg19 : memref<!tpu.dma_semaphore, #tpu.memory_space<semaphore_mem>>) src(%arg14 : memref<5120xi32, #tpu.memory_space<vmem>>) dst(%dma_wait3A_65 : memref<5120xi32, #tpu.memory_space<hbm>>)
      %parallel_loop3A_66 = arith.constant 0 : i32
      %parallel_loop3A_67 = arith.constant 5120 : i32
      %parallel_loop3A_68 = arith.constant 16 : i32
      scf.for %parallel_loop3A_172 = %parallel_loop3A_66 to %parallel_loop3A_67 step %parallel_loop3A_68  : i32 {
        %parallel_loop3A_173 = arith.index_cast %parallel_loop3A_172 : i32 to index
        %parallel_loop3A_174 = tpu.vector_load %arg12[%parallel_loop3A_173] {strides = array<i32>} : memref<5120xi32, #tpu.memory_space<vmem>>, vector<16xi32>,
        %parallel_loop3A_175 = tpu.vector_load_idx %arg11[%parallel_loop3A_174] : memref<100016xi32, #tpu.memory_space<vmem>>[vector<16xi32>], vector<16xi32>,
        %parallel_loop3A_176 = arith.index_cast %parallel_loop3A_172 : i32 to index
        %parallel_loop3A_177 = tpu.vector_load %arg14[%parallel_loop3A_176] {strides = array<i32>} : memref<5120xi32, #tpu.memory_space<vmem>>, vector<16xi32>,
        tpu.vector_store %arg14[%parallel_loop3A_176], %parallel_loop3A_175 {strides = array<i32>} : memref<5120xi32, #tpu.memory_space<vmem>>, vector<16xi32>,
      } {sc.loop_unroll_factor = 8 : i64, sc.parallel_access}
      %add3A_69 = arith.constant 10240 : i32
      %add3A_70 = arith.addi %mul3A_22, %add3A_69 : i32
      %dma_start3A_71 = tpu.memref_slice %arg10[%add3A_70] : memref<409600xi32, #tpu.memory_space<hbm>> -> memref<5120xi32, #tpu.memory_space<hbm>>
      %dma_start3A_72 = tpu.memref_slice %arg10[%add3A_70] : memref<409600xi32, #tpu.memory_space<hbm>> -> memref<5120xi32, #tpu.memory_space<hbm>>
      tpu.enqueue_dma source(%arg14 : memref<5120xi32, #tpu.memory_space<vmem>>) target(%dma_start3A_72 : memref<5120xi32, #tpu.memory_space<hbm>>) target_semaphore(%arg19 : memref<!tpu.dma_semaphore, #tpu.memory_space<semaphore_mem>>)
      %add3A_73 = arith.constant 15360 : i32
      %add3A_74 = arith.addi %mul3A_22, %add3A_73 : i32
      %dma_wait3A_75 = tpu.memref_slice %arg7[%add3A_74] : memref<409600xi32, #tpu.memory_space<hbm>> -> memref<5120xi32, #tpu.memory_space<hbm>>
      %dma_wait3A_76 = tpu.memref_slice %arg7[%add3A_74] : memref<409600xi32, #tpu.memory_space<hbm>> -> memref<5120xi32, #tpu.memory_space<hbm>>
      tpu.wait_dma2 semaphore(%arg18 : memref<!tpu.dma_semaphore, #tpu.memory_space<semaphore_mem>>) src(%dma_wait3A_76 : memref<5120xi32, #tpu.memory_space<hbm>>) dst(%arg13 : memref<5120xi32, #tpu.memory_space<vmem>>)
      %add3A_77 = arith.constant 20480 : i32
      %add3A_78 = arith.addi %mul3A_22, %add3A_77 : i32
      %dma_start3A_79 = tpu.memref_slice %arg7[%add3A_78] : memref<409600xi32, #tpu.memory_space<hbm>> -> memref<5120xi32, #tpu.memory_space<hbm>>
      %dma_start3A_80 = tpu.memref_slice %arg7[%add3A_78] : memref<409600xi32, #tpu.memory_space<hbm>> -> memref<5120xi32, #tpu.memory_space<hbm>>
      tpu.enqueue_dma source(%dma_start3A_80 : memref<5120xi32, #tpu.memory_space<hbm>>) target(%arg12 : memref<5120xi32, #tpu.memory_space<vmem>>) target_semaphore(%arg17 : memref<!tpu.dma_semaphore, #tpu.memory_space<semaphore_mem>>)
      %add3A_81 = arith.constant 5120 : i32
      %add3A_82 = arith.addi %mul3A_22, %add3A_81 : i32
      %dma_wait3A_83 = tpu.memref_slice %arg10[%add3A_82] : memref<409600xi32, #tpu.memory_space<hbm>> -> memref<5120xi32, #tpu.memory_space<hbm>>
      %dma_wait3A_84 = tpu.memref_slice %arg10[%add3A_82] : memref<409600xi32, #tpu.memory_space<hbm>> -> memref<5120xi32, #tpu.memory_space<hbm>>
      tpu.wait_dma2 semaphore(%arg20 : memref<!tpu.dma_semaphore, #tpu.memory_space<semaphore_mem>>) src(%arg15 : memref<5120xi32, #tpu.memory_space<vmem>>) dst(%dma_wait3A_84 : memref<5120xi32, #tpu.memory_space<hbm>>)
      %parallel_loop3A_85 = arith.constant 0 : i32
      %parallel_loop3A_86 = arith.constant 5120 : i32
      %parallel_loop3A_87 = arith.constant 16 : i32
      scf.for %parallel_loop3A_172 = %parallel_loop3A_85 to %parallel_loop3A_86 step %parallel_loop3A_87  : i32 {
        %parallel_loop3A_173 = arith.index_cast %parallel_loop3A_172 : i32 to index
        %parallel_loop3A_174 = tpu.vector_load %arg13[%parallel_loop3A_173] {strides = array<i32>} : memref<5120xi32, #tpu.memory_space<vmem>>, vector<16xi32>,
        %parallel_loop3A_175 = tpu.vector_load_idx %arg11[%parallel_loop3A_174] : memref<100016xi32, #tpu.memory_space<vmem>>[vector<16xi32>], vector<16xi32>,
        %parallel_loop3A_176 = arith.index_cast %parallel_loop3A_172 : i32 to index
        %parallel_loop3A_177 = tpu.vector_load %arg15[%parallel_loop3A_176] {strides = array<i32>} : memref<5120xi32, #tpu.memory_space<vmem>>, vector<16xi32>,
        tpu.vector_store %arg15[%parallel_loop3A_176], %parallel_loop3A_175 {strides = array<i32>} : memref<5120xi32, #tpu.memory_space<vmem>>, vector<16xi32>,
      } {sc.loop_unroll_factor = 8 : i64, sc.parallel_access}
      %add3A_88 = arith.constant 15360 : i32
      %add3A_89 = arith.addi %mul3A_22, %add3A_88 : i32
      %dma_start3A_90 = tpu.memref_slice %arg10[%add3A_89] : memref<409600xi32, #tpu.memory_space<hbm>> -> memref<5120xi32, #tpu.memory_space<hbm>>
      %dma_start3A_91 = tpu.memref_slice %arg10[%add3A_89] : memref<409600xi32, #tpu.memory_space<hbm>> -> memref<5120xi32, #tpu.memory_space<hbm>>
      tpu.enqueue_dma source(%arg15 : memref<5120xi32, #tpu.memory_space<vmem>>) target(%dma_start3A_91 : memref<5120xi32, #tpu.memory_space<hbm>>) target_semaphore(%arg20 : memref<!tpu.dma_semaphore, #tpu.memory_space<semaphore_mem>>)
      %add3A_92 = arith.constant 20480 : i32
      %add3A_93 = arith.addi %mul3A_22, %add3A_92 : i32
      %dma_wait3A_94 = tpu.memref_slice %arg7[%add3A_93] : memref<409600xi32, #tpu.memory_space<hbm>> -> memref<5120xi32, #tpu.memory_space<hbm>>
      %dma_wait3A_95 = tpu.memref_slice %arg7[%add3A_93] : memref<409600xi32, #tpu.memory_space<hbm>> -> memref<5120xi32, #tpu.memory_space<hbm>>
      tpu.wait_dma2 semaphore(%arg17 : memref<!tpu.dma_semaphore, #tpu.memory_space<semaphore_mem>>) src(%dma_wait3A_95 : memref<5120xi32, #tpu.memory_space<hbm>>) dst(%arg12 : memref<5120xi32, #tpu.memory_space<vmem>>)
      %add3A_96 = arith.constant 25600 : i32
      %add3A_97 = arith.addi %mul3A_22, %add3A_96 : i32
      %dma_start3A_98 = tpu.memref_slice %arg7[%add3A_97] : memref<409600xi32, #tpu.memory_space<hbm>> -> memref<5120xi32, #tpu.memory_space<hbm>>
      %dma_start3A_99 = tpu.memref_slice %arg7[%add3A_97] : memref<409600xi32, #tpu.memory_space<hbm>> -> memref<5120xi32, #tpu.memory_space<hbm>>
      tpu.enqueue_dma source(%dma_start3A_99 : memref<5120xi32, #tpu.memory_space<hbm>>) target(%arg13 : memref<5120xi32, #tpu.memory_space<vmem>>) target_semaphore(%arg18 : memref<!tpu.dma_semaphore, #tpu.memory_space<semaphore_mem>>)
      %add3A_100 = arith.constant 10240 : i32
      %add3A_101 = arith.addi %mul3A_22, %add3A_100 : i32
      %dma_wait3A_102 = tpu.memref_slice %arg10[%add3A_101] : memref<409600xi32, #tpu.memory_space<hbm>> -> memref<5120xi32, #tpu.memory_space<hbm>>
      %dma_wait3A_103 = tpu.memref_slice %arg10[%add3A_101] : memref<409600xi32, #tpu.memory_space<hbm>> -> memref<5120xi32, #tpu.memory_space<hbm>>
      tpu.wait_dma2 semaphore(%arg19 : memref<!tpu.dma_semaphore, #tpu.memory_space<semaphore_mem>>) src(%arg14 : memref<5120xi32, #tpu.memory_space<vmem>>) dst(%dma_wait3A_103 : memref<5120xi32, #tpu.memory_space<hbm>>)
      %parallel_loop3A_104 = arith.constant 0 : i32
      %parallel_loop3A_105 = arith.constant 5120 : i32
      %parallel_loop3A_106 = arith.constant 16 : i32
      scf.for %parallel_loop3A_172 = %parallel_loop3A_104 to %parallel_loop3A_105 step %parallel_loop3A_106  : i32 {
        %parallel_loop3A_173 = arith.index_cast %parallel_loop3A_172 : i32 to index
        %parallel_loop3A_174 = tpu.vector_load %arg12[%parallel_loop3A_173] {strides = array<i32>} : memref<5120xi32, #tpu.memory_space<vmem>>, vector<16xi32>,
        %parallel_loop3A_175 = tpu.vector_load_idx %arg11[%parallel_loop3A_174] : memref<100016xi32, #tpu.memory_space<vmem>>[vector<16xi32>], vector<16xi32>,
        %parallel_loop3A_176 = arith.index_cast %parallel_loop3A_172 : i32 to index
        %parallel_loop3A_177 = tpu.vector_load %arg14[%parallel_loop3A_176] {strides = array<i32>} : memref<5120xi32, #tpu.memory_space<vmem>>, vector<16xi32>,
        tpu.vector_store %arg14[%parallel_loop3A_176], %parallel_loop3A_175 {strides = array<i32>} : memref<5120xi32, #tpu.memory_space<vmem>>, vector<16xi32>,
      } {sc.loop_unroll_factor = 8 : i64, sc.parallel_access}
      %add3A_107 = arith.constant 20480 : i32
      %add3A_108 = arith.addi %mul3A_22, %add3A_107 : i32
      %dma_start3A_109 = tpu.memref_slice %arg10[%add3A_108] : memref<409600xi32, #tpu.memory_space<hbm>> -> memref<5120xi32, #tpu.memory_space<hbm>>
      %dma_start3A_110 = tpu.memref_slice %arg10[%add3A_108] : memref<409600xi32, #tpu.memory_space<hbm>> -> memref<5120xi32, #tpu.memory_space<hbm>>
      tpu.enqueue_dma source(%arg14 : memref<5120xi32, #tpu.memory_space<vmem>>) target(%dma_start3A_110 : memref<5120xi32, #tpu.memory_space<hbm>>) target_semaphore(%arg19 : memref<!tpu.dma_semaphore, #tpu.memory_space<semaphore_mem>>)
      %add3A_111 = arith.constant 25600 : i32
      %add3A_112 = arith.addi %mul3A_22, %add3A_111 : i32
      %dma_wait3A_113 = tpu.memref_slice %arg7[%add3A_112] : memref<409600xi32, #tpu.memory_space<hbm>> -> memref<5120xi32, #tpu.memory_space<hbm>>
      %dma_wait3A_114 = tpu.memref_slice %arg7[%add3A_112] : memref<409600xi32, #tpu.memory_space<hbm>> -> memref<5120xi32, #tpu.memory_space<hbm>>
      tpu.wait_dma2 semaphore(%arg18 : memref<!tpu.dma_semaphore, #tpu.memory_space<semaphore_mem>>) src(%dma_wait3A_114 : memref<5120xi32, #tpu.memory_space<hbm>>) dst(%arg13 : memref<5120xi32, #tpu.memory_space<vmem>>)
      %add3A_115 = arith.constant 30720 : i32
      %add3A_116 = arith.addi %mul3A_22, %add3A_115 : i32
      %dma_start3A_117 = tpu.memref_slice %arg7[%add3A_116] : memref<409600xi32, #tpu.memory_space<hbm>> -> memref<5120xi32, #tpu.memory_space<hbm>>
      %dma_start3A_118 = tpu.memref_slice %arg7[%add3A_116] : memref<409600xi32, #tpu.memory_space<hbm>> -> memref<5120xi32, #tpu.memory_space<hbm>>
      tpu.enqueue_dma source(%dma_start3A_118 : memref<5120xi32, #tpu.memory_space<hbm>>) target(%arg12 : memref<5120xi32, #tpu.memory_space<vmem>>) target_semaphore(%arg17 : memref<!tpu.dma_semaphore, #tpu.memory_space<semaphore_mem>>)
      %add3A_119 = arith.constant 15360 : i32
      %add3A_120 = arith.addi %mul3A_22, %add3A_119 : i32
      %dma_wait3A_121 = tpu.memref_slice %arg10[%add3A_120] : memref<409600xi32, #tpu.memory_space<hbm>> -> memref<5120xi32, #tpu.memory_space<hbm>>
      %dma_wait3A_122 = tpu.memref_slice %arg10[%add3A_120] : memref<409600xi32, #tpu.memory_space<hbm>> -> memref<5120xi32, #tpu.memory_space<hbm>>
      tpu.wait_dma2 semaphore(%arg20 : memref<!tpu.dma_semaphore, #tpu.memory_space<semaphore_mem>>) src(%arg15 : memref<5120xi32, #tpu.memory_space<vmem>>) dst(%dma_wait3A_122 : memref<5120xi32, #tpu.memory_space<hbm>>)
      %parallel_loop3A_123 = arith.constant 0 : i32
      %parallel_loop3A_124 = arith.constant 5120 : i32
      %parallel_loop3A_125 = arith.constant 16 : i32
      scf.for %parallel_loop3A_172 = %parallel_loop3A_123 to %parallel_loop3A_124 step %parallel_loop3A_125  : i32 {
        %parallel_loop3A_173 = arith.index_cast %parallel_loop3A_172 : i32 to index
        %parallel_loop3A_174 = tpu.vector_load %arg13[%parallel_loop3A_173] {strides = array<i32>} : memref<5120xi32, #tpu.memory_space<vmem>>, vector<16xi32>,
        %parallel_loop3A_175 = tpu.vector_load_idx %arg11[%parallel_loop3A_174] : memref<100016xi32, #tpu.memory_space<vmem>>[vector<16xi32>], vector<16xi32>,
        %parallel_loop3A_176 = arith.index_cast %parallel_loop3A_172 : i32 to index
        %parallel_loop3A_177 = tpu.vector_load %arg15[%parallel_loop3A_176] {strides = array<i32>} : memref<5120xi32, #tpu.memory_space<vmem>>, vector<16xi32>,
        tpu.vector_store %arg15[%parallel_loop3A_176], %parallel_loop3A_175 {strides = array<i32>} : memref<5120xi32, #tpu.memory_space<vmem>>, vector<16xi32>,
      } {sc.loop_unroll_factor = 8 : i64, sc.parallel_access}
      %add3A_126 = arith.constant 25600 : i32
      %add3A_127 = arith.addi %mul3A_22, %add3A_126 : i32
      %dma_start3A_128 = tpu.memref_slice %arg10[%add3A_127] : memref<409600xi32, #tpu.memory_space<hbm>> -> memref<5120xi32, #tpu.memory_space<hbm>>
      %dma_start3A_129 = tpu.memref_slice %arg10[%add3A_127] : memref<409600xi32, #tpu.memory_space<hbm>> -> memref<5120xi32, #tpu.memory_space<hbm>>
      tpu.enqueue_dma source(%arg15 : memref<5120xi32, #tpu.memory_space<vmem>>) target(%dma_start3A_129 : memref<5120xi32, #tpu.memory_space<hbm>>) target_semaphore(%arg20 : memref<!tpu.dma_semaphore, #tpu.memory_space<semaphore_mem>>)
      %add3A_130 = arith.constant 30720 : i32
      %add3A_131 = arith.addi %mul3A_22, %add3A_130 : i32
      %dma_wait3A_132 = tpu.memref_slice %arg7[%add3A_131] : memref<409600xi32, #tpu.memory_space<hbm>> -> memref<5120xi32, #tpu.memory_space<hbm>>
      %dma_wait3A_133 = tpu.memref_slice %arg7[%add3A_131] : memref<409600xi32, #tpu.memory_space<hbm>> -> memref<5120xi32, #tpu.memory_space<hbm>>
      tpu.wait_dma2 semaphore(%arg17 : memref<!tpu.dma_semaphore, #tpu.memory_space<semaphore_mem>>) src(%dma_wait3A_133 : memref<5120xi32, #tpu.memory_space<hbm>>) dst(%arg12 : memref<5120xi32, #tpu.memory_space<vmem>>)
      %add3A_134 = arith.constant 35840 : i32
      %add3A_135 = arith.addi %mul3A_22, %add3A_134 : i32
      %dma_start3A_136 = tpu.memref_slice %arg7[%add3A_135] : memref<409600xi32, #tpu.memory_space<hbm>> -> memref<5120xi32, #tpu.memory_space<hbm>>
      %dma_start3A_137 = tpu.memref_slice %arg7[%add3A_135] : memref<409600xi32, #tpu.memory_space<hbm>> -> memref<5120xi32, #tpu.memory_space<hbm>>
      tpu.enqueue_dma source(%dma_start3A_137 : memref<5120xi32, #tpu.memory_space<hbm>>) target(%arg13 : memref<5120xi32, #tpu.memory_space<vmem>>) target_semaphore(%arg18 : memref<!tpu.dma_semaphore, #tpu.memory_space<semaphore_mem>>)
      %add3A_138 = arith.constant 20480 : i32
      %add3A_139 = arith.addi %mul3A_22, %add3A_138 : i32
      %dma_wait3A_140 = tpu.memref_slice %arg10[%add3A_139] : memref<409600xi32, #tpu.memory_space<hbm>> -> memref<5120xi32, #tpu.memory_space<hbm>>
      %dma_wait3A_141 = tpu.memref_slice %arg10[%add3A_139] : memref<409600xi32, #tpu.memory_space<hbm>> -> memref<5120xi32, #tpu.memory_space<hbm>>
      tpu.wait_dma2 semaphore(%arg19 : memref<!tpu.dma_semaphore, #tpu.memory_space<semaphore_mem>>) src(%arg14 : memref<5120xi32, #tpu.memory_space<vmem>>) dst(%dma_wait3A_141 : memref<5120xi32, #tpu.memory_space<hbm>>)
      %parallel_loop3A_142 = arith.constant 0 : i32
      %parallel_loop3A_143 = arith.constant 5120 : i32
      %parallel_loop3A_144 = arith.constant 16 : i32
      scf.for %parallel_loop3A_172 = %parallel_loop3A_142 to %parallel_loop3A_143 step %parallel_loop3A_144  : i32 {
        %parallel_loop3A_173 = arith.index_cast %parallel_loop3A_172 : i32 to index
        %parallel_loop3A_174 = tpu.vector_load %arg12[%parallel_loop3A_173] {strides = array<i32>} : memref<5120xi32, #tpu.memory_space<vmem>>, vector<16xi32>,
        %parallel_loop3A_175 = tpu.vector_load_idx %arg11[%parallel_loop3A_174] : memref<100016xi32, #tpu.memory_space<vmem>>[vector<16xi32>], vector<16xi32>,
        %parallel_loop3A_176 = arith.index_cast %parallel_loop3A_172 : i32 to index
        %parallel_loop3A_177 = tpu.vector_load %arg14[%parallel_loop3A_176] {strides = array<i32>} : memref<5120xi32, #tpu.memory_space<vmem>>, vector<16xi32>,
        tpu.vector_store %arg14[%parallel_loop3A_176], %parallel_loop3A_175 {strides = array<i32>} : memref<5120xi32, #tpu.memory_space<vmem>>, vector<16xi32>,
      } {sc.loop_unroll_factor = 8 : i64, sc.parallel_access}
      %add3A_145 = arith.constant 30720 : i32
      %add3A_146 = arith.addi %mul3A_22, %add3A_145 : i32
      %dma_start3A_147 = tpu.memref_slice %arg10[%add3A_146] : memref<409600xi32, #tpu.memory_space<hbm>> -> memref<5120xi32, #tpu.memory_space<hbm>>
      %dma_start3A_148 = tpu.memref_slice %arg10[%add3A_146] : memref<409600xi32, #tpu.memory_space<hbm>> -> memref<5120xi32, #tpu.memory_space<hbm>>
      tpu.enqueue_dma source(%arg14 : memref<5120xi32, #tpu.memory_space<vmem>>) target(%dma_start3A_148 : memref<5120xi32, #tpu.memory_space<hbm>>) target_semaphore(%arg19 : memref<!tpu.dma_semaphore, #tpu.memory_space<semaphore_mem>>)
      %add3A_149 = arith.constant 35840 : i32
      %add3A_150 = arith.addi %mul3A_22, %add3A_149 : i32
      %dma_wait3A_151 = tpu.memref_slice %arg7[%add3A_150] : memref<409600xi32, #tpu.memory_space<hbm>> -> memref<5120xi32, #tpu.memory_space<hbm>>
      %dma_wait3A_152 = tpu.memref_slice %arg7[%add3A_150] : memref<409600xi32, #tpu.memory_space<hbm>> -> memref<5120xi32, #tpu.memory_space<hbm>>
      tpu.wait_dma2 semaphore(%arg18 : memref<!tpu.dma_semaphore, #tpu.memory_space<semaphore_mem>>) src(%dma_wait3A_152 : memref<5120xi32, #tpu.memory_space<hbm>>) dst(%arg13 : memref<5120xi32, #tpu.memory_space<vmem>>)
      %add3A_153 = arith.constant 25600 : i32
      %add3A_154 = arith.addi %mul3A_22, %add3A_153 : i32
      %dma_wait3A_155 = tpu.memref_slice %arg10[%add3A_154] : memref<409600xi32, #tpu.memory_space<hbm>> -> memref<5120xi32, #tpu.memory_space<hbm>>
      %dma_wait3A_156 = tpu.memref_slice %arg10[%add3A_154] : memref<409600xi32, #tpu.memory_space<hbm>> -> memref<5120xi32, #tpu.memory_space<hbm>>
      tpu.wait_dma2 semaphore(%arg20 : memref<!tpu.dma_semaphore, #tpu.memory_space<semaphore_mem>>) src(%arg15 : memref<5120xi32, #tpu.memory_space<vmem>>) dst(%dma_wait3A_156 : memref<5120xi32, #tpu.memory_space<hbm>>)
      %parallel_loop3A_157 = arith.constant 0 : i32
      %parallel_loop3A_158 = arith.constant 5120 : i32
      %parallel_loop3A_159 = arith.constant 16 : i32
      scf.for %parallel_loop3A_172 = %parallel_loop3A_157 to %parallel_loop3A_158 step %parallel_loop3A_159  : i32 {
        %parallel_loop3A_173 = arith.index_cast %parallel_loop3A_172 : i32 to index
        %parallel_loop3A_174 = tpu.vector_load %arg13[%parallel_loop3A_173] {strides = array<i32>} : memref<5120xi32, #tpu.memory_space<vmem>>, vector<16xi32>,
        %parallel_loop3A_175 = tpu.vector_load_idx %arg11[%parallel_loop3A_174] : memref<100016xi32, #tpu.memory_space<vmem>>[vector<16xi32>], vector<16xi32>,
        %parallel_loop3A_176 = arith.index_cast %parallel_loop3A_172 : i32 to index
        %parallel_loop3A_177 = tpu.vector_load %arg15[%parallel_loop3A_176] {strides = array<i32>} : memref<5120xi32, #tpu.memory_space<vmem>>, vector<16xi32>,
        tpu.vector_store %arg15[%parallel_loop3A_176], %parallel_loop3A_175 {strides = array<i32>} : memref<5120xi32, #tpu.memory_space<vmem>>, vector<16xi32>,
      } {sc.loop_unroll_factor = 8 : i64, sc.parallel_access}
      %add3A_160 = arith.constant 35840 : i32
      %add3A_161 = arith.addi %mul3A_22, %add3A_160 : i32
      %dma_start3A_162 = tpu.memref_slice %arg10[%add3A_161] : memref<409600xi32, #tpu.memory_space<hbm>> -> memref<5120xi32, #tpu.memory_space<hbm>>
      %dma_start3A_163 = tpu.memref_slice %arg10[%add3A_161] : memref<409600xi32, #tpu.memory_space<hbm>> -> memref<5120xi32, #tpu.memory_space<hbm>>
      tpu.enqueue_dma source(%arg15 : memref<5120xi32, #tpu.memory_space<vmem>>) target(%dma_start3A_163 : memref<5120xi32, #tpu.memory_space<hbm>>) target_semaphore(%arg20 : memref<!tpu.dma_semaphore, #tpu.memory_space<semaphore_mem>>)
      %add3A_164 = arith.constant 30720 : i32
      %add3A_165 = arith.addi %mul3A_22, %add3A_164 : i32
      %dma_wait3A_166 = tpu.memref_slice %arg10[%add3A_165] : memref<409600xi32, #tpu.memory_space<hbm>> -> memref<5120xi32, #tpu.memory_space<hbm>>
      %dma_wait3A_167 = tpu.memref_slice %arg10[%add3A_165] : memref<409600xi32, #tpu.memory_space<hbm>> -> memref<5120xi32, #tpu.memory_space<hbm>>
      tpu.wait_dma2 semaphore(%arg19 : memref<!tpu.dma_semaphore, #tpu.memory_space<semaphore_mem>>) src(%arg14 : memref<5120xi32, #tpu.memory_space<vmem>>) dst(%dma_wait3A_167 : memref<5120xi32, #tpu.memory_space<hbm>>)
      %add3A_168 = arith.constant 35840 : i32
      %add3A_169 = arith.addi %mul3A_22, %add3A_168 : i32
      %dma_wait3A_170 = tpu.memref_slice %arg10[%add3A_169] : memref<409600xi32, #tpu.memory_space<hbm>> -> memref<5120xi32, #tpu.memory_space<hbm>>
      %dma_wait3A_171 = tpu.memref_slice %arg10[%add3A_169] : memref<409600xi32, #tpu.memory_space<hbm>> -> memref<5120xi32, #tpu.memory_space<hbm>>
      tpu.wait_dma2 semaphore(%arg20 : memref<!tpu.dma_semaphore, #tpu.memory_space<semaphore_mem>>) src(%arg15 : memref<5120xi32, #tpu.memory_space<vmem>>) dst(%dma_wait3A_171 : memref<5120xi32, #tpu.memory_space<hbm>>)
    } else {
    }
    return
  }
}

#map = affine_map<(d0, d1) -> (0)>
module attributes {stable_mosaic.version = 14 : i64} {
  func.func @run(%arg0: i32, %arg1: i32, %arg2: memref<100016xi32, #tpu.memory_space<hbm>>, %arg3: memref<100016xi32, #tpu.memory_space<hbm>>, %arg4: memref<100016xi32, #tpu.memory_space<hbm>>, %arg5: memref<409600xi32, #tpu.memory_space<hbm>>, %arg6: memref<409600xi32, #tpu.memory_space<hbm>>, %arg7: memref<409600xi32, #tpu.memory_space<hbm>>, %arg8: memref<409600xi32, #tpu.memory_space<hbm>>, %arg9: memref<409600xi32, #tpu.memory_space<hbm>>, %arg10: memref<409600xi32, #tpu.memory_space<hbm>>, %arg11: memref<100016xi32, #tpu.memory_space<vmem>>, %arg12: memref<5120xi32, #tpu.memory_space<vmem>>, %arg13: memref<5120xi32, #tpu.memory_space<vmem>>, %arg14: memref<5120xi32, #tpu.memory_space<vmem>>, %arg15: memref<5120xi32, #tpu.memory_space<vmem>>, %arg16: memref<!tpu.dma_semaphore, #tpu.memory_space<semaphore_mem>>, %arg17: memref<!tpu.dma_semaphore, #tpu.memory_space<semaphore_mem>>, %arg18: memref<!tpu.dma_semaphore, #tpu.memory_space<semaphore_mem>>, %arg19: memref<!tpu.dma_semaphore, #tpu.memory_space<semaphore_mem>>, %arg20: memref<!tpu.dma_semaphore, #tpu.memory_space<semaphore_mem>>) attributes {dimension_semantics = [#tpu.dimension_semantics<core_parallel>, #tpu.dimension_semantics<subcore_parallel>], iteration_bounds = array<i64: 2, 16>, scalar_prefetch = 0 : i64, scratch_operands = 10 : i64, tpu.core_type = #tpu.core_type<sc_vector_subcore>, window_params = [{transform_indices = #map}, {transform_indices = #map}, {transform_indices = #map}, {transform_indices = #map}, {transform_indices = #map}, {transform_indices = #map}, {transform_indices = #map}, {transform_indices = #map}, {transform_indices = #map}]} {
    %mul3A = arith.constant 2 : i32
    %mul3A_0 = arith.muli %arg1, %mul3A : i32
    %add3A = arith.addi %mul3A_0, %arg0 : i32
    %ge3A = arith.constant 0 : i32
    %ge3A_1 = arith.cmpi sge, %add3A, %ge3A : i32
    %lt3A = arith.constant 10 : i32
    %lt3A_2 = arith.cmpi slt, %add3A, %lt3A : i32
    %and3A = arith.andi %ge3A_1, %lt3A_2 : i1
    %convert_element_type3A = arith.extui %and3A : i1 to i32
    %cond3A = arith.constant 0 : i32
    %cond3A_3 = arith.cmpi ne, %convert_element_type3A, %cond3A : i32
    scf.if %cond3A_3 {
      %sub3A = arith.constant 0 : i32
      %sub3A_20 = arith.subi %add3A, %sub3A : i32
      %mul3A_21 = arith.constant 40960 : i32
      %mul3A_22 = arith.muli %sub3A_20, %mul3A_21 : i32
      tpu.enqueue_dma source(%arg2 : memref<100016xi32, #tpu.memory_space<hbm>>) target(%arg11 : memref<100016xi32, #tpu.memory_space<vmem>>) target_semaphore(%arg16 : memref<!tpu.dma_semaphore, #tpu.memory_space<semaphore_mem>>)
      %add3A_23 = arith.constant 0 : i32
      %add3A_24 = arith.addi %mul3A_22, %add3A_23 : i32
      %dma_start3A = tpu.memref_slice %arg5[%add3A_24] : memref<409600xi32, #tpu.memory_space<hbm>> -> memref<5120xi32, #tpu.memory_space<hbm>>
      %dma_start3A_25 = tpu.memref_slice %arg5[%add3A_24] : memref<409600xi32, #tpu.memory_space<hbm>> -> memref<5120xi32, #tpu.memory_space<hbm>>
      tpu.enqueue_dma source(%dma_start3A_25 : memref<5120xi32, #tpu.memory_space<hbm>>) target(%arg12 : memref<5120xi32, #tpu.memory_space<vmem>>) target_semaphore(%arg17 : memref<!tpu.dma_semaphore, #tpu.memory_space<semaphore_mem>>)
      tpu.wait_dma2 semaphore(%arg16 : memref<!tpu.dma_semaphore, #tpu.memory_space<semaphore_mem>>) src(%arg2 : memref<100016xi32, #tpu.memory_space<hbm>>) dst(%arg11 : memref<100016xi32, #tpu.memory_space<vmem>>)
      %add3A_26 = arith.constant 0 : i32
      %add3A_27 = arith.addi %mul3A_22, %add3A_26 : i32
      %dma_wait3A = tpu.memref_slice %arg5[%add3A_27] : memref<409600xi32, #tpu.memory_space<hbm>> -> memref<5120xi32, #tpu.memory_space<hbm>>
      %dma_wait3A_28 = tpu.memref_slice %arg5[%add3A_27] : memref<409600xi32, #tpu.memory_space<hbm>> -> memref<5120xi32, #tpu.memory_space<hbm>>
      tpu.wait_dma2 semaphore(%arg17 : memref<!tpu.dma_semaphore, #tpu.memory_space<semaphore_mem>>) src(%dma_wait3A_28 : memref<5120xi32, #tpu.memory_space<hbm>>) dst(%arg12 : memref<5120xi32, #tpu.memory_space<vmem>>)
      %add3A_29 = arith.constant 5120 : i32
      %add3A_30 = arith.addi %mul3A_22, %add3A_29 : i32
      %dma_start3A_31 = tpu.memref_slice %arg5[%add3A_30] : memref<409600xi32, #tpu.memory_space<hbm>> -> memref<5120xi32, #tpu.memory_space<hbm>>
      %dma_start3A_32 = tpu.memref_slice %arg5[%add3A_30] : memref<409600xi32, #tpu.memory_space<hbm>> -> memref<5120xi32, #tpu.memory_space<hbm>>
      tpu.enqueue_dma source(%dma_start3A_32 : memref<5120xi32, #tpu.memory_space<hbm>>) target(%arg13 : memref<5120xi32, #tpu.memory_space<vmem>>) target_semaphore(%arg18 : memref<!tpu.dma_semaphore, #tpu.memory_space<semaphore_mem>>)
      %parallel_loop3A = arith.constant 0 : i32
      %parallel_loop3A_33 = arith.constant 5120 : i32
      %parallel_loop3A_34 = arith.constant 16 : i32
      scf.for %parallel_loop3A_172 = %parallel_loop3A to %parallel_loop3A_33 step %parallel_loop3A_34  : i32 {
        %parallel_loop3A_173 = arith.index_cast %parallel_loop3A_172 : i32 to index
        %parallel_loop3A_174 = tpu.vector_load %arg12[%parallel_loop3A_173] {strides = array<i32>} : memref<5120xi32, #tpu.memory_space<vmem>>, vector<16xi32>,
        %parallel_loop3A_175 = tpu.vector_load_idx %arg11[%parallel_loop3A_174] : memref<100016xi32, #tpu.memory_space<vmem>>[vector<16xi32>], vector<16xi32>,
        %parallel_loop3A_176 = arith.index_cast %parallel_loop3A_172 : i32 to index
        %parallel_loop3A_177 = tpu.vector_load %arg14[%parallel_loop3A_176] {strides = array<i32>} : memref<5120xi32, #tpu.memory_space<vmem>>, vector<16xi32>,
        tpu.vector_store %arg14[%parallel_loop3A_176], %parallel_loop3A_175 {strides = array<i32>} : memref<5120xi32, #tpu.memory_space<vmem>>, vector<16xi32>,
      } {sc.loop_unroll_factor = 8 : i64, sc.parallel_access}
      %add3A_35 = arith.constant 0 : i32
      %add3A_36 = arith.addi %mul3A_22, %add3A_35 : i32
      %dma_start3A_37 = tpu.memref_slice %arg8[%add3A_36] : memref<409600xi32, #tpu.memory_space<hbm>> -> memref<5120xi32, #tpu.memory_space<hbm>>
      %dma_start3A_38 = tpu.memref_slice %arg8[%add3A_36] : memref<409600xi32, #tpu.memory_space<hbm>> -> memref<5120xi32, #tpu.memory_space<hbm>>
      tpu.enqueue_dma source(%arg14 : memref<5120xi32, #tpu.memory_space<vmem>>) target(%dma_start3A_38 : memref<5120xi32, #tpu.memory_space<hbm>>) target_semaphore(%arg19 : memref<!tpu.dma_semaphore, #tpu.memory_space<semaphore_mem>>)
      %add3A_39 = arith.constant 5120 : i32
      %add3A_40 = arith.addi %mul3A_22, %add3A_39 : i32
      %dma_wait3A_41 = tpu.memref_slice %arg5[%add3A_40] : memref<409600xi32, #tpu.memory_space<hbm>> -> memref<5120xi32, #tpu.memory_space<hbm>>
      %dma_wait3A_42 = tpu.memref_slice %arg5[%add3A_40] : memref<409600xi32, #tpu.memory_space<hbm>> -> memref<5120xi32, #tpu.memory_space<hbm>>
      tpu.wait_dma2 semaphore(%arg18 : memref<!tpu.dma_semaphore, #tpu.memory_space<semaphore_mem>>) src(%dma_wait3A_42 : memref<5120xi32, #tpu.memory_space<hbm>>) dst(%arg13 : memref<5120xi32, #tpu.memory_space<vmem>>)
      %add3A_43 = arith.constant 10240 : i32
      %add3A_44 = arith.addi %mul3A_22, %add3A_43 : i32
      %dma_start3A_45 = tpu.memref_slice %arg5[%add3A_44] : memref<409600xi32, #tpu.memory_space<hbm>> -> memref<5120xi32, #tpu.memory_space<hbm>>
      %dma_start3A_46 = tpu.memref_slice %arg5[%add3A_44] : memref<409600xi32, #tpu.memory_space<hbm>> -> memref<5120xi32, #tpu.memory_space<hbm>>
      tpu.enqueue_dma source(%dma_start3A_46 : memref<5120xi32, #tpu.memory_space<hbm>>) target(%arg12 : memref<5120xi32, #tpu.memory_space<vmem>>) target_semaphore(%arg17 : memref<!tpu.dma_semaphore, #tpu.memory_space<semaphore_mem>>)
      %parallel_loop3A_47 = arith.constant 0 : i32
      %parallel_loop3A_48 = arith.constant 5120 : i32
      %parallel_loop3A_49 = arith.constant 16 : i32
      scf.for %parallel_loop3A_172 = %parallel_loop3A_47 to %parallel_loop3A_48 step %parallel_loop3A_49  : i32 {
        %parallel_loop3A_173 = arith.index_cast %parallel_loop3A_172 : i32 to index
        %parallel_loop3A_174 = tpu.vector_load %arg13[%parallel_loop3A_173] {strides = array<i32>} : memref<5120xi32, #tpu.memory_space<vmem>>, vector<16xi32>,
        %parallel_loop3A_175 = tpu.vector_load_idx %arg11[%parallel_loop3A_174] : memref<100016xi32, #tpu.memory_space<vmem>>[vector<16xi32>], vector<16xi32>,
        %parallel_loop3A_176 = arith.index_cast %parallel_loop3A_172 : i32 to index
        %parallel_loop3A_177 = tpu.vector_load %arg15[%parallel_loop3A_176] {strides = array<i32>} : memref<5120xi32, #tpu.memory_space<vmem>>, vector<16xi32>,
        tpu.vector_store %arg15[%parallel_loop3A_176], %parallel_loop3A_175 {strides = array<i32>} : memref<5120xi32, #tpu.memory_space<vmem>>, vector<16xi32>,
      } {sc.loop_unroll_factor = 8 : i64, sc.parallel_access}
      %add3A_50 = arith.constant 5120 : i32
      %add3A_51 = arith.addi %mul3A_22, %add3A_50 : i32
      %dma_start3A_52 = tpu.memref_slice %arg8[%add3A_51] : memref<409600xi32, #tpu.memory_space<hbm>> -> memref<5120xi32, #tpu.memory_space<hbm>>
      %dma_start3A_53 = tpu.memref_slice %arg8[%add3A_51] : memref<409600xi32, #tpu.memory_space<hbm>> -> memref<5120xi32, #tpu.memory_space<hbm>>
      tpu.enqueue_dma source(%arg15 : memref<5120xi32, #tpu.memory_space<vmem>>) target(%dma_start3A_53 : memref<5120xi32, #tpu.memory_space<hbm>>) target_semaphore(%arg20 : memref<!tpu.dma_semaphore, #tpu.memory_space<semaphore_mem>>)
      %add3A_54 = arith.constant 10240 : i32
      %add3A_55 = arith.addi %mul3A_22, %add3A_54 : i32
      %dma_wait3A_56 = tpu.memref_slice %arg5[%add3A_55] : memref<409600xi32, #tpu.memory_space<hbm>> -> memref<5120xi32, #tpu.memory_space<hbm>>
      %dma_wait3A_57 = tpu.memref_slice %arg5[%add3A_55] : memref<409600xi32, #tpu.memory_space<hbm>> -> memref<5120xi32, #tpu.memory_space<hbm>>
      tpu.wait_dma2 semaphore(%arg17 : memref<!tpu.dma_semaphore, #tpu.memory_space<semaphore_mem>>) src(%dma_wait3A_57 : memref<5120xi32, #tpu.memory_space<hbm>>) dst(%arg12 : memref<5120xi32, #tpu.memory_space<vmem>>)
      %add3A_58 = arith.constant 15360 : i32
      %add3A_59 = arith.addi %mul3A_22, %add3A_58 : i32
      %dma_start3A_60 = tpu.memref_slice %arg5[%add3A_59] : memref<409600xi32, #tpu.memory_space<hbm>> -> memref<5120xi32, #tpu.memory_space<hbm>>
      %dma_start3A_61 = tpu.memref_slice %arg5[%add3A_59] : memref<409600xi32, #tpu.memory_space<hbm>> -> memref<5120xi32, #tpu.memory_space<hbm>>
      tpu.enqueue_dma source(%dma_start3A_61 : memref<5120xi32, #tpu.memory_space<hbm>>) target(%arg13 : memref<5120xi32, #tpu.memory_space<vmem>>) target_semaphore(%arg18 : memref<!tpu.dma_semaphore, #tpu.memory_space<semaphore_mem>>)
      %add3A_62 = arith.constant 0 : i32
      %add3A_63 = arith.addi %mul3A_22, %add3A_62 : i32
      %dma_wait3A_64 = tpu.memref_slice %arg8[%add3A_63] : memref<409600xi32, #tpu.memory_space<hbm>> -> memref<5120xi32, #tpu.memory_space<hbm>>
      %dma_wait3A_65 = tpu.memref_slice %arg8[%add3A_63] : memref<409600xi32, #tpu.memory_space<hbm>> -> memref<5120xi32, #tpu.memory_space<hbm>>
      tpu.wait_dma2 semaphore(%arg19 : memref<!tpu.dma_semaphore, #tpu.memory_space<semaphore_mem>>) src(%arg14 : memref<5120xi32, #tpu.memory_space<vmem>>) dst(%dma_wait3A_65 : memref<5120xi32, #tpu.memory_space<hbm>>)
      %parallel_loop3A_66 = arith.constant 0 : i32
      %parallel_loop3A_67 = arith.constant 5120 : i32
      %parallel_loop3A_68 = arith.constant 16 : i32
      scf.for %parallel_loop3A_172 = %parallel_loop3A_66 to %parallel_loop3A_67 step %parallel_loop3A_68  : i32 {
        %parallel_loop3A_173 = arith.index_cast %parallel_loop3A_172 : i32 to index
        %parallel_loop3A_174 = tpu.vector_load %arg12[%parallel_loop3A_173] {strides = array<i32>} : memref<5120xi32, #tpu.memory_space<vmem>>, vector<16xi32>,
        %parallel_loop3A_175 = tpu.vector_load_idx %arg11[%parallel_loop3A_174] : memref<100016xi32, #tpu.memory_space<vmem>>[vector<16xi32>], vector<16xi32>,
        %parallel_loop3A_176 = arith.index_cast %parallel_loop3A_172 : i32 to index
        %parallel_loop3A_177 = tpu.vector_load %arg14[%parallel_loop3A_176] {strides = array<i32>} : memref<5120xi32, #tpu.memory_space<vmem>>, vector<16xi32>,
        tpu.vector_store %arg14[%parallel_loop3A_176], %parallel_loop3A_175 {strides = array<i32>} : memref<5120xi32, #tpu.memory_space<vmem>>, vector<16xi32>,
      } {sc.loop_unroll_factor = 8 : i64, sc.parallel_access}
      %add3A_69 = arith.constant 10240 : i32
      %add3A_70 = arith.addi %mul3A_22, %add3A_69 : i32
      %dma_start3A_71 = tpu.memref_slice %arg8[%add3A_70] : memref<409600xi32, #tpu.memory_space<hbm>> -> memref<5120xi32, #tpu.memory_space<hbm>>
      %dma_start3A_72 = tpu.memref_slice %arg8[%add3A_70] : memref<409600xi32, #tpu.memory_space<hbm>> -> memref<5120xi32, #tpu.memory_space<hbm>>
      tpu.enqueue_dma source(%arg14 : memref<5120xi32, #tpu.memory_space<vmem>>) target(%dma_start3A_72 : memref<5120xi32, #tpu.memory_space<hbm>>) target_semaphore(%arg19 : memref<!tpu.dma_semaphore, #tpu.memory_space<semaphore_mem>>)
      %add3A_73 = arith.constant 15360 : i32
      %add3A_74 = arith.addi %mul3A_22, %add3A_73 : i32
      %dma_wait3A_75 = tpu.memref_slice %arg5[%add3A_74] : memref<409600xi32, #tpu.memory_space<hbm>> -> memref<5120xi32, #tpu.memory_space<hbm>>
      %dma_wait3A_76 = tpu.memref_slice %arg5[%add3A_74] : memref<409600xi32, #tpu.memory_space<hbm>> -> memref<5120xi32, #tpu.memory_space<hbm>>
      tpu.wait_dma2 semaphore(%arg18 : memref<!tpu.dma_semaphore, #tpu.memory_space<semaphore_mem>>) src(%dma_wait3A_76 : memref<5120xi32, #tpu.memory_space<hbm>>) dst(%arg13 : memref<5120xi32, #tpu.memory_space<vmem>>)
      %add3A_77 = arith.constant 20480 : i32
      %add3A_78 = arith.addi %mul3A_22, %add3A_77 : i32
      %dma_start3A_79 = tpu.memref_slice %arg5[%add3A_78] : memref<409600xi32, #tpu.memory_space<hbm>> -> memref<5120xi32, #tpu.memory_space<hbm>>
      %dma_start3A_80 = tpu.memref_slice %arg5[%add3A_78] : memref<409600xi32, #tpu.memory_space<hbm>> -> memref<5120xi32, #tpu.memory_space<hbm>>
      tpu.enqueue_dma source(%dma_start3A_80 : memref<5120xi32, #tpu.memory_space<hbm>>) target(%arg12 : memref<5120xi32, #tpu.memory_space<vmem>>) target_semaphore(%arg17 : memref<!tpu.dma_semaphore, #tpu.memory_space<semaphore_mem>>)
      %add3A_81 = arith.constant 5120 : i32
      %add3A_82 = arith.addi %mul3A_22, %add3A_81 : i32
      %dma_wait3A_83 = tpu.memref_slice %arg8[%add3A_82] : memref<409600xi32, #tpu.memory_space<hbm>> -> memref<5120xi32, #tpu.memory_space<hbm>>
      %dma_wait3A_84 = tpu.memref_slice %arg8[%add3A_82] : memref<409600xi32, #tpu.memory_space<hbm>> -> memref<5120xi32, #tpu.memory_space<hbm>>
      tpu.wait_dma2 semaphore(%arg20 : memref<!tpu.dma_semaphore, #tpu.memory_space<semaphore_mem>>) src(%arg15 : memref<5120xi32, #tpu.memory_space<vmem>>) dst(%dma_wait3A_84 : memref<5120xi32, #tpu.memory_space<hbm>>)
      %parallel_loop3A_85 = arith.constant 0 : i32
      %parallel_loop3A_86 = arith.constant 5120 : i32
      %parallel_loop3A_87 = arith.constant 16 : i32
      scf.for %parallel_loop3A_172 = %parallel_loop3A_85 to %parallel_loop3A_86 step %parallel_loop3A_87  : i32 {
        %parallel_loop3A_173 = arith.index_cast %parallel_loop3A_172 : i32 to index
        %parallel_loop3A_174 = tpu.vector_load %arg13[%parallel_loop3A_173] {strides = array<i32>} : memref<5120xi32, #tpu.memory_space<vmem>>, vector<16xi32>,
        %parallel_loop3A_175 = tpu.vector_load_idx %arg11[%parallel_loop3A_174] : memref<100016xi32, #tpu.memory_space<vmem>>[vector<16xi32>], vector<16xi32>,
        %parallel_loop3A_176 = arith.index_cast %parallel_loop3A_172 : i32 to index
        %parallel_loop3A_177 = tpu.vector_load %arg15[%parallel_loop3A_176] {strides = array<i32>} : memref<5120xi32, #tpu.memory_space<vmem>>, vector<16xi32>,
        tpu.vector_store %arg15[%parallel_loop3A_176], %parallel_loop3A_175 {strides = array<i32>} : memref<5120xi32, #tpu.memory_space<vmem>>, vector<16xi32>,
      } {sc.loop_unroll_factor = 8 : i64, sc.parallel_access}
      %add3A_88 = arith.constant 15360 : i32
      %add3A_89 = arith.addi %mul3A_22, %add3A_88 : i32
      %dma_start3A_90 = tpu.memref_slice %arg8[%add3A_89] : memref<409600xi32, #tpu.memory_space<hbm>> -> memref<5120xi32, #tpu.memory_space<hbm>>
      %dma_start3A_91 = tpu.memref_slice %arg8[%add3A_89] : memref<409600xi32, #tpu.memory_space<hbm>> -> memref<5120xi32, #tpu.memory_space<hbm>>
      tpu.enqueue_dma source(%arg15 : memref<5120xi32, #tpu.memory_space<vmem>>) target(%dma_start3A_91 : memref<5120xi32, #tpu.memory_space<hbm>>) target_semaphore(%arg20 : memref<!tpu.dma_semaphore, #tpu.memory_space<semaphore_mem>>)
      %add3A_92 = arith.constant 20480 : i32
      %add3A_93 = arith.addi %mul3A_22, %add3A_92 : i32
      %dma_wait3A_94 = tpu.memref_slice %arg5[%add3A_93] : memref<409600xi32, #tpu.memory_space<hbm>> -> memref<5120xi32, #tpu.memory_space<hbm>>
      %dma_wait3A_95 = tpu.memref_slice %arg5[%add3A_93] : memref<409600xi32, #tpu.memory_space<hbm>> -> memref<5120xi32, #tpu.memory_space<hbm>>
      tpu.wait_dma2 semaphore(%arg17 : memref<!tpu.dma_semaphore, #tpu.memory_space<semaphore_mem>>) src(%dma_wait3A_95 : memref<5120xi32, #tpu.memory_space<hbm>>) dst(%arg12 : memref<5120xi32, #tpu.memory_space<vmem>>)
      %add3A_96 = arith.constant 25600 : i32
      %add3A_97 = arith.addi %mul3A_22, %add3A_96 : i32
      %dma_start3A_98 = tpu.memref_slice %arg5[%add3A_97] : memref<409600xi32, #tpu.memory_space<hbm>> -> memref<5120xi32, #tpu.memory_space<hbm>>
      %dma_start3A_99 = tpu.memref_slice %arg5[%add3A_97] : memref<409600xi32, #tpu.memory_space<hbm>> -> memref<5120xi32, #tpu.memory_space<hbm>>
      tpu.enqueue_dma source(%dma_start3A_99 : memref<5120xi32, #tpu.memory_space<hbm>>) target(%arg13 : memref<5120xi32, #tpu.memory_space<vmem>>) target_semaphore(%arg18 : memref<!tpu.dma_semaphore, #tpu.memory_space<semaphore_mem>>)
      %add3A_100 = arith.constant 10240 : i32
      %add3A_101 = arith.addi %mul3A_22, %add3A_100 : i32
      %dma_wait3A_102 = tpu.memref_slice %arg8[%add3A_101] : memref<409600xi32, #tpu.memory_space<hbm>> -> memref<5120xi32, #tpu.memory_space<hbm>>
      %dma_wait3A_103 = tpu.memref_slice %arg8[%add3A_101] : memref<409600xi32, #tpu.memory_space<hbm>> -> memref<5120xi32, #tpu.memory_space<hbm>>
      tpu.wait_dma2 semaphore(%arg19 : memref<!tpu.dma_semaphore, #tpu.memory_space<semaphore_mem>>) src(%arg14 : memref<5120xi32, #tpu.memory_space<vmem>>) dst(%dma_wait3A_103 : memref<5120xi32, #tpu.memory_space<hbm>>)
      %parallel_loop3A_104 = arith.constant 0 : i32
      %parallel_loop3A_105 = arith.constant 5120 : i32
      %parallel_loop3A_106 = arith.constant 16 : i32
      scf.for %parallel_loop3A_172 = %parallel_loop3A_104 to %parallel_loop3A_105 step %parallel_loop3A_106  : i32 {
        %parallel_loop3A_173 = arith.index_cast %parallel_loop3A_172 : i32 to index
        %parallel_loop3A_174 = tpu.vector_load %arg12[%parallel_loop3A_173] {strides = array<i32>} : memref<5120xi32, #tpu.memory_space<vmem>>, vector<16xi32>,
        %parallel_loop3A_175 = tpu.vector_load_idx %arg11[%parallel_loop3A_174] : memref<100016xi32, #tpu.memory_space<vmem>>[vector<16xi32>], vector<16xi32>,
        %parallel_loop3A_176 = arith.index_cast %parallel_loop3A_172 : i32 to index
        %parallel_loop3A_177 = tpu.vector_load %arg14[%parallel_loop3A_176] {strides = array<i32>} : memref<5120xi32, #tpu.memory_space<vmem>>, vector<16xi32>,
        tpu.vector_store %arg14[%parallel_loop3A_176], %parallel_loop3A_175 {strides = array<i32>} : memref<5120xi32, #tpu.memory_space<vmem>>, vector<16xi32>,
      } {sc.loop_unroll_factor = 8 : i64, sc.parallel_access}
      %add3A_107 = arith.constant 20480 : i32
      %add3A_108 = arith.addi %mul3A_22, %add3A_107 : i32
      %dma_start3A_109 = tpu.memref_slice %arg8[%add3A_108] : memref<409600xi32, #tpu.memory_space<hbm>> -> memref<5120xi32, #tpu.memory_space<hbm>>
      %dma_start3A_110 = tpu.memref_slice %arg8[%add3A_108] : memref<409600xi32, #tpu.memory_space<hbm>> -> memref<5120xi32, #tpu.memory_space<hbm>>
      tpu.enqueue_dma source(%arg14 : memref<5120xi32, #tpu.memory_space<vmem>>) target(%dma_start3A_110 : memref<5120xi32, #tpu.memory_space<hbm>>) target_semaphore(%arg19 : memref<!tpu.dma_semaphore, #tpu.memory_space<semaphore_mem>>)
      %add3A_111 = arith.constant 25600 : i32
      %add3A_112 = arith.addi %mul3A_22, %add3A_111 : i32
      %dma_wait3A_113 = tpu.memref_slice %arg5[%add3A_112] : memref<409600xi32, #tpu.memory_space<hbm>> -> memref<5120xi32, #tpu.memory_space<hbm>>
      %dma_wait3A_114 = tpu.memref_slice %arg5[%add3A_112] : memref<409600xi32, #tpu.memory_space<hbm>> -> memref<5120xi32, #tpu.memory_space<hbm>>
      tpu.wait_dma2 semaphore(%arg18 : memref<!tpu.dma_semaphore, #tpu.memory_space<semaphore_mem>>) src(%dma_wait3A_114 : memref<5120xi32, #tpu.memory_space<hbm>>) dst(%arg13 : memref<5120xi32, #tpu.memory_space<vmem>>)
      %add3A_115 = arith.constant 30720 : i32
      %add3A_116 = arith.addi %mul3A_22, %add3A_115 : i32
      %dma_start3A_117 = tpu.memref_slice %arg5[%add3A_116] : memref<409600xi32, #tpu.memory_space<hbm>> -> memref<5120xi32, #tpu.memory_space<hbm>>
      %dma_start3A_118 = tpu.memref_slice %arg5[%add3A_116] : memref<409600xi32, #tpu.memory_space<hbm>> -> memref<5120xi32, #tpu.memory_space<hbm>>
      tpu.enqueue_dma source(%dma_start3A_118 : memref<5120xi32, #tpu.memory_space<hbm>>) target(%arg12 : memref<5120xi32, #tpu.memory_space<vmem>>) target_semaphore(%arg17 : memref<!tpu.dma_semaphore, #tpu.memory_space<semaphore_mem>>)
      %add3A_119 = arith.constant 15360 : i32
      %add3A_120 = arith.addi %mul3A_22, %add3A_119 : i32
      %dma_wait3A_121 = tpu.memref_slice %arg8[%add3A_120] : memref<409600xi32, #tpu.memory_space<hbm>> -> memref<5120xi32, #tpu.memory_space<hbm>>
      %dma_wait3A_122 = tpu.memref_slice %arg8[%add3A_120] : memref<409600xi32, #tpu.memory_space<hbm>> -> memref<5120xi32, #tpu.memory_space<hbm>>
      tpu.wait_dma2 semaphore(%arg20 : memref<!tpu.dma_semaphore, #tpu.memory_space<semaphore_mem>>) src(%arg15 : memref<5120xi32, #tpu.memory_space<vmem>>) dst(%dma_wait3A_122 : memref<5120xi32, #tpu.memory_space<hbm>>)
      %parallel_loop3A_123 = arith.constant 0 : i32
      %parallel_loop3A_124 = arith.constant 5120 : i32
      %parallel_loop3A_125 = arith.constant 16 : i32
      scf.for %parallel_loop3A_172 = %parallel_loop3A_123 to %parallel_loop3A_124 step %parallel_loop3A_125  : i32 {
        %parallel_loop3A_173 = arith.index_cast %parallel_loop3A_172 : i32 to index
        %parallel_loop3A_174 = tpu.vector_load %arg13[%parallel_loop3A_173] {strides = array<i32>} : memref<5120xi32, #tpu.memory_space<vmem>>, vector<16xi32>,
        %parallel_loop3A_175 = tpu.vector_load_idx %arg11[%parallel_loop3A_174] : memref<100016xi32, #tpu.memory_space<vmem>>[vector<16xi32>], vector<16xi32>,
        %parallel_loop3A_176 = arith.index_cast %parallel_loop3A_172 : i32 to index
        %parallel_loop3A_177 = tpu.vector_load %arg15[%parallel_loop3A_176] {strides = array<i32>} : memref<5120xi32, #tpu.memory_space<vmem>>, vector<16xi32>,
        tpu.vector_store %arg15[%parallel_loop3A_176], %parallel_loop3A_175 {strides = array<i32>} : memref<5120xi32, #tpu.memory_space<vmem>>, vector<16xi32>,
      } {sc.loop_unroll_factor = 8 : i64, sc.parallel_access}
      %add3A_126 = arith.constant 25600 : i32
      %add3A_127 = arith.addi %mul3A_22, %add3A_126 : i32
      %dma_start3A_128 = tpu.memref_slice %arg8[%add3A_127] : memref<409600xi32, #tpu.memory_space<hbm>> -> memref<5120xi32, #tpu.memory_space<hbm>>
      %dma_start3A_129 = tpu.memref_slice %arg8[%add3A_127] : memref<409600xi32, #tpu.memory_space<hbm>> -> memref<5120xi32, #tpu.memory_space<hbm>>
      tpu.enqueue_dma source(%arg15 : memref<5120xi32, #tpu.memory_space<vmem>>) target(%dma_start3A_129 : memref<5120xi32, #tpu.memory_space<hbm>>) target_semaphore(%arg20 : memref<!tpu.dma_semaphore, #tpu.memory_space<semaphore_mem>>)
      %add3A_130 = arith.constant 30720 : i32
      %add3A_131 = arith.addi %mul3A_22, %add3A_130 : i32
      %dma_wait3A_132 = tpu.memref_slice %arg5[%add3A_131] : memref<409600xi32, #tpu.memory_space<hbm>> -> memref<5120xi32, #tpu.memory_space<hbm>>
      %dma_wait3A_133 = tpu.memref_slice %arg5[%add3A_131] : memref<409600xi32, #tpu.memory_space<hbm>> -> memref<5120xi32, #tpu.memory_space<hbm>>
      tpu.wait_dma2 semaphore(%arg17 : memref<!tpu.dma_semaphore, #tpu.memory_space<semaphore_mem>>) src(%dma_wait3A_133 : memref<5120xi32, #tpu.memory_space<hbm>>) dst(%arg12 : memref<5120xi32, #tpu.memory_space<vmem>>)
      %add3A_134 = arith.constant 35840 : i32
      %add3A_135 = arith.addi %mul3A_22, %add3A_134 : i32
      %dma_start3A_136 = tpu.memref_slice %arg5[%add3A_135] : memref<409600xi32, #tpu.memory_space<hbm>> -> memref<5120xi32, #tpu.memory_space<hbm>>
      %dma_start3A_137 = tpu.memref_slice %arg5[%add3A_135] : memref<409600xi32, #tpu.memory_space<hbm>> -> memref<5120xi32, #tpu.memory_space<hbm>>
      tpu.enqueue_dma source(%dma_start3A_137 : memref<5120xi32, #tpu.memory_space<hbm>>) target(%arg13 : memref<5120xi32, #tpu.memory_space<vmem>>) target_semaphore(%arg18 : memref<!tpu.dma_semaphore, #tpu.memory_space<semaphore_mem>>)
      %add3A_138 = arith.constant 20480 : i32
      %add3A_139 = arith.addi %mul3A_22, %add3A_138 : i32
      %dma_wait3A_140 = tpu.memref_slice %arg8[%add3A_139] : memref<409600xi32, #tpu.memory_space<hbm>> -> memref<5120xi32, #tpu.memory_space<hbm>>
      %dma_wait3A_141 = tpu.memref_slice %arg8[%add3A_139] : memref<409600xi32, #tpu.memory_space<hbm>> -> memref<5120xi32, #tpu.memory_space<hbm>>
      tpu.wait_dma2 semaphore(%arg19 : memref<!tpu.dma_semaphore, #tpu.memory_space<semaphore_mem>>) src(%arg14 : memref<5120xi32, #tpu.memory_space<vmem>>) dst(%dma_wait3A_141 : memref<5120xi32, #tpu.memory_space<hbm>>)
      %parallel_loop3A_142 = arith.constant 0 : i32
      %parallel_loop3A_143 = arith.constant 5120 : i32
      %parallel_loop3A_144 = arith.constant 16 : i32
      scf.for %parallel_loop3A_172 = %parallel_loop3A_142 to %parallel_loop3A_143 step %parallel_loop3A_144  : i32 {
        %parallel_loop3A_173 = arith.index_cast %parallel_loop3A_172 : i32 to index
        %parallel_loop3A_174 = tpu.vector_load %arg12[%parallel_loop3A_173] {strides = array<i32>} : memref<5120xi32, #tpu.memory_space<vmem>>, vector<16xi32>,
        %parallel_loop3A_175 = tpu.vector_load_idx %arg11[%parallel_loop3A_174] : memref<100016xi32, #tpu.memory_space<vmem>>[vector<16xi32>], vector<16xi32>,
        %parallel_loop3A_176 = arith.index_cast %parallel_loop3A_172 : i32 to index
        %parallel_loop3A_177 = tpu.vector_load %arg14[%parallel_loop3A_176] {strides = array<i32>} : memref<5120xi32, #tpu.memory_space<vmem>>, vector<16xi32>,
        tpu.vector_store %arg14[%parallel_loop3A_176], %parallel_loop3A_175 {strides = array<i32>} : memref<5120xi32, #tpu.memory_space<vmem>>, vector<16xi32>,
      } {sc.loop_unroll_factor = 8 : i64, sc.parallel_access}
      %add3A_145 = arith.constant 30720 : i32
      %add3A_146 = arith.addi %mul3A_22, %add3A_145 : i32
      %dma_start3A_147 = tpu.memref_slice %arg8[%add3A_146] : memref<409600xi32, #tpu.memory_space<hbm>> -> memref<5120xi32, #tpu.memory_space<hbm>>
      %dma_start3A_148 = tpu.memref_slice %arg8[%add3A_146] : memref<409600xi32, #tpu.memory_space<hbm>> -> memref<5120xi32, #tpu.memory_space<hbm>>
      tpu.enqueue_dma source(%arg14 : memref<5120xi32, #tpu.memory_space<vmem>>) target(%dma_start3A_148 : memref<5120xi32, #tpu.memory_space<hbm>>) target_semaphore(%arg19 : memref<!tpu.dma_semaphore, #tpu.memory_space<semaphore_mem>>)
      %add3A_149 = arith.constant 35840 : i32
      %add3A_150 = arith.addi %mul3A_22, %add3A_149 : i32
      %dma_wait3A_151 = tpu.memref_slice %arg5[%add3A_150] : memref<409600xi32, #tpu.memory_space<hbm>> -> memref<5120xi32, #tpu.memory_space<hbm>>
      %dma_wait3A_152 = tpu.memref_slice %arg5[%add3A_150] : memref<409600xi32, #tpu.memory_space<hbm>> -> memref<5120xi32, #tpu.memory_space<hbm>>
      tpu.wait_dma2 semaphore(%arg18 : memref<!tpu.dma_semaphore, #tpu.memory_space<semaphore_mem>>) src(%dma_wait3A_152 : memref<5120xi32, #tpu.memory_space<hbm>>) dst(%arg13 : memref<5120xi32, #tpu.memory_space<vmem>>)
      %add3A_153 = arith.constant 25600 : i32
      %add3A_154 = arith.addi %mul3A_22, %add3A_153 : i32
      %dma_wait3A_155 = tpu.memref_slice %arg8[%add3A_154] : memref<409600xi32, #tpu.memory_space<hbm>> -> memref<5120xi32, #tpu.memory_space<hbm>>
      %dma_wait3A_156 = tpu.memref_slice %arg8[%add3A_154] : memref<409600xi32, #tpu.memory_space<hbm>> -> memref<5120xi32, #tpu.memory_space<hbm>>
      tpu.wait_dma2 semaphore(%arg20 : memref<!tpu.dma_semaphore, #tpu.memory_space<semaphore_mem>>) src(%arg15 : memref<5120xi32, #tpu.memory_space<vmem>>) dst(%dma_wait3A_156 : memref<5120xi32, #tpu.memory_space<hbm>>)
      %parallel_loop3A_157 = arith.constant 0 : i32
      %parallel_loop3A_158 = arith.constant 5120 : i32
      %parallel_loop3A_159 = arith.constant 16 : i32
      scf.for %parallel_loop3A_172 = %parallel_loop3A_157 to %parallel_loop3A_158 step %parallel_loop3A_159  : i32 {
        %parallel_loop3A_173 = arith.index_cast %parallel_loop3A_172 : i32 to index
        %parallel_loop3A_174 = tpu.vector_load %arg13[%parallel_loop3A_173] {strides = array<i32>} : memref<5120xi32, #tpu.memory_space<vmem>>, vector<16xi32>,
        %parallel_loop3A_175 = tpu.vector_load_idx %arg11[%parallel_loop3A_174] : memref<100016xi32, #tpu.memory_space<vmem>>[vector<16xi32>], vector<16xi32>,
        %parallel_loop3A_176 = arith.index_cast %parallel_loop3A_172 : i32 to index
        %parallel_loop3A_177 = tpu.vector_load %arg15[%parallel_loop3A_176] {strides = array<i32>} : memref<5120xi32, #tpu.memory_space<vmem>>, vector<16xi32>,
        tpu.vector_store %arg15[%parallel_loop3A_176], %parallel_loop3A_175 {strides = array<i32>} : memref<5120xi32, #tpu.memory_space<vmem>>, vector<16xi32>,
      } {sc.loop_unroll_factor = 8 : i64, sc.parallel_access}
      %add3A_160 = arith.constant 35840 : i32
      %add3A_161 = arith.addi %mul3A_22, %add3A_160 : i32
      %dma_start3A_162 = tpu.memref_slice %arg8[%add3A_161] : memref<409600xi32, #tpu.memory_space<hbm>> -> memref<5120xi32, #tpu.memory_space<hbm>>
      %dma_start3A_163 = tpu.memref_slice %arg8[%add3A_161] : memref<409600xi32, #tpu.memory_space<hbm>> -> memref<5120xi32, #tpu.memory_space<hbm>>
      tpu.enqueue_dma source(%arg15 : memref<5120xi32, #tpu.memory_space<vmem>>) target(%dma_start3A_163 : memref<5120xi32, #tpu.memory_space<hbm>>) target_semaphore(%arg20 : memref<!tpu.dma_semaphore, #tpu.memory_space<semaphore_mem>>)
      %add3A_164 = arith.constant 30720 : i32
      %add3A_165 = arith.addi %mul3A_22, %add3A_164 : i32
      %dma_wait3A_166 = tpu.memref_slice %arg8[%add3A_165] : memref<409600xi32, #tpu.memory_space<hbm>> -> memref<5120xi32, #tpu.memory_space<hbm>>
      %dma_wait3A_167 = tpu.memref_slice %arg8[%add3A_165] : memref<409600xi32, #tpu.memory_space<hbm>> -> memref<5120xi32, #tpu.memory_space<hbm>>
      tpu.wait_dma2 semaphore(%arg19 : memref<!tpu.dma_semaphore, #tpu.memory_space<semaphore_mem>>) src(%arg14 : memref<5120xi32, #tpu.memory_space<vmem>>) dst(%dma_wait3A_167 : memref<5120xi32, #tpu.memory_space<hbm>>)
      %add3A_168 = arith.constant 35840 : i32
      %add3A_169 = arith.addi %mul3A_22, %add3A_168 : i32
      %dma_wait3A_170 = tpu.memref_slice %arg8[%add3A_169] : memref<409600xi32, #tpu.memory_space<hbm>> -> memref<5120xi32, #tpu.memory_space<hbm>>
      %dma_wait3A_171 = tpu.memref_slice %arg8[%add3A_169] : memref<409600xi32, #tpu.memory_space<hbm>> -> memref<5120xi32, #tpu.memory_space<hbm>>
      tpu.wait_dma2 semaphore(%arg20 : memref<!tpu.dma_semaphore, #tpu.memory_space<semaphore_mem>>) src(%arg15 : memref<5120xi32, #tpu.memory_space<vmem>>) dst(%dma_wait3A_171 : memref<5120xi32, #tpu.memory_space<hbm>>)
    } else {
    }
    %ge3A_4 = arith.constant 10 : i32
    %ge3A_5 = arith.cmpi sge, %add3A, %ge3A_4 : i32
    %lt3A_6 = arith.constant 20 : i32
    %lt3A_7 = arith.cmpi slt, %add3A, %lt3A_6 : i32
    %and3A_8 = arith.andi %ge3A_5, %lt3A_7 : i1
    %convert_element_type3A_9 = arith.extui %and3A_8 : i1 to i32
    %cond3A_10 = arith.constant 0 : i32
    %cond3A_11 = arith.cmpi ne, %convert_element_type3A_9, %cond3A_10 : i32
    scf.if %cond3A_11 {
      %sub3A = arith.constant 10 : i32
      %sub3A_20 = arith.subi %add3A, %sub3A : i32
      %mul3A_21 = arith.constant 40960 : i32
      %mul3A_22 = arith.muli %sub3A_20, %mul3A_21 : i32
      tpu.enqueue_dma source(%arg3 : memref<100016xi32, #tpu.memory_space<hbm>>) target(%arg11 : memref<100016xi32, #tpu.memory_space<vmem>>) target_semaphore(%arg16 : memref<!tpu.dma_semaphore, #tpu.memory_space<semaphore_mem>>)
      %add3A_23 = arith.constant 0 : i32
      %add3A_24 = arith.addi %mul3A_22, %add3A_23 : i32
      %dma_start3A = tpu.memref_slice %arg6[%add3A_24] : memref<409600xi32, #tpu.memory_space<hbm>> -> memref<5120xi32, #tpu.memory_space<hbm>>
      %dma_start3A_25 = tpu.memref_slice %arg6[%add3A_24] : memref<409600xi32, #tpu.memory_space<hbm>> -> memref<5120xi32, #tpu.memory_space<hbm>>
      tpu.enqueue_dma source(%dma_start3A_25 : memref<5120xi32, #tpu.memory_space<hbm>>) target(%arg12 : memref<5120xi32, #tpu.memory_space<vmem>>) target_semaphore(%arg17 : memref<!tpu.dma_semaphore, #tpu.memory_space<semaphore_mem>>)
      tpu.wait_dma2 semaphore(%arg16 : memref<!tpu.dma_semaphore, #tpu.memory_space<semaphore_mem>>) src(%arg3 : memref<100016xi32, #tpu.memory_space<hbm>>) dst(%arg11 : memref<100016xi32, #tpu.memory_space<vmem>>)
      %add3A_26 = arith.constant 0 : i32
      %add3A_27 = arith.addi %mul3A_22, %add3A_26 : i32
      %dma_wait3A = tpu.memref_slice %arg6[%add3A_27] : memref<409600xi32, #tpu.memory_space<hbm>> -> memref<5120xi32, #tpu.memory_space<hbm>>
      %dma_wait3A_28 = tpu.memref_slice %arg6[%add3A_27] : memref<409600xi32, #tpu.memory_space<hbm>> -> memref<5120xi32, #tpu.memory_space<hbm>>
      tpu.wait_dma2 semaphore(%arg17 : memref<!tpu.dma_semaphore, #tpu.memory_space<semaphore_mem>>) src(%dma_wait3A_28 : memref<5120xi32, #tpu.memory_space<hbm>>) dst(%arg12 : memref<5120xi32, #tpu.memory_space<vmem>>)
      %add3A_29 = arith.constant 5120 : i32
      %add3A_30 = arith.addi %mul3A_22, %add3A_29 : i32
      %dma_start3A_31 = tpu.memref_slice %arg6[%add3A_30] : memref<409600xi32, #tpu.memory_space<hbm>> -> memref<5120xi32, #tpu.memory_space<hbm>>
      %dma_start3A_32 = tpu.memref_slice %arg6[%add3A_30] : memref<409600xi32, #tpu.memory_space<hbm>> -> memref<5120xi32, #tpu.memory_space<hbm>>
      tpu.enqueue_dma source(%dma_start3A_32 : memref<5120xi32, #tpu.memory_space<hbm>>) target(%arg13 : memref<5120xi32, #tpu.memory_space<vmem>>) target_semaphore(%arg18 : memref<!tpu.dma_semaphore, #tpu.memory_space<semaphore_mem>>)
      %parallel_loop3A = arith.constant 0 : i32
      %parallel_loop3A_33 = arith.constant 5120 : i32
      %parallel_loop3A_34 = arith.constant 16 : i32
      scf.for %parallel_loop3A_172 = %parallel_loop3A to %parallel_loop3A_33 step %parallel_loop3A_34  : i32 {
        %parallel_loop3A_173 = arith.index_cast %parallel_loop3A_172 : i32 to index
        %parallel_loop3A_174 = tpu.vector_load %arg12[%parallel_loop3A_173] {strides = array<i32>} : memref<5120xi32, #tpu.memory_space<vmem>>, vector<16xi32>,
        %parallel_loop3A_175 = tpu.vector_load_idx %arg11[%parallel_loop3A_174] : memref<100016xi32, #tpu.memory_space<vmem>>[vector<16xi32>], vector<16xi32>,
        %parallel_loop3A_176 = arith.index_cast %parallel_loop3A_172 : i32 to index
        %parallel_loop3A_177 = tpu.vector_load %arg14[%parallel_loop3A_176] {strides = array<i32>} : memref<5120xi32, #tpu.memory_space<vmem>>, vector<16xi32>,
        tpu.vector_store %arg14[%parallel_loop3A_176], %parallel_loop3A_175 {strides = array<i32>} : memref<5120xi32, #tpu.memory_space<vmem>>, vector<16xi32>,
      } {sc.loop_unroll_factor = 8 : i64, sc.parallel_access}
      %add3A_35 = arith.constant 0 : i32
      %add3A_36 = arith.addi %mul3A_22, %add3A_35 : i32
      %dma_start3A_37 = tpu.memref_slice %arg9[%add3A_36] : memref<409600xi32, #tpu.memory_space<hbm>> -> memref<5120xi32, #tpu.memory_space<hbm>>
      %dma_start3A_38 = tpu.memref_slice %arg9[%add3A_36] : memref<409600xi32, #tpu.memory_space<hbm>> -> memref<5120xi32, #tpu.memory_space<hbm>>
      tpu.enqueue_dma source(%arg14 : memref<5120xi32, #tpu.memory_space<vmem>>) target(%dma_start3A_38 : memref<5120xi32, #tpu.memory_space<hbm>>) target_semaphore(%arg19 : memref<!tpu.dma_semaphore, #tpu.memory_space<semaphore_mem>>)
      %add3A_39 = arith.constant 5120 : i32
      %add3A_40 = arith.addi %mul3A_22, %add3A_39 : i32
      %dma_wait3A_41 = tpu.memref_slice %arg6[%add3A_40] : memref<409600xi32, #tpu.memory_space<hbm>> -> memref<5120xi32, #tpu.memory_space<hbm>>
      %dma_wait3A_42 = tpu.memref_slice %arg6[%add3A_40] : memref<409600xi32, #tpu.memory_space<hbm>> -> memref<5120xi32, #tpu.memory_space<hbm>>
      tpu.wait_dma2 semaphore(%arg18 : memref<!tpu.dma_semaphore, #tpu.memory_space<semaphore_mem>>) src(%dma_wait3A_42 : memref<5120xi32, #tpu.memory_space<hbm>>) dst(%arg13 : memref<5120xi32, #tpu.memory_space<vmem>>)
      %add3A_43 = arith.constant 10240 : i32
      %add3A_44 = arith.addi %mul3A_22, %add3A_43 : i32
      %dma_start3A_45 = tpu.memref_slice %arg6[%add3A_44] : memref<409600xi32, #tpu.memory_space<hbm>> -> memref<5120xi32, #tpu.memory_space<hbm>>
      %dma_start3A_46 = tpu.memref_slice %arg6[%add3A_44] : memref<409600xi32, #tpu.memory_space<hbm>> -> memref<5120xi32, #tpu.memory_space<hbm>>
      tpu.enqueue_dma source(%dma_start3A_46 : memref<5120xi32, #tpu.memory_space<hbm>>) target(%arg12 : memref<5120xi32, #tpu.memory_space<vmem>>) target_semaphore(%arg17 : memref<!tpu.dma_semaphore, #tpu.memory_space<semaphore_mem>>)
      %parallel_loop3A_47 = arith.constant 0 : i32
      %parallel_loop3A_48 = arith.constant 5120 : i32
      %parallel_loop3A_49 = arith.constant 16 : i32
      scf.for %parallel_loop3A_172 = %parallel_loop3A_47 to %parallel_loop3A_48 step %parallel_loop3A_49  : i32 {
        %parallel_loop3A_173 = arith.index_cast %parallel_loop3A_172 : i32 to index
        %parallel_loop3A_174 = tpu.vector_load %arg13[%parallel_loop3A_173] {strides = array<i32>} : memref<5120xi32, #tpu.memory_space<vmem>>, vector<16xi32>,
        %parallel_loop3A_175 = tpu.vector_load_idx %arg11[%parallel_loop3A_174] : memref<100016xi32, #tpu.memory_space<vmem>>[vector<16xi32>], vector<16xi32>,
        %parallel_loop3A_176 = arith.index_cast %parallel_loop3A_172 : i32 to index
        %parallel_loop3A_177 = tpu.vector_load %arg15[%parallel_loop3A_176] {strides = array<i32>} : memref<5120xi32, #tpu.memory_space<vmem>>, vector<16xi32>,
        tpu.vector_store %arg15[%parallel_loop3A_176], %parallel_loop3A_175 {strides = array<i32>} : memref<5120xi32, #tpu.memory_space<vmem>>, vector<16xi32>,
      } {sc.loop_unroll_factor = 8 : i64, sc.parallel_access}
      %add3A_50 = arith.constant 5120 : i32
      %add3A_51 = arith.addi %mul3A_22, %add3A_50 : i32
      %dma_start3A_52 = tpu.memref_slice %arg9[%add3A_51] : memref<409600xi32, #tpu.memory_space<hbm>> -> memref<5120xi32, #tpu.memory_space<hbm>>
      %dma_start3A_53 = tpu.memref_slice %arg9[%add3A_51] : memref<409600xi32, #tpu.memory_space<hbm>> -> memref<5120xi32, #tpu.memory_space<hbm>>
      tpu.enqueue_dma source(%arg15 : memref<5120xi32, #tpu.memory_space<vmem>>) target(%dma_start3A_53 : memref<5120xi32, #tpu.memory_space<hbm>>) target_semaphore(%arg20 : memref<!tpu.dma_semaphore, #tpu.memory_space<semaphore_mem>>)
      %add3A_54 = arith.constant 10240 : i32
      %add3A_55 = arith.addi %mul3A_22, %add3A_54 : i32
      %dma_wait3A_56 = tpu.memref_slice %arg6[%add3A_55] : memref<409600xi32, #tpu.memory_space<hbm>> -> memref<5120xi32, #tpu.memory_space<hbm>>
      %dma_wait3A_57 = tpu.memref_slice %arg6[%add3A_55] : memref<409600xi32, #tpu.memory_space<hbm>> -> memref<5120xi32, #tpu.memory_space<hbm>>
      tpu.wait_dma2 semaphore(%arg17 : memref<!tpu.dma_semaphore, #tpu.memory_space<semaphore_mem>>) src(%dma_wait3A_57 : memref<5120xi32, #tpu.memory_space<hbm>>) dst(%arg12 : memref<5120xi32, #tpu.memory_space<vmem>>)
      %add3A_58 = arith.constant 15360 : i32
      %add3A_59 = arith.addi %mul3A_22, %add3A_58 : i32
      %dma_start3A_60 = tpu.memref_slice %arg6[%add3A_59] : memref<409600xi32, #tpu.memory_space<hbm>> -> memref<5120xi32, #tpu.memory_space<hbm>>
      %dma_start3A_61 = tpu.memref_slice %arg6[%add3A_59] : memref<409600xi32, #tpu.memory_space<hbm>> -> memref<5120xi32, #tpu.memory_space<hbm>>
      tpu.enqueue_dma source(%dma_start3A_61 : memref<5120xi32, #tpu.memory_space<hbm>>) target(%arg13 : memref<5120xi32, #tpu.memory_space<vmem>>) target_semaphore(%arg18 : memref<!tpu.dma_semaphore, #tpu.memory_space<semaphore_mem>>)
      %add3A_62 = arith.constant 0 : i32
      %add3A_63 = arith.addi %mul3A_22, %add3A_62 : i32
      %dma_wait3A_64 = tpu.memref_slice %arg9[%add3A_63] : memref<409600xi32, #tpu.memory_space<hbm>> -> memref<5120xi32, #tpu.memory_space<hbm>>
      %dma_wait3A_65 = tpu.memref_slice %arg9[%add3A_63] : memref<409600xi32, #tpu.memory_space<hbm>> -> memref<5120xi32, #tpu.memory_space<hbm>>
      tpu.wait_dma2 semaphore(%arg19 : memref<!tpu.dma_semaphore, #tpu.memory_space<semaphore_mem>>) src(%arg14 : memref<5120xi32, #tpu.memory_space<vmem>>) dst(%dma_wait3A_65 : memref<5120xi32, #tpu.memory_space<hbm>>)
      %parallel_loop3A_66 = arith.constant 0 : i32
      %parallel_loop3A_67 = arith.constant 5120 : i32
      %parallel_loop3A_68 = arith.constant 16 : i32
      scf.for %parallel_loop3A_172 = %parallel_loop3A_66 to %parallel_loop3A_67 step %parallel_loop3A_68  : i32 {
        %parallel_loop3A_173 = arith.index_cast %parallel_loop3A_172 : i32 to index
        %parallel_loop3A_174 = tpu.vector_load %arg12[%parallel_loop3A_173] {strides = array<i32>} : memref<5120xi32, #tpu.memory_space<vmem>>, vector<16xi32>,
        %parallel_loop3A_175 = tpu.vector_load_idx %arg11[%parallel_loop3A_174] : memref<100016xi32, #tpu.memory_space<vmem>>[vector<16xi32>], vector<16xi32>,
        %parallel_loop3A_176 = arith.index_cast %parallel_loop3A_172 : i32 to index
        %parallel_loop3A_177 = tpu.vector_load %arg14[%parallel_loop3A_176] {strides = array<i32>} : memref<5120xi32, #tpu.memory_space<vmem>>, vector<16xi32>,
        tpu.vector_store %arg14[%parallel_loop3A_176], %parallel_loop3A_175 {strides = array<i32>} : memref<5120xi32, #tpu.memory_space<vmem>>, vector<16xi32>,
      } {sc.loop_unroll_factor = 8 : i64, sc.parallel_access}
      %add3A_69 = arith.constant 10240 : i32
      %add3A_70 = arith.addi %mul3A_22, %add3A_69 : i32
      %dma_start3A_71 = tpu.memref_slice %arg9[%add3A_70] : memref<409600xi32, #tpu.memory_space<hbm>> -> memref<5120xi32, #tpu.memory_space<hbm>>
      %dma_start3A_72 = tpu.memref_slice %arg9[%add3A_70] : memref<409600xi32, #tpu.memory_space<hbm>> -> memref<5120xi32, #tpu.memory_space<hbm>>
      tpu.enqueue_dma source(%arg14 : memref<5120xi32, #tpu.memory_space<vmem>>) target(%dma_start3A_72 : memref<5120xi32, #tpu.memory_space<hbm>>) target_semaphore(%arg19 : memref<!tpu.dma_semaphore, #tpu.memory_space<semaphore_mem>>)
      %add3A_73 = arith.constant 15360 : i32
      %add3A_74 = arith.addi %mul3A_22, %add3A_73 : i32
      %dma_wait3A_75 = tpu.memref_slice %arg6[%add3A_74] : memref<409600xi32, #tpu.memory_space<hbm>> -> memref<5120xi32, #tpu.memory_space<hbm>>
      %dma_wait3A_76 = tpu.memref_slice %arg6[%add3A_74] : memref<409600xi32, #tpu.memory_space<hbm>> -> memref<5120xi32, #tpu.memory_space<hbm>>
      tpu.wait_dma2 semaphore(%arg18 : memref<!tpu.dma_semaphore, #tpu.memory_space<semaphore_mem>>) src(%dma_wait3A_76 : memref<5120xi32, #tpu.memory_space<hbm>>) dst(%arg13 : memref<5120xi32, #tpu.memory_space<vmem>>)
      %add3A_77 = arith.constant 20480 : i32
      %add3A_78 = arith.addi %mul3A_22, %add3A_77 : i32
      %dma_start3A_79 = tpu.memref_slice %arg6[%add3A_78] : memref<409600xi32, #tpu.memory_space<hbm>> -> memref<5120xi32, #tpu.memory_space<hbm>>
      %dma_start3A_80 = tpu.memref_slice %arg6[%add3A_78] : memref<409600xi32, #tpu.memory_space<hbm>> -> memref<5120xi32, #tpu.memory_space<hbm>>
      tpu.enqueue_dma source(%dma_start3A_80 : memref<5120xi32, #tpu.memory_space<hbm>>) target(%arg12 : memref<5120xi32, #tpu.memory_space<vmem>>) target_semaphore(%arg17 : memref<!tpu.dma_semaphore, #tpu.memory_space<semaphore_mem>>)
      %add3A_81 = arith.constant 5120 : i32
      %add3A_82 = arith.addi %mul3A_22, %add3A_81 : i32
      %dma_wait3A_83 = tpu.memref_slice %arg9[%add3A_82] : memref<409600xi32, #tpu.memory_space<hbm>> -> memref<5120xi32, #tpu.memory_space<hbm>>
      %dma_wait3A_84 = tpu.memref_slice %arg9[%add3A_82] : memref<409600xi32, #tpu.memory_space<hbm>> -> memref<5120xi32, #tpu.memory_space<hbm>>
      tpu.wait_dma2 semaphore(%arg20 : memref<!tpu.dma_semaphore, #tpu.memory_space<semaphore_mem>>) src(%arg15 : memref<5120xi32, #tpu.memory_space<vmem>>) dst(%dma_wait3A_84 : memref<5120xi32, #tpu.memory_space<hbm>>)
      %parallel_loop3A_85 = arith.constant 0 : i32
      %parallel_loop3A_86 = arith.constant 5120 : i32
      %parallel_loop3A_87 = arith.constant 16 : i32
      scf.for %parallel_loop3A_172 = %parallel_loop3A_85 to %parallel_loop3A_86 step %parallel_loop3A_87  : i32 {
        %parallel_loop3A_173 = arith.index_cast %parallel_loop3A_172 : i32 to index
        %parallel_loop3A_174 = tpu.vector_load %arg13[%parallel_loop3A_173] {strides = array<i32>} : memref<5120xi32, #tpu.memory_space<vmem>>, vector<16xi32>,
        %parallel_loop3A_175 = tpu.vector_load_idx %arg11[%parallel_loop3A_174] : memref<100016xi32, #tpu.memory_space<vmem>>[vector<16xi32>], vector<16xi32>,
        %parallel_loop3A_176 = arith.index_cast %parallel_loop3A_172 : i32 to index
        %parallel_loop3A_177 = tpu.vector_load %arg15[%parallel_loop3A_176] {strides = array<i32>} : memref<5120xi32, #tpu.memory_space<vmem>>, vector<16xi32>,
        tpu.vector_store %arg15[%parallel_loop3A_176], %parallel_loop3A_175 {strides = array<i32>} : memref<5120xi32, #tpu.memory_space<vmem>>, vector<16xi32>,
      } {sc.loop_unroll_factor = 8 : i64, sc.parallel_access}
      %add3A_88 = arith.constant 15360 : i32
      %add3A_89 = arith.addi %mul3A_22, %add3A_88 : i32
      %dma_start3A_90 = tpu.memref_slice %arg9[%add3A_89] : memref<409600xi32, #tpu.memory_space<hbm>> -> memref<5120xi32, #tpu.memory_space<hbm>>
      %dma_start3A_91 = tpu.memref_slice %arg9[%add3A_89] : memref<409600xi32, #tpu.memory_space<hbm>> -> memref<5120xi32, #tpu.memory_space<hbm>>
      tpu.enqueue_dma source(%arg15 : memref<5120xi32, #tpu.memory_space<vmem>>) target(%dma_start3A_91 : memref<5120xi32, #tpu.memory_space<hbm>>) target_semaphore(%arg20 : memref<!tpu.dma_semaphore, #tpu.memory_space<semaphore_mem>>)
      %add3A_92 = arith.constant 20480 : i32
      %add3A_93 = arith.addi %mul3A_22, %add3A_92 : i32
      %dma_wait3A_94 = tpu.memref_slice %arg6[%add3A_93] : memref<409600xi32, #tpu.memory_space<hbm>> -> memref<5120xi32, #tpu.memory_space<hbm>>
      %dma_wait3A_95 = tpu.memref_slice %arg6[%add3A_93] : memref<409600xi32, #tpu.memory_space<hbm>> -> memref<5120xi32, #tpu.memory_space<hbm>>
      tpu.wait_dma2 semaphore(%arg17 : memref<!tpu.dma_semaphore, #tpu.memory_space<semaphore_mem>>) src(%dma_wait3A_95 : memref<5120xi32, #tpu.memory_space<hbm>>) dst(%arg12 : memref<5120xi32, #tpu.memory_space<vmem>>)
      %add3A_96 = arith.constant 25600 : i32
      %add3A_97 = arith.addi %mul3A_22, %add3A_96 : i32
      %dma_start3A_98 = tpu.memref_slice %arg6[%add3A_97] : memref<409600xi32, #tpu.memory_space<hbm>> -> memref<5120xi32, #tpu.memory_space<hbm>>
      %dma_start3A_99 = tpu.memref_slice %arg6[%add3A_97] : memref<409600xi32, #tpu.memory_space<hbm>> -> memref<5120xi32, #tpu.memory_space<hbm>>
      tpu.enqueue_dma source(%dma_start3A_99 : memref<5120xi32, #tpu.memory_space<hbm>>) target(%arg13 : memref<5120xi32, #tpu.memory_space<vmem>>) target_semaphore(%arg18 : memref<!tpu.dma_semaphore, #tpu.memory_space<semaphore_mem>>)
      %add3A_100 = arith.constant 10240 : i32
      %add3A_101 = arith.addi %mul3A_22, %add3A_100 : i32
      %dma_wait3A_102 = tpu.memref_slice %arg9[%add3A_101] : memref<409600xi32, #tpu.memory_space<hbm>> -> memref<5120xi32, #tpu.memory_space<hbm>>
      %dma_wait3A_103 = tpu.memref_slice %arg9[%add3A_101] : memref<409600xi32, #tpu.memory_space<hbm>> -> memref<5120xi32, #tpu.memory_space<hbm>>
      tpu.wait_dma2 semaphore(%arg19 : memref<!tpu.dma_semaphore, #tpu.memory_space<semaphore_mem>>) src(%arg14 : memref<5120xi32, #tpu.memory_space<vmem>>) dst(%dma_wait3A_103 : memref<5120xi32, #tpu.memory_space<hbm>>)
      %parallel_loop3A_104 = arith.constant 0 : i32
      %parallel_loop3A_105 = arith.constant 5120 : i32
      %parallel_loop3A_106 = arith.constant 16 : i32
      scf.for %parallel_loop3A_172 = %parallel_loop3A_104 to %parallel_loop3A_105 step %parallel_loop3A_106  : i32 {
        %parallel_loop3A_173 = arith.index_cast %parallel_loop3A_172 : i32 to index
        %parallel_loop3A_174 = tpu.vector_load %arg12[%parallel_loop3A_173] {strides = array<i32>} : memref<5120xi32, #tpu.memory_space<vmem>>, vector<16xi32>,
        %parallel_loop3A_175 = tpu.vector_load_idx %arg11[%parallel_loop3A_174] : memref<100016xi32, #tpu.memory_space<vmem>>[vector<16xi32>], vector<16xi32>,
        %parallel_loop3A_176 = arith.index_cast %parallel_loop3A_172 : i32 to index
        %parallel_loop3A_177 = tpu.vector_load %arg14[%parallel_loop3A_176] {strides = array<i32>} : memref<5120xi32, #tpu.memory_space<vmem>>, vector<16xi32>,
        tpu.vector_store %arg14[%parallel_loop3A_176], %parallel_loop3A_175 {strides = array<i32>} : memref<5120xi32, #tpu.memory_space<vmem>>, vector<16xi32>,
      } {sc.loop_unroll_factor = 8 : i64, sc.parallel_access}
      %add3A_107 = arith.constant 20480 : i32
      %add3A_108 = arith.addi %mul3A_22, %add3A_107 : i32
      %dma_start3A_109 = tpu.memref_slice %arg9[%add3A_108] : memref<409600xi32, #tpu.memory_space<hbm>> -> memref<5120xi32, #tpu.memory_space<hbm>>
      %dma_start3A_110 = tpu.memref_slice %arg9[%add3A_108] : memref<409600xi32, #tpu.memory_space<hbm>> -> memref<5120xi32, #tpu.memory_space<hbm>>
      tpu.enqueue_dma source(%arg14 : memref<5120xi32, #tpu.memory_space<vmem>>) target(%dma_start3A_110 : memref<5120xi32, #tpu.memory_space<hbm>>) target_semaphore(%arg19 : memref<!tpu.dma_semaphore, #tpu.memory_space<semaphore_mem>>)
      %add3A_111 = arith.constant 25600 : i32
      %add3A_112 = arith.addi %mul3A_22, %add3A_111 : i32
      %dma_wait3A_113 = tpu.memref_slice %arg6[%add3A_112] : memref<409600xi32, #tpu.memory_space<hbm>> -> memref<5120xi32, #tpu.memory_space<hbm>>
      %dma_wait3A_114 = tpu.memref_slice %arg6[%add3A_112] : memref<409600xi32, #tpu.memory_space<hbm>> -> memref<5120xi32, #tpu.memory_space<hbm>>
      tpu.wait_dma2 semaphore(%arg18 : memref<!tpu.dma_semaphore, #tpu.memory_space<semaphore_mem>>) src(%dma_wait3A_114 : memref<5120xi32, #tpu.memory_space<hbm>>) dst(%arg13 : memref<5120xi32, #tpu.memory_space<vmem>>)
      %add3A_115 = arith.constant 30720 : i32
      %add3A_116 = arith.addi %mul3A_22, %add3A_115 : i32
      %dma_start3A_117 = tpu.memref_slice %arg6[%add3A_116] : memref<409600xi32, #tpu.memory_space<hbm>> -> memref<5120xi32, #tpu.memory_space<hbm>>
      %dma_start3A_118 = tpu.memref_slice %arg6[%add3A_116] : memref<409600xi32, #tpu.memory_space<hbm>> -> memref<5120xi32, #tpu.memory_space<hbm>>
      tpu.enqueue_dma source(%dma_start3A_118 : memref<5120xi32, #tpu.memory_space<hbm>>) target(%arg12 : memref<5120xi32, #tpu.memory_space<vmem>>) target_semaphore(%arg17 : memref<!tpu.dma_semaphore, #tpu.memory_space<semaphore_mem>>)
      %add3A_119 = arith.constant 15360 : i32
      %add3A_120 = arith.addi %mul3A_22, %add3A_119 : i32
      %dma_wait3A_121 = tpu.memref_slice %arg9[%add3A_120] : memref<409600xi32, #tpu.memory_space<hbm>> -> memref<5120xi32, #tpu.memory_space<hbm>>
      %dma_wait3A_122 = tpu.memref_slice %arg9[%add3A_120] : memref<409600xi32, #tpu.memory_space<hbm>> -> memref<5120xi32, #tpu.memory_space<hbm>>
      tpu.wait_dma2 semaphore(%arg20 : memref<!tpu.dma_semaphore, #tpu.memory_space<semaphore_mem>>) src(%arg15 : memref<5120xi32, #tpu.memory_space<vmem>>) dst(%dma_wait3A_122 : memref<5120xi32, #tpu.memory_space<hbm>>)
      %parallel_loop3A_123 = arith.constant 0 : i32
      %parallel_loop3A_124 = arith.constant 5120 : i32
      %parallel_loop3A_125 = arith.constant 16 : i32
      scf.for %parallel_loop3A_172 = %parallel_loop3A_123 to %parallel_loop3A_124 step %parallel_loop3A_125  : i32 {
        %parallel_loop3A_173 = arith.index_cast %parallel_loop3A_172 : i32 to index
        %parallel_loop3A_174 = tpu.vector_load %arg13[%parallel_loop3A_173] {strides = array<i32>} : memref<5120xi32, #tpu.memory_space<vmem>>, vector<16xi32>,
        %parallel_loop3A_175 = tpu.vector_load_idx %arg11[%parallel_loop3A_174] : memref<100016xi32, #tpu.memory_space<vmem>>[vector<16xi32>], vector<16xi32>,
        %parallel_loop3A_176 = arith.index_cast %parallel_loop3A_172 : i32 to index
        %parallel_loop3A_177 = tpu.vector_load %arg15[%parallel_loop3A_176] {strides = array<i32>} : memref<5120xi32, #tpu.memory_space<vmem>>, vector<16xi32>,
        tpu.vector_store %arg15[%parallel_loop3A_176], %parallel_loop3A_175 {strides = array<i32>} : memref<5120xi32, #tpu.memory_space<vmem>>, vector<16xi32>,
      } {sc.loop_unroll_factor = 8 : i64, sc.parallel_access}
      %add3A_126 = arith.constant 25600 : i32
      %add3A_127 = arith.addi %mul3A_22, %add3A_126 : i32
      %dma_start3A_128 = tpu.memref_slice %arg9[%add3A_127] : memref<409600xi32, #tpu.memory_space<hbm>> -> memref<5120xi32, #tpu.memory_space<hbm>>
      %dma_start3A_129 = tpu.memref_slice %arg9[%add3A_127] : memref<409600xi32, #tpu.memory_space<hbm>> -> memref<5120xi32, #tpu.memory_space<hbm>>
      tpu.enqueue_dma source(%arg15 : memref<5120xi32, #tpu.memory_space<vmem>>) target(%dma_start3A_129 : memref<5120xi32, #tpu.memory_space<hbm>>) target_semaphore(%arg20 : memref<!tpu.dma_semaphore, #tpu.memory_space<semaphore_mem>>)
      %add3A_130 = arith.constant 30720 : i32
      %add3A_131 = arith.addi %mul3A_22, %add3A_130 : i32
      %dma_wait3A_132 = tpu.memref_slice %arg6[%add3A_131] : memref<409600xi32, #tpu.memory_space<hbm>> -> memref<5120xi32, #tpu.memory_space<hbm>>
      %dma_wait3A_133 = tpu.memref_slice %arg6[%add3A_131] : memref<409600xi32, #tpu.memory_space<hbm>> -> memref<5120xi32, #tpu.memory_space<hbm>>
      tpu.wait_dma2 semaphore(%arg17 : memref<!tpu.dma_semaphore, #tpu.memory_space<semaphore_mem>>) src(%dma_wait3A_133 : memref<5120xi32, #tpu.memory_space<hbm>>) dst(%arg12 : memref<5120xi32, #tpu.memory_space<vmem>>)
      %add3A_134 = arith.constant 35840 : i32
      %add3A_135 = arith.addi %mul3A_22, %add3A_134 : i32
      %dma_start3A_136 = tpu.memref_slice %arg6[%add3A_135] : memref<409600xi32, #tpu.memory_space<hbm>> -> memref<5120xi32, #tpu.memory_space<hbm>>
      %dma_start3A_137 = tpu.memref_slice %arg6[%add3A_135] : memref<409600xi32, #tpu.memory_space<hbm>> -> memref<5120xi32, #tpu.memory_space<hbm>>
      tpu.enqueue_dma source(%dma_start3A_137 : memref<5120xi32, #tpu.memory_space<hbm>>) target(%arg13 : memref<5120xi32, #tpu.memory_space<vmem>>) target_semaphore(%arg18 : memref<!tpu.dma_semaphore, #tpu.memory_space<semaphore_mem>>)
      %add3A_138 = arith.constant 20480 : i32
      %add3A_139 = arith.addi %mul3A_22, %add3A_138 : i32
      %dma_wait3A_140 = tpu.memref_slice %arg9[%add3A_139] : memref<409600xi32, #tpu.memory_space<hbm>> -> memref<5120xi32, #tpu.memory_space<hbm>>
      %dma_wait3A_141 = tpu.memref_slice %arg9[%add3A_139] : memref<409600xi32, #tpu.memory_space<hbm>> -> memref<5120xi32, #tpu.memory_space<hbm>>
      tpu.wait_dma2 semaphore(%arg19 : memref<!tpu.dma_semaphore, #tpu.memory_space<semaphore_mem>>) src(%arg14 : memref<5120xi32, #tpu.memory_space<vmem>>) dst(%dma_wait3A_141 : memref<5120xi32, #tpu.memory_space<hbm>>)
      %parallel_loop3A_142 = arith.constant 0 : i32
      %parallel_loop3A_143 = arith.constant 5120 : i32
      %parallel_loop3A_144 = arith.constant 16 : i32
      scf.for %parallel_loop3A_172 = %parallel_loop3A_142 to %parallel_loop3A_143 step %parallel_loop3A_144  : i32 {
        %parallel_loop3A_173 = arith.index_cast %parallel_loop3A_172 : i32 to index
        %parallel_loop3A_174 = tpu.vector_load %arg12[%parallel_loop3A_173] {strides = array<i32>} : memref<5120xi32, #tpu.memory_space<vmem>>, vector<16xi32>,
        %parallel_loop3A_175 = tpu.vector_load_idx %arg11[%parallel_loop3A_174] : memref<100016xi32, #tpu.memory_space<vmem>>[vector<16xi32>], vector<16xi32>,
        %parallel_loop3A_176 = arith.index_cast %parallel_loop3A_172 : i32 to index
        %parallel_loop3A_177 = tpu.vector_load %arg14[%parallel_loop3A_176] {strides = array<i32>} : memref<5120xi32, #tpu.memory_space<vmem>>, vector<16xi32>,
        tpu.vector_store %arg14[%parallel_loop3A_176], %parallel_loop3A_175 {strides = array<i32>} : memref<5120xi32, #tpu.memory_space<vmem>>, vector<16xi32>,
      } {sc.loop_unroll_factor = 8 : i64, sc.parallel_access}
      %add3A_145 = arith.constant 30720 : i32
      %add3A_146 = arith.addi %mul3A_22, %add3A_145 : i32
      %dma_start3A_147 = tpu.memref_slice %arg9[%add3A_146] : memref<409600xi32, #tpu.memory_space<hbm>> -> memref<5120xi32, #tpu.memory_space<hbm>>
      %dma_start3A_148 = tpu.memref_slice %arg9[%add3A_146] : memref<409600xi32, #tpu.memory_space<hbm>> -> memref<5120xi32, #tpu.memory_space<hbm>>
      tpu.enqueue_dma source(%arg14 : memref<5120xi32, #tpu.memory_space<vmem>>) target(%dma_start3A_148 : memref<5120xi32, #tpu.memory_space<hbm>>) target_semaphore(%arg19 : memref<!tpu.dma_semaphore, #tpu.memory_space<semaphore_mem>>)
      %add3A_149 = arith.constant 35840 : i32
      %add3A_150 = arith.addi %mul3A_22, %add3A_149 : i32
      %dma_wait3A_151 = tpu.memref_slice %arg6[%add3A_150] : memref<409600xi32, #tpu.memory_space<hbm>> -> memref<5120xi32, #tpu.memory_space<hbm>>
      %dma_wait3A_152 = tpu.memref_slice %arg6[%add3A_150] : memref<409600xi32, #tpu.memory_space<hbm>> -> memref<5120xi32, #tpu.memory_space<hbm>>
      tpu.wait_dma2 semaphore(%arg18 : memref<!tpu.dma_semaphore, #tpu.memory_space<semaphore_mem>>) src(%dma_wait3A_152 : memref<5120xi32, #tpu.memory_space<hbm>>) dst(%arg13 : memref<5120xi32, #tpu.memory_space<vmem>>)
      %add3A_153 = arith.constant 25600 : i32
      %add3A_154 = arith.addi %mul3A_22, %add3A_153 : i32
      %dma_wait3A_155 = tpu.memref_slice %arg9[%add3A_154] : memref<409600xi32, #tpu.memory_space<hbm>> -> memref<5120xi32, #tpu.memory_space<hbm>>
      %dma_wait3A_156 = tpu.memref_slice %arg9[%add3A_154] : memref<409600xi32, #tpu.memory_space<hbm>> -> memref<5120xi32, #tpu.memory_space<hbm>>
      tpu.wait_dma2 semaphore(%arg20 : memref<!tpu.dma_semaphore, #tpu.memory_space<semaphore_mem>>) src(%arg15 : memref<5120xi32, #tpu.memory_space<vmem>>) dst(%dma_wait3A_156 : memref<5120xi32, #tpu.memory_space<hbm>>)
      %parallel_loop3A_157 = arith.constant 0 : i32
      %parallel_loop3A_158 = arith.constant 5120 : i32
      %parallel_loop3A_159 = arith.constant 16 : i32
      scf.for %parallel_loop3A_172 = %parallel_loop3A_157 to %parallel_loop3A_158 step %parallel_loop3A_159  : i32 {
        %parallel_loop3A_173 = arith.index_cast %parallel_loop3A_172 : i32 to index
        %parallel_loop3A_174 = tpu.vector_load %arg13[%parallel_loop3A_173] {strides = array<i32>} : memref<5120xi32, #tpu.memory_space<vmem>>, vector<16xi32>,
        %parallel_loop3A_175 = tpu.vector_load_idx %arg11[%parallel_loop3A_174] : memref<100016xi32, #tpu.memory_space<vmem>>[vector<16xi32>], vector<16xi32>,
        %parallel_loop3A_176 = arith.index_cast %parallel_loop3A_172 : i32 to index
        %parallel_loop3A_177 = tpu.vector_load %arg15[%parallel_loop3A_176] {strides = array<i32>} : memref<5120xi32, #tpu.memory_space<vmem>>, vector<16xi32>,
        tpu.vector_store %arg15[%parallel_loop3A_176], %parallel_loop3A_175 {strides = array<i32>} : memref<5120xi32, #tpu.memory_space<vmem>>, vector<16xi32>,
      } {sc.loop_unroll_factor = 8 : i64, sc.parallel_access}
      %add3A_160 = arith.constant 35840 : i32
      %add3A_161 = arith.addi %mul3A_22, %add3A_160 : i32
      %dma_start3A_162 = tpu.memref_slice %arg9[%add3A_161] : memref<409600xi32, #tpu.memory_space<hbm>> -> memref<5120xi32, #tpu.memory_space<hbm>>
      %dma_start3A_163 = tpu.memref_slice %arg9[%add3A_161] : memref<409600xi32, #tpu.memory_space<hbm>> -> memref<5120xi32, #tpu.memory_space<hbm>>
      tpu.enqueue_dma source(%arg15 : memref<5120xi32, #tpu.memory_space<vmem>>) target(%dma_start3A_163 : memref<5120xi32, #tpu.memory_space<hbm>>) target_semaphore(%arg20 : memref<!tpu.dma_semaphore, #tpu.memory_space<semaphore_mem>>)
      %add3A_164 = arith.constant 30720 : i32
      %add3A_165 = arith.addi %mul3A_22, %add3A_164 : i32
      %dma_wait3A_166 = tpu.memref_slice %arg9[%add3A_165] : memref<409600xi32, #tpu.memory_space<hbm>> -> memref<5120xi32, #tpu.memory_space<hbm>>
      %dma_wait3A_167 = tpu.memref_slice %arg9[%add3A_165] : memref<409600xi32, #tpu.memory_space<hbm>> -> memref<5120xi32, #tpu.memory_space<hbm>>
      tpu.wait_dma2 semaphore(%arg19 : memref<!tpu.dma_semaphore, #tpu.memory_space<semaphore_mem>>) src(%arg14 : memref<5120xi32, #tpu.memory_space<vmem>>) dst(%dma_wait3A_167 : memref<5120xi32, #tpu.memory_space<hbm>>)
      %add3A_168 = arith.constant 35840 : i32
      %add3A_169 = arith.addi %mul3A_22, %add3A_168 : i32
      %dma_wait3A_170 = tpu.memref_slice %arg9[%add3A_169] : memref<409600xi32, #tpu.memory_space<hbm>> -> memref<5120xi32, #tpu.memory_space<hbm>>
      %dma_wait3A_171 = tpu.memref_slice %arg9[%add3A_169] : memref<409600xi32, #tpu.memory_space<hbm>> -> memref<5120xi32, #tpu.memory_space<hbm>>
      tpu.wait_dma2 semaphore(%arg20 : memref<!tpu.dma_semaphore, #tpu.memory_space<semaphore_mem>>) src(%arg15 : memref<5120xi32, #tpu.memory_space<vmem>>) dst(%dma_wait3A_171 : memref<5120xi32, #tpu.memory_space<hbm>>)
    } else {
    }
    %ge3A_12 = arith.constant 20 : i32
    %ge3A_13 = arith.cmpi sge, %add3A, %ge3A_12 : i32
    %lt3A_14 = arith.constant 30 : i32
    %lt3A_15 = arith.cmpi slt, %add3A, %lt3A_14 : i32
    %and3A_16 = arith.andi %ge3A_13, %lt3A_15 : i1
    %convert_element_type3A_17 = arith.extui %and3A_16 : i1 to i32
    %cond3A_18 = arith.constant 0 : i32
    %cond3A_19 = arith.cmpi ne, %convert_element_type3A_17, %cond3A_18 : i32
    scf.if %cond3A_19 {
      %sub3A = arith.constant 20 : i32
      %sub3A_20 = arith.subi %add3A, %sub3A : i32
      %mul3A_21 = arith.constant 40960 : i32
      %mul3A_22 = arith.muli %sub3A_20, %mul3A_21 : i32
      tpu.enqueue_dma source(%arg4 : memref<100016xi32, #tpu.memory_space<hbm>>) target(%arg11 : memref<100016xi32, #tpu.memory_space<vmem>>) target_semaphore(%arg16 : memref<!tpu.dma_semaphore, #tpu.memory_space<semaphore_mem>>)
      %add3A_23 = arith.constant 0 : i32
      %add3A_24 = arith.addi %mul3A_22, %add3A_23 : i32
      %dma_start3A = tpu.memref_slice %arg7[%add3A_24] : memref<409600xi32, #tpu.memory_space<hbm>> -> memref<5120xi32, #tpu.memory_space<hbm>>
      %dma_start3A_25 = tpu.memref_slice %arg7[%add3A_24] : memref<409600xi32, #tpu.memory_space<hbm>> -> memref<5120xi32, #tpu.memory_space<hbm>>
      tpu.enqueue_dma source(%dma_start3A_25 : memref<5120xi32, #tpu.memory_space<hbm>>) target(%arg12 : memref<5120xi32, #tpu.memory_space<vmem>>) target_semaphore(%arg17 : memref<!tpu.dma_semaphore, #tpu.memory_space<semaphore_mem>>)
      tpu.wait_dma2 semaphore(%arg16 : memref<!tpu.dma_semaphore, #tpu.memory_space<semaphore_mem>>) src(%arg4 : memref<100016xi32, #tpu.memory_space<hbm>>) dst(%arg11 : memref<100016xi32, #tpu.memory_space<vmem>>)
      %add3A_26 = arith.constant 0 : i32
      %add3A_27 = arith.addi %mul3A_22, %add3A_26 : i32
      %dma_wait3A = tpu.memref_slice %arg7[%add3A_27] : memref<409600xi32, #tpu.memory_space<hbm>> -> memref<5120xi32, #tpu.memory_space<hbm>>
      %dma_wait3A_28 = tpu.memref_slice %arg7[%add3A_27] : memref<409600xi32, #tpu.memory_space<hbm>> -> memref<5120xi32, #tpu.memory_space<hbm>>
      tpu.wait_dma2 semaphore(%arg17 : memref<!tpu.dma_semaphore, #tpu.memory_space<semaphore_mem>>) src(%dma_wait3A_28 : memref<5120xi32, #tpu.memory_space<hbm>>) dst(%arg12 : memref<5120xi32, #tpu.memory_space<vmem>>)
      %add3A_29 = arith.constant 5120 : i32
      %add3A_30 = arith.addi %mul3A_22, %add3A_29 : i32
      %dma_start3A_31 = tpu.memref_slice %arg7[%add3A_30] : memref<409600xi32, #tpu.memory_space<hbm>> -> memref<5120xi32, #tpu.memory_space<hbm>>
      %dma_start3A_32 = tpu.memref_slice %arg7[%add3A_30] : memref<409600xi32, #tpu.memory_space<hbm>> -> memref<5120xi32, #tpu.memory_space<hbm>>
      tpu.enqueue_dma source(%dma_start3A_32 : memref<5120xi32, #tpu.memory_space<hbm>>) target(%arg13 : memref<5120xi32, #tpu.memory_space<vmem>>) target_semaphore(%arg18 : memref<!tpu.dma_semaphore, #tpu.memory_space<semaphore_mem>>)
      %parallel_loop3A = arith.constant 0 : i32
      %parallel_loop3A_33 = arith.constant 5120 : i32
      %parallel_loop3A_34 = arith.constant 16 : i32
      scf.for %parallel_loop3A_172 = %parallel_loop3A to %parallel_loop3A_33 step %parallel_loop3A_34  : i32 {
        %parallel_loop3A_173 = arith.index_cast %parallel_loop3A_172 : i32 to index
        %parallel_loop3A_174 = tpu.vector_load %arg12[%parallel_loop3A_173] {strides = array<i32>} : memref<5120xi32, #tpu.memory_space<vmem>>, vector<16xi32>,
        %parallel_loop3A_175 = tpu.vector_load_idx %arg11[%parallel_loop3A_174] : memref<100016xi32, #tpu.memory_space<vmem>>[vector<16xi32>], vector<16xi32>,
        %parallel_loop3A_176 = arith.index_cast %parallel_loop3A_172 : i32 to index
        %parallel_loop3A_177 = tpu.vector_load %arg14[%parallel_loop3A_176] {strides = array<i32>} : memref<5120xi32, #tpu.memory_space<vmem>>, vector<16xi32>,
        tpu.vector_store %arg14[%parallel_loop3A_176], %parallel_loop3A_175 {strides = array<i32>} : memref<5120xi32, #tpu.memory_space<vmem>>, vector<16xi32>,
      } {sc.loop_unroll_factor = 8 : i64, sc.parallel_access}
      %add3A_35 = arith.constant 0 : i32
      %add3A_36 = arith.addi %mul3A_22, %add3A_35 : i32
      %dma_start3A_37 = tpu.memref_slice %arg10[%add3A_36] : memref<409600xi32, #tpu.memory_space<hbm>> -> memref<5120xi32, #tpu.memory_space<hbm>>
      %dma_start3A_38 = tpu.memref_slice %arg10[%add3A_36] : memref<409600xi32, #tpu.memory_space<hbm>> -> memref<5120xi32, #tpu.memory_space<hbm>>
      tpu.enqueue_dma source(%arg14 : memref<5120xi32, #tpu.memory_space<vmem>>) target(%dma_start3A_38 : memref<5120xi32, #tpu.memory_space<hbm>>) target_semaphore(%arg19 : memref<!tpu.dma_semaphore, #tpu.memory_space<semaphore_mem>>)
      %add3A_39 = arith.constant 5120 : i32
      %add3A_40 = arith.addi %mul3A_22, %add3A_39 : i32
      %dma_wait3A_41 = tpu.memref_slice %arg7[%add3A_40] : memref<409600xi32, #tpu.memory_space<hbm>> -> memref<5120xi32, #tpu.memory_space<hbm>>
      %dma_wait3A_42 = tpu.memref_slice %arg7[%add3A_40] : memref<409600xi32, #tpu.memory_space<hbm>> -> memref<5120xi32, #tpu.memory_space<hbm>>
      tpu.wait_dma2 semaphore(%arg18 : memref<!tpu.dma_semaphore, #tpu.memory_space<semaphore_mem>>) src(%dma_wait3A_42 : memref<5120xi32, #tpu.memory_space<hbm>>) dst(%arg13 : memref<5120xi32, #tpu.memory_space<vmem>>)
      %add3A_43 = arith.constant 10240 : i32
      %add3A_44 = arith.addi %mul3A_22, %add3A_43 : i32
      %dma_start3A_45 = tpu.memref_slice %arg7[%add3A_44] : memref<409600xi32, #tpu.memory_space<hbm>> -> memref<5120xi32, #tpu.memory_space<hbm>>
      %dma_start3A_46 = tpu.memref_slice %arg7[%add3A_44] : memref<409600xi32, #tpu.memory_space<hbm>> -> memref<5120xi32, #tpu.memory_space<hbm>>
      tpu.enqueue_dma source(%dma_start3A_46 : memref<5120xi32, #tpu.memory_space<hbm>>) target(%arg12 : memref<5120xi32, #tpu.memory_space<vmem>>) target_semaphore(%arg17 : memref<!tpu.dma_semaphore, #tpu.memory_space<semaphore_mem>>)
      %parallel_loop3A_47 = arith.constant 0 : i32
      %parallel_loop3A_48 = arith.constant 5120 : i32
      %parallel_loop3A_49 = arith.constant 16 : i32
      scf.for %parallel_loop3A_172 = %parallel_loop3A_47 to %parallel_loop3A_48 step %parallel_loop3A_49  : i32 {
        %parallel_loop3A_173 = arith.index_cast %parallel_loop3A_172 : i32 to index
        %parallel_loop3A_174 = tpu.vector_load %arg13[%parallel_loop3A_173] {strides = array<i32>} : memref<5120xi32, #tpu.memory_space<vmem>>, vector<16xi32>,
        %parallel_loop3A_175 = tpu.vector_load_idx %arg11[%parallel_loop3A_174] : memref<100016xi32, #tpu.memory_space<vmem>>[vector<16xi32>], vector<16xi32>,
        %parallel_loop3A_176 = arith.index_cast %parallel_loop3A_172 : i32 to index
        %parallel_loop3A_177 = tpu.vector_load %arg15[%parallel_loop3A_176] {strides = array<i32>} : memref<5120xi32, #tpu.memory_space<vmem>>, vector<16xi32>,
        tpu.vector_store %arg15[%parallel_loop3A_176], %parallel_loop3A_175 {strides = array<i32>} : memref<5120xi32, #tpu.memory_space<vmem>>, vector<16xi32>,
      } {sc.loop_unroll_factor = 8 : i64, sc.parallel_access}
      %add3A_50 = arith.constant 5120 : i32
      %add3A_51 = arith.addi %mul3A_22, %add3A_50 : i32
      %dma_start3A_52 = tpu.memref_slice %arg10[%add3A_51] : memref<409600xi32, #tpu.memory_space<hbm>> -> memref<5120xi32, #tpu.memory_space<hbm>>
      %dma_start3A_53 = tpu.memref_slice %arg10[%add3A_51] : memref<409600xi32, #tpu.memory_space<hbm>> -> memref<5120xi32, #tpu.memory_space<hbm>>
      tpu.enqueue_dma source(%arg15 : memref<5120xi32, #tpu.memory_space<vmem>>) target(%dma_start3A_53 : memref<5120xi32, #tpu.memory_space<hbm>>) target_semaphore(%arg20 : memref<!tpu.dma_semaphore, #tpu.memory_space<semaphore_mem>>)
      %add3A_54 = arith.constant 10240 : i32
      %add3A_55 = arith.addi %mul3A_22, %add3A_54 : i32
      %dma_wait3A_56 = tpu.memref_slice %arg7[%add3A_55] : memref<409600xi32, #tpu.memory_space<hbm>> -> memref<5120xi32, #tpu.memory_space<hbm>>
      %dma_wait3A_57 = tpu.memref_slice %arg7[%add3A_55] : memref<409600xi32, #tpu.memory_space<hbm>> -> memref<5120xi32, #tpu.memory_space<hbm>>
      tpu.wait_dma2 semaphore(%arg17 : memref<!tpu.dma_semaphore, #tpu.memory_space<semaphore_mem>>) src(%dma_wait3A_57 : memref<5120xi32, #tpu.memory_space<hbm>>) dst(%arg12 : memref<5120xi32, #tpu.memory_space<vmem>>)
      %add3A_58 = arith.constant 15360 : i32
      %add3A_59 = arith.addi %mul3A_22, %add3A_58 : i32
      %dma_start3A_60 = tpu.memref_slice %arg7[%add3A_59] : memref<409600xi32, #tpu.memory_space<hbm>> -> memref<5120xi32, #tpu.memory_space<hbm>>
      %dma_start3A_61 = tpu.memref_slice %arg7[%add3A_59] : memref<409600xi32, #tpu.memory_space<hbm>> -> memref<5120xi32, #tpu.memory_space<hbm>>
      tpu.enqueue_dma source(%dma_start3A_61 : memref<5120xi32, #tpu.memory_space<hbm>>) target(%arg13 : memref<5120xi32, #tpu.memory_space<vmem>>) target_semaphore(%arg18 : memref<!tpu.dma_semaphore, #tpu.memory_space<semaphore_mem>>)
      %add3A_62 = arith.constant 0 : i32
      %add3A_63 = arith.addi %mul3A_22, %add3A_62 : i32
      %dma_wait3A_64 = tpu.memref_slice %arg10[%add3A_63] : memref<409600xi32, #tpu.memory_space<hbm>> -> memref<5120xi32, #tpu.memory_space<hbm>>
      %dma_wait3A_65 = tpu.memref_slice %arg10[%add3A_63] : memref<409600xi32, #tpu.memory_space<hbm>> -> memref<5120xi32, #tpu.memory_space<hbm>>
      tpu.wait_dma2 semaphore(%arg19 : memref<!tpu.dma_semaphore, #tpu.memory_space<semaphore_mem>>) src(%arg14 : memref<5120xi32, #tpu.memory_space<vmem>>) dst(%dma_wait3A_65 : memref<5120xi32, #tpu.memory_space<hbm>>)
      %parallel_loop3A_66 = arith.constant 0 : i32
      %parallel_loop3A_67 = arith.constant 5120 : i32
      %parallel_loop3A_68 = arith.constant 16 : i32
      scf.for %parallel_loop3A_172 = %parallel_loop3A_66 to %parallel_loop3A_67 step %parallel_loop3A_68  : i32 {
        %parallel_loop3A_173 = arith.index_cast %parallel_loop3A_172 : i32 to index
        %parallel_loop3A_174 = tpu.vector_load %arg12[%parallel_loop3A_173] {strides = array<i32>} : memref<5120xi32, #tpu.memory_space<vmem>>, vector<16xi32>,
        %parallel_loop3A_175 = tpu.vector_load_idx %arg11[%parallel_loop3A_174] : memref<100016xi32, #tpu.memory_space<vmem>>[vector<16xi32>], vector<16xi32>,
        %parallel_loop3A_176 = arith.index_cast %parallel_loop3A_172 : i32 to index
        %parallel_loop3A_177 = tpu.vector_load %arg14[%parallel_loop3A_176] {strides = array<i32>} : memref<5120xi32, #tpu.memory_space<vmem>>, vector<16xi32>,
        tpu.vector_store %arg14[%parallel_loop3A_176], %parallel_loop3A_175 {strides = array<i32>} : memref<5120xi32, #tpu.memory_space<vmem>>, vector<16xi32>,
      } {sc.loop_unroll_factor = 8 : i64, sc.parallel_access}
      %add3A_69 = arith.constant 10240 : i32
      %add3A_70 = arith.addi %mul3A_22, %add3A_69 : i32
      %dma_start3A_71 = tpu.memref_slice %arg10[%add3A_70] : memref<409600xi32, #tpu.memory_space<hbm>> -> memref<5120xi32, #tpu.memory_space<hbm>>
      %dma_start3A_72 = tpu.memref_slice %arg10[%add3A_70] : memref<409600xi32, #tpu.memory_space<hbm>> -> memref<5120xi32, #tpu.memory_space<hbm>>
      tpu.enqueue_dma source(%arg14 : memref<5120xi32, #tpu.memory_space<vmem>>) target(%dma_start3A_72 : memref<5120xi32, #tpu.memory_space<hbm>>) target_semaphore(%arg19 : memref<!tpu.dma_semaphore, #tpu.memory_space<semaphore_mem>>)
      %add3A_73 = arith.constant 15360 : i32
      %add3A_74 = arith.addi %mul3A_22, %add3A_73 : i32
      %dma_wait3A_75 = tpu.memref_slice %arg7[%add3A_74] : memref<409600xi32, #tpu.memory_space<hbm>> -> memref<5120xi32, #tpu.memory_space<hbm>>
      %dma_wait3A_76 = tpu.memref_slice %arg7[%add3A_74] : memref<409600xi32, #tpu.memory_space<hbm>> -> memref<5120xi32, #tpu.memory_space<hbm>>
      tpu.wait_dma2 semaphore(%arg18 : memref<!tpu.dma_semaphore, #tpu.memory_space<semaphore_mem>>) src(%dma_wait3A_76 : memref<5120xi32, #tpu.memory_space<hbm>>) dst(%arg13 : memref<5120xi32, #tpu.memory_space<vmem>>)
      %add3A_77 = arith.constant 20480 : i32
      %add3A_78 = arith.addi %mul3A_22, %add3A_77 : i32
      %dma_start3A_79 = tpu.memref_slice %arg7[%add3A_78] : memref<409600xi32, #tpu.memory_space<hbm>> -> memref<5120xi32, #tpu.memory_space<hbm>>
      %dma_start3A_80 = tpu.memref_slice %arg7[%add3A_78] : memref<409600xi32, #tpu.memory_space<hbm>> -> memref<5120xi32, #tpu.memory_space<hbm>>
      tpu.enqueue_dma source(%dma_start3A_80 : memref<5120xi32, #tpu.memory_space<hbm>>) target(%arg12 : memref<5120xi32, #tpu.memory_space<vmem>>) target_semaphore(%arg17 : memref<!tpu.dma_semaphore, #tpu.memory_space<semaphore_mem>>)
      %add3A_81 = arith.constant 5120 : i32
      %add3A_82 = arith.addi %mul3A_22, %add3A_81 : i32
      %dma_wait3A_83 = tpu.memref_slice %arg10[%add3A_82] : memref<409600xi32, #tpu.memory_space<hbm>> -> memref<5120xi32, #tpu.memory_space<hbm>>
      %dma_wait3A_84 = tpu.memref_slice %arg10[%add3A_82] : memref<409600xi32, #tpu.memory_space<hbm>> -> memref<5120xi32, #tpu.memory_space<hbm>>
      tpu.wait_dma2 semaphore(%arg20 : memref<!tpu.dma_semaphore, #tpu.memory_space<semaphore_mem>>) src(%arg15 : memref<5120xi32, #tpu.memory_space<vmem>>) dst(%dma_wait3A_84 : memref<5120xi32, #tpu.memory_space<hbm>>)
      %parallel_loop3A_85 = arith.constant 0 : i32
      %parallel_loop3A_86 = arith.constant 5120 : i32
      %parallel_loop3A_87 = arith.constant 16 : i32
      scf.for %parallel_loop3A_172 = %parallel_loop3A_85 to %parallel_loop3A_86 step %parallel_loop3A_87  : i32 {
        %parallel_loop3A_173 = arith.index_cast %parallel_loop3A_172 : i32 to index
        %parallel_loop3A_174 = tpu.vector_load %arg13[%parallel_loop3A_173] {strides = array<i32>} : memref<5120xi32, #tpu.memory_space<vmem>>, vector<16xi32>,
        %parallel_loop3A_175 = tpu.vector_load_idx %arg11[%parallel_loop3A_174] : memref<100016xi32, #tpu.memory_space<vmem>>[vector<16xi32>], vector<16xi32>,
        %parallel_loop3A_176 = arith.index_cast %parallel_loop3A_172 : i32 to index
        %parallel_loop3A_177 = tpu.vector_load %arg15[%parallel_loop3A_176] {strides = array<i32>} : memref<5120xi32, #tpu.memory_space<vmem>>, vector<16xi32>,
        tpu.vector_store %arg15[%parallel_loop3A_176], %parallel_loop3A_175 {strides = array<i32>} : memref<5120xi32, #tpu.memory_space<vmem>>, vector<16xi32>,
      } {sc.loop_unroll_factor = 8 : i64, sc.parallel_access}
      %add3A_88 = arith.constant 15360 : i32
      %add3A_89 = arith.addi %mul3A_22, %add3A_88 : i32
      %dma_start3A_90 = tpu.memref_slice %arg10[%add3A_89] : memref<409600xi32, #tpu.memory_space<hbm>> -> memref<5120xi32, #tpu.memory_space<hbm>>
      %dma_start3A_91 = tpu.memref_slice %arg10[%add3A_89] : memref<409600xi32, #tpu.memory_space<hbm>> -> memref<5120xi32, #tpu.memory_space<hbm>>
      tpu.enqueue_dma source(%arg15 : memref<5120xi32, #tpu.memory_space<vmem>>) target(%dma_start3A_91 : memref<5120xi32, #tpu.memory_space<hbm>>) target_semaphore(%arg20 : memref<!tpu.dma_semaphore, #tpu.memory_space<semaphore_mem>>)
      %add3A_92 = arith.constant 20480 : i32
      %add3A_93 = arith.addi %mul3A_22, %add3A_92 : i32
      %dma_wait3A_94 = tpu.memref_slice %arg7[%add3A_93] : memref<409600xi32, #tpu.memory_space<hbm>> -> memref<5120xi32, #tpu.memory_space<hbm>>
      %dma_wait3A_95 = tpu.memref_slice %arg7[%add3A_93] : memref<409600xi32, #tpu.memory_space<hbm>> -> memref<5120xi32, #tpu.memory_space<hbm>>
      tpu.wait_dma2 semaphore(%arg17 : memref<!tpu.dma_semaphore, #tpu.memory_space<semaphore_mem>>) src(%dma_wait3A_95 : memref<5120xi32, #tpu.memory_space<hbm>>) dst(%arg12 : memref<5120xi32, #tpu.memory_space<vmem>>)
      %add3A_96 = arith.constant 25600 : i32
      %add3A_97 = arith.addi %mul3A_22, %add3A_96 : i32
      %dma_start3A_98 = tpu.memref_slice %arg7[%add3A_97] : memref<409600xi32, #tpu.memory_space<hbm>> -> memref<5120xi32, #tpu.memory_space<hbm>>
      %dma_start3A_99 = tpu.memref_slice %arg7[%add3A_97] : memref<409600xi32, #tpu.memory_space<hbm>> -> memref<5120xi32, #tpu.memory_space<hbm>>
      tpu.enqueue_dma source(%dma_start3A_99 : memref<5120xi32, #tpu.memory_space<hbm>>) target(%arg13 : memref<5120xi32, #tpu.memory_space<vmem>>) target_semaphore(%arg18 : memref<!tpu.dma_semaphore, #tpu.memory_space<semaphore_mem>>)
      %add3A_100 = arith.constant 10240 : i32
      %add3A_101 = arith.addi %mul3A_22, %add3A_100 : i32
      %dma_wait3A_102 = tpu.memref_slice %arg10[%add3A_101] : memref<409600xi32, #tpu.memory_space<hbm>> -> memref<5120xi32, #tpu.memory_space<hbm>>
      %dma_wait3A_103 = tpu.memref_slice %arg10[%add3A_101] : memref<409600xi32, #tpu.memory_space<hbm>> -> memref<5120xi32, #tpu.memory_space<hbm>>
      tpu.wait_dma2 semaphore(%arg19 : memref<!tpu.dma_semaphore, #tpu.memory_space<semaphore_mem>>) src(%arg14 : memref<5120xi32, #tpu.memory_space<vmem>>) dst(%dma_wait3A_103 : memref<5120xi32, #tpu.memory_space<hbm>>)
      %parallel_loop3A_104 = arith.constant 0 : i32
      %parallel_loop3A_105 = arith.constant 5120 : i32
      %parallel_loop3A_106 = arith.constant 16 : i32
      scf.for %parallel_loop3A_172 = %parallel_loop3A_104 to %parallel_loop3A_105 step %parallel_loop3A_106  : i32 {
        %parallel_loop3A_173 = arith.index_cast %parallel_loop3A_172 : i32 to index
        %parallel_loop3A_174 = tpu.vector_load %arg12[%parallel_loop3A_173] {strides = array<i32>} : memref<5120xi32, #tpu.memory_space<vmem>>, vector<16xi32>,
        %parallel_loop3A_175 = tpu.vector_load_idx %arg11[%parallel_loop3A_174] : memref<100016xi32, #tpu.memory_space<vmem>>[vector<16xi32>], vector<16xi32>,
        %parallel_loop3A_176 = arith.index_cast %parallel_loop3A_172 : i32 to index
        %parallel_loop3A_177 = tpu.vector_load %arg14[%parallel_loop3A_176] {strides = array<i32>} : memref<5120xi32, #tpu.memory_space<vmem>>, vector<16xi32>,
        tpu.vector_store %arg14[%parallel_loop3A_176], %parallel_loop3A_175 {strides = array<i32>} : memref<5120xi32, #tpu.memory_space<vmem>>, vector<16xi32>,
      } {sc.loop_unroll_factor = 8 : i64, sc.parallel_access}
      %add3A_107 = arith.constant 20480 : i32
      %add3A_108 = arith.addi %mul3A_22, %add3A_107 : i32
      %dma_start3A_109 = tpu.memref_slice %arg10[%add3A_108] : memref<409600xi32, #tpu.memory_space<hbm>> -> memref<5120xi32, #tpu.memory_space<hbm>>
      %dma_start3A_110 = tpu.memref_slice %arg10[%add3A_108] : memref<409600xi32, #tpu.memory_space<hbm>> -> memref<5120xi32, #tpu.memory_space<hbm>>
      tpu.enqueue_dma source(%arg14 : memref<5120xi32, #tpu.memory_space<vmem>>) target(%dma_start3A_110 : memref<5120xi32, #tpu.memory_space<hbm>>) target_semaphore(%arg19 : memref<!tpu.dma_semaphore, #tpu.memory_space<semaphore_mem>>)
      %add3A_111 = arith.constant 25600 : i32
      %add3A_112 = arith.addi %mul3A_22, %add3A_111 : i32
      %dma_wait3A_113 = tpu.memref_slice %arg7[%add3A_112] : memref<409600xi32, #tpu.memory_space<hbm>> -> memref<5120xi32, #tpu.memory_space<hbm>>
      %dma_wait3A_114 = tpu.memref_slice %arg7[%add3A_112] : memref<409600xi32, #tpu.memory_space<hbm>> -> memref<5120xi32, #tpu.memory_space<hbm>>
      tpu.wait_dma2 semaphore(%arg18 : memref<!tpu.dma_semaphore, #tpu.memory_space<semaphore_mem>>) src(%dma_wait3A_114 : memref<5120xi32, #tpu.memory_space<hbm>>) dst(%arg13 : memref<5120xi32, #tpu.memory_space<vmem>>)
      %add3A_115 = arith.constant 30720 : i32
      %add3A_116 = arith.addi %mul3A_22, %add3A_115 : i32
      %dma_start3A_117 = tpu.memref_slice %arg7[%add3A_116] : memref<409600xi32, #tpu.memory_space<hbm>> -> memref<5120xi32, #tpu.memory_space<hbm>>
      %dma_start3A_118 = tpu.memref_slice %arg7[%add3A_116] : memref<409600xi32, #tpu.memory_space<hbm>> -> memref<5120xi32, #tpu.memory_space<hbm>>
      tpu.enqueue_dma source(%dma_start3A_118 : memref<5120xi32, #tpu.memory_space<hbm>>) target(%arg12 : memref<5120xi32, #tpu.memory_space<vmem>>) target_semaphore(%arg17 : memref<!tpu.dma_semaphore, #tpu.memory_space<semaphore_mem>>)
      %add3A_119 = arith.constant 15360 : i32
      %add3A_120 = arith.addi %mul3A_22, %add3A_119 : i32
      %dma_wait3A_121 = tpu.memref_slice %arg10[%add3A_120] : memref<409600xi32, #tpu.memory_space<hbm>> -> memref<5120xi32, #tpu.memory_space<hbm>>
      %dma_wait3A_122 = tpu.memref_slice %arg10[%add3A_120] : memref<409600xi32, #tpu.memory_space<hbm>> -> memref<5120xi32, #tpu.memory_space<hbm>>
      tpu.wait_dma2 semaphore(%arg20 : memref<!tpu.dma_semaphore, #tpu.memory_space<semaphore_mem>>) src(%arg15 : memref<5120xi32, #tpu.memory_space<vmem>>) dst(%dma_wait3A_122 : memref<5120xi32, #tpu.memory_space<hbm>>)
      %parallel_loop3A_123 = arith.constant 0 : i32
      %parallel_loop3A_124 = arith.constant 5120 : i32
      %parallel_loop3A_125 = arith.constant 16 : i32
      scf.for %parallel_loop3A_172 = %parallel_loop3A_123 to %parallel_loop3A_124 step %parallel_loop3A_125  : i32 {
        %parallel_loop3A_173 = arith.index_cast %parallel_loop3A_172 : i32 to index
        %parallel_loop3A_174 = tpu.vector_load %arg13[%parallel_loop3A_173] {strides = array<i32>} : memref<5120xi32, #tpu.memory_space<vmem>>, vector<16xi32>,
        %parallel_loop3A_175 = tpu.vector_load_idx %arg11[%parallel_loop3A_174] : memref<100016xi32, #tpu.memory_space<vmem>>[vector<16xi32>], vector<16xi32>,
        %parallel_loop3A_176 = arith.index_cast %parallel_loop3A_172 : i32 to index
        %parallel_loop3A_177 = tpu.vector_load %arg15[%parallel_loop3A_176] {strides = array<i32>} : memref<5120xi32, #tpu.memory_space<vmem>>, vector<16xi32>,
        tpu.vector_store %arg15[%parallel_loop3A_176], %parallel_loop3A_175 {strides = array<i32>} : memref<5120xi32, #tpu.memory_space<vmem>>, vector<16xi32>,
      } {sc.loop_unroll_factor = 8 : i64, sc.parallel_access}
      %add3A_126 = arith.constant 25600 : i32
      %add3A_127 = arith.addi %mul3A_22, %add3A_126 : i32
      %dma_start3A_128 = tpu.memref_slice %arg10[%add3A_127] : memref<409600xi32, #tpu.memory_space<hbm>> -> memref<5120xi32, #tpu.memory_space<hbm>>
      %dma_start3A_129 = tpu.memref_slice %arg10[%add3A_127] : memref<409600xi32, #tpu.memory_space<hbm>> -> memref<5120xi32, #tpu.memory_space<hbm>>
      tpu.enqueue_dma source(%arg15 : memref<5120xi32, #tpu.memory_space<vmem>>) target(%dma_start3A_129 : memref<5120xi32, #tpu.memory_space<hbm>>) target_semaphore(%arg20 : memref<!tpu.dma_semaphore, #tpu.memory_space<semaphore_mem>>)
      %add3A_130 = arith.constant 30720 : i32
      %add3A_131 = arith.addi %mul3A_22, %add3A_130 : i32
      %dma_wait3A_132 = tpu.memref_slice %arg7[%add3A_131] : memref<409600xi32, #tpu.memory_space<hbm>> -> memref<5120xi32, #tpu.memory_space<hbm>>
      %dma_wait3A_133 = tpu.memref_slice %arg7[%add3A_131] : memref<409600xi32, #tpu.memory_space<hbm>> -> memref<5120xi32, #tpu.memory_space<hbm>>
      tpu.wait_dma2 semaphore(%arg17 : memref<!tpu.dma_semaphore, #tpu.memory_space<semaphore_mem>>) src(%dma_wait3A_133 : memref<5120xi32, #tpu.memory_space<hbm>>) dst(%arg12 : memref<5120xi32, #tpu.memory_space<vmem>>)
      %add3A_134 = arith.constant 35840 : i32
      %add3A_135 = arith.addi %mul3A_22, %add3A_134 : i32
      %dma_start3A_136 = tpu.memref_slice %arg7[%add3A_135] : memref<409600xi32, #tpu.memory_space<hbm>> -> memref<5120xi32, #tpu.memory_space<hbm>>
      %dma_start3A_137 = tpu.memref_slice %arg7[%add3A_135] : memref<409600xi32, #tpu.memory_space<hbm>> -> memref<5120xi32, #tpu.memory_space<hbm>>
      tpu.enqueue_dma source(%dma_start3A_137 : memref<5120xi32, #tpu.memory_space<hbm>>) target(%arg13 : memref<5120xi32, #tpu.memory_space<vmem>>) target_semaphore(%arg18 : memref<!tpu.dma_semaphore, #tpu.memory_space<semaphore_mem>>)
      %add3A_138 = arith.constant 20480 : i32
      %add3A_139 = arith.addi %mul3A_22, %add3A_138 : i32
      %dma_wait3A_140 = tpu.memref_slice %arg10[%add3A_139] : memref<409600xi32, #tpu.memory_space<hbm>> -> memref<5120xi32, #tpu.memory_space<hbm>>
      %dma_wait3A_141 = tpu.memref_slice %arg10[%add3A_139] : memref<409600xi32, #tpu.memory_space<hbm>> -> memref<5120xi32, #tpu.memory_space<hbm>>
      tpu.wait_dma2 semaphore(%arg19 : memref<!tpu.dma_semaphore, #tpu.memory_space<semaphore_mem>>) src(%arg14 : memref<5120xi32, #tpu.memory_space<vmem>>) dst(%dma_wait3A_141 : memref<5120xi32, #tpu.memory_space<hbm>>)
      %parallel_loop3A_142 = arith.constant 0 : i32
      %parallel_loop3A_143 = arith.constant 5120 : i32
      %parallel_loop3A_144 = arith.constant 16 : i32
      scf.for %parallel_loop3A_172 = %parallel_loop3A_142 to %parallel_loop3A_143 step %parallel_loop3A_144  : i32 {
        %parallel_loop3A_173 = arith.index_cast %parallel_loop3A_172 : i32 to index
        %parallel_loop3A_174 = tpu.vector_load %arg12[%parallel_loop3A_173] {strides = array<i32>} : memref<5120xi32, #tpu.memory_space<vmem>>, vector<16xi32>,
        %parallel_loop3A_175 = tpu.vector_load_idx %arg11[%parallel_loop3A_174] : memref<100016xi32, #tpu.memory_space<vmem>>[vector<16xi32>], vector<16xi32>,
        %parallel_loop3A_176 = arith.index_cast %parallel_loop3A_172 : i32 to index
        %parallel_loop3A_177 = tpu.vector_load %arg14[%parallel_loop3A_176] {strides = array<i32>} : memref<5120xi32, #tpu.memory_space<vmem>>, vector<16xi32>,
        tpu.vector_store %arg14[%parallel_loop3A_176], %parallel_loop3A_175 {strides = array<i32>} : memref<5120xi32, #tpu.memory_space<vmem>>, vector<16xi32>,
      } {sc.loop_unroll_factor = 8 : i64, sc.parallel_access}
      %add3A_145 = arith.constant 30720 : i32
      %add3A_146 = arith.addi %mul3A_22, %add3A_145 : i32
      %dma_start3A_147 = tpu.memref_slice %arg10[%add3A_146] : memref<409600xi32, #tpu.memory_space<hbm>> -> memref<5120xi32, #tpu.memory_space<hbm>>
      %dma_start3A_148 = tpu.memref_slice %arg10[%add3A_146] : memref<409600xi32, #tpu.memory_space<hbm>> -> memref<5120xi32, #tpu.memory_space<hbm>>
      tpu.enqueue_dma source(%arg14 : memref<5120xi32, #tpu.memory_space<vmem>>) target(%dma_start3A_148 : memref<5120xi32, #tpu.memory_space<hbm>>) target_semaphore(%arg19 : memref<!tpu.dma_semaphore, #tpu.memory_space<semaphore_mem>>)
      %add3A_149 = arith.constant 35840 : i32
      %add3A_150 = arith.addi %mul3A_22, %add3A_149 : i32
      %dma_wait3A_151 = tpu.memref_slice %arg7[%add3A_150] : memref<409600xi32, #tpu.memory_space<hbm>> -> memref<5120xi32, #tpu.memory_space<hbm>>
      %dma_wait3A_152 = tpu.memref_slice %arg7[%add3A_150] : memref<409600xi32, #tpu.memory_space<hbm>> -> memref<5120xi32, #tpu.memory_space<hbm>>
      tpu.wait_dma2 semaphore(%arg18 : memref<!tpu.dma_semaphore, #tpu.memory_space<semaphore_mem>>) src(%dma_wait3A_152 : memref<5120xi32, #tpu.memory_space<hbm>>) dst(%arg13 : memref<5120xi32, #tpu.memory_space<vmem>>)
      %add3A_153 = arith.constant 25600 : i32
      %add3A_154 = arith.addi %mul3A_22, %add3A_153 : i32
      %dma_wait3A_155 = tpu.memref_slice %arg10[%add3A_154] : memref<409600xi32, #tpu.memory_space<hbm>> -> memref<5120xi32, #tpu.memory_space<hbm>>
      %dma_wait3A_156 = tpu.memref_slice %arg10[%add3A_154] : memref<409600xi32, #tpu.memory_space<hbm>> -> memref<5120xi32, #tpu.memory_space<hbm>>
      tpu.wait_dma2 semaphore(%arg20 : memref<!tpu.dma_semaphore, #tpu.memory_space<semaphore_mem>>) src(%arg15 : memref<5120xi32, #tpu.memory_space<vmem>>) dst(%dma_wait3A_156 : memref<5120xi32, #tpu.memory_space<hbm>>)
      %parallel_loop3A_157 = arith.constant 0 : i32
      %parallel_loop3A_158 = arith.constant 5120 : i32
      %parallel_loop3A_159 = arith.constant 16 : i32
      scf.for %parallel_loop3A_172 = %parallel_loop3A_157 to %parallel_loop3A_158 step %parallel_loop3A_159  : i32 {
        %parallel_loop3A_173 = arith.index_cast %parallel_loop3A_172 : i32 to index
        %parallel_loop3A_174 = tpu.vector_load %arg13[%parallel_loop3A_173] {strides = array<i32>} : memref<5120xi32, #tpu.memory_space<vmem>>, vector<16xi32>,
        %parallel_loop3A_175 = tpu.vector_load_idx %arg11[%parallel_loop3A_174] : memref<100016xi32, #tpu.memory_space<vmem>>[vector<16xi32>], vector<16xi32>,
        %parallel_loop3A_176 = arith.index_cast %parallel_loop3A_172 : i32 to index
        %parallel_loop3A_177 = tpu.vector_load %arg15[%parallel_loop3A_176] {strides = array<i32>} : memref<5120xi32, #tpu.memory_space<vmem>>, vector<16xi32>,
        tpu.vector_store %arg15[%parallel_loop3A_176], %parallel_loop3A_175 {strides = array<i32>} : memref<5120xi32, #tpu.memory_space<vmem>>, vector<16xi32>,
      } {sc.loop_unroll_factor = 8 : i64, sc.parallel_access}
      %add3A_160 = arith.constant 35840 : i32
      %add3A_161 = arith.addi %mul3A_22, %add3A_160 : i32
      %dma_start3A_162 = tpu.memref_slice %arg10[%add3A_161] : memref<409600xi32, #tpu.memory_space<hbm>> -> memref<5120xi32, #tpu.memory_space<hbm>>
      %dma_start3A_163 = tpu.memref_slice %arg10[%add3A_161] : memref<409600xi32, #tpu.memory_space<hbm>> -> memref<5120xi32, #tpu.memory_space<hbm>>
      tpu.enqueue_dma source(%arg15 : memref<5120xi32, #tpu.memory_space<vmem>>) target(%dma_start3A_163 : memref<5120xi32, #tpu.memory_space<hbm>>) target_semaphore(%arg20 : memref<!tpu.dma_semaphore, #tpu.memory_space<semaphore_mem>>)
      %add3A_164 = arith.constant 30720 : i32
      %add3A_165 = arith.addi %mul3A_22, %add3A_164 : i32
      %dma_wait3A_166 = tpu.memref_slice %arg10[%add3A_165] : memref<409600xi32, #tpu.memory_space<hbm>> -> memref<5120xi32, #tpu.memory_space<hbm>>
      %dma_wait3A_167 = tpu.memref_slice %arg10[%add3A_165] : memref<409600xi32, #tpu.memory_space<hbm>> -> memref<5120xi32, #tpu.memory_space<hbm>>
      tpu.wait_dma2 semaphore(%arg19 : memref<!tpu.dma_semaphore, #tpu.memory_space<semaphore_mem>>) src(%arg14 : memref<5120xi32, #tpu.memory_space<vmem>>) dst(%dma_wait3A_167 : memref<5120xi32, #tpu.memory_space<hbm>>)
      %add3A_168 = arith.constant 35840 : i32
      %add3A_169 = arith.addi %mul3A_22, %add3A_168 : i32
      %dma_wait3A_170 = tpu.memref_slice %arg10[%add3A_169] : memref<409600xi32, #tpu.memory_space<hbm>> -> memref<5120xi32, #tpu.memory_space<hbm>>
      %dma_wait3A_171 = tpu.memref_slice %arg10[%add3A_169] : memref<409600xi32, #tpu.memory_space<hbm>> -> memref<5120xi32, #tpu.memory_space<hbm>>
      tpu.wait_dma2 semaphore(%arg20 : memref<!tpu.dma_semaphore, #tpu.memory_space<semaphore_mem>>) src(%arg15 : memref<5120xi32, #tpu.memory_space<vmem>>) dst(%dma_wait3A_171 : memref<5120xi32, #tpu.memory_space<hbm>>)
    } else {
    }
    return
  }
}

module attributes {stable_mosaic.version = 14 : i64} {
  func.func @_hash_body(%arg0: i32, %arg1: memref<800x128xi32, #tpu.memory_space<vmem>>, %arg2: memref<800x128xi32, #tpu.memory_space<vmem>>, %arg3: memref<800x128xi32, #tpu.memory_space<vmem>>, %arg4: memref<800x128xi32, #tpu.memory_space<vmem>>, %arg5: memref<800x128xi32, #tpu.memory_space<vmem>>, %arg6: memref<800x128xi32, #tpu.memory_space<vmem>>, %arg7: memref<800x128xi32, #tpu.memory_space<vmem>>) attributes {dimension_semantics = [#tpu.dimension_semantics<arbitrary>], iteration_bounds = array<i64: 4>, scalar_prefetch = 0 : i64, scratch_operands = 0 : i64, tpu.core_type = #tpu.core_type<tc>, window_params = [{transform_indices = @transform_0, window_bounds = array<i64: 800, 128>}, {transform_indices = @transform_1, window_bounds = array<i64: 800, 128>}, {transform_indices = @transform_2, window_bounds = array<i64: 800, 128>}, {transform_indices = @transform_3, window_bounds = array<i64: 800, 128>}, {transform_indices = @transform_4, window_bounds = array<i64: 800, 128>}, {transform_indices = @transform_5, window_bounds = array<i64: 800, 128>}, {transform_indices = @transform_6, window_bounds = array<i64: 800, 128>}]} {
    %get3A = arith.constant 0 : index
    %get3A_0 = arith.constant 0 : index
    %get3A_1 = vector.load %arg1[%get3A, %get3A_0] : memref<800x128xi32, #tpu.memory_space<vmem>>, vector<800x128xi32>
    %bitcast_convert_type3A = tpu.bitcast %get3A_1 : vector<800x128xi32> -> vector<800x128xi32>
    %get3A_2 = arith.constant 0 : index
    %get3A_3 = arith.constant 0 : index
    %get3A_4 = vector.load %arg2[%get3A_2, %get3A_3] : memref<800x128xi32, #tpu.memory_space<vmem>>, vector<800x128xi32>
    %bitcast_convert_type3A_5 = tpu.bitcast %get3A_4 : vector<800x128xi32> -> vector<800x128xi32>
    %get3A_6 = arith.constant 0 : index
    %get3A_7 = arith.constant 0 : index
    %get3A_8 = vector.load %arg3[%get3A_6, %get3A_7] : memref<800x128xi32, #tpu.memory_space<vmem>>, vector<800x128xi32>
    %bitcast_convert_type3A_9 = tpu.bitcast %get3A_8 : vector<800x128xi32> -> vector<800x128xi32>
    %get3A_10 = arith.constant 0 : index
    %get3A_11 = arith.constant 0 : index
    %get3A_12 = vector.load %arg4[%get3A_10, %get3A_11] : memref<800x128xi32, #tpu.memory_space<vmem>>, vector<800x128xi32>
    %bitcast_convert_type3A_13 = tpu.bitcast %get3A_12 : vector<800x128xi32> -> vector<800x128xi32>
    %and3A = arith.constant 65535 : i32
    %and3A_14 = vector.broadcast %and3A : i32 to vector<800x128xi32>
    %and3A_15 = arith.andi %bitcast_convert_type3A_5, %and3A_14 : vector<800x128xi32>
    %shift_right_logical3A = arith.constant 16 : i32
    %shift_right_logical3A_16 = vector.broadcast %shift_right_logical3A : i32 to vector<800x128xi32>
    %shift_right_logical3A_17 = arith.shrui %bitcast_convert_type3A_5, %shift_right_logical3A_16 : vector<800x128xi32>
    %mul3A = arith.constant 16963 : i32
    %mul3A_18 = vector.broadcast %mul3A : i32 to vector<800x128xi32>
    %mul3A_19 = arith.muli %and3A_15, %mul3A_18 : vector<800x128xi32>
    %mul3A_20 = arith.constant 15 : i32
    %mul3A_21 = vector.broadcast %mul3A_20 : i32 to vector<800x128xi32>
    %mul3A_22 = arith.muli %and3A_15, %mul3A_21 : vector<800x128xi32>
    %mul3A_23 = arith.constant 16963 : i32
    %mul3A_24 = vector.broadcast %mul3A_23 : i32 to vector<800x128xi32>
    %mul3A_25 = arith.muli %shift_right_logical3A_17, %mul3A_24 : vector<800x128xi32>
    %mul3A_26 = arith.constant 15 : i32
    %mul3A_27 = vector.broadcast %mul3A_26 : i32 to vector<800x128xi32>
    %mul3A_28 = arith.muli %shift_right_logical3A_17, %mul3A_27 : vector<800x128xi32>
    %shift_right_logical3A_29 = arith.constant 16 : i32
    %shift_right_logical3A_30 = vector.broadcast %shift_right_logical3A_29 : i32 to vector<800x128xi32>
    %shift_right_logical3A_31 = arith.shrui %mul3A_19, %shift_right_logical3A_30 : vector<800x128xi32>
    %and3A_32 = arith.constant 65535 : i32
    %and3A_33 = vector.broadcast %and3A_32 : i32 to vector<800x128xi32>
    %and3A_34 = arith.andi %mul3A_22, %and3A_33 : vector<800x128xi32>
    %add3A = arith.addi %shift_right_logical3A_31, %and3A_34 : vector<800x128xi32>
    %and3A_35 = arith.constant 65535 : i32
    %and3A_36 = vector.broadcast %and3A_35 : i32 to vector<800x128xi32>
    %and3A_37 = arith.andi %mul3A_25, %and3A_36 : vector<800x128xi32>
    %add3A_38 = arith.addi %add3A, %and3A_37 : vector<800x128xi32>
    %shift_right_logical3A_39 = arith.constant 16 : i32
    %shift_right_logical3A_40 = vector.broadcast %shift_right_logical3A_39 : i32 to vector<800x128xi32>
    %shift_right_logical3A_41 = arith.shrui %mul3A_22, %shift_right_logical3A_40 : vector<800x128xi32>
    %add3A_42 = arith.addi %mul3A_28, %shift_right_logical3A_41 : vector<800x128xi32>
    %shift_right_logical3A_43 = arith.constant 16 : i32
    %shift_right_logical3A_44 = vector.broadcast %shift_right_logical3A_43 : i32 to vector<800x128xi32>
    %shift_right_logical3A_45 = arith.shrui %mul3A_25, %shift_right_logical3A_44 : vector<800x128xi32>
    %add3A_46 = arith.addi %add3A_42, %shift_right_logical3A_45 : vector<800x128xi32>
    %shift_right_logical3A_47 = arith.constant 16 : i32
    %shift_right_logical3A_48 = vector.broadcast %shift_right_logical3A_47 : i32 to vector<800x128xi32>
    %shift_right_logical3A_49 = arith.shrui %add3A_38, %shift_right_logical3A_48 : vector<800x128xi32>
    %add3A_50 = arith.addi %add3A_46, %shift_right_logical3A_49 : vector<800x128xi32>
    %shift_left3A = arith.constant 16 : i32
    %shift_left3A_51 = vector.broadcast %shift_left3A : i32 to vector<800x128xi32>
    %shift_left3A_52 = arith.shli %add3A_38, %shift_left3A_51 : vector<800x128xi32>
    %and3A_53 = arith.constant 65535 : i32
    %and3A_54 = vector.broadcast %and3A_53 : i32 to vector<800x128xi32>
    %and3A_55 = arith.andi %mul3A_19, %and3A_54 : vector<800x128xi32>
    %or3A = arith.ori %shift_left3A_52, %and3A_55 : vector<800x128xi32>
    %add3A_56 = arith.addi %or3A, %bitcast_convert_type3A : vector<800x128xi32>
    %lt3A = arith.cmpi ult, %add3A_56, %bitcast_convert_type3A : vector<800x128xi32>
    %convert_element_type3A = arith.extui %lt3A : vector<800x128xi1> to vector<800x128xi32>
    %add3A_57 = arith.addi %add3A_50, %convert_element_type3A : vector<800x128xi32>
    %and3A_58 = arith.constant 65535 : i32
    %and3A_59 = vector.broadcast %and3A_58 : i32 to vector<800x128xi32>
    %and3A_60 = arith.andi %bitcast_convert_type3A_9, %and3A_59 : vector<800x128xi32>
    %shift_right_logical3A_61 = arith.constant 16 : i32
    %shift_right_logical3A_62 = vector.broadcast %shift_right_logical3A_61 : i32 to vector<800x128xi32>
    %shift_right_logical3A_63 = arith.shrui %bitcast_convert_type3A_9, %shift_right_logical3A_62 : vector<800x128xi32>
    %mul3A_64 = arith.constant 16963 : i32
    %mul3A_65 = vector.broadcast %mul3A_64 : i32 to vector<800x128xi32>
    %mul3A_66 = arith.muli %and3A_60, %mul3A_65 : vector<800x128xi32>
    %mul3A_67 = arith.constant 15 : i32
    %mul3A_68 = vector.broadcast %mul3A_67 : i32 to vector<800x128xi32>
    %mul3A_69 = arith.muli %and3A_60, %mul3A_68 : vector<800x128xi32>
    %mul3A_70 = arith.constant 16963 : i32
    %mul3A_71 = vector.broadcast %mul3A_70 : i32 to vector<800x128xi32>
    %mul3A_72 = arith.muli %shift_right_logical3A_63, %mul3A_71 : vector<800x128xi32>
    %mul3A_73 = arith.constant 15 : i32
    %mul3A_74 = vector.broadcast %mul3A_73 : i32 to vector<800x128xi32>
    %mul3A_75 = arith.muli %shift_right_logical3A_63, %mul3A_74 : vector<800x128xi32>
    %shift_right_logical3A_76 = arith.constant 16 : i32
    %shift_right_logical3A_77 = vector.broadcast %shift_right_logical3A_76 : i32 to vector<800x128xi32>
    %shift_right_logical3A_78 = arith.shrui %mul3A_66, %shift_right_logical3A_77 : vector<800x128xi32>
    %and3A_79 = arith.constant 65535 : i32
    %and3A_80 = vector.broadcast %and3A_79 : i32 to vector<800x128xi32>
    %and3A_81 = arith.andi %mul3A_69, %and3A_80 : vector<800x128xi32>
    %add3A_82 = arith.addi %shift_right_logical3A_78, %and3A_81 : vector<800x128xi32>
    %and3A_83 = arith.constant 65535 : i32
    %and3A_84 = vector.broadcast %and3A_83 : i32 to vector<800x128xi32>
    %and3A_85 = arith.andi %mul3A_72, %and3A_84 : vector<800x128xi32>
    %add3A_86 = arith.addi %add3A_82, %and3A_85 : vector<800x128xi32>
    %shift_right_logical3A_87 = arith.constant 16 : i32
    %shift_right_logical3A_88 = vector.broadcast %shift_right_logical3A_87 : i32 to vector<800x128xi32>
    %shift_right_logical3A_89 = arith.shrui %mul3A_69, %shift_right_logical3A_88 : vector<800x128xi32>
    %add3A_90 = arith.addi %mul3A_75, %shift_right_logical3A_89 : vector<800x128xi32>
    %shift_right_logical3A_91 = arith.constant 16 : i32
    %shift_right_logical3A_92 = vector.broadcast %shift_right_logical3A_91 : i32 to vector<800x128xi32>
    %shift_right_logical3A_93 = arith.shrui %mul3A_72, %shift_right_logical3A_92 : vector<800x128xi32>
    %add3A_94 = arith.addi %add3A_90, %shift_right_logical3A_93 : vector<800x128xi32>
    %shift_right_logical3A_95 = arith.constant 16 : i32
    %shift_right_logical3A_96 = vector.broadcast %shift_right_logical3A_95 : i32 to vector<800x128xi32>
    %shift_right_logical3A_97 = arith.shrui %add3A_86, %shift_right_logical3A_96 : vector<800x128xi32>
    %add3A_98 = arith.addi %add3A_94, %shift_right_logical3A_97 : vector<800x128xi32>
    %shift_left3A_99 = arith.constant 16 : i32
    %shift_left3A_100 = vector.broadcast %shift_left3A_99 : i32 to vector<800x128xi32>
    %shift_left3A_101 = arith.shli %add3A_86, %shift_left3A_100 : vector<800x128xi32>
    %and3A_102 = arith.constant 65535 : i32
    %and3A_103 = vector.broadcast %and3A_102 : i32 to vector<800x128xi32>
    %and3A_104 = arith.andi %mul3A_66, %and3A_103 : vector<800x128xi32>
    %or3A_105 = arith.ori %shift_left3A_101, %and3A_104 : vector<800x128xi32>
    %add3A_106 = arith.addi %or3A_105, %bitcast_convert_type3A_5 : vector<800x128xi32>
    %lt3A_107 = arith.cmpi ult, %add3A_106, %bitcast_convert_type3A_5 : vector<800x128xi32>
    %convert_element_type3A_108 = arith.extui %lt3A_107 : vector<800x128xi1> to vector<800x128xi32>
    %add3A_109 = arith.addi %add3A_98, %convert_element_type3A_108 : vector<800x128xi32>
    %and3A_110 = arith.constant 65535 : i32
    %and3A_111 = vector.broadcast %and3A_110 : i32 to vector<800x128xi32>
    %and3A_112 = arith.andi %add3A_106, %and3A_111 : vector<800x128xi32>
    %shift_right_logical3A_113 = arith.constant 16 : i32
    %shift_right_logical3A_114 = vector.broadcast %shift_right_logical3A_113 : i32 to vector<800x128xi32>
    %shift_right_logical3A_115 = arith.shrui %add3A_106, %shift_right_logical3A_114 : vector<800x128xi32>
    %mul3A_116 = arith.constant 16963 : i32
    %mul3A_117 = vector.broadcast %mul3A_116 : i32 to vector<800x128xi32>
    %mul3A_118 = arith.muli %and3A_112, %mul3A_117 : vector<800x128xi32>
    %mul3A_119 = arith.constant 15 : i32
    %mul3A_120 = vector.broadcast %mul3A_119 : i32 to vector<800x128xi32>
    %mul3A_121 = arith.muli %and3A_112, %mul3A_120 : vector<800x128xi32>
    %mul3A_122 = arith.constant 16963 : i32
    %mul3A_123 = vector.broadcast %mul3A_122 : i32 to vector<800x128xi32>
    %mul3A_124 = arith.muli %shift_right_logical3A_115, %mul3A_123 : vector<800x128xi32>
    %mul3A_125 = arith.constant 15 : i32
    %mul3A_126 = vector.broadcast %mul3A_125 : i32 to vector<800x128xi32>
    %mul3A_127 = arith.muli %shift_right_logical3A_115, %mul3A_126 : vector<800x128xi32>
    %shift_right_logical3A_128 = arith.constant 16 : i32
    %shift_right_logical3A_129 = vector.broadcast %shift_right_logical3A_128 : i32 to vector<800x128xi32>
    %shift_right_logical3A_130 = arith.shrui %mul3A_118, %shift_right_logical3A_129 : vector<800x128xi32>
    %and3A_131 = arith.constant 65535 : i32
    %and3A_132 = vector.broadcast %and3A_131 : i32 to vector<800x128xi32>
    %and3A_133 = arith.andi %mul3A_121, %and3A_132 : vector<800x128xi32>
    %add3A_134 = arith.addi %shift_right_logical3A_130, %and3A_133 : vector<800x128xi32>
    %and3A_135 = arith.constant 65535 : i32
    %and3A_136 = vector.broadcast %and3A_135 : i32 to vector<800x128xi32>
    %and3A_137 = arith.andi %mul3A_124, %and3A_136 : vector<800x128xi32>
    %add3A_138 = arith.addi %add3A_134, %and3A_137 : vector<800x128xi32>
    %shift_right_logical3A_139 = arith.constant 16 : i32
    %shift_right_logical3A_140 = vector.broadcast %shift_right_logical3A_139 : i32 to vector<800x128xi32>
    %shift_right_logical3A_141 = arith.shrui %mul3A_121, %shift_right_logical3A_140 : vector<800x128xi32>
    %add3A_142 = arith.addi %mul3A_127, %shift_right_logical3A_141 : vector<800x128xi32>
    %shift_right_logical3A_143 = arith.constant 16 : i32
    %shift_right_logical3A_144 = vector.broadcast %shift_right_logical3A_143 : i32 to vector<800x128xi32>
    %shift_right_logical3A_145 = arith.shrui %mul3A_124, %shift_right_logical3A_144 : vector<800x128xi32>
    %add3A_146 = arith.addi %add3A_142, %shift_right_logical3A_145 : vector<800x128xi32>
    %shift_right_logical3A_147 = arith.constant 16 : i32
    %shift_right_logical3A_148 = vector.broadcast %shift_right_logical3A_147 : i32 to vector<800x128xi32>
    %shift_right_logical3A_149 = arith.shrui %add3A_138, %shift_right_logical3A_148 : vector<800x128xi32>
    %add3A_150 = arith.addi %add3A_146, %shift_right_logical3A_149 : vector<800x128xi32>
    %shift_left3A_151 = arith.constant 16 : i32
    %shift_left3A_152 = vector.broadcast %shift_left3A_151 : i32 to vector<800x128xi32>
    %shift_left3A_153 = arith.shli %add3A_138, %shift_left3A_152 : vector<800x128xi32>
    %and3A_154 = arith.constant 65535 : i32
    %and3A_155 = vector.broadcast %and3A_154 : i32 to vector<800x128xi32>
    %and3A_156 = arith.andi %mul3A_118, %and3A_155 : vector<800x128xi32>
    %or3A_157 = arith.ori %shift_left3A_153, %and3A_156 : vector<800x128xi32>
    %mul3A_158 = arith.constant 1000003 : i32
    %mul3A_159 = vector.broadcast %mul3A_158 : i32 to vector<800x128xi32>
    %mul3A_160 = arith.muli %add3A_109, %mul3A_159 : vector<800x128xi32>
    %add3A_161 = arith.addi %add3A_150, %mul3A_160 : vector<800x128xi32>
    %add3A_162 = arith.addi %or3A_157, %bitcast_convert_type3A : vector<800x128xi32>
    %lt3A_163 = arith.cmpi ult, %add3A_162, %bitcast_convert_type3A : vector<800x128xi32>
    %convert_element_type3A_164 = arith.extui %lt3A_163 : vector<800x128xi1> to vector<800x128xi32>
    %add3A_165 = arith.addi %add3A_161, %convert_element_type3A_164 : vector<800x128xi32>
    %and3A_166 = arith.constant 65535 : i32
    %and3A_167 = vector.broadcast %and3A_166 : i32 to vector<800x128xi32>
    %and3A_168 = arith.andi %bitcast_convert_type3A_13, %and3A_167 : vector<800x128xi32>
    %shift_right_logical3A_169 = arith.constant 16 : i32
    %shift_right_logical3A_170 = vector.broadcast %shift_right_logical3A_169 : i32 to vector<800x128xi32>
    %shift_right_logical3A_171 = arith.shrui %bitcast_convert_type3A_13, %shift_right_logical3A_170 : vector<800x128xi32>
    %mul3A_172 = arith.constant 16963 : i32
    %mul3A_173 = vector.broadcast %mul3A_172 : i32 to vector<800x128xi32>
    %mul3A_174 = arith.muli %and3A_168, %mul3A_173 : vector<800x128xi32>
    %mul3A_175 = arith.constant 15 : i32
    %mul3A_176 = vector.broadcast %mul3A_175 : i32 to vector<800x128xi32>
    %mul3A_177 = arith.muli %and3A_168, %mul3A_176 : vector<800x128xi32>
    %mul3A_178 = arith.constant 16963 : i32
    %mul3A_179 = vector.broadcast %mul3A_178 : i32 to vector<800x128xi32>
    %mul3A_180 = arith.muli %shift_right_logical3A_171, %mul3A_179 : vector<800x128xi32>
    %mul3A_181 = arith.constant 15 : i32
    %mul3A_182 = vector.broadcast %mul3A_181 : i32 to vector<800x128xi32>
    %mul3A_183 = arith.muli %shift_right_logical3A_171, %mul3A_182 : vector<800x128xi32>
    %shift_right_logical3A_184 = arith.constant 16 : i32
    %shift_right_logical3A_185 = vector.broadcast %shift_right_logical3A_184 : i32 to vector<800x128xi32>
    %shift_right_logical3A_186 = arith.shrui %mul3A_174, %shift_right_logical3A_185 : vector<800x128xi32>
    %and3A_187 = arith.constant 65535 : i32
    %and3A_188 = vector.broadcast %and3A_187 : i32 to vector<800x128xi32>
    %and3A_189 = arith.andi %mul3A_177, %and3A_188 : vector<800x128xi32>
    %add3A_190 = arith.addi %shift_right_logical3A_186, %and3A_189 : vector<800x128xi32>
    %and3A_191 = arith.constant 65535 : i32
    %and3A_192 = vector.broadcast %and3A_191 : i32 to vector<800x128xi32>
    %and3A_193 = arith.andi %mul3A_180, %and3A_192 : vector<800x128xi32>
    %add3A_194 = arith.addi %add3A_190, %and3A_193 : vector<800x128xi32>
    %shift_right_logical3A_195 = arith.constant 16 : i32
    %shift_right_logical3A_196 = vector.broadcast %shift_right_logical3A_195 : i32 to vector<800x128xi32>
    %shift_right_logical3A_197 = arith.shrui %mul3A_177, %shift_right_logical3A_196 : vector<800x128xi32>
    %add3A_198 = arith.addi %mul3A_183, %shift_right_logical3A_197 : vector<800x128xi32>
    %shift_right_logical3A_199 = arith.constant 16 : i32
    %shift_right_logical3A_200 = vector.broadcast %shift_right_logical3A_199 : i32 to vector<800x128xi32>
    %shift_right_logical3A_201 = arith.shrui %mul3A_180, %shift_right_logical3A_200 : vector<800x128xi32>
    %add3A_202 = arith.addi %add3A_198, %shift_right_logical3A_201 : vector<800x128xi32>
    %shift_right_logical3A_203 = arith.constant 16 : i32
    %shift_right_logical3A_204 = vector.broadcast %shift_right_logical3A_203 : i32 to vector<800x128xi32>
    %shift_right_logical3A_205 = arith.shrui %add3A_194, %shift_right_logical3A_204 : vector<800x128xi32>
    %add3A_206 = arith.addi %add3A_202, %shift_right_logical3A_205 : vector<800x128xi32>
    %shift_left3A_207 = arith.constant 16 : i32
    %shift_left3A_208 = vector.broadcast %shift_left3A_207 : i32 to vector<800x128xi32>
    %shift_left3A_209 = arith.shli %add3A_194, %shift_left3A_208 : vector<800x128xi32>
    %and3A_210 = arith.constant 65535 : i32
    %and3A_211 = vector.broadcast %and3A_210 : i32 to vector<800x128xi32>
    %and3A_212 = arith.andi %mul3A_174, %and3A_211 : vector<800x128xi32>
    %or3A_213 = arith.ori %shift_left3A_209, %and3A_212 : vector<800x128xi32>
    %add3A_214 = arith.addi %or3A_213, %bitcast_convert_type3A_9 : vector<800x128xi32>
    %lt3A_215 = arith.cmpi ult, %add3A_214, %bitcast_convert_type3A_9 : vector<800x128xi32>
    %convert_element_type3A_216 = arith.extui %lt3A_215 : vector<800x128xi1> to vector<800x128xi32>
    %add3A_217 = arith.addi %add3A_206, %convert_element_type3A_216 : vector<800x128xi32>
    %and3A_218 = arith.constant 65535 : i32
    %and3A_219 = vector.broadcast %and3A_218 : i32 to vector<800x128xi32>
    %and3A_220 = arith.andi %add3A_214, %and3A_219 : vector<800x128xi32>
    %shift_right_logical3A_221 = arith.constant 16 : i32
    %shift_right_logical3A_222 = vector.broadcast %shift_right_logical3A_221 : i32 to vector<800x128xi32>
    %shift_right_logical3A_223 = arith.shrui %add3A_214, %shift_right_logical3A_222 : vector<800x128xi32>
    %mul3A_224 = arith.constant 16963 : i32
    %mul3A_225 = vector.broadcast %mul3A_224 : i32 to vector<800x128xi32>
    %mul3A_226 = arith.muli %and3A_220, %mul3A_225 : vector<800x128xi32>
    %mul3A_227 = arith.constant 15 : i32
    %mul3A_228 = vector.broadcast %mul3A_227 : i32 to vector<800x128xi32>
    %mul3A_229 = arith.muli %and3A_220, %mul3A_228 : vector<800x128xi32>
    %mul3A_230 = arith.constant 16963 : i32
    %mul3A_231 = vector.broadcast %mul3A_230 : i32 to vector<800x128xi32>
    %mul3A_232 = arith.muli %shift_right_logical3A_223, %mul3A_231 : vector<800x128xi32>
    %mul3A_233 = arith.constant 15 : i32
    %mul3A_234 = vector.broadcast %mul3A_233 : i32 to vector<800x128xi32>
    %mul3A_235 = arith.muli %shift_right_logical3A_223, %mul3A_234 : vector<800x128xi32>
    %shift_right_logical3A_236 = arith.constant 16 : i32
    %shift_right_logical3A_237 = vector.broadcast %shift_right_logical3A_236 : i32 to vector<800x128xi32>
    %shift_right_logical3A_238 = arith.shrui %mul3A_226, %shift_right_logical3A_237 : vector<800x128xi32>
    %and3A_239 = arith.constant 65535 : i32
    %and3A_240 = vector.broadcast %and3A_239 : i32 to vector<800x128xi32>
    %and3A_241 = arith.andi %mul3A_229, %and3A_240 : vector<800x128xi32>
    %add3A_242 = arith.addi %shift_right_logical3A_238, %and3A_241 : vector<800x128xi32>
    %and3A_243 = arith.constant 65535 : i32
    %and3A_244 = vector.broadcast %and3A_243 : i32 to vector<800x128xi32>
    %and3A_245 = arith.andi %mul3A_232, %and3A_244 : vector<800x128xi32>
    %add3A_246 = arith.addi %add3A_242, %and3A_245 : vector<800x128xi32>
    %shift_right_logical3A_247 = arith.constant 16 : i32
    %shift_right_logical3A_248 = vector.broadcast %shift_right_logical3A_247 : i32 to vector<800x128xi32>
    %shift_right_logical3A_249 = arith.shrui %mul3A_229, %shift_right_logical3A_248 : vector<800x128xi32>
    %add3A_250 = arith.addi %mul3A_235, %shift_right_logical3A_249 : vector<800x128xi32>
    %shift_right_logical3A_251 = arith.constant 16 : i32
    %shift_right_logical3A_252 = vector.broadcast %shift_right_logical3A_251 : i32 to vector<800x128xi32>
    %shift_right_logical3A_253 = arith.shrui %mul3A_232, %shift_right_logical3A_252 : vector<800x128xi32>
    %add3A_254 = arith.addi %add3A_250, %shift_right_logical3A_253 : vector<800x128xi32>
    %shift_right_logical3A_255 = arith.constant 16 : i32
    %shift_right_logical3A_256 = vector.broadcast %shift_right_logical3A_255 : i32 to vector<800x128xi32>
    %shift_right_logical3A_257 = arith.shrui %add3A_246, %shift_right_logical3A_256 : vector<800x128xi32>
    %add3A_258 = arith.addi %add3A_254, %shift_right_logical3A_257 : vector<800x128xi32>
    %shift_left3A_259 = arith.constant 16 : i32
    %shift_left3A_260 = vector.broadcast %shift_left3A_259 : i32 to vector<800x128xi32>
    %shift_left3A_261 = arith.shli %add3A_246, %shift_left3A_260 : vector<800x128xi32>
    %and3A_262 = arith.constant 65535 : i32
    %and3A_263 = vector.broadcast %and3A_262 : i32 to vector<800x128xi32>
    %and3A_264 = arith.andi %mul3A_226, %and3A_263 : vector<800x128xi32>
    %or3A_265 = arith.ori %shift_left3A_261, %and3A_264 : vector<800x128xi32>
    %mul3A_266 = arith.constant 1000003 : i32
    %mul3A_267 = vector.broadcast %mul3A_266 : i32 to vector<800x128xi32>
    %mul3A_268 = arith.muli %add3A_217, %mul3A_267 : vector<800x128xi32>
    %add3A_269 = arith.addi %add3A_258, %mul3A_268 : vector<800x128xi32>
    %add3A_270 = arith.addi %or3A_265, %bitcast_convert_type3A_5 : vector<800x128xi32>
    %lt3A_271 = arith.cmpi ult, %add3A_270, %bitcast_convert_type3A_5 : vector<800x128xi32>
    %convert_element_type3A_272 = arith.extui %lt3A_271 : vector<800x128xi1> to vector<800x128xi32>
    %add3A_273 = arith.addi %add3A_269, %convert_element_type3A_272 : vector<800x128xi32>
    %and3A_274 = arith.constant 65535 : i32
    %and3A_275 = vector.broadcast %and3A_274 : i32 to vector<800x128xi32>
    %and3A_276 = arith.andi %add3A_270, %and3A_275 : vector<800x128xi32>
    %shift_right_logical3A_277 = arith.constant 16 : i32
    %shift_right_logical3A_278 = vector.broadcast %shift_right_logical3A_277 : i32 to vector<800x128xi32>
    %shift_right_logical3A_279 = arith.shrui %add3A_270, %shift_right_logical3A_278 : vector<800x128xi32>
    %mul3A_280 = arith.constant 16963 : i32
    %mul3A_281 = vector.broadcast %mul3A_280 : i32 to vector<800x128xi32>
    %mul3A_282 = arith.muli %and3A_276, %mul3A_281 : vector<800x128xi32>
    %mul3A_283 = arith.constant 15 : i32
    %mul3A_284 = vector.broadcast %mul3A_283 : i32 to vector<800x128xi32>
    %mul3A_285 = arith.muli %and3A_276, %mul3A_284 : vector<800x128xi32>
    %mul3A_286 = arith.constant 16963 : i32
    %mul3A_287 = vector.broadcast %mul3A_286 : i32 to vector<800x128xi32>
    %mul3A_288 = arith.muli %shift_right_logical3A_279, %mul3A_287 : vector<800x128xi32>
    %mul3A_289 = arith.constant 15 : i32
    %mul3A_290 = vector.broadcast %mul3A_289 : i32 to vector<800x128xi32>
    %mul3A_291 = arith.muli %shift_right_logical3A_279, %mul3A_290 : vector<800x128xi32>
    %shift_right_logical3A_292 = arith.constant 16 : i32
    %shift_right_logical3A_293 = vector.broadcast %shift_right_logical3A_292 : i32 to vector<800x128xi32>
    %shift_right_logical3A_294 = arith.shrui %mul3A_282, %shift_right_logical3A_293 : vector<800x128xi32>
    %and3A_295 = arith.constant 65535 : i32
    %and3A_296 = vector.broadcast %and3A_295 : i32 to vector<800x128xi32>
    %and3A_297 = arith.andi %mul3A_285, %and3A_296 : vector<800x128xi32>
    %add3A_298 = arith.addi %shift_right_logical3A_294, %and3A_297 : vector<800x128xi32>
    %and3A_299 = arith.constant 65535 : i32
    %and3A_300 = vector.broadcast %and3A_299 : i32 to vector<800x128xi32>
    %and3A_301 = arith.andi %mul3A_288, %and3A_300 : vector<800x128xi32>
    %add3A_302 = arith.addi %add3A_298, %and3A_301 : vector<800x128xi32>
    %shift_right_logical3A_303 = arith.constant 16 : i32
    %shift_right_logical3A_304 = vector.broadcast %shift_right_logical3A_303 : i32 to vector<800x128xi32>
    %shift_right_logical3A_305 = arith.shrui %mul3A_285, %shift_right_logical3A_304 : vector<800x128xi32>
    %add3A_306 = arith.addi %mul3A_291, %shift_right_logical3A_305 : vector<800x128xi32>
    %shift_right_logical3A_307 = arith.constant 16 : i32
    %shift_right_logical3A_308 = vector.broadcast %shift_right_logical3A_307 : i32 to vector<800x128xi32>
    %shift_right_logical3A_309 = arith.shrui %mul3A_288, %shift_right_logical3A_308 : vector<800x128xi32>
    %add3A_310 = arith.addi %add3A_306, %shift_right_logical3A_309 : vector<800x128xi32>
    %shift_right_logical3A_311 = arith.constant 16 : i32
    %shift_right_logical3A_312 = vector.broadcast %shift_right_logical3A_311 : i32 to vector<800x128xi32>
    %shift_right_logical3A_313 = arith.shrui %add3A_302, %shift_right_logical3A_312 : vector<800x128xi32>
    %add3A_314 = arith.addi %add3A_310, %shift_right_logical3A_313 : vector<800x128xi32>
    %shift_left3A_315 = arith.constant 16 : i32
    %shift_left3A_316 = vector.broadcast %shift_left3A_315 : i32 to vector<800x128xi32>
    %shift_left3A_317 = arith.shli %add3A_302, %shift_left3A_316 : vector<800x128xi32>
    %and3A_318 = arith.constant 65535 : i32
    %and3A_319 = vector.broadcast %and3A_318 : i32 to vector<800x128xi32>
    %and3A_320 = arith.andi %mul3A_282, %and3A_319 : vector<800x128xi32>
    %or3A_321 = arith.ori %shift_left3A_317, %and3A_320 : vector<800x128xi32>
    %mul3A_322 = arith.constant 1000003 : i32
    %mul3A_323 = vector.broadcast %mul3A_322 : i32 to vector<800x128xi32>
    %mul3A_324 = arith.muli %add3A_273, %mul3A_323 : vector<800x128xi32>
    %add3A_325 = arith.addi %add3A_314, %mul3A_324 : vector<800x128xi32>
    %add3A_326 = arith.addi %or3A_321, %bitcast_convert_type3A : vector<800x128xi32>
    %lt3A_327 = arith.cmpi ult, %add3A_326, %bitcast_convert_type3A : vector<800x128xi32>
    %convert_element_type3A_328 = arith.extui %lt3A_327 : vector<800x128xi1> to vector<800x128xi32>
    %add3A_329 = arith.addi %add3A_325, %convert_element_type3A_328 : vector<800x128xi32>
    %and3A_330 = arith.constant 536870911 : i32
    %and3A_331 = vector.broadcast %and3A_330 : i32 to vector<800x128xi32>
    %and3A_332 = arith.andi %add3A_329, %and3A_331 : vector<800x128xi32>
    %shift_right_logical3A_333 = arith.constant 29 : i32
    %shift_right_logical3A_334 = vector.broadcast %shift_right_logical3A_333 : i32 to vector<800x128xi32>
    %shift_right_logical3A_335 = arith.shrui %add3A_329, %shift_right_logical3A_334 : vector<800x128xi32>
    %add3A_336 = arith.addi %add3A_326, %shift_right_logical3A_335 : vector<800x128xi32>
    %lt3A_337 = arith.cmpi ult, %add3A_336, %shift_right_logical3A_335 : vector<800x128xi32>
    %convert_element_type3A_338 = arith.extui %lt3A_337 : vector<800x128xi1> to vector<800x128xi32>
    %add3A_339 = arith.addi %and3A_332, %convert_element_type3A_338 : vector<800x128xi32>
    %eq3A = arith.constant 536870912 : i32
    %eq3A_340 = vector.broadcast %eq3A : i32 to vector<800x128xi32>
    %eq3A_341 = arith.cmpi eq, %add3A_339, %eq3A_340 : vector<800x128xi32>
    %eq3A_342 = arith.constant 536870911 : i32
    %eq3A_343 = vector.broadcast %eq3A_342 : i32 to vector<800x128xi32>
    %eq3A_344 = arith.cmpi eq, %add3A_339, %eq3A_343 : vector<800x128xi32>
    %eq3A_345 = arith.constant -1 : i32
    %eq3A_346 = vector.broadcast %eq3A_345 : i32 to vector<800x128xi32>
    %eq3A_347 = arith.cmpi eq, %add3A_336, %eq3A_346 : vector<800x128xi32>
    %and3A_348 = arith.andi %eq3A_344, %eq3A_347 : vector<800x128xi1>
    %or3A_349 = arith.ori %eq3A_341, %and3A_348 : vector<800x128xi1>
    %add3A_350 = arith.constant 1 : i32
    %add3A_351 = vector.broadcast %add3A_350 : i32 to vector<800x128xi32>
    %add3A_352 = arith.addi %add3A_336, %add3A_351 : vector<800x128xi32>
    %lt3A_353 = arith.constant 1 : i32
    %lt3A_354 = vector.broadcast %lt3A_353 : i32 to vector<800x128xi32>
    %lt3A_355 = arith.cmpi ult, %add3A_352, %lt3A_354 : vector<800x128xi32>
    %convert_element_type3A_356 = arith.extui %lt3A_355 : vector<800x128xi1> to vector<800x128xi32>
    %add3A_357 = arith.addi %add3A_339, %convert_element_type3A_356 : vector<800x128xi32>
    %sub3A = arith.constant 536870912 : i32
    %sub3A_358 = vector.broadcast %sub3A : i32 to vector<800x128xi32>
    %sub3A_359 = arith.subi %add3A_357, %sub3A_358 : vector<800x128xi32>
    %select_n3A = arith.select %or3A_349, %sub3A_359, %add3A_339 : vector<800x128xi1>, vector<800x128xi32>
    %select_n3A_360 = arith.select %or3A_349, %add3A_352, %add3A_336 : vector<800x128xi1>, vector<800x128xi32>
    %shift_right_logical3A_361 = arith.constant 31 : i32
    %shift_right_logical3A_362 = vector.broadcast %shift_right_logical3A_361 : i32 to vector<800x128xi32>
    %shift_right_logical3A_363 = arith.shrui %add3A_329, %shift_right_logical3A_362 : vector<800x128xi32>
    %eq3A_364 = arith.constant 1 : i32
    %eq3A_365 = vector.broadcast %eq3A_364 : i32 to vector<800x128xi32>
    %eq3A_366 = arith.cmpi eq, %shift_right_logical3A_363, %eq3A_365 : vector<800x128xi32>
    %shift_right_logical3A_367 = arith.constant 3 : i32
    %shift_right_logical3A_368 = vector.broadcast %shift_right_logical3A_367 : i32 to vector<800x128xi32>
    %shift_right_logical3A_369 = arith.shrui %select_n3A_360, %shift_right_logical3A_368 : vector<800x128xi32>
    %eq3A_370 = arith.constant 0 : i32
    %eq3A_371 = vector.broadcast %eq3A_370 : i32 to vector<800x128xi32>
    %eq3A_372 = arith.cmpi eq, %shift_right_logical3A_369, %eq3A_371 : vector<800x128xi32>
    %eq3A_373 = arith.constant 0 : i32
    %eq3A_374 = vector.broadcast %eq3A_373 : i32 to vector<800x128xi32>
    %eq3A_375 = arith.cmpi eq, %select_n3A, %eq3A_374 : vector<800x128xi32>
    %and3A_376 = arith.andi %eq3A_375, %eq3A_372 : vector<800x128xi1>
    %add3A_377 = arith.constant -9 : i32
    %add3A_378 = vector.broadcast %add3A_377 : i32 to vector<800x128xi32>
    %add3A_379 = arith.addi %select_n3A_360, %add3A_378 : vector<800x128xi32>
    %sub3A_380 = arith.constant 8 : i32
    %sub3A_381 = vector.broadcast %sub3A_380 : i32 to vector<800x128xi32>
    %sub3A_382 = arith.subi %select_n3A_360, %sub3A_381 : vector<800x128xi32>
    %select_n3A_383 = arith.select %and3A_376, %add3A_379, %sub3A_382 : vector<800x128xi1>, vector<800x128xi32>
    %convert_element_type3A_384 = arith.extui %eq3A_372 : vector<800x128xi1> to vector<800x128xi32>
    %sub3A_385 = arith.subi %select_n3A, %convert_element_type3A_384 : vector<800x128xi32>
    %jit3A = arith.constant 536870911 : i32
    %broadcast_in_dim3A = vector.broadcast %jit3A : i32 to vector<800x128xi32>
    %select_n3A_386 = arith.select %and3A_376, %broadcast_in_dim3A, %sub3A_385 : vector<800x128xi1>, vector<800x128xi32>
    %select_n3A_387 = arith.select %eq3A_366, %select_n3A_386, %select_n3A : vector<800x128xi1>, vector<800x128xi32>
    %select_n3A_388 = arith.select %eq3A_366, %select_n3A_383, %select_n3A_360 : vector<800x128xi1>, vector<800x128xi32>
    %mul3A_389 = arith.constant 95508 : i32
    %mul3A_390 = vector.broadcast %mul3A_389 : i32 to vector<800x128xi32>
    %mul3A_391 = arith.muli %add3A_57, %mul3A_390 : vector<800x128xi32>
    %add3A_392 = arith.addi %mul3A_391, %add3A_56 : vector<800x128xi32>
    %lt3A_393 = arith.cmpi ult, %add3A_392, %mul3A_391 : vector<800x128xi32>
    %convert_element_type3A_394 = arith.extui %lt3A_393 : vector<800x128xi1> to vector<800x128xi32>
    %and3A_395 = arith.constant 65535 : i32
    %and3A_396 = vector.broadcast %and3A_395 : i32 to vector<800x128xi32>
    %and3A_397 = arith.andi %add3A_392, %and3A_396 : vector<800x128xi32>
    %shift_right_logical3A_398 = arith.constant 16 : i32
    %shift_right_logical3A_399 = vector.broadcast %shift_right_logical3A_398 : i32 to vector<800x128xi32>
    %shift_right_logical3A_400 = arith.shrui %add3A_392, %shift_right_logical3A_399 : vector<800x128xi32>
    %mul3A_401 = arith.constant 62590 : i32
    %mul3A_402 = vector.broadcast %mul3A_401 : i32 to vector<800x128xi32>
    %mul3A_403 = arith.muli %and3A_397, %mul3A_402 : vector<800x128xi32>
    %mul3A_404 = arith.constant 42947 : i32
    %mul3A_405 = vector.broadcast %mul3A_404 : i32 to vector<800x128xi32>
    %mul3A_406 = arith.muli %and3A_397, %mul3A_405 : vector<800x128xi32>
    %mul3A_407 = arith.constant 62590 : i32
    %mul3A_408 = vector.broadcast %mul3A_407 : i32 to vector<800x128xi32>
    %mul3A_409 = arith.muli %shift_right_logical3A_400, %mul3A_408 : vector<800x128xi32>
    %mul3A_410 = arith.constant 42947 : i32
    %mul3A_411 = vector.broadcast %mul3A_410 : i32 to vector<800x128xi32>
    %mul3A_412 = arith.muli %shift_right_logical3A_400, %mul3A_411 : vector<800x128xi32>
    %shift_right_logical3A_413 = arith.constant 16 : i32
    %shift_right_logical3A_414 = vector.broadcast %shift_right_logical3A_413 : i32 to vector<800x128xi32>
    %shift_right_logical3A_415 = arith.shrui %mul3A_403, %shift_right_logical3A_414 : vector<800x128xi32>
    %and3A_416 = arith.constant 65535 : i32
    %and3A_417 = vector.broadcast %and3A_416 : i32 to vector<800x128xi32>
    %and3A_418 = arith.andi %mul3A_406, %and3A_417 : vector<800x128xi32>
    %add3A_419 = arith.addi %shift_right_logical3A_415, %and3A_418 : vector<800x128xi32>
    %and3A_420 = arith.constant 65535 : i32
    %and3A_421 = vector.broadcast %and3A_420 : i32 to vector<800x128xi32>
    %and3A_422 = arith.andi %mul3A_409, %and3A_421 : vector<800x128xi32>
    %add3A_423 = arith.addi %add3A_419, %and3A_422 : vector<800x128xi32>
    %shift_right_logical3A_424 = arith.constant 16 : i32
    %shift_right_logical3A_425 = vector.broadcast %shift_right_logical3A_424 : i32 to vector<800x128xi32>
    %shift_right_logical3A_426 = arith.shrui %mul3A_406, %shift_right_logical3A_425 : vector<800x128xi32>
    %add3A_427 = arith.addi %mul3A_412, %shift_right_logical3A_426 : vector<800x128xi32>
    %shift_right_logical3A_428 = arith.constant 16 : i32
    %shift_right_logical3A_429 = vector.broadcast %shift_right_logical3A_428 : i32 to vector<800x128xi32>
    %shift_right_logical3A_430 = arith.shrui %mul3A_409, %shift_right_logical3A_429 : vector<800x128xi32>
    %add3A_431 = arith.addi %add3A_427, %shift_right_logical3A_430 : vector<800x128xi32>
    %shift_right_logical3A_432 = arith.constant 16 : i32
    %shift_right_logical3A_433 = vector.broadcast %shift_right_logical3A_432 : i32 to vector<800x128xi32>
    %shift_right_logical3A_434 = arith.shrui %add3A_423, %shift_right_logical3A_433 : vector<800x128xi32>
    %add3A_435 = arith.addi %add3A_431, %shift_right_logical3A_434 : vector<800x128xi32>
    %shift_right_logical3A_436 = arith.constant 16 : i32
    %shift_right_logical3A_437 = vector.broadcast %shift_right_logical3A_436 : i32 to vector<800x128xi32>
    %shift_right_logical3A_438 = arith.shrui %add3A_435, %shift_right_logical3A_437 : vector<800x128xi32>
    %mul3A_439 = arith.constant 100004 : i32
    %mul3A_440 = vector.broadcast %mul3A_439 : i32 to vector<800x128xi32>
    %mul3A_441 = arith.muli %shift_right_logical3A_438, %mul3A_440 : vector<800x128xi32>
    %sub3A_442 = arith.subi %add3A_392, %mul3A_441 : vector<800x128xi32>
    %mul3A_443 = arith.constant 95508 : i32
    %mul3A_444 = vector.broadcast %mul3A_443 : i32 to vector<800x128xi32>
    %mul3A_445 = arith.muli %convert_element_type3A_394, %mul3A_444 : vector<800x128xi32>
    %add3A_446 = arith.addi %sub3A_442, %mul3A_445 : vector<800x128xi32>
    %sub3A_447 = arith.constant 100004 : i32
    %sub3A_448 = vector.broadcast %sub3A_447 : i32 to vector<800x128xi32>
    %sub3A_449 = arith.subi %add3A_446, %sub3A_448 : vector<800x128xi32>
    %shift_right_logical3A_450 = arith.constant 31 : i32
    %shift_right_logical3A_451 = vector.broadcast %shift_right_logical3A_450 : i32 to vector<800x128xi32>
    %shift_right_logical3A_452 = arith.shrui %sub3A_449, %shift_right_logical3A_451 : vector<800x128xi32>
    %eq3A_453 = arith.constant 0 : i32
    %eq3A_454 = vector.broadcast %eq3A_453 : i32 to vector<800x128xi32>
    %eq3A_455 = arith.cmpi eq, %shift_right_logical3A_452, %eq3A_454 : vector<800x128xi32>
    %select_n3A_456 = arith.select %eq3A_455, %sub3A_449, %add3A_446 : vector<800x128xi1>, vector<800x128xi32>
    %bitcast_convert_type3A_457 = tpu.bitcast %select_n3A_456 : vector<800x128xi32> -> vector<800x128xi32>
    %swap3A = arith.constant 0 : index
    %swap3A_458 = arith.constant 0 : index
    %swap3A_459 = vector.load %arg5[%swap3A, %swap3A_458] : memref<800x128xi32, #tpu.memory_space<vmem>>, vector<800x128xi32>
    tpu.vector_store %arg5[%swap3A, %swap3A_458], %bitcast_convert_type3A_457 {strides = array<i32>} : memref<800x128xi32, #tpu.memory_space<vmem>>, vector<800x128xi32>,
    %and3A_460 = arith.constant 65535 : i32
    %and3A_461 = vector.broadcast %and3A_460 : i32 to vector<800x128xi32>
    %and3A_462 = arith.andi %add3A_165, %and3A_461 : vector<800x128xi32>
    %shift_right_logical3A_463 = arith.constant 16 : i32
    %shift_right_logical3A_464 = vector.broadcast %shift_right_logical3A_463 : i32 to vector<800x128xi32>
    %shift_right_logical3A_465 = arith.shrui %add3A_165, %shift_right_logical3A_464 : vector<800x128xi32>
    %mul3A_466 = arith.constant 29972 : i32
    %mul3A_467 = vector.broadcast %mul3A_466 : i32 to vector<800x128xi32>
    %mul3A_468 = arith.muli %and3A_462, %mul3A_467 : vector<800x128xi32>
    %mul3A_469 = arith.constant 1 : i32
    %mul3A_470 = vector.broadcast %mul3A_469 : i32 to vector<800x128xi32>
    %mul3A_471 = arith.muli %and3A_462, %mul3A_470 : vector<800x128xi32>
    %mul3A_472 = arith.constant 29972 : i32
    %mul3A_473 = vector.broadcast %mul3A_472 : i32 to vector<800x128xi32>
    %mul3A_474 = arith.muli %shift_right_logical3A_465, %mul3A_473 : vector<800x128xi32>
    %mul3A_475 = arith.constant 1 : i32
    %mul3A_476 = vector.broadcast %mul3A_475 : i32 to vector<800x128xi32>
    %mul3A_477 = arith.muli %shift_right_logical3A_465, %mul3A_476 : vector<800x128xi32>
    %shift_right_logical3A_478 = arith.constant 16 : i32
    %shift_right_logical3A_479 = vector.broadcast %shift_right_logical3A_478 : i32 to vector<800x128xi32>
    %shift_right_logical3A_480 = arith.shrui %mul3A_468, %shift_right_logical3A_479 : vector<800x128xi32>
    %and3A_481 = arith.constant 65535 : i32
    %and3A_482 = vector.broadcast %and3A_481 : i32 to vector<800x128xi32>
    %and3A_483 = arith.andi %mul3A_471, %and3A_482 : vector<800x128xi32>
    %add3A_484 = arith.addi %shift_right_logical3A_480, %and3A_483 : vector<800x128xi32>
    %and3A_485 = arith.constant 65535 : i32
    %and3A_486 = vector.broadcast %and3A_485 : i32 to vector<800x128xi32>
    %and3A_487 = arith.andi %mul3A_474, %and3A_486 : vector<800x128xi32>
    %add3A_488 = arith.addi %add3A_484, %and3A_487 : vector<800x128xi32>
    %shift_right_logical3A_489 = arith.constant 16 : i32
    %shift_right_logical3A_490 = vector.broadcast %shift_right_logical3A_489 : i32 to vector<800x128xi32>
    %shift_right_logical3A_491 = arith.shrui %mul3A_471, %shift_right_logical3A_490 : vector<800x128xi32>
    %add3A_492 = arith.addi %mul3A_477, %shift_right_logical3A_491 : vector<800x128xi32>
    %shift_right_logical3A_493 = arith.constant 16 : i32
    %shift_right_logical3A_494 = vector.broadcast %shift_right_logical3A_493 : i32 to vector<800x128xi32>
    %shift_right_logical3A_495 = arith.shrui %mul3A_474, %shift_right_logical3A_494 : vector<800x128xi32>
    %add3A_496 = arith.addi %add3A_492, %shift_right_logical3A_495 : vector<800x128xi32>
    %shift_right_logical3A_497 = arith.constant 16 : i32
    %shift_right_logical3A_498 = vector.broadcast %shift_right_logical3A_497 : i32 to vector<800x128xi32>
    %shift_right_logical3A_499 = arith.shrui %add3A_488, %shift_right_logical3A_498 : vector<800x128xi32>
    %add3A_500 = arith.addi %add3A_496, %shift_right_logical3A_499 : vector<800x128xi32>
    %shift_left3A_501 = arith.constant 16 : i32
    %shift_left3A_502 = vector.broadcast %shift_left3A_501 : i32 to vector<800x128xi32>
    %shift_left3A_503 = arith.shli %add3A_488, %shift_left3A_502 : vector<800x128xi32>
    %and3A_504 = arith.constant 65535 : i32
    %and3A_505 = vector.broadcast %and3A_504 : i32 to vector<800x128xi32>
    %and3A_506 = arith.andi %mul3A_468, %and3A_505 : vector<800x128xi32>
    %or3A_507 = arith.ori %shift_left3A_503, %and3A_506 : vector<800x128xi32>
    %mul3A_508 = arith.constant 95508 : i32
    %mul3A_509 = vector.broadcast %mul3A_508 : i32 to vector<800x128xi32>
    %mul3A_510 = arith.muli %add3A_500, %mul3A_509 : vector<800x128xi32>
    %add3A_511 = arith.addi %mul3A_510, %or3A_507 : vector<800x128xi32>
    %lt3A_512 = arith.cmpi ult, %add3A_511, %mul3A_510 : vector<800x128xi32>
    %convert_element_type3A_513 = arith.extui %lt3A_512 : vector<800x128xi1> to vector<800x128xi32>
    %add3A_514 = arith.addi %add3A_511, %add3A_162 : vector<800x128xi32>
    %lt3A_515 = arith.cmpi ult, %add3A_514, %add3A_162 : vector<800x128xi32>
    %convert_element_type3A_516 = arith.extui %lt3A_515 : vector<800x128xi1> to vector<800x128xi32>
    %and3A_517 = arith.constant 65535 : i32
    %and3A_518 = vector.broadcast %and3A_517 : i32 to vector<800x128xi32>
    %and3A_519 = arith.andi %add3A_514, %and3A_518 : vector<800x128xi32>
    %shift_right_logical3A_520 = arith.constant 16 : i32
    %shift_right_logical3A_521 = vector.broadcast %shift_right_logical3A_520 : i32 to vector<800x128xi32>
    %shift_right_logical3A_522 = arith.shrui %add3A_514, %shift_right_logical3A_521 : vector<800x128xi32>
    %mul3A_523 = arith.constant 62590 : i32
    %mul3A_524 = vector.broadcast %mul3A_523 : i32 to vector<800x128xi32>
    %mul3A_525 = arith.muli %and3A_519, %mul3A_524 : vector<800x128xi32>
    %mul3A_526 = arith.constant 42947 : i32
    %mul3A_527 = vector.broadcast %mul3A_526 : i32 to vector<800x128xi32>
    %mul3A_528 = arith.muli %and3A_519, %mul3A_527 : vector<800x128xi32>
    %mul3A_529 = arith.constant 62590 : i32
    %mul3A_530 = vector.broadcast %mul3A_529 : i32 to vector<800x128xi32>
    %mul3A_531 = arith.muli %shift_right_logical3A_522, %mul3A_530 : vector<800x128xi32>
    %mul3A_532 = arith.constant 42947 : i32
    %mul3A_533 = vector.broadcast %mul3A_532 : i32 to vector<800x128xi32>
    %mul3A_534 = arith.muli %shift_right_logical3A_522, %mul3A_533 : vector<800x128xi32>
    %shift_right_logical3A_535 = arith.constant 16 : i32
    %shift_right_logical3A_536 = vector.broadcast %shift_right_logical3A_535 : i32 to vector<800x128xi32>
    %shift_right_logical3A_537 = arith.shrui %mul3A_525, %shift_right_logical3A_536 : vector<800x128xi32>
    %and3A_538 = arith.constant 65535 : i32
    %and3A_539 = vector.broadcast %and3A_538 : i32 to vector<800x128xi32>
    %and3A_540 = arith.andi %mul3A_528, %and3A_539 : vector<800x128xi32>
    %add3A_541 = arith.addi %shift_right_logical3A_537, %and3A_540 : vector<800x128xi32>
    %and3A_542 = arith.constant 65535 : i32
    %and3A_543 = vector.broadcast %and3A_542 : i32 to vector<800x128xi32>
    %and3A_544 = arith.andi %mul3A_531, %and3A_543 : vector<800x128xi32>
    %add3A_545 = arith.addi %add3A_541, %and3A_544 : vector<800x128xi32>
    %shift_right_logical3A_546 = arith.constant 16 : i32
    %shift_right_logical3A_547 = vector.broadcast %shift_right_logical3A_546 : i32 to vector<800x128xi32>
    %shift_right_logical3A_548 = arith.shrui %mul3A_528, %shift_right_logical3A_547 : vector<800x128xi32>
    %add3A_549 = arith.addi %mul3A_534, %shift_right_logical3A_548 : vector<800x128xi32>
    %shift_right_logical3A_550 = arith.constant 16 : i32
    %shift_right_logical3A_551 = vector.broadcast %shift_right_logical3A_550 : i32 to vector<800x128xi32>
    %shift_right_logical3A_552 = arith.shrui %mul3A_531, %shift_right_logical3A_551 : vector<800x128xi32>
    %add3A_553 = arith.addi %add3A_549, %shift_right_logical3A_552 : vector<800x128xi32>
    %shift_right_logical3A_554 = arith.constant 16 : i32
    %shift_right_logical3A_555 = vector.broadcast %shift_right_logical3A_554 : i32 to vector<800x128xi32>
    %shift_right_logical3A_556 = arith.shrui %add3A_545, %shift_right_logical3A_555 : vector<800x128xi32>
    %add3A_557 = arith.addi %add3A_553, %shift_right_logical3A_556 : vector<800x128xi32>
    %shift_right_logical3A_558 = arith.constant 16 : i32
    %shift_right_logical3A_559 = vector.broadcast %shift_right_logical3A_558 : i32 to vector<800x128xi32>
    %shift_right_logical3A_560 = arith.shrui %add3A_557, %shift_right_logical3A_559 : vector<800x128xi32>
    %mul3A_561 = arith.constant 100004 : i32
    %mul3A_562 = vector.broadcast %mul3A_561 : i32 to vector<800x128xi32>
    %mul3A_563 = arith.muli %shift_right_logical3A_560, %mul3A_562 : vector<800x128xi32>
    %sub3A_564 = arith.subi %add3A_514, %mul3A_563 : vector<800x128xi32>
    %add3A_565 = arith.addi %convert_element_type3A_513, %convert_element_type3A_516 : vector<800x128xi32>
    %mul3A_566 = arith.constant 95508 : i32
    %mul3A_567 = vector.broadcast %mul3A_566 : i32 to vector<800x128xi32>
    %mul3A_568 = arith.muli %add3A_565, %mul3A_567 : vector<800x128xi32>
    %add3A_569 = arith.addi %sub3A_564, %mul3A_568 : vector<800x128xi32>
    %sub3A_570 = arith.constant 200008 : i32
    %sub3A_571 = vector.broadcast %sub3A_570 : i32 to vector<800x128xi32>
    %sub3A_572 = arith.subi %add3A_569, %sub3A_571 : vector<800x128xi32>
    %shift_right_logical3A_573 = arith.constant 31 : i32
    %shift_right_logical3A_574 = vector.broadcast %shift_right_logical3A_573 : i32 to vector<800x128xi32>
    %shift_right_logical3A_575 = arith.shrui %sub3A_572, %shift_right_logical3A_574 : vector<800x128xi32>
    %eq3A_576 = arith.constant 0 : i32
    %eq3A_577 = vector.broadcast %eq3A_576 : i32 to vector<800x128xi32>
    %eq3A_578 = arith.cmpi eq, %shift_right_logical3A_575, %eq3A_577 : vector<800x128xi32>
    %select_n3A_579 = arith.select %eq3A_578, %sub3A_572, %add3A_569 : vector<800x128xi1>, vector<800x128xi32>
    %sub3A_580 = arith.constant 100004 : i32
    %sub3A_581 = vector.broadcast %sub3A_580 : i32 to vector<800x128xi32>
    %sub3A_582 = arith.subi %select_n3A_579, %sub3A_581 : vector<800x128xi32>
    %shift_right_logical3A_583 = arith.constant 31 : i32
    %shift_right_logical3A_584 = vector.broadcast %shift_right_logical3A_583 : i32 to vector<800x128xi32>
    %shift_right_logical3A_585 = arith.shrui %sub3A_582, %shift_right_logical3A_584 : vector<800x128xi32>
    %eq3A_586 = arith.constant 0 : i32
    %eq3A_587 = vector.broadcast %eq3A_586 : i32 to vector<800x128xi32>
    %eq3A_588 = arith.cmpi eq, %shift_right_logical3A_585, %eq3A_587 : vector<800x128xi32>
    %select_n3A_589 = arith.select %eq3A_588, %sub3A_582, %select_n3A_579 : vector<800x128xi1>, vector<800x128xi32>
    %bitcast_convert_type3A_590 = tpu.bitcast %select_n3A_589 : vector<800x128xi32> -> vector<800x128xi32>
    %swap3A_591 = arith.constant 0 : index
    %swap3A_592 = arith.constant 0 : index
    %swap3A_593 = vector.load %arg6[%swap3A_591, %swap3A_592] : memref<800x128xi32, #tpu.memory_space<vmem>>, vector<800x128xi32>
    tpu.vector_store %arg6[%swap3A_591, %swap3A_592], %bitcast_convert_type3A_590 {strides = array<i32>} : memref<800x128xi32, #tpu.memory_space<vmem>>, vector<800x128xi32>,
    %and3A_594 = arith.constant 65535 : i32
    %and3A_595 = vector.broadcast %and3A_594 : i32 to vector<800x128xi32>
    %and3A_596 = arith.andi %select_n3A_387, %and3A_595 : vector<800x128xi32>
    %shift_right_logical3A_597 = arith.constant 16 : i32
    %shift_right_logical3A_598 = vector.broadcast %shift_right_logical3A_597 : i32 to vector<800x128xi32>
    %shift_right_logical3A_599 = arith.shrui %select_n3A_387, %shift_right_logical3A_598 : vector<800x128xi32>
    %mul3A_600 = arith.constant 29972 : i32
    %mul3A_601 = vector.broadcast %mul3A_600 : i32 to vector<800x128xi32>
    %mul3A_602 = arith.muli %and3A_596, %mul3A_601 : vector<800x128xi32>
    %mul3A_603 = arith.constant 1 : i32
    %mul3A_604 = vector.broadcast %mul3A_603 : i32 to vector<800x128xi32>
    %mul3A_605 = arith.muli %and3A_596, %mul3A_604 : vector<800x128xi32>
    %mul3A_606 = arith.constant 29972 : i32
    %mul3A_607 = vector.broadcast %mul3A_606 : i32 to vector<800x128xi32>
    %mul3A_608 = arith.muli %shift_right_logical3A_599, %mul3A_607 : vector<800x128xi32>
    %mul3A_609 = arith.constant 1 : i32
    %mul3A_610 = vector.broadcast %mul3A_609 : i32 to vector<800x128xi32>
    %mul3A_611 = arith.muli %shift_right_logical3A_599, %mul3A_610 : vector<800x128xi32>
    %shift_right_logical3A_612 = arith.constant 16 : i32
    %shift_right_logical3A_613 = vector.broadcast %shift_right_logical3A_612 : i32 to vector<800x128xi32>
    %shift_right_logical3A_614 = arith.shrui %mul3A_602, %shift_right_logical3A_613 : vector<800x128xi32>
    %and3A_615 = arith.constant 65535 : i32
    %and3A_616 = vector.broadcast %and3A_615 : i32 to vector<800x128xi32>
    %and3A_617 = arith.andi %mul3A_605, %and3A_616 : vector<800x128xi32>
    %add3A_618 = arith.addi %shift_right_logical3A_614, %and3A_617 : vector<800x128xi32>
    %and3A_619 = arith.constant 65535 : i32
    %and3A_620 = vector.broadcast %and3A_619 : i32 to vector<800x128xi32>
    %and3A_621 = arith.andi %mul3A_608, %and3A_620 : vector<800x128xi32>
    %add3A_622 = arith.addi %add3A_618, %and3A_621 : vector<800x128xi32>
    %shift_right_logical3A_623 = arith.constant 16 : i32
    %shift_right_logical3A_624 = vector.broadcast %shift_right_logical3A_623 : i32 to vector<800x128xi32>
    %shift_right_logical3A_625 = arith.shrui %mul3A_605, %shift_right_logical3A_624 : vector<800x128xi32>
    %add3A_626 = arith.addi %mul3A_611, %shift_right_logical3A_625 : vector<800x128xi32>
    %shift_right_logical3A_627 = arith.constant 16 : i32
    %shift_right_logical3A_628 = vector.broadcast %shift_right_logical3A_627 : i32 to vector<800x128xi32>
    %shift_right_logical3A_629 = arith.shrui %mul3A_608, %shift_right_logical3A_628 : vector<800x128xi32>
    %add3A_630 = arith.addi %add3A_626, %shift_right_logical3A_629 : vector<800x128xi32>
    %shift_right_logical3A_631 = arith.constant 16 : i32
    %shift_right_logical3A_632 = vector.broadcast %shift_right_logical3A_631 : i32 to vector<800x128xi32>
    %shift_right_logical3A_633 = arith.shrui %add3A_622, %shift_right_logical3A_632 : vector<800x128xi32>
    %add3A_634 = arith.addi %add3A_630, %shift_right_logical3A_633 : vector<800x128xi32>
    %shift_left3A_635 = arith.constant 16 : i32
    %shift_left3A_636 = vector.broadcast %shift_left3A_635 : i32 to vector<800x128xi32>
    %shift_left3A_637 = arith.shli %add3A_622, %shift_left3A_636 : vector<800x128xi32>
    %and3A_638 = arith.constant 65535 : i32
    %and3A_639 = vector.broadcast %and3A_638 : i32 to vector<800x128xi32>
    %and3A_640 = arith.andi %mul3A_602, %and3A_639 : vector<800x128xi32>
    %or3A_641 = arith.ori %shift_left3A_637, %and3A_640 : vector<800x128xi32>
    %mul3A_642 = arith.constant 95508 : i32
    %mul3A_643 = vector.broadcast %mul3A_642 : i32 to vector<800x128xi32>
    %mul3A_644 = arith.muli %add3A_634, %mul3A_643 : vector<800x128xi32>
    %add3A_645 = arith.addi %mul3A_644, %or3A_641 : vector<800x128xi32>
    %lt3A_646 = arith.cmpi ult, %add3A_645, %mul3A_644 : vector<800x128xi32>
    %convert_element_type3A_647 = arith.extui %lt3A_646 : vector<800x128xi1> to vector<800x128xi32>
    %add3A_648 = arith.addi %add3A_645, %select_n3A_388 : vector<800x128xi32>
    %lt3A_649 = arith.cmpi ult, %add3A_648, %select_n3A_388 : vector<800x128xi32>
    %convert_element_type3A_650 = arith.extui %lt3A_649 : vector<800x128xi1> to vector<800x128xi32>
    %and3A_651 = arith.constant 65535 : i32
    %and3A_652 = vector.broadcast %and3A_651 : i32 to vector<800x128xi32>
    %and3A_653 = arith.andi %add3A_648, %and3A_652 : vector<800x128xi32>
    %shift_right_logical3A_654 = arith.constant 16 : i32
    %shift_right_logical3A_655 = vector.broadcast %shift_right_logical3A_654 : i32 to vector<800x128xi32>
    %shift_right_logical3A_656 = arith.shrui %add3A_648, %shift_right_logical3A_655 : vector<800x128xi32>
    %mul3A_657 = arith.constant 62590 : i32
    %mul3A_658 = vector.broadcast %mul3A_657 : i32 to vector<800x128xi32>
    %mul3A_659 = arith.muli %and3A_653, %mul3A_658 : vector<800x128xi32>
    %mul3A_660 = arith.constant 42947 : i32
    %mul3A_661 = vector.broadcast %mul3A_660 : i32 to vector<800x128xi32>
    %mul3A_662 = arith.muli %and3A_653, %mul3A_661 : vector<800x128xi32>
    %mul3A_663 = arith.constant 62590 : i32
    %mul3A_664 = vector.broadcast %mul3A_663 : i32 to vector<800x128xi32>
    %mul3A_665 = arith.muli %shift_right_logical3A_656, %mul3A_664 : vector<800x128xi32>
    %mul3A_666 = arith.constant 42947 : i32
    %mul3A_667 = vector.broadcast %mul3A_666 : i32 to vector<800x128xi32>
    %mul3A_668 = arith.muli %shift_right_logical3A_656, %mul3A_667 : vector<800x128xi32>
    %shift_right_logical3A_669 = arith.constant 16 : i32
    %shift_right_logical3A_670 = vector.broadcast %shift_right_logical3A_669 : i32 to vector<800x128xi32>
    %shift_right_logical3A_671 = arith.shrui %mul3A_659, %shift_right_logical3A_670 : vector<800x128xi32>
    %and3A_672 = arith.constant 65535 : i32
    %and3A_673 = vector.broadcast %and3A_672 : i32 to vector<800x128xi32>
    %and3A_674 = arith.andi %mul3A_662, %and3A_673 : vector<800x128xi32>
    %add3A_675 = arith.addi %shift_right_logical3A_671, %and3A_674 : vector<800x128xi32>
    %and3A_676 = arith.constant 65535 : i32
    %and3A_677 = vector.broadcast %and3A_676 : i32 to vector<800x128xi32>
    %and3A_678 = arith.andi %mul3A_665, %and3A_677 : vector<800x128xi32>
    %add3A_679 = arith.addi %add3A_675, %and3A_678 : vector<800x128xi32>
    %shift_right_logical3A_680 = arith.constant 16 : i32
    %shift_right_logical3A_681 = vector.broadcast %shift_right_logical3A_680 : i32 to vector<800x128xi32>
    %shift_right_logical3A_682 = arith.shrui %mul3A_662, %shift_right_logical3A_681 : vector<800x128xi32>
    %add3A_683 = arith.addi %mul3A_668, %shift_right_logical3A_682 : vector<800x128xi32>
    %shift_right_logical3A_684 = arith.constant 16 : i32
    %shift_right_logical3A_685 = vector.broadcast %shift_right_logical3A_684 : i32 to vector<800x128xi32>
    %shift_right_logical3A_686 = arith.shrui %mul3A_665, %shift_right_logical3A_685 : vector<800x128xi32>
    %add3A_687 = arith.addi %add3A_683, %shift_right_logical3A_686 : vector<800x128xi32>
    %shift_right_logical3A_688 = arith.constant 16 : i32
    %shift_right_logical3A_689 = vector.broadcast %shift_right_logical3A_688 : i32 to vector<800x128xi32>
    %shift_right_logical3A_690 = arith.shrui %add3A_679, %shift_right_logical3A_689 : vector<800x128xi32>
    %add3A_691 = arith.addi %add3A_687, %shift_right_logical3A_690 : vector<800x128xi32>
    %shift_right_logical3A_692 = arith.constant 16 : i32
    %shift_right_logical3A_693 = vector.broadcast %shift_right_logical3A_692 : i32 to vector<800x128xi32>
    %shift_right_logical3A_694 = arith.shrui %add3A_691, %shift_right_logical3A_693 : vector<800x128xi32>
    %mul3A_695 = arith.constant 100004 : i32
    %mul3A_696 = vector.broadcast %mul3A_695 : i32 to vector<800x128xi32>
    %mul3A_697 = arith.muli %shift_right_logical3A_694, %mul3A_696 : vector<800x128xi32>
    %sub3A_698 = arith.subi %add3A_648, %mul3A_697 : vector<800x128xi32>
    %add3A_699 = arith.addi %convert_element_type3A_647, %convert_element_type3A_650 : vector<800x128xi32>
    %mul3A_700 = arith.constant 95508 : i32
    %mul3A_701 = vector.broadcast %mul3A_700 : i32 to vector<800x128xi32>
    %mul3A_702 = arith.muli %add3A_699, %mul3A_701 : vector<800x128xi32>
    %add3A_703 = arith.addi %sub3A_698, %mul3A_702 : vector<800x128xi32>
    %sub3A_704 = arith.constant 200008 : i32
    %sub3A_705 = vector.broadcast %sub3A_704 : i32 to vector<800x128xi32>
    %sub3A_706 = arith.subi %add3A_703, %sub3A_705 : vector<800x128xi32>
    %shift_right_logical3A_707 = arith.constant 31 : i32
    %shift_right_logical3A_708 = vector.broadcast %shift_right_logical3A_707 : i32 to vector<800x128xi32>
    %shift_right_logical3A_709 = arith.shrui %sub3A_706, %shift_right_logical3A_708 : vector<800x128xi32>
    %eq3A_710 = arith.constant 0 : i32
    %eq3A_711 = vector.broadcast %eq3A_710 : i32 to vector<800x128xi32>
    %eq3A_712 = arith.cmpi eq, %shift_right_logical3A_709, %eq3A_711 : vector<800x128xi32>
    %select_n3A_713 = arith.select %eq3A_712, %sub3A_706, %add3A_703 : vector<800x128xi1>, vector<800x128xi32>
    %sub3A_714 = arith.constant 100004 : i32
    %sub3A_715 = vector.broadcast %sub3A_714 : i32 to vector<800x128xi32>
    %sub3A_716 = arith.subi %select_n3A_713, %sub3A_715 : vector<800x128xi32>
    %shift_right_logical3A_717 = arith.constant 31 : i32
    %shift_right_logical3A_718 = vector.broadcast %shift_right_logical3A_717 : i32 to vector<800x128xi32>
    %shift_right_logical3A_719 = arith.shrui %sub3A_716, %shift_right_logical3A_718 : vector<800x128xi32>
    %eq3A_720 = arith.constant 0 : i32
    %eq3A_721 = vector.broadcast %eq3A_720 : i32 to vector<800x128xi32>
    %eq3A_722 = arith.cmpi eq, %shift_right_logical3A_719, %eq3A_721 : vector<800x128xi32>
    %select_n3A_723 = arith.select %eq3A_722, %sub3A_716, %select_n3A_713 : vector<800x128xi1>, vector<800x128xi32>
    %bitcast_convert_type3A_724 = tpu.bitcast %select_n3A_723 : vector<800x128xi32> -> vector<800x128xi32>
    %swap3A_725 = arith.constant 0 : index
    %swap3A_726 = arith.constant 0 : index
    %swap3A_727 = vector.load %arg7[%swap3A_725, %swap3A_726] : memref<800x128xi32, #tpu.memory_space<vmem>>, vector<800x128xi32>
    tpu.vector_store %arg7[%swap3A_725, %swap3A_726], %bitcast_convert_type3A_724 {strides = array<i32>} : memref<800x128xi32, #tpu.memory_space<vmem>>, vector<800x128xi32>,
    return
  }
  func.func @transform_0(%arg0: i32) -> (i32, i32) {
    %c0_i32 = arith.constant 0 : i32
    %c0_i32_0 = arith.constant 0 : i32
    return %arg0, %c0_i32 : i32, i32
  }
  func.func @transform_1(%arg0: i32) -> (i32, i32) {
    %c0_i32 = arith.constant 0 : i32
    %c0_i32_0 = arith.constant 0 : i32
    return %arg0, %c0_i32 : i32, i32
  }
  func.func @transform_2(%arg0: i32) -> (i32, i32) {
    %c0_i32 = arith.constant 0 : i32
    %c0_i32_0 = arith.constant 0 : i32
    return %arg0, %c0_i32 : i32, i32
  }
  func.func @transform_3(%arg0: i32) -> (i32, i32) {
    %c0_i32 = arith.constant 0 : i32
    %c0_i32_0 = arith.constant 0 : i32
    return %arg0, %c0_i32 : i32, i32
  }
  func.func @transform_4(%arg0: i32) -> (i32, i32) {
    %c0_i32 = arith.constant 0 : i32
    %c0_i32_0 = arith.constant 0 : i32
    return %arg0, %c0_i32 : i32, i32
  }
  func.func @transform_5(%arg0: i32) -> (i32, i32) {
    %c0_i32 = arith.constant 0 : i32
    %c0_i32_0 = arith.constant 0 : i32
    return %arg0, %c0_i32 : i32, i32
  }
  func.func @transform_6(%arg0: i32) -> (i32, i32) {
    %c0_i32 = arith.constant 0 : i32
    %c0_i32_0 = arith.constant 0 : i32
    return %arg0, %c0_i32 : i32, i32
  }
}

</mosaic_0001>

<sc_bundles>
// kernel: kernel.6.cloned.1.call-start
scs
__scs_entry_jumppad:
0x0: {  	(pc) =	sbr.rel $0x88, $3  }
0x1: {  	(tag) =	ssettag $0x0;
	lr =	simm.s32 $0x1  }
0x2: {  	[smem:$0x3F9D] =	sst lr;
	_ =	strace $0xD0000000  }
0x3: {  	_ = 	snop  }
0x4: {  	_ = 	snop  }
0x5: {  	_ = 	snop  }
0x6: {  	_ = 	snop  }
0x7: {  	_ = 	snop  }
__scs_overlays_trampoline_lowered:
0x8: {  	[smem:$0x3FAC] =	sst s0  }
0x9: {  	[smem:$0x3FAD] =	sst s1  }
0xa: {  	[smem:$0x3FAE] =	sst s2  }
0xb: {  	[smem:$0x3FAF] =	sst s3  }
0xc: {  	[smem:$0x3FB0] =	sst s4  }
0xd: {  	[smem:$0x3FB1] =	sst s5  }
0xe: {  	[smem:$0x3FB2] =	sst s6  }
0xf: {  	[smem:$0x3FB3] =	sst s7  }
0x10: {  	[smem:$0x3FB4] =	sst s8  }
0x11: {  	[smem:$0x3FB5] =	sst s9;
	s0 =	simm.s32 @!p0 $0x0  }
0x12: {  	s1 =	sld [smem:$0x3F9B];
	s0 =	simm.s32 @p0 $0x1  }
0x13: {  	[smem:$0x3FB6] =	sst s0;
	s0 =	simm.s32 @!p1 $0x0  }
0x14: {  	s2 =	sld [smem:$0x3F9A];
	s0 =	simm.s32 @p1 $0x1  }
0x15: {  	[smem:$0x3FB7] =	sst s0;
	s0 =	simm.s32 @!p2 $0x0  }
0x16: {  	s3 =	sld [smem:$0x3FDB];
	s0 =	simm.s32 @p2 $0x1  }
0x17: {  	s4 =	simm.s32 $0x1BF5;
	[smem:$0x3FB9] =	sst s0  }
0x18: {  	s0 =	sld [smem:$0x3F9C];
	_ =	swait.ge [sflag:s4], $0x0  }
0x19: {  	s7 =	sld [smem:$0x3F9D]  }
0x1a: {  	s8 =	sadd.s32 $0xFFFFE003, lr  }
0x1b: {  	s9 =	sadd.s32 $0xFFFFFEF7, lr;
	s5 =	simm.s32 $0xFFFFFFFF;
	p2 =	slt.u32 s8, $0xFFFFF086  }
0x1c: {  	p1 =	slt.u32 s9, $0xF7A;
	s5 =	simm.s32 @!p2 $0x0  }
0x1d: {  	s5 =	simm.s32 @p1 $0x1;
	p0 =	seq.s32 s7, s2  }
0x1e: {  	s7 =	smul.u32 @!p0 $0xF7A, s2;
	p2 =	seq.s32 @!p0 s5, $0x0  }
0x1f: {  	s9 =	smul.u32 $0xF7A, s1;
	s8 =	simm.s32 @!p0 $0x1BF5;
	p2 =	por !p2, p0  }
0x20: {  	[sflag:s8] =	ssyncset.s32 @!p0 $0xFFFFF086;
	s6 =	sadd.s32 @!p0 s3, s7;
	s7 =	simm.s32 @!p0 $0x108  }
0x21: {  	s3 =	sadd.s32 s3, s9;
	s6 =	sadd.s32 @!p0 $0x88, s6;
	s7 =	simm.s32 @p2 $0x1082  }
0x22: {  	[simem:s7], [sflag:s8] =	dma.local @!p0 [hbm:s6], $0xF7A  }
0x23: {  	s9 =	sor.u32 $0xD0000000, s2;
	s6 =	simm.s32 $0x108;
	_ =	swait.ge @!p0 [sflag:s8], $0x0  }
0x24: {  	s3 =	sadd.s32 $0x88, s3;
	s6 =	simm.s32 @!p1 $0x1082;
	[sflag:s4] =	ssyncset.s32 $0xFFFFF086  }
0x25: {  	[simem:s6], [sflag:s4] =	dma.local [hbm:s3], $0xF7A  }
0x26: {  	[smem:$0x3F9D] =	sst s1;
	(tag) =	ssettag s2;
	_ =	strace s9  }
0x27: {  	s1 =	sld [smem:$0x3FAD]  }
0x28: {  	s2 =	sld [smem:$0x3FAE]  }
0x29: {  	s4 =	sld [smem:$0x3FB0]  }
0x2a: {  	p0 =	seq.s32 s5, $0x0;
	s5 =	sld [smem:$0x3FB1]  }
0x2b: {  	s6 =	sld [smem:$0x3FB2]  }
0x2c: {  	s7 =	sld [smem:$0x3FB3]  }
0x2d: {  	s3 =	simm.s32 $0x108;
	s8 =	sld [smem:$0x3FB4]  }
0x2e: {  	s3 =	simm.s32 @!p0 $0x1082;
	s9 =	sld [smem:$0x3FB5]  }
0x2f: {  	lr =	sadd.s32 s0, s3;
	s0 =	sld [smem:$0x3FAC]  }
0x30: {  	s3 =	sld [smem:$0x3FAF]  }
0x31: {  	[smem:$0x3FB8] =	sst s10  }
0x32: {  	s10 =	sld [smem:$0x3FB6];
	_ =	sdelay $0x3  }
0x33: {  	p0 =	seq.s32 s10, $0x1;
	s10 =	sld [smem:$0x3FB8];
	_ =	sdelay $0x3  }
0x34: {  	[smem:$0x3FB8] =	sst s10  }
0x35: {  	s10 =	sld [smem:$0x3FB7];
	_ =	sdelay $0x3  }
0x36: {  	p1 =	seq.s32 s10, $0x1;
	s10 =	sld [smem:$0x3FB8];
	_ =	sdelay $0x3  }
0x37: {  	[smem:$0x3FB8] =	sst s10  }
0x38: {  	s10 =	sld [smem:$0x3FB9]  }
0x39: {  	_ = 	snop;
	(pc) =	sbr.ind lr, $3  }
0x3a: {  	_ = 	snop  }
0x3b: {  	_ = 	snop  }
0x3c: {  	p2 =	seq.s32 s10, $0x1;
	s10 =	sld [smem:$0x3FB8]  }
0x3d: {  	_ =	shalt  }
0x3e: {  	_ =	shalt  }
0x3f: {  	_ =	shalt  }
0x40: {  	_ =	shalt  }
0x41: {  	_ =	shalt  }
0x42: {  	_ =	shalt  }
0x43: {  	_ =	shalt  }
0x44: {  	_ =	shalt  }
0x45: {  	_ =	shalt  }
0x46: {  	_ =	shalt  }
0x47: {  	_ =	shalt  }
0x48: {  	_ =	shalt  }
0x49: {  	_ =	shalt  }
0x4a: {  	_ =	shalt  }
0x4b: {  	_ =	shalt  }
0x4c: {  	_ =	shalt  }
0x4d: {  	_ =	shalt  }
0x4e: {  	_ =	shalt  }
0x4f: {  	_ =	shalt  }
0x50: {  	_ =	shalt  }
0x51: {  	_ =	shalt  }
0x52: {  	_ =	shalt  }
0x53: {  	_ =	shalt  }
0x54: {  	_ =	shalt  }
0x55: {  	_ =	shalt  }
0x56: {  	_ =	shalt  }
0x57: {  	_ =	shalt  }
0x58: {  	_ =	shalt  }
0x59: {  	_ =	shalt  }
0x5a: {  	_ =	shalt  }
0x5b: {  	_ =	shalt  }
0x5c: {  	_ =	shalt  }
0x5d: {  	_ =	shalt  }
0x5e: {  	_ =	shalt  }
0x5f: {  	_ =	shalt  }
0x60: {  	_ =	shalt  }
0x61: {  	_ =	shalt  }
0x62: {  	_ =	shalt  }
0x63: {  	_ =	shalt  }
0x64: {  	_ =	shalt  }
0x65: {  	_ =	shalt  }
0x66: {  	_ =	shalt  }
0x67: {  	_ =	shalt  }
0x68: {  	_ =	shalt  }
0x69: {  	_ =	shalt  }
0x6a: {  	_ =	shalt  }
0x6b: {  	_ =	shalt  }
0x6c: {  	_ =	shalt  }
0x6d: {  	_ =	shalt  }
0x6e: {  	_ =	shalt  }
0x6f: {  	_ =	shalt  }
0x70: {  	_ =	shalt  }
0x71: {  	_ =	shalt  }
0x72: {  	_ =	shalt  }
0x73: {  	_ =	shalt  }
0x74: {  	_ =	shalt  }
0x75: {  	_ =	shalt  }
0x76: {  	_ =	shalt  }
0x77: {  	_ =	shalt  }
0x78: {  	_ =	shalt  }
0x79: {  	_ =	shalt  }
0x7a: {  	_ =	shalt  }
0x7b: {  	_ =	shalt  }
0x7c: {  	_ =	shalt  }
0x7d: {  	_ =	shalt  }
0x7e: {  	_ =	shalt  }
0x7f: {  	_ =	shalt  }
0x80: {  	_ =	shalt  }
0x81: {  	_ =	shalt  }
0x82: {  	_ =	shalt  }
0x83: {  	_ =	shalt  }
0x84: {  	_ =	shalt  }
0x85: {  	_ =	shalt  }
0x86: {  	_ =	shalt  }
0x87: {  	_ =	shalt  }
.Lfunc_end0:
.L_simem_size_0:
called_computation_lowered:
.L_overlay_start_0:
0x88: {  	s2 =	sld [smem:$0x3FD9]  }
0x89: {  	s3 =	sld [smem:$0x3FFE];
	_ =	sdelay $0x1  }
0x8a: {  	s1 =	srdreg.scid  }
0x8b: {  	s0 =	sand.u32 $0x1, s1  }
0x8c: {  	s17 =	sshll.u32 s0, $0xA;
	s2 =	sadd.s32 s3, s2  }
0x8d: {  	s2 =	sadd.s32 s2, s17  }
0x8e: {  	[smem:$0x3FC4] =	sst s2  }
0x8f: {  	_ = 	snop  }
0x90: {  	(tm) =	ssettm $0x1  }
0x91: {  	s18 =	sld [smem:$0x3FFB];
	_ =	sdelay $0x3  }
0x92: {  	_ =	strace s18  }
0x93: {  	s2 =	sld [smem:$0x3FFC];
	_ =	sdelay $0x3  }
0x94: {  	_ =	strace s2  }
0x95: {  	s2 =	sld [smem:$0x3FFD];
	_ =	sdelay $0x3  }
0x96: {  	_ =	strace s2  }
0x97: {  	_ =	strace $0x8FFFFFFF  }
0x98: {  	s19 =	sld [smem:$0x3FDB];
	_ =	sdelay $0x1  }
0x99: {  	s20 =	simm.s32 $_scs_section_size  }
0x9a: {  	s4 =	simm.s32 $_size__tile_overlayer_lowered;
	s5 =	simm.s32 $_tile_overlayer_lowered  }
0x9b: {  	s6 =	simm.s32 $0x1BFF;
	s21 =	sshll.u32 s5, $0x1;
	s3 =	sadd.s32 s20, s19  }
0x9c: {  	s22 =	simm.s32 $0x0;
	s4 =	sshll.u32 s4, $0x1;
	s5 =	sadd.s32 s21, s3  }
0x9d: {  	[timem:s22], [sflag:s6] =	dma.local [hbm:s5], s4  }
0x9e: {  	_ =	swait.ge [sflag:s6], s4  }
0x9f: {  	s4 =	ssub.s32 $0x0, s4;
	[sflag:s6] =	ssyncset.done $0x0  }
0xa0: {  	[sflag:s6] =	ssyncadd.s32 s4;
	_ =	sdelay $0x1  }
0xa1: {  	s23 =	simm.s32 $0x1B8B  }
0xa2: {  	_ =	swait.ge [sflag:s23], $0x1  }
0xa3: {  	[sflag:s23] =	ssyncset.done $0x0  }
0xa4: {  	[sflag:s23] =	ssyncadd.s32 $0xFFFFFFFF  }
0xa5: {  	s4 =	sld [smem:$0x0]  }
0xa6: {  	s5 =	sand.u32 $0xFFFFFFFE, s1  }
0xa7: {  	p0 =	sne.s32 s1, s5  }
0xa8: {  	s5 =	sshll.u32 @p0 s5, $0xE  }
0xa9: {  	s5 =	sadd.s32 @p0 $0x11B8D, s5;
	s6 =	sshll.u32 @p0 s4, $0x11  }
0xaa: {  	s5 =	sor.u32 @p0 s6, s5  }
0xab: {  	[sflag:s5] =	ssyncadd.remote.s32 @p0 $0x1;
	_ =	sdelay $0x1  }
0xac: {  	s5 =	simm.s32 @p0 $0x1B8D  }
0xad: {  	_ =	swait.eq @p0 [sflag:s5], $0x1  }
0xae: {  	[sflag:s5] =	ssyncadd.s32 @p0 $0xFFFFFFFF  }
0xaf: {  	s6 =	sshll.u32 @!p0 s1, $0xE  }
0xb0: {  	s6 =	sor.u32 @!p0 $0x4000, s6;
	s5 =	simm.s32 @!p0 $0x1B8D  }
0xb1: {  	s4 =	sshll.u32 @!p0 s4, $0x11;
	s6 =	sadd.s32 @!p0 $0x11B8D, s6;
	_ =	swait.eq @!p0 [sflag:s5], $0x1  }
0xb2: {  	s4 =	sor.u32 @!p0 s4, s6;
	[sflag:s5] =	ssyncadd.s32 @!p0 $0xFFFFFFFF  }
0xb3: {  	s25 =	simm.s32 $0x1B8E;
	s24 =	sld [smem:$0x3FFE];
	[sflag:s4] =	ssyncadd.remote.s32 @!p0 $0x1  }
0xb4: {  	s26 =	simm.s32 $execute0_lowered;
	[smem:$0x3FD2] =	sst s25  }
0xb5: {  	s5 =	sshll.u32 s26, $0x1;
	_ =	strace $0x80000049;
	[dreg:$0x1] =	wrdreg $0xFFFFFFFF  }
0xb6: {  	s28 =	simm.s32 $_size_execute0_lowered;
	s3 =	sadd.s32 s3, s5;
	[dreg:$0x0] =	wrdreg $0x0  }
0xb7: {  	s5 =	sshll.u32 s28, $0x1;
	[dreg:$0x2] =	wrdreg s3  }
0xb8: {  	[dreg:$0x3] =	wrdreg s5  }
0xb9: {  	[dreg:$0x4] =	wrdreg $0xC0  }
0xba: {  	_ =	task [dreg:s22], $0x5FFFF  }
0xbb: {  	[dreg:$0x1] =	wrdreg $0xFFFFFFFF  }
0xbc: {  	[dreg:$0x0] =	wrdreg $0x60  }
0xbd: {  	[dreg:$0x2] =	wrdreg s24  }
0xbe: {  	[dreg:$0x3] =	wrdreg $0x9  }
0xbf: {  	_ =	task.clear_ibuf [dreg:s22], $0x4FFFF;
	_ =	strace $0x90000049  }
0xc0: {  	s29 =	simm.s32 $0x9;
	_ =	strace $0x8000004B  }
0xc1: {  	_ =	swait.ge [sflag:s29], $0x1  }
0xc2: {  	[sflag:s29] =	ssyncadd.s32 $0xFFFFFFFF  }
0xc3: {  	_ =	strace $0x9000004B  }
0xc4: {  	_ =	sfence  }
0xc5: {  	s30 =	sld [smem:$0x0];
	_ =	sdelay $0x2  }
0xc6: {  	s31 =	sshll.u32 s1, $0xD;
	s1 =	sshrl.u32 s1, $0x2  }
0xc7: {  	s4 =	sand.u32 $0x4000, s31;
	s1 =	sadd.s32 s1, s30  }
0xc8: {  	s0 =	sor.u32 s4, s0;
	s1 =	sshll.u32 s1, $0x11  }
0xc9: {  	s0 =	sor.u32 s1, s0  }
0xca: {  	s0 =	sadd.s32 $0x8F2B, s0  }
0xcb: {  	[sflag:s0] =	ssyncadd.remote.s32 $0x1  }
0xcc: {  	_ =	sfence.sel $0xFFFF  }
0xcd: {  	[dreg:$0x0] =	wrdreg $0xFFFFFFFF;
	(pc) =	sbr.abs _section_cstart, $3  }
0xce: {  	[dreg:$0x1] =	wrdreg $0xFFFFFFFF  }
0xcf: {  	_ =	task.clear_ibuf [dreg:s22], $0x2FFFF;
	_ =	strace $0x9FFFFFFF  }
0xd0: {  	(tm) =	ssettm $0x7FFFFFFF  }
0xd1: {  	_ =	shalt  }
tec
execute0_lowered:
.L_overlay_start_1:
0x0: {  	(tag) =	ssettag $0x1  }
0x1: {  	s0 =	srdreg.scid  }
0x2: {  	s23 =	stileid.u32;
	s28 =	simm.s32 $0x1AF00;
	s29 =	simm.s32 $0x3  }
0x3: {  	s30 =	simm.s32 $0x1C300;
	s2 =	sand.u32 $0x1, s0;
	s1 =	sshll.u32 s23, $0x1  }
0x4: {  	s31 =	simm.s32 $0x4;
	s0 =	rddreg [dreg:$0x0];
	s3 =	sor.u32 s2, s1  }
0x5: {  	p2 =	sgt.u32 s23, $0x4;
	s23 =	simm.s32 $0x18700;
	s12 =	smul.u32 $0xA000, s3  }
0x6: {  	s4 =	sadd.s32 $0x4B000, s0;
	s5 =	sadd.s32 $0x57800, s0;
	s3 =	smul.u32 $0x1400, s3  }
0x7: {  	s6 =	sadd.s32 $0x70800, s0;
	s2 =	ssub.s32 $0x2, s2;
	s9 =	sadd.s32 $0x7D000, s0  }
0x8: {  	s7 =	sshrl.u32 s2, $0x1;
	s8 =	sshrl.u32 s12, $0x3;
	s20 =	sadd.s32 s4, s3  }
0x9: {  	s3 =	sadd.s32 s6, s3;
	s19 =	sor.u32 $0x280, s8;
	[dreg:$0x2] =	wrdreg s20  }
0xa: {  	s24 =	sadd.s32 $0x500, s8;
	[dreg:$0x4] =	wrdreg s3;
	s21 =	sadd.s32 s4, s19  }
0xb: {  	s22 =	ssub.s32 s2, s7;
	s25 =	sadd.s32 s4, s24;
	[dreg:$0x3] =	wrdreg s21  }
0xc: {  	s26 =	sadd.s32 $0x780, s8;
	s2 =	sadd.s32 s6, s19;
	[dreg:$0x5] =	wrdreg s25  }
0xd: {  	s22 =	smax.u32 s22, $0x1;
	s10 =	sadd.s32 s4, s26;
	[dreg:$0x6] =	wrdreg s2  }
0xe: {  	s11 =	sadd.s32 $0xA00, s8;
	s7 =	sadd.s32 s6, s24;
	[dreg:$0x7] =	wrdreg s10  }
0xf: {  	s14 =	sadd.s32 $0xC80, s8;
	s13 =	sadd.s32 s4, s11;
	[dreg:$0x8] =	wrdreg s7  }
0x10: {  	s16 =	sadd.s32 $0xF00, s8;
	s3 =	sadd.s32 s6, s26;
	[dreg:$0x9] =	wrdreg s13  }
0x11: {  	s18 =	sadd.s32 $0x1180, s8;
	s15 =	sadd.s32 s4, s14;
	[dreg:$0xa] =	wrdreg s3  }
0x12: {  	s20 =	sadd.s32 $0xFFF9D400, s12;
	s17 =	sadd.s32 s4, s16;
	[dreg:$0xb] =	wrdreg s15  }
0x13: {  	s8 =	sadd.s32 $0xFFFA1000, s12;
	s4 =	sadd.s32 s4, s18;
	[dreg:$0xd] =	wrdreg s17  }
0x14: {  	s19 =	sadd.s32 $0xFFF9C000, s12;
	s2 =	sadd.s32 s6, s11;
	[dreg:$0xf] =	wrdreg s4  }
0x15: {  	s7 =	sadd.s32 s6, s14;
	s3 =	sadd.s32 s6, s16;
	[dreg:$0xc] =	wrdreg s2  }
0x16: {  	s21 =	sadd.s32 $0xFFF9E800, s12;
	s10 =	sshrl.u32 s8, $0x3;
	[dreg:$0xe] =	wrdreg s7  }
0x17: {  	s11 =	sadd.s32 $0xFFFA2400, s12;
	s16 =	sadd.s32 $0xFFFA3800, s12;
	[dreg:$0x10] =	wrdreg s3  }
0x18: {  	s2 =	sadd.s32 s6, s18;
	s3 =	sshrl.u32 s20, $0x3;
	s25 =	sshrl.u32 s21, $0x3  }
0x19: {  	s6 =	sadd.s32 $0xFFF9FC00, s12;
	s15 =	sadd.s32 s5, s10;
	[dreg:$0x11] =	wrdreg s2  }
0x1a: {  	s14 =	sshrl.u32 s11, $0x3;
	s26 =	sadd.s32 s5, s3;
	[dreg:$0x1a] =	wrdreg s15  }
0x1b: {  	s18 =	sadd.s32 $0xFFFA4C00, s12;
	s3 =	sadd.s32 s9, s3;
	[dreg:$0x14] =	wrdreg s26  }
0x1c: {  	s2 =	sshrl.u32 s19, $0x3;
	s7 =	sadd.s32 s5, s25;
	[dreg:$0x15] =	wrdreg s3  }
0x1d: {  	s17 =	sadd.s32 s5, s14;
	s19 =	sshrl.u32 s18, $0x3;
	[dreg:$0x16] =	wrdreg s7  }
0x1e: {  	s18 =	sadd.s32 $0x89800, s0;
	s24 =	sadd.s32 s5, s2;
	[dreg:$0x1c] =	wrdreg s17  }
0x1f: {  	s2 =	sadd.s32 s9, s2;
	s3 =	sshrl.u32 s6, $0x3;
	[dreg:$0x12] =	wrdreg s24  }
0x20: {  	s21 =	sadd.s32 s5, s19;
	s26 =	sadd.s32 $0x64000, s0;
	[dreg:$0x13] =	wrdreg s2  }
0x21: {  	s2 =	sadd.s32 s9, s25;
	s13 =	sadd.s32 s5, s3;
	[dreg:$0x1f] =	wrdreg s21  }
0x22: {  	s3 =	sadd.s32 s9, s3;
	s24 =	sadd.s32 $0xFFF38000, s12;
	[dreg:$0x17] =	wrdreg s2  }
0x23: {  	s25 =	sadd.s32 $0xFFF39400, s12;
	s21 =	sadd.s32 $0xFFF3E400, s12;
	[dreg:$0x18] =	wrdreg s13  }
0x24: {  	[dreg:$0x19] =	wrdreg s3;
	s2 =	sadd.s32 s9, s10;
	s3 =	sadd.s32 s9, s14  }
0x25: {  	s14 =	sadd.s32 $0xFFF3A800, s12;
	[dreg:$0x1b] =	wrdreg s2;
	s2 =	sshrl.u32 s16, $0x3  }
0x26: {  	[dreg:$0x1d] =	wrdreg s3;
	s3 =	sadd.s32 s9, s19;
	s16 =	sadd.s32 $0xFFF3BC00, s12  }
0x27: {  	s19 =	sadd.s32 $0xFFF3D000, s12;
	s20 =	sadd.s32 s5, s2;
	[smem:$0x7FA] =	sst s3  }
0x28: {  	s2 =	sadd.s32 s9, s2;
	s3 =	sshrl.u32 s25, $0x3;
	[dreg:$0x1e] =	wrdreg s20  }
0x29: {  	s17 =	sshrl.u32 s16, $0x3;
	s16 =	simm.s32 $0x0;
	[smem:$0x7F9] =	sst s2  }
0x2a: {  	s2 =	sshrl.u32 s24, $0x3;
	s15 =	sadd.s32 s26, s3;
	s5 =	sadd.s32 s18, s3  }
0x2b: {  	s20 =	sshrl.u32 s19, $0x3;
	s8 =	sadd.s32 s26, s17;
	s9 =	sadd.s32 s18, s17  }
0x2c: {  	s3 =	sshrl.u32 s21, $0x3;
	[smem:$0x7FF] =	sst s16;
	s19 =	sadd.s32 $0x3200, s0  }
0x2d: {  	s21 =	sadd.s32 $0x9600, s0;
	s13 =	sadd.s32 s26, s2;
	s2 =	sadd.s32 s18, s2  }
0x2e: {  	[smem:$0x7FD] =	sst s15;
	s10 =	sadd.s32 s26, s20;
	s11 =	sadd.s32 s18, s20  }
0x2f: {  	s20 =	sadd.s32 $0x6400, s0;
	s0 =	simm.s32 $0x5;
	[smem:$0x7FB] =	sst s13  }
0x30: {  	[smem:$0x7FC] =	sst s2;
	s2 =	sshrl.u32 s14, $0x3;
	s13 =	sadd.s32 $0xFFF3F800, s12  }
0x31: {  	s14 =	sadd.s32 $0xFFF40C00, s12;
	s12 =	sadd.s32 s26, s3;
	s6 =	sadd.s32 s26, s2  }
0x32: {  	s7 =	sadd.s32 s18, s2;
	s24 =	sshrl.u32 s13, $0x3;
	s13 =	sadd.s32 s18, s3  }
.Ltmp0:
0x33: {  	s25 =	sshrl.u32 s14, $0x3;
	_ =	strace $0x8000004A;
	(pc) =	sbr.rel .LBB2_1-.Ltmp0, $4  }
0x34: {  	s14 =	sadd.s32 s26, s24;
	s15 =	sadd.s32 s26, s25;
	s17 =	sadd.s32 s18, s24  }
0x35: {  	s18 =	sadd.s32 s18, s25;
	s26 =	sadd.s32 $0xFFFFFFF6, s1;
	s1 =	sadd.s32 $0xFFFFFFEC, s1  }
0x36: {  	s24 =	simm.s32 $0x1;
	s25 =	simm.s32 $0x2;
	p0 =	sgt.u32 s26, $0x9  }
0x37: {  	p1 =	sgt.u32 s1, $0x9;
	s26 =	simm.s32 $0x19B00;
	s1 =	simm.s32 $0x0  }
.LBB2_54:
0x38: {  	[tilespmem:s2+$0xFFFFFFE0] =	vst v5  }
0x39: {  	[tilespmem:s2+$0xFFFFFFF0] =	vst v3  }
0x3a: {  	[tilespmem:s2+$0x0] =	vst v0  }
0x3b: {  	[tilespmem:s2+$0x10] =	vst v1  }
0x3c: {  	[tilespmem:s2+$0x20] =	vst v2  }
0x3d: {  	[tilespmem:s2+$0xFFFFFFC0] =	vst v4  }
0x3e: {  	[hbm4b:s18+s16] =	stream.linear.scatter [tilespmem:s30], [sflag:$0x5], $0x1400, $0x38;
	[tilespmem:$0x1D700] =	vst v63  }
0x3f: {  	_ =	swait.ge [sflag:s31], $0x1400  }
0x40: {  	[sflag:s31] =	ssyncset.done $0x0  }
0x41: {  	[sflag:s31] =	ssyncadd.s32 $0xFFFFEC00  }
0x42: {  	_ =	swait.ge [sflag:s0], $0x1400  }
0x43: {  	[sflag:s0] =	ssyncset.done $0x0  }
0x44: {  	[sflag:s0] =	ssyncadd.s32 $0xFFFFEC00  }
.LBB2_55:
0x45: {  	s1 =	sadd.s32 $0x1, s1  }
0x46: {  	p3 =	sne.s32 s1, s22  }
.Ltmp1:
0x47: {  	_ = 	snop;
	(pc) =	sbr.rel @!p3 .LBB2_56-.Ltmp1, $1  }
0x48: {  	_ =	sdelay $0x3  }
.LBB2_1:
.Ltmp2:
0x49: {  	(pc) =	sbr.rel @p2 .LBB2_19-.Ltmp2, $1  }
0x4a: {  	_ =	sdelay $0x3  }
0x4b: {  	[tilespmem:s16], [sflag:$0x1] =	stream.linear.gather [hbm4b:s19+s16], $0x18700, $0x38;
	[tilespmem:$0x1D700] =	vst v63  }
0x4c: {  	s2 =	rddreg [dreg:$0x2]  }
0x4d: {  	[tilespmem:s23], [sflag:$0x2] =	stream.linear.gather [hbm4b:s2+s16], $0x1400, $0x38;
	[tilespmem:$0x1D700] =	vst v63  }
0x4e: {  	_ =	swait.ge [sflag:s24], $0x18700  }
0x4f: {  	[sflag:s24] =	ssyncset.done $0x0  }
0x50: {  	[sflag:s24] =	ssyncadd.s32 $0xFFFE7900  }
0x51: {  	_ =	swait.ge [sflag:s25], $0x1400  }
0x52: {  	[sflag:s25] =	ssyncset.done $0x0  }
0x53: {  	s4 =	simm.s32 $0x18740;
	s3 =	rddreg [dreg:$0x3];
	[sflag:s25] =	ssyncadd.s32 $0xFFFFEC00  }
0x54: {  	[tilespmem:s26], [sflag:$0x3] =	stream.linear.gather [hbm4b:s3+s16], $0x1400, $0x38;
	[tilespmem:$0x1D700] =	vst v63  }
0x55: {  	v0 =	vld [tilespmem:s4+$0x30]  }
0x56: {  	v1 =	vld [tilespmem:s4+$0xFFFFFFD0]  }
0x57: {  	v2 =	vld [tilespmem:s4+$0xFFFFFFE0]  }
0x58: {  	v3 =	vld [tilespmem:s4+$0xFFFFFFF0]  }
0x59: {  	v4 =	vld [tilespmem:s4+$0x0]  }
0x5a: {  	v6 =	vld [tilespmem:s4+$0x10]  }
0x5b: {  	v7 =	vld [tilespmem:s4+$0x20]  }
0x5c: {  	v8 =	vld [tilespmem:s4+$0xFFFFFFC0]  }
0x5d: {  	v9 =	vld.idx.msk [tilespmem:v0+s16+$0x0], $0xffff  }
0x5e: {  	v10 =	vld.idx.msk [tilespmem:v1+s16+$0x0], $0xffff  }
0x5f: {  	v5 =	vld.idx.msk [tilespmem:v2+s16+$0x0], $0xffff  }
0x60: {  	v3 =	vld.idx.msk [tilespmem:v3+s16+$0x0], $0xffff  }
0x61: {  	v0 =	vld.idx.msk [tilespmem:v4+s16+$0x0], $0xffff  }
0x62: {  	s2 =	simm.s32 $0x1AF40;
	v1 =	vld.idx.msk [tilespmem:v6+s16+$0x0], $0xffff  }
0x63: {  	v2 =	vld.idx.msk [tilespmem:v7+s16+$0x0], $0xffff;
	[tilespmem:s2+$0x30] =	vst v9  }
0x64: {  	s3 =	simm.s32 $0x0;
	s4 =	simm.s32 $0x187C0;
	v4 =	vld.idx.msk [tilespmem:v8+s16+$0x0], $0xffff;
	[tilespmem:s2+$0xFFFFFFD0] =	vst v10  }
.LBB2_3:
0x65: {  	v6 =	vld [tilespmem:s4+$0x30];
	s3 =	sadd.s32 $0x80, s3;
	[tilespmem:s2+$0xFFFFFFE0] =	vst v5  }
0x66: {  	v5 =	vld [tilespmem:s4+$0xFFFFFFD0];
	p3 =	slt.u32 s3, $0x1380;
	[tilespmem:s2+$0xFFFFFFF0] =	vst v3  }
0x67: {  	v3 =	vld [tilespmem:s4+$0xFFFFFFE0];
	[tilespmem:s2+$0x0] =	vst v0  }
0x68: {  	v0 =	vld [tilespmem:s4+$0xFFFFFFF0];
	[tilespmem:s2+$0x10] =	vst v1  }
0x69: {  	v1 =	vld [tilespmem:s4+$0x0];
	[tilespmem:s2+$0x20] =	vst v2  }
0x6a: {  	v2 =	vld [tilespmem:s4+$0x10];
	[tilespmem:s2+$0xFFFFFFC0] =	vst v4  }
0x6b: {  	v4 =	vld [tilespmem:s4+$0x20]  }
0x6c: {  	v7 =	vld [tilespmem:s4+$0xFFFFFFC0]  }
0x6d: {  	v6 =	vld.idx.msk [tilespmem:v6+s16+$0x0], $0xffff  }
0x6e: {  	v8 =	vld.idx.msk [tilespmem:v5+s16+$0x0], $0xffff  }
0x6f: {  	v5 =	vld.idx.msk [tilespmem:v3+s16+$0x0], $0xffff  }
.Ltmp3:
0x70: {  	v3 =	vld.idx.msk [tilespmem:v0+s16+$0x0], $0xffff;
	(pc) =	sbr.rel @p3 .LBB2_3-.Ltmp3, $4  }
0x71: {  	v0 =	vld.idx.msk [tilespmem:v1+s16+$0x0], $0xffff  }
0x72: {  	s2 =	sadd.s32 $0x80, s2;
	v1 =	vld.idx.msk [tilespmem:v2+s16+$0x0], $0xffff  }
0x73: {  	v2 =	vld.idx.msk [tilespmem:v4+s16+$0x0], $0xffff;
	[tilespmem:s2+$0x30] =	vst v6  }
0x74: {  	s4 =	sadd.s32 $0x80, s4;
	v4 =	vld.idx.msk [tilespmem:v7+s16+$0x0], $0xffff;
	[tilespmem:s2+$0xFFFFFFD0] =	vst v8  }
0x75: {  	[tilespmem:s2+$0xFFFFFFE0] =	vst v5  }
0x76: {  	[tilespmem:s2+$0xFFFFFFF0] =	vst v3  }
0x77: {  	[tilespmem:s2+$0x0] =	vst v0  }
0x78: {  	[tilespmem:s2+$0x10] =	vst v1  }
0x79: {  	[tilespmem:s2+$0x20] =	vst v2  }
0x7a: {  	[tilespmem:s2+$0xFFFFFFC0] =	vst v4  }
0x7b: {  	s2 =	rddreg [dreg:$0x4]  }
0x7c: {  	[hbm4b:s2+s16] =	stream.linear.scatter [tilespmem:s28], [sflag:$0x4], $0x1400, $0x38;
	[tilespmem:$0x1D700] =	vst v63  }
0x7d: {  	_ =	swait.ge [sflag:s29], $0x1400  }
0x7e: {  	[sflag:s29] =	ssyncset.done $0x0  }
0x7f: {  	s4 =	simm.s32 $0x19B40;
	s3 =	rddreg [dreg:$0x5];
	[sflag:s29] =	ssyncadd.s32 $0xFFFFEC00  }
0x80: {  	[tilespmem:s23], [sflag:$0x2] =	stream.linear.gather [hbm4b:s3+s16], $0x1400, $0x38;
	[tilespmem:$0x1D700] =	vst v63  }
0x81: {  	v0 =	vld [tilespmem:s4+$0x30]  }
0x82: {  	v1 =	vld [tilespmem:s4+$0xFFFFFFD0]  }
0x83: {  	v2 =	vld [tilespmem:s4+$0xFFFFFFE0]  }
0x84: {  	v3 =	vld [tilespmem:s4+$0xFFFFFFF0]  }
0x85: {  	v4 =	vld [tilespmem:s4+$0x0]  }
0x86: {  	v6 =	vld [tilespmem:s4+$0x10]  }
0x87: {  	v7 =	vld [tilespmem:s4+$0x20]  }
0x88: {  	v8 =	vld [tilespmem:s4+$0xFFFFFFC0]  }
0x89: {  	v9 =	vld.idx.msk [tilespmem:v0+s16+$0x0], $0xffff  }
0x8a: {  	v10 =	vld.idx.msk [tilespmem:v1+s16+$0x0], $0xffff  }
0x8b: {  	v5 =	vld.idx.msk [tilespmem:v2+s16+$0x0], $0xffff  }
0x8c: {  	v3 =	vld.idx.msk [tilespmem:v3+s16+$0x0], $0xffff  }
0x8d: {  	v0 =	vld.idx.msk [tilespmem:v4+s16+$0x0], $0xffff  }
0x8e: {  	s2 =	simm.s32 $0x1C340;
	v1 =	vld.idx.msk [tilespmem:v6+s16+$0x0], $0xffff  }
0x8f: {  	v2 =	vld.idx.msk [tilespmem:v7+s16+$0x0], $0xffff;
	[tilespmem:s2+$0x30] =	vst v9  }
0x90: {  	s3 =	simm.s32 $0x0;
	s4 =	simm.s32 $0x19BC0;
	v4 =	vld.idx.msk [tilespmem:v8+s16+$0x0], $0xffff;
	[tilespmem:s2+$0xFFFFFFD0] =	vst v10  }
.LBB2_5:
0x91: {  	v6 =	vld [tilespmem:s4+$0x30];
	s3 =	sadd.s32 $0x80, s3;
	[tilespmem:s2+$0xFFFFFFE0] =	vst v5  }
0x92: {  	v5 =	vld [tilespmem:s4+$0xFFFFFFD0];
	p3 =	slt.u32 s3, $0x1380;
	[tilespmem:s2+$0xFFFFFFF0] =	vst v3  }
0x93: {  	v3 =	vld [tilespmem:s4+$0xFFFFFFE0];
	[tilespmem:s2+$0x0] =	vst v0  }
0x94: {  	v0 =	vld [tilespmem:s4+$0xFFFFFFF0];
	[tilespmem:s2+$0x10] =	vst v1  }
0x95: {  	v1 =	vld [tilespmem:s4+$0x0];
	[tilespmem:s2+$0x20] =	vst v2  }
0x96: {  	v2 =	vld [tilespmem:s4+$0x10];
	[tilespmem:s2+$0xFFFFFFC0] =	vst v4  }
0x97: {  	v4 =	vld [tilespmem:s4+$0x20]  }
0x98: {  	v7 =	vld [tilespmem:s4+$0xFFFFFFC0]  }
0x99: {  	v6 =	vld.idx.msk [tilespmem:v6+s16+$0x0], $0xffff  }
0x9a: {  	v8 =	vld.idx.msk [tilespmem:v5+s16+$0x0], $0xffff  }
0x9b: {  	v5 =	vld.idx.msk [tilespmem:v3+s16+$0x0], $0xffff  }
.Ltmp4:
0x9c: {  	v3 =	vld.idx.msk [tilespmem:v0+s16+$0x0], $0xffff;
	(pc) =	sbr.rel @p3 .LBB2_5-.Ltmp4, $4  }
0x9d: {  	v0 =	vld.idx.msk [tilespmem:v1+s16+$0x0], $0xffff  }
0x9e: {  	s2 =	sadd.s32 $0x80, s2;
	v1 =	vld.idx.msk [tilespmem:v2+s16+$0x0], $0xffff  }
0x9f: {  	v2 =	vld.idx.msk [tilespmem:v4+s16+$0x0], $0xffff;
	[tilespmem:s2+$0x30] =	vst v6  }
0xa0: {  	s4 =	sadd.s32 $0x80, s4;
	v4 =	vld.idx.msk [tilespmem:v7+s16+$0x0], $0xffff;
	[tilespmem:s2+$0xFFFFFFD0] =	vst v8  }
0xa1: {  	[tilespmem:s2+$0xFFFFFFE0] =	vst v5  }
0xa2: {  	[tilespmem:s2+$0xFFFFFFF0] =	vst v3  }
0xa3: {  	[tilespmem:s2+$0x0] =	vst v0  }
0xa4: {  	[tilespmem:s2+$0x10] =	vst v1  }
0xa5: {  	[tilespmem:s2+$0x20] =	vst v2  }
0xa6: {  	[tilespmem:s2+$0xFFFFFFC0] =	vst v4  }
0xa7: {  	s2 =	rddreg [dreg:$0x6]  }
0xa8: {  	[hbm4b:s2+s16] =	stream.linear.scatter [tilespmem:s30], [sflag:$0x5], $0x1400, $0x38;
	[tilespmem:$0x1D700] =	vst v63  }
0xa9: {  	_ =	swait.ge [sflag:s25], $0x1400  }
0xaa: {  	[sflag:s25] =	ssyncset.done $0x0  }
0xab: {  	s3 =	rddreg [dreg:$0x7];
	[sflag:s25] =	ssyncadd.s32 $0xFFFFEC00  }
0xac: {  	[tilespmem:s26], [sflag:$0x3] =	stream.linear.gather [hbm4b:s3+s16], $0x1400, $0x38;
	[tilespmem:$0x1D700] =	vst v63  }
0xad: {  	_ =	swait.ge [sflag:s31], $0x1400  }
0xae: {  	[sflag:s31] =	ssyncset.done $0x0  }
0xaf: {  	s4 =	simm.s32 $0x18740;
	[sflag:s31] =	ssyncadd.s32 $0xFFFFEC00  }
0xb0: {  	v0 =	vld [tilespmem:s4+$0x30]  }
0xb1: {  	v1 =	vld [tilespmem:s4+$0xFFFFFFD0]  }
0xb2: {  	v2 =	vld [tilespmem:s4+$0xFFFFFFE0]  }
0xb3: {  	v3 =	vld [tilespmem:s4+$0xFFFFFFF0]  }
0xb4: {  	v4 =	vld [tilespmem:s4+$0x0]  }
0xb5: {  	v6 =	vld [tilespmem:s4+$0x10]  }
0xb6: {  	v7 =	vld [tilespmem:s4+$0x20]  }
0xb7: {  	v8 =	vld [tilespmem:s4+$0xFFFFFFC0]  }
0xb8: {  	v9 =	vld.idx.msk [tilespmem:v0+s16+$0x0], $0xffff  }
0xb9: {  	v10 =	vld.idx.msk [tilespmem:v1+s16+$0x0], $0xffff  }
0xba: {  	v5 =	vld.idx.msk [tilespmem:v2+s16+$0x0], $0xffff  }
0xbb: {  	v3 =	vld.idx.msk [tilespmem:v3+s16+$0x0], $0xffff  }
0xbc: {  	v0 =	vld.idx.msk [tilespmem:v4+s16+$0x0], $0xffff  }
0xbd: {  	s2 =	simm.s32 $0x1AF40;
	v1 =	vld.idx.msk [tilespmem:v6+s16+$0x0], $0xffff  }
0xbe: {  	v2 =	vld.idx.msk [tilespmem:v7+s16+$0x0], $0xffff;
	[tilespmem:s2+$0x30] =	vst v9  }
0xbf: {  	s3 =	simm.s32 $0x0;
	s4 =	simm.s32 $0x187C0;
	v4 =	vld.idx.msk [tilespmem:v8+s16+$0x0], $0xffff;
	[tilespmem:s2+$0xFFFFFFD0] =	vst v10  }
.LBB2_7:
0xc0: {  	v6 =	vld [tilespmem:s4+$0x30];
	s3 =	sadd.s32 $0x80, s3;
	[tilespmem:s2+$0xFFFFFFE0] =	vst v5  }
0xc1: {  	v5 =	vld [tilespmem:s4+$0xFFFFFFD0];
	p3 =	slt.u32 s3, $0x1380;
	[tilespmem:s2+$0xFFFFFFF0] =	vst v3  }
0xc2: {  	v3 =	vld [tilespmem:s4+$0xFFFFFFE0];
	[tilespmem:s2+$0x0] =	vst v0  }
0xc3: {  	v0 =	vld [tilespmem:s4+$0xFFFFFFF0];
	[tilespmem:s2+$0x10] =	vst v1  }
0xc4: {  	v1 =	vld [tilespmem:s4+$0x0];
	[tilespmem:s2+$0x20] =	vst v2  }
0xc5: {  	v2 =	vld [tilespmem:s4+$0x10];
	[tilespmem:s2+$0xFFFFFFC0] =	vst v4  }
0xc6: {  	v4 =	vld [tilespmem:s4+$0x20]  }
0xc7: {  	v7 =	vld [tilespmem:s4+$0xFFFFFFC0]  }
0xc8: {  	v6 =	vld.idx.msk [tilespmem:v6+s16+$0x0], $0xffff  }
0xc9: {  	v8 =	vld.idx.msk [tilespmem:v5+s16+$0x0], $0xffff  }
0xca: {  	v5 =	vld.idx.msk [tilespmem:v3+s16+$0x0], $0xffff  }
.Ltmp5:
0xcb: {  	v3 =	vld.idx.msk [tilespmem:v0+s16+$0x0], $0xffff;
	(pc) =	sbr.rel @p3 .LBB2_7-.Ltmp5, $4  }
0xcc: {  	v0 =	vld.idx.msk [tilespmem:v1+s16+$0x0], $0xffff  }
0xcd: {  	s2 =	sadd.s32 $0x80, s2;
	v1 =	vld.idx.msk [tilespmem:v2+s16+$0x0], $0xffff  }
0xce: {  	v2 =	vld.idx.msk [tilespmem:v4+s16+$0x0], $0xffff;
	[tilespmem:s2+$0x30] =	vst v6  }
0xcf: {  	s4 =	sadd.s32 $0x80, s4;
	v4 =	vld.idx.msk [tilespmem:v7+s16+$0x0], $0xffff;
	[tilespmem:s2+$0xFFFFFFD0] =	vst v8  }
0xd0: {  	[tilespmem:s2+$0xFFFFFFE0] =	vst v5  }
0xd1: {  	[tilespmem:s2+$0xFFFFFFF0] =	vst v3  }
0xd2: {  	[tilespmem:s2+$0x0] =	vst v0  }
0xd3: {  	[tilespmem:s2+$0x10] =	vst v1  }
0xd4: {  	[tilespmem:s2+$0x20] =	vst v2  }
0xd5: {  	[tilespmem:s2+$0xFFFFFFC0] =	vst v4  }
0xd6: {  	s2 =	rddreg [dreg:$0x8]  }
0xd7: {  	[hbm4b:s2+s16] =	stream.linear.scatter [tilespmem:s28], [sflag:$0x4], $0x1400, $0x38;
	[tilespmem:$0x1D700] =	vst v63  }
0xd8: {  	_ =	swait.ge [sflag:s29], $0x1400  }
0xd9: {  	[sflag:s29] =	ssyncset.done $0x0  }
0xda: {  	s3 =	rddreg [dreg:$0x9];
	[sflag:s29] =	ssyncadd.s32 $0xFFFFEC00  }
0xdb: {  	[tilespmem:s23], [sflag:$0x2] =	stream.linear.gather [hbm4b:s3+s16], $0x1400, $0x38;
	[tilespmem:$0x1D700] =	vst v63  }
0xdc: {  	_ =	swait.ge [sflag:s0], $0x1400  }
0xdd: {  	[sflag:s0] =	ssyncset.done $0x0  }
0xde: {  	s4 =	simm.s32 $0x19B40;
	[sflag:s0] =	ssyncadd.s32 $0xFFFFEC00  }
0xdf: {  	v0 =	vld [tilespmem:s4+$0x30]  }
0xe0: {  	v1 =	vld [tilespmem:s4+$0xFFFFFFD0]  }
0xe1: {  	v2 =	vld [tilespmem:s4+$0xFFFFFFE0]  }
0xe2: {  	v3 =	vld [tilespmem:s4+$0xFFFFFFF0]  }
0xe3: {  	v4 =	vld [tilespmem:s4+$0x0]  }
0xe4: {  	v6 =	vld [tilespmem:s4+$0x10]  }
0xe5: {  	v7 =	vld [tilespmem:s4+$0x20]  }
0xe6: {  	v8 =	vld [tilespmem:s4+$0xFFFFFFC0]  }
0xe7: {  	v9 =	vld.idx.msk [tilespmem:v0+s16+$0x0], $0xffff  }
0xe8: {  	v10 =	vld.idx.msk [tilespmem:v1+s16+$0x0], $0xffff  }
0xe9: {  	v5 =	vld.idx.msk [tilespmem:v2+s16+$0x0], $0xffff  }
0xea: {  	v3 =	vld.idx.msk [tilespmem:v3+s16+$0x0], $0xffff  }
0xeb: {  	v0 =	vld.idx.msk [tilespmem:v4+s16+$0x0], $0xffff  }
0xec: {  	s2 =	simm.s32 $0x1C340;
	v1 =	vld.idx.msk [tilespmem:v6+s16+$0x0], $0xffff  }
0xed: {  	v2 =	vld.idx.msk [tilespmem:v7+s16+$0x0], $0xffff;
	[tilespmem:s2+$0x30] =	vst v9  }
0xee: {  	s3 =	simm.s32 $0x0;
	s4 =	simm.s32 $0x19BC0;
	v4 =	vld.idx.msk [tilespmem:v8+s16+$0x0], $0xffff;
	[tilespmem:s2+$0xFFFFFFD0] =	vst v10  }
.LBB2_9:
0xef: {  	v6 =	vld [tilespmem:s4+$0x30];
	s3 =	sadd.s32 $0x80, s3;
	[tilespmem:s2+$0xFFFFFFE0] =	vst v5  }
0xf0: {  	v5 =	vld [tilespmem:s4+$0xFFFFFFD0];
	p3 =	slt.u32 s3, $0x1380;
	[tilespmem:s2+$0xFFFFFFF0] =	vst v3  }
0xf1: {  	v3 =	vld [tilespmem:s4+$0xFFFFFFE0];
	[tilespmem:s2+$0x0] =	vst v0  }
0xf2: {  	v0 =	vld [tilespmem:s4+$0xFFFFFFF0];
	[tilespmem:s2+$0x10] =	vst v1  }
0xf3: {  	v1 =	vld [tilespmem:s4+$0x0];
	[tilespmem:s2+$0x20] =	vst v2  }
0xf4: {  	v2 =	vld [tilespmem:s4+$0x10];
	[tilespmem:s2+$0xFFFFFFC0] =	vst v4  }
0xf5: {  	v4 =	vld [tilespmem:s4+$0x20]  }
0xf6: {  	v7 =	vld [tilespmem:s4+$0xFFFFFFC0]  }
0xf7: {  	v6 =	vld.idx.msk [tilespmem:v6+s16+$0x0], $0xffff  }
0xf8: {  	v8 =	vld.idx.msk [tilespmem:v5+s16+$0x0], $0xffff  }
0xf9: {  	v5 =	vld.idx.msk [tilespmem:v3+s16+$0x0], $0xffff  }
.Ltmp6:
0xfa: {  	v3 =	vld.idx.msk [tilespmem:v0+s16+$0x0], $0xffff;
	(pc) =	sbr.rel @p3 .LBB2_9-.Ltmp6, $4  }
0xfb: {  	v0 =	vld.idx.msk [tilespmem:v1+s16+$0x0], $0xffff  }
0xfc: {  	s2 =	sadd.s32 $0x80, s2;
	v1 =	vld.idx.msk [tilespmem:v2+s16+$0x0], $0xffff  }
0xfd: {  	v2 =	vld.idx.msk [tilespmem:v4+s16+$0x0], $0xffff;
	[tilespmem:s2+$0x30] =	vst v6  }
0xfe: {  	s4 =	sadd.s32 $0x80, s4;
	v4 =	vld.idx.msk [tilespmem:v7+s16+$0x0], $0xffff;
	[tilespmem:s2+$0xFFFFFFD0] =	vst v8  }
0xff: {  	[tilespmem:s2+$0xFFFFFFE0] =	vst v5  }
0x100: {  	[tilespmem:s2+$0xFFFFFFF0] =	vst v3  }
0x101: {  	[tilespmem:s2+$0x0] =	vst v0  }
0x102: {  	[tilespmem:s2+$0x10] =	vst v1  }
0x103: {  	[tilespmem:s2+$0x20] =	vst v2  }
0x104: {  	[tilespmem:s2+$0xFFFFFFC0] =	vst v4  }
0x105: {  	s2 =	rddreg [dreg:$0xa]  }
0x106: {  	[hbm4b:s2+s16] =	stream.linear.scatter [tilespmem:s30], [sflag:$0x5], $0x1400, $0x38;
	[tilespmem:$0x1D700] =	vst v63  }
0x107: {  	_ =	swait.ge [sflag:s25], $0x1400  }
0x108: {  	[sflag:s25] =	ssyncset.done $0x0  }
0x109: {  	s3 =	rddreg [dreg:$0xb];
	[sflag:s25] =	ssyncadd.s32 $0xFFFFEC00  }
0x10a: {  	[tilespmem:s26], [sflag:$0x3] =	stream.linear.gather [hbm4b:s3+s16], $0x1400, $0x38;
	[tilespmem:$0x1D700] =	vst v63  }
0x10b: {  	_ =	swait.ge [sflag:s31], $0x1400  }
0x10c: {  	[sflag:s31] =	ssyncset.done $0x0  }
0x10d: {  	s4 =	simm.s32 $0x18740;
	[sflag:s31] =	ssyncadd.s32 $0xFFFFEC00  }
0x10e: {  	v0 =	vld [tilespmem:s4+$0x30]  }
0x10f: {  	v1 =	vld [tilespmem:s4+$0xFFFFFFD0]  }
0x110: {  	v2 =	vld [tilespmem:s4+$0xFFFFFFE0]  }
0x111: {  	v3 =	vld [tilespmem:s4+$0xFFFFFFF0]  }
0x112: {  	v4 =	vld [tilespmem:s4+$0x0]  }
0x113: {  	v6 =	vld [tilespmem:s4+$0x10]  }
0x114: {  	v7 =	vld [tilespmem:s4+$0x20]  }
0x115: {  	v8 =	vld [tilespmem:s4+$0xFFFFFFC0]  }
0x116: {  	v9 =	vld.idx.msk [tilespmem:v0+s16+$0x0], $0xffff  }
0x117: {  	v10 =	vld.idx.msk [tilespmem:v1+s16+$0x0], $0xffff  }
0x118: {  	v5 =	vld.idx.msk [tilespmem:v2+s16+$0x0], $0xffff  }
0x119: {  	v3 =	vld.idx.msk [tilespmem:v3+s16+$0x0], $0xffff  }
0x11a: {  	v0 =	vld.idx.msk [tilespmem:v4+s16+$0x0], $0xffff  }
0x11b: {  	s2 =	simm.s32 $0x1AF40;
	v1 =	vld.idx.msk [tilespmem:v6+s16+$0x0], $0xffff  }
0x11c: {  	v2 =	vld.idx.msk [tilespmem:v7+s16+$0x0], $0xffff;
	[tilespmem:s2+$0x30] =	vst v9  }
0x11d: {  	s3 =	simm.s32 $0x0;
	s4 =	simm.s32 $0x187C0;
	v4 =	vld.idx.msk [tilespmem:v8+s16+$0x0], $0xffff;
	[tilespmem:s2+$0xFFFFFFD0] =	vst v10  }
.LBB2_11:
0x11e: {  	v6 =	vld [tilespmem:s4+$0x30];
	s3 =	sadd.s32 $0x80, s3;
	[tilespmem:s2+$0xFFFFFFE0] =	vst v5  }
0x11f: {  	v5 =	vld [tilespmem:s4+$0xFFFFFFD0];
	p3 =	slt.u32 s3, $0x1380;
	[tilespmem:s2+$0xFFFFFFF0] =	vst v3  }
0x120: {  	v3 =	vld [tilespmem:s4+$0xFFFFFFE0];
	[tilespmem:s2+$0x0] =	vst v0  }
0x121: {  	v0 =	vld [tilespmem:s4+$0xFFFFFFF0];
	[tilespmem:s2+$0x10] =	vst v1  }
0x122: {  	v1 =	vld [tilespmem:s4+$0x0];
	[tilespmem:s2+$0x20] =	vst v2  }
0x123: {  	v2 =	vld [tilespmem:s4+$0x10];
	[tilespmem:s2+$0xFFFFFFC0] =	vst v4  }
0x124: {  	v4 =	vld [tilespmem:s4+$0x20]  }
0x125: {  	v7 =	vld [tilespmem:s4+$0xFFFFFFC0]  }
0x126: {  	v6 =	vld.idx.msk [tilespmem:v6+s16+$0x0], $0xffff  }
0x127: {  	v8 =	vld.idx.msk [tilespmem:v5+s16+$0x0], $0xffff  }
0x128: {  	v5 =	vld.idx.msk [tilespmem:v3+s16+$0x0], $0xffff  }
.Ltmp7:
0x129: {  	v3 =	vld.idx.msk [tilespmem:v0+s16+$0x0], $0xffff;
	(pc) =	sbr.rel @p3 .LBB2_11-.Ltmp7, $4  }
0x12a: {  	v0 =	vld.idx.msk [tilespmem:v1+s16+$0x0], $0xffff  }
0x12b: {  	s2 =	sadd.s32 $0x80, s2;
	v1 =	vld.idx.msk [tilespmem:v2+s16+$0x0], $0xffff  }
0x12c: {  	v2 =	vld.idx.msk [tilespmem:v4+s16+$0x0], $0xffff;
	[tilespmem:s2+$0x30] =	vst v6  }
0x12d: {  	s4 =	sadd.s32 $0x80, s4;
	v4 =	vld.idx.msk [tilespmem:v7+s16+$0x0], $0xffff;
	[tilespmem:s2+$0xFFFFFFD0] =	vst v8  }
0x12e: {  	[tilespmem:s2+$0xFFFFFFE0] =	vst v5  }
0x12f: {  	[tilespmem:s2+$0xFFFFFFF0] =	vst v3  }
0x130: {  	[tilespmem:s2+$0x0] =	vst v0  }
0x131: {  	[tilespmem:s2+$0x10] =	vst v1  }
0x132: {  	[tilespmem:s2+$0x20] =	vst v2  }
0x133: {  	[tilespmem:s2+$0xFFFFFFC0] =	vst v4  }
0x134: {  	s2 =	rddreg [dreg:$0xc]  }
0x135: {  	[hbm4b:s2+s16] =	stream.linear.scatter [tilespmem:s28], [sflag:$0x4], $0x1400, $0x38;
	[tilespmem:$0x1D700] =	vst v63  }
0x136: {  	_ =	swait.ge [sflag:s29], $0x1400  }
0x137: {  	[sflag:s29] =	ssyncset.done $0x0  }
0x138: {  	s3 =	rddreg [dreg:$0xd];
	[sflag:s29] =	ssyncadd.s32 $0xFFFFEC00  }
0x139: {  	[tilespmem:s23], [sflag:$0x2] =	stream.linear.gather [hbm4b:s3+s16], $0x1400, $0x38;
	[tilespmem:$0x1D700] =	vst v63  }
0x13a: {  	_ =	swait.ge [sflag:s0], $0x1400  }
0x13b: {  	[sflag:s0] =	ssyncset.done $0x0  }
0x13c: {  	s4 =	simm.s32 $0x19B40;
	[sflag:s0] =	ssyncadd.s32 $0xFFFFEC00  }
0x13d: {  	v0 =	vld [tilespmem:s4+$0x30]  }
0x13e: {  	v1 =	vld [tilespmem:s4+$0xFFFFFFD0]  }
0x13f: {  	v2 =	vld [tilespmem:s4+$0xFFFFFFE0]  }
0x140: {  	v3 =	vld [tilespmem:s4+$0xFFFFFFF0]  }
0x141: {  	v4 =	vld [tilespmem:s4+$0x0]  }
0x142: {  	v6 =	vld [tilespmem:s4+$0x10]  }
0x143: {  	v7 =	vld [tilespmem:s4+$0x20]  }
0x144: {  	v8 =	vld [tilespmem:s4+$0xFFFFFFC0]  }
0x145: {  	v9 =	vld.idx.msk [tilespmem:v0+s16+$0x0], $0xffff  }
0x146: {  	v10 =	vld.idx.msk [tilespmem:v1+s16+$0x0], $0xffff  }
0x147: {  	v5 =	vld.idx.msk [tilespmem:v2+s16+$0x0], $0xffff  }
0x148: {  	v3 =	vld.idx.msk [tilespmem:v3+s16+$0x0], $0xffff  }
0x149: {  	v0 =	vld.idx.msk [tilespmem:v4+s16+$0x0], $0xffff  }
0x14a: {  	s2 =	simm.s32 $0x1C340;
	v1 =	vld.idx.msk [tilespmem:v6+s16+$0x0], $0xffff  }
0x14b: {  	v2 =	vld.idx.msk [tilespmem:v7+s16+$0x0], $0xffff;
	[tilespmem:s2+$0x30] =	vst v9  }
0x14c: {  	s3 =	simm.s32 $0x0;
	s4 =	simm.s32 $0x19BC0;
	v4 =	vld.idx.msk [tilespmem:v8+s16+$0x0], $0xffff;
	[tilespmem:s2+$0xFFFFFFD0] =	vst v10  }
.LBB2_13:
0x14d: {  	v6 =	vld [tilespmem:s4+$0x30];
	s3 =	sadd.s32 $0x80, s3;
	[tilespmem:s2+$0xFFFFFFE0] =	vst v5  }
0x14e: {  	v5 =	vld [tilespmem:s4+$0xFFFFFFD0];
	p3 =	slt.u32 s3, $0x1380;
	[tilespmem:s2+$0xFFFFFFF0] =	vst v3  }
0x14f: {  	v3 =	vld [tilespmem:s4+$0xFFFFFFE0];
	[tilespmem:s2+$0x0] =	vst v0  }
0x150: {  	v0 =	vld [tilespmem:s4+$0xFFFFFFF0];
	[tilespmem:s2+$0x10] =	vst v1  }
0x151: {  	v1 =	vld [tilespmem:s4+$0x0];
	[tilespmem:s2+$0x20] =	vst v2  }
0x152: {  	v2 =	vld [tilespmem:s4+$0x10];
	[tilespmem:s2+$0xFFFFFFC0] =	vst v4  }
0x153: {  	v4 =	vld [tilespmem:s4+$0x20]  }
0x154: {  	v7 =	vld [tilespmem:s4+$0xFFFFFFC0]  }
0x155: {  	v6 =	vld.idx.msk [tilespmem:v6+s16+$0x0], $0xffff  }
0x156: {  	v8 =	vld.idx.msk [tilespmem:v5+s16+$0x0], $0xffff  }
0x157: {  	v5 =	vld.idx.msk [tilespmem:v3+s16+$0x0], $0xffff  }
.Ltmp8:
0x158: {  	v3 =	vld.idx.msk [tilespmem:v0+s16+$0x0], $0xffff;
	(pc) =	sbr.rel @p3 .LBB2_13-.Ltmp8, $4  }
0x159: {  	v0 =	vld.idx.msk [tilespmem:v1+s16+$0x0], $0xffff  }
0x15a: {  	s2 =	sadd.s32 $0x80, s2;
	v1 =	vld.idx.msk [tilespmem:v2+s16+$0x0], $0xffff  }
0x15b: {  	v2 =	vld.idx.msk [tilespmem:v4+s16+$0x0], $0xffff;
	[tilespmem:s2+$0x30] =	vst v6  }
0x15c: {  	s4 =	sadd.s32 $0x80, s4;
	v4 =	vld.idx.msk [tilespmem:v7+s16+$0x0], $0xffff;
	[tilespmem:s2+$0xFFFFFFD0] =	vst v8  }
0x15d: {  	[tilespmem:s2+$0xFFFFFFE0] =	vst v5  }
0x15e: {  	[tilespmem:s2+$0xFFFFFFF0] =	vst v3  }
0x15f: {  	[tilespmem:s2+$0x0] =	vst v0  }
0x160: {  	[tilespmem:s2+$0x10] =	vst v1  }
0x161: {  	[tilespmem:s2+$0x20] =	vst v2  }
0x162: {  	[tilespmem:s2+$0xFFFFFFC0] =	vst v4  }
0x163: {  	s2 =	rddreg [dreg:$0xe]  }
0x164: {  	[hbm4b:s2+s16] =	stream.linear.scatter [tilespmem:s30], [sflag:$0x5], $0x1400, $0x38;
	[tilespmem:$0x1D700] =	vst v63  }
0x165: {  	_ =	swait.ge [sflag:s25], $0x1400  }
0x166: {  	[sflag:s25] =	ssyncset.done $0x0  }
0x167: {  	s3 =	rddreg [dreg:$0xf];
	[sflag:s25] =	ssyncadd.s32 $0xFFFFEC00  }
0x168: {  	[tilespmem:s26], [sflag:$0x3] =	stream.linear.gather [hbm4b:s3+s16], $0x1400, $0x38;
	[tilespmem:$0x1D700] =	vst v63  }
0x169: {  	_ =	swait.ge [sflag:s31], $0x1400  }
0x16a: {  	[sflag:s31] =	ssyncset.done $0x0  }
0x16b: {  	s4 =	simm.s32 $0x18740;
	[sflag:s31] =	ssyncadd.s32 $0xFFFFEC00  }
0x16c: {  	v0 =	vld [tilespmem:s4+$0x30]  }
0x16d: {  	v1 =	vld [tilespmem:s4+$0xFFFFFFD0]  }
0x16e: {  	v2 =	vld [tilespmem:s4+$0xFFFFFFE0]  }
0x16f: {  	v3 =	vld [tilespmem:s4+$0xFFFFFFF0]  }
0x170: {  	v4 =	vld [tilespmem:s4+$0x0]  }
0x171: {  	v6 =	vld [tilespmem:s4+$0x10]  }
0x172: {  	v7 =	vld [tilespmem:s4+$0x20]  }
0x173: {  	v8 =	vld [tilespmem:s4+$0xFFFFFFC0]  }
0x174: {  	v9 =	vld.idx.msk [tilespmem:v0+s16+$0x0], $0xffff  }
0x175: {  	v10 =	vld.idx.msk [tilespmem:v1+s16+$0x0], $0xffff  }
0x176: {  	v5 =	vld.idx.msk [tilespmem:v2+s16+$0x0], $0xffff  }
0x177: {  	v3 =	vld.idx.msk [tilespmem:v3+s16+$0x0], $0xffff  }
0x178: {  	v0 =	vld.idx.msk [tilespmem:v4+s16+$0x0], $0xffff  }
0x179: {  	s2 =	simm.s32 $0x1AF40;
	v1 =	vld.idx.msk [tilespmem:v6+s16+$0x0], $0xffff  }
0x17a: {  	v2 =	vld.idx.msk [tilespmem:v7+s16+$0x0], $0xffff;
	[tilespmem:s2+$0x30] =	vst v9  }
0x17b: {  	s3 =	simm.s32 $0x0;
	s4 =	simm.s32 $0x187C0;
	v4 =	vld.idx.msk [tilespmem:v8+s16+$0x0], $0xffff;
	[tilespmem:s2+$0xFFFFFFD0] =	vst v10  }
.LBB2_15:
0x17c: {  	v6 =	vld [tilespmem:s4+$0x30];
	s3 =	sadd.s32 $0x80, s3;
	[tilespmem:s2+$0xFFFFFFE0] =	vst v5  }
0x17d: {  	v5 =	vld [tilespmem:s4+$0xFFFFFFD0];
	p3 =	slt.u32 s3, $0x1380;
	[tilespmem:s2+$0xFFFFFFF0] =	vst v3  }
0x17e: {  	v3 =	vld [tilespmem:s4+$0xFFFFFFE0];
	[tilespmem:s2+$0x0] =	vst v0  }
0x17f: {  	v0 =	vld [tilespmem:s4+$0xFFFFFFF0];
	[tilespmem:s2+$0x10] =	vst v1  }
0x180: {  	v1 =	vld [tilespmem:s4+$0x0];
	[tilespmem:s2+$0x20] =	vst v2  }
0x181: {  	v2 =	vld [tilespmem:s4+$0x10];
	[tilespmem:s2+$0xFFFFFFC0] =	vst v4  }
0x182: {  	v4 =	vld [tilespmem:s4+$0x20]  }
0x183: {  	v7 =	vld [tilespmem:s4+$0xFFFFFFC0]  }
0x184: {  	v6 =	vld.idx.msk [tilespmem:v6+s16+$0x0], $0xffff  }
0x185: {  	v8 =	vld.idx.msk [tilespmem:v5+s16+$0x0], $0xffff  }
0x186: {  	v5 =	vld.idx.msk [tilespmem:v3+s16+$0x0], $0xffff  }
.Ltmp9:
0x187: {  	v3 =	vld.idx.msk [tilespmem:v0+s16+$0x0], $0xffff;
	(pc) =	sbr.rel @p3 .LBB2_15-.Ltmp9, $4  }
0x188: {  	v0 =	vld.idx.msk [tilespmem:v1+s16+$0x0], $0xffff  }
0x189: {  	s2 =	sadd.s32 $0x80, s2;
	v1 =	vld.idx.msk [tilespmem:v2+s16+$0x0], $0xffff  }
0x18a: {  	v2 =	vld.idx.msk [tilespmem:v4+s16+$0x0], $0xffff;
	[tilespmem:s2+$0x30] =	vst v6  }
0x18b: {  	s4 =	sadd.s32 $0x80, s4;
	v4 =	vld.idx.msk [tilespmem:v7+s16+$0x0], $0xffff;
	[tilespmem:s2+$0xFFFFFFD0] =	vst v8  }
0x18c: {  	[tilespmem:s2+$0xFFFFFFE0] =	vst v5  }
0x18d: {  	[tilespmem:s2+$0xFFFFFFF0] =	vst v3  }
0x18e: {  	[tilespmem:s2+$0x0] =	vst v0  }
0x18f: {  	[tilespmem:s2+$0x10] =	vst v1  }
0x190: {  	[tilespmem:s2+$0x20] =	vst v2  }
0x191: {  	[tilespmem:s2+$0xFFFFFFC0] =	vst v4  }
0x192: {  	s2 =	rddreg [dreg:$0x10]  }
0x193: {  	[hbm4b:s2+s16] =	stream.linear.scatter [tilespmem:s28], [sflag:$0x4], $0x1400, $0x38;
	[tilespmem:$0x1D700] =	vst v63  }
0x194: {  	_ =	swait.ge [sflag:s29], $0x1400  }
0x195: {  	[sflag:s29] =	ssyncset.done $0x0  }
0x196: {  	[sflag:s29] =	ssyncadd.s32 $0xFFFFEC00  }
0x197: {  	_ =	swait.ge [sflag:s0], $0x1400  }
0x198: {  	[sflag:s0] =	ssyncset.done $0x0  }
0x199: {  	s4 =	simm.s32 $0x19B40;
	[sflag:s0] =	ssyncadd.s32 $0xFFFFEC00  }
0x19a: {  	v0 =	vld [tilespmem:s4+$0x30]  }
0x19b: {  	v1 =	vld [tilespmem:s4+$0xFFFFFFD0]  }
0x19c: {  	v2 =	vld [tilespmem:s4+$0xFFFFFFE0]  }
0x19d: {  	v3 =	vld [tilespmem:s4+$0xFFFFFFF0]  }
0x19e: {  	v4 =	vld [tilespmem:s4+$0x0]  }
0x19f: {  	v6 =	vld [tilespmem:s4+$0x10]  }
0x1a0: {  	v7 =	vld [tilespmem:s4+$0x20]  }
0x1a1: {  	v8 =	vld [tilespmem:s4+$0xFFFFFFC0]  }
0x1a2: {  	v9 =	vld.idx.msk [tilespmem:v0+s16+$0x0], $0xffff  }
0x1a3: {  	v10 =	vld.idx.msk [tilespmem:v1+s16+$0x0], $0xffff  }
0x1a4: {  	v5 =	vld.idx.msk [tilespmem:v2+s16+$0x0], $0xffff  }
0x1a5: {  	v3 =	vld.idx.msk [tilespmem:v3+s16+$0x0], $0xffff  }
0x1a6: {  	v0 =	vld.idx.msk [tilespmem:v4+s16+$0x0], $0xffff  }
0x1a7: {  	s2 =	simm.s32 $0x1C340;
	v1 =	vld.idx.msk [tilespmem:v6+s16+$0x0], $0xffff  }
0x1a8: {  	v2 =	vld.idx.msk [tilespmem:v7+s16+$0x0], $0xffff;
	[tilespmem:s2+$0x30] =	vst v9  }
0x1a9: {  	s3 =	simm.s32 $0x0;
	s4 =	simm.s32 $0x19BC0;
	v4 =	vld.idx.msk [tilespmem:v8+s16+$0x0], $0xffff;
	[tilespmem:s2+$0xFFFFFFD0] =	vst v10  }
.LBB2_17:
0x1aa: {  	v6 =	vld [tilespmem:s4+$0x30];
	s3 =	sadd.s32 $0x80, s3;
	[tilespmem:s2+$0xFFFFFFE0] =	vst v5  }
0x1ab: {  	v5 =	vld [tilespmem:s4+$0xFFFFFFD0];
	p3 =	slt.u32 s3, $0x1380;
	[tilespmem:s2+$0xFFFFFFF0] =	vst v3  }
0x1ac: {  	v3 =	vld [tilespmem:s4+$0xFFFFFFE0];
	[tilespmem:s2+$0x0] =	vst v0  }
0x1ad: {  	v0 =	vld [tilespmem:s4+$0xFFFFFFF0];
	[tilespmem:s2+$0x10] =	vst v1  }
0x1ae: {  	v1 =	vld [tilespmem:s4+$0x0];
	[tilespmem:s2+$0x20] =	vst v2  }
0x1af: {  	v2 =	vld [tilespmem:s4+$0x10];
	[tilespmem:s2+$0xFFFFFFC0] =	vst v4  }
0x1b0: {  	v4 =	vld [tilespmem:s4+$0x20]  }
0x1b1: {  	v7 =	vld [tilespmem:s4+$0xFFFFFFC0]  }
0x1b2: {  	v6 =	vld.idx.msk [tilespmem:v6+s16+$0x0], $0xffff  }
0x1b3: {  	v8 =	vld.idx.msk [tilespmem:v5+s16+$0x0], $0xffff  }
0x1b4: {  	v5 =	vld.idx.msk [tilespmem:v3+s16+$0x0], $0xffff  }
.Ltmp10:
0x1b5: {  	v3 =	vld.idx.msk [tilespmem:v0+s16+$0x0], $0xffff;
	(pc) =	sbr.rel @p3 .LBB2_17-.Ltmp10, $4  }
0x1b6: {  	v0 =	vld.idx.msk [tilespmem:v1+s16+$0x0], $0xffff  }
0x1b7: {  	s2 =	sadd.s32 $0x80, s2;
	v1 =	vld.idx.msk [tilespmem:v2+s16+$0x0], $0xffff  }
0x1b8: {  	v2 =	vld.idx.msk [tilespmem:v4+s16+$0x0], $0xffff;
	[tilespmem:s2+$0x30] =	vst v6  }
0x1b9: {  	s4 =	sadd.s32 $0x80, s4;
	v4 =	vld.idx.msk [tilespmem:v7+s16+$0x0], $0xffff;
	[tilespmem:s2+$0xFFFFFFD0] =	vst v8  }
0x1ba: {  	[tilespmem:s2+$0xFFFFFFE0] =	vst v5  }
0x1bb: {  	[tilespmem:s2+$0xFFFFFFF0] =	vst v3  }
0x1bc: {  	[tilespmem:s2+$0x0] =	vst v0  }
0x1bd: {  	[tilespmem:s2+$0x10] =	vst v1  }
0x1be: {  	[tilespmem:s2+$0x20] =	vst v2  }
0x1bf: {  	[tilespmem:s2+$0xFFFFFFC0] =	vst v4  }
0x1c0: {  	s2 =	rddreg [dreg:$0x11]  }
0x1c1: {  	[hbm4b:s2+s16] =	stream.linear.scatter [tilespmem:s30], [sflag:$0x5], $0x1400, $0x38;
	[tilespmem:$0x1D700] =	vst v63  }
0x1c2: {  	_ =	swait.ge [sflag:s31], $0x1400  }
0x1c3: {  	[sflag:s31] =	ssyncset.done $0x0  }
0x1c4: {  	[sflag:s31] =	ssyncadd.s32 $0xFFFFEC00  }
0x1c5: {  	_ =	swait.ge [sflag:s0], $0x1400  }
0x1c6: {  	[sflag:s0] =	ssyncset.done $0x0  }
0x1c7: {  	[sflag:s0] =	ssyncadd.s32 $0xFFFFEC00  }
.LBB2_19:
.Ltmp11:
0x1c8: {  	(pc) =	sbr.rel @p0 .LBB2_37-.Ltmp11, $1  }
0x1c9: {  	_ =	sdelay $0x3  }
0x1ca: {  	[tilespmem:s16], [sflag:$0x1] =	stream.linear.gather [hbm4b:s20+s16], $0x18700, $0x38;
	[tilespmem:$0x1D700] =	vst v63  }
0x1cb: {  	s2 =	rddreg [dreg:$0x12]  }
0x1cc: {  	[tilespmem:s23], [sflag:$0x2] =	stream.linear.gather [hbm4b:s2+s16], $0x1400, $0x38;
	[tilespmem:$0x1D700] =	vst v63  }
0x1cd: {  	_ =	swait.ge [sflag:s24], $0x18700  }
0x1ce: {  	[sflag:s24] =	ssyncset.done $0x0  }
0x1cf: {  	[sflag:s24] =	ssyncadd.s32 $0xFFFE7900  }
0x1d0: {  	_ =	swait.ge [sflag:s25], $0x1400  }
0x1d1: {  	[sflag:s25] =	ssyncset.done $0x0  }
0x1d2: {  	s4 =	simm.s32 $0x18740;
	s3 =	rddreg [dreg:$0x14];
	[sflag:s25] =	ssyncadd.s32 $0xFFFFEC00  }
0x1d3: {  	[tilespmem:s26], [sflag:$0x3] =	stream.linear.gather [hbm4b:s3+s16], $0x1400, $0x38;
	[tilespmem:$0x1D700] =	vst v63  }
0x1d4: {  	v0 =	vld [tilespmem:s4+$0x30]  }
0x1d5: {  	v1 =	vld [tilespmem:s4+$0xFFFFFFD0]  }
0x1d6: {  	v2 =	vld [tilespmem:s4+$0xFFFFFFE0]  }
0x1d7: {  	v3 =	vld [tilespmem:s4+$0xFFFFFFF0]  }
0x1d8: {  	v4 =	vld [tilespmem:s4+$0x0]  }
0x1d9: {  	v6 =	vld [tilespmem:s4+$0x10]  }
0x1da: {  	v7 =	vld [tilespmem:s4+$0x20]  }
0x1db: {  	v8 =	vld [tilespmem:s4+$0xFFFFFFC0]  }
0x1dc: {  	v9 =	vld.idx.msk [tilespmem:v0+s16+$0x0], $0xffff  }
0x1dd: {  	v10 =	vld.idx.msk [tilespmem:v1+s16+$0x0], $0xffff  }
0x1de: {  	v5 =	vld.idx.msk [tilespmem:v2+s16+$0x0], $0xffff  }
0x1df: {  	v3 =	vld.idx.msk [tilespmem:v3+s16+$0x0], $0xffff  }
0x1e0: {  	v0 =	vld.idx.msk [tilespmem:v4+s16+$0x0], $0xffff  }
0x1e1: {  	s2 =	simm.s32 $0x1AF40;
	v1 =	vld.idx.msk [tilespmem:v6+s16+$0x0], $0xffff  }
0x1e2: {  	v2 =	vld.idx.msk [tilespmem:v7+s16+$0x0], $0xffff;
	[tilespmem:s2+$0x30] =	vst v9  }
0x1e3: {  	s3 =	simm.s32 $0x0;
	s4 =	simm.s32 $0x187C0;
	v4 =	vld.idx.msk [tilespmem:v8+s16+$0x0], $0xffff;
	[tilespmem:s2+$0xFFFFFFD0] =	vst v10  }
.LBB2_21:
0x1e4: {  	v6 =	vld [tilespmem:s4+$0x30];
	s3 =	sadd.s32 $0x80, s3;
	[tilespmem:s2+$0xFFFFFFE0] =	vst v5  }
0x1e5: {  	v5 =	vld [tilespmem:s4+$0xFFFFFFD0];
	p3 =	slt.u32 s3, $0x1380;
	[tilespmem:s2+$0xFFFFFFF0] =	vst v3  }
0x1e6: {  	v3 =	vld [tilespmem:s4+$0xFFFFFFE0];
	[tilespmem:s2+$0x0] =	vst v0  }
0x1e7: {  	v0 =	vld [tilespmem:s4+$0xFFFFFFF0];
	[tilespmem:s2+$0x10] =	vst v1  }
0x1e8: {  	v1 =	vld [tilespmem:s4+$0x0];
	[tilespmem:s2+$0x20] =	vst v2  }
0x1e9: {  	v2 =	vld [tilespmem:s4+$0x10];
	[tilespmem:s2+$0xFFFFFFC0] =	vst v4  }
0x1ea: {  	v4 =	vld [tilespmem:s4+$0x20]  }
0x1eb: {  	v7 =	vld [tilespmem:s4+$0xFFFFFFC0]  }
0x1ec: {  	v6 =	vld.idx.msk [tilespmem:v6+s16+$0x0], $0xffff  }
0x1ed: {  	v8 =	vld.idx.msk [tilespmem:v5+s16+$0x0], $0xffff  }
0x1ee: {  	v5 =	vld.idx.msk [tilespmem:v3+s16+$0x0], $0xffff  }
.Ltmp12:
0x1ef: {  	v3 =	vld.idx.msk [tilespmem:v0+s16+$0x0], $0xffff;
	(pc) =	sbr.rel @p3 .LBB2_21-.Ltmp12, $4  }
0x1f0: {  	v0 =	vld.idx.msk [tilespmem:v1+s16+$0x0], $0xffff  }
0x1f1: {  	s2 =	sadd.s32 $0x80, s2;
	v1 =	vld.idx.msk [tilespmem:v2+s16+$0x0], $0xffff  }
0x1f2: {  	v2 =	vld.idx.msk [tilespmem:v4+s16+$0x0], $0xffff;
	[tilespmem:s2+$0x30] =	vst v6  }
0x1f3: {  	s4 =	sadd.s32 $0x80, s4;
	v4 =	vld.idx.msk [tilespmem:v7+s16+$0x0], $0xffff;
	[tilespmem:s2+$0xFFFFFFD0] =	vst v8  }
0x1f4: {  	[tilespmem:s2+$0xFFFFFFE0] =	vst v5  }
0x1f5: {  	[tilespmem:s2+$0xFFFFFFF0] =	vst v3  }
0x1f6: {  	[tilespmem:s2+$0x0] =	vst v0  }
0x1f7: {  	[tilespmem:s2+$0x10] =	vst v1  }
0x1f8: {  	[tilespmem:s2+$0x20] =	vst v2  }
0x1f9: {  	[tilespmem:s2+$0xFFFFFFC0] =	vst v4  }
0x1fa: {  	s2 =	rddreg [dreg:$0x13]  }
0x1fb: {  	[hbm4b:s2+s16] =	stream.linear.scatter [tilespmem:s28], [sflag:$0x4], $0x1400, $0x38;
	[tilespmem:$0x1D700] =	vst v63  }
0x1fc: {  	_ =	swait.ge [sflag:s29], $0x1400  }
0x1fd: {  	[sflag:s29] =	ssyncset.done $0x0  }
0x1fe: {  	s4 =	simm.s32 $0x19B40;
	s3 =	rddreg [dreg:$0x16];
	[sflag:s29] =	ssyncadd.s32 $0xFFFFEC00  }
0x1ff: {  	[tilespmem:s23], [sflag:$0x2] =	stream.linear.gather [hbm4b:s3+s16], $0x1400, $0x38;
	[tilespmem:$0x1D700] =	vst v63  }
0x200: {  	v0 =	vld [tilespmem:s4+$0x30]  }
0x201: {  	v1 =	vld [tilespmem:s4+$0xFFFFFFD0]  }
0x202: {  	v2 =	vld [tilespmem:s4+$0xFFFFFFE0]  }
0x203: {  	v3 =	vld [tilespmem:s4+$0xFFFFFFF0]  }
0x204: {  	v4 =	vld [tilespmem:s4+$0x0]  }
0x205: {  	v6 =	vld [tilespmem:s4+$0x10]  }
0x206: {  	v7 =	vld [tilespmem:s4+$0x20]  }
0x207: {  	v8 =	vld [tilespmem:s4+$0xFFFFFFC0]  }
0x208: {  	v9 =	vld.idx.msk [tilespmem:v0+s16+$0x0], $0xffff  }
0x209: {  	v10 =	vld.idx.msk [tilespmem:v1+s16+$0x0], $0xffff  }
0x20a: {  	v5 =	vld.idx.msk [tilespmem:v2+s16+$0x0], $0xffff  }
0x20b: {  	v3 =	vld.idx.msk [tilespmem:v3+s16+$0x0], $0xffff  }
0x20c: {  	v0 =	vld.idx.msk [tilespmem:v4+s16+$0x0], $0xffff  }
0x20d: {  	s2 =	simm.s32 $0x1C340;
	v1 =	vld.idx.msk [tilespmem:v6+s16+$0x0], $0xffff  }
0x20e: {  	v2 =	vld.idx.msk [tilespmem:v7+s16+$0x0], $0xffff;
	[tilespmem:s2+$0x30] =	vst v9  }
0x20f: {  	s3 =	simm.s32 $0x0;
	s4 =	simm.s32 $0x19BC0;
	v4 =	vld.idx.msk [tilespmem:v8+s16+$0x0], $0xffff;
	[tilespmem:s2+$0xFFFFFFD0] =	vst v10  }
.LBB2_23:
0x210: {  	v6 =	vld [tilespmem:s4+$0x30];
	s3 =	sadd.s32 $0x80, s3;
	[tilespmem:s2+$0xFFFFFFE0] =	vst v5  }
0x211: {  	v5 =	vld [tilespmem:s4+$0xFFFFFFD0];
	p3 =	slt.u32 s3, $0x1380;
	[tilespmem:s2+$0xFFFFFFF0] =	vst v3  }
0x212: {  	v3 =	vld [tilespmem:s4+$0xFFFFFFE0];
	[tilespmem:s2+$0x0] =	vst v0  }
0x213: {  	v0 =	vld [tilespmem:s4+$0xFFFFFFF0];
	[tilespmem:s2+$0x10] =	vst v1  }
0x214: {  	v1 =	vld [tilespmem:s4+$0x0];
	[tilespmem:s2+$0x20] =	vst v2  }
0x215: {  	v2 =	vld [tilespmem:s4+$0x10];
	[tilespmem:s2+$0xFFFFFFC0] =	vst v4  }
0x216: {  	v4 =	vld [tilespmem:s4+$0x20]  }
0x217: {  	v7 =	vld [tilespmem:s4+$0xFFFFFFC0]  }
0x218: {  	v6 =	vld.idx.msk [tilespmem:v6+s16+$0x0], $0xffff  }
0x219: {  	v8 =	vld.idx.msk [tilespmem:v5+s16+$0x0], $0xffff  }
0x21a: {  	v5 =	vld.idx.msk [tilespmem:v3+s16+$0x0], $0xffff  }
.Ltmp13:
0x21b: {  	v3 =	vld.idx.msk [tilespmem:v0+s16+$0x0], $0xffff;
	(pc) =	sbr.rel @p3 .LBB2_23-.Ltmp13, $4  }
0x21c: {  	v0 =	vld.idx.msk [tilespmem:v1+s16+$0x0], $0xffff  }
0x21d: {  	s2 =	sadd.s32 $0x80, s2;
	v1 =	vld.idx.msk [tilespmem:v2+s16+$0x0], $0xffff  }
0x21e: {  	v2 =	vld.idx.msk [tilespmem:v4+s16+$0x0], $0xffff;
	[tilespmem:s2+$0x30] =	vst v6  }
0x21f: {  	s4 =	sadd.s32 $0x80, s4;
	v4 =	vld.idx.msk [tilespmem:v7+s16+$0x0], $0xffff;
	[tilespmem:s2+$0xFFFFFFD0] =	vst v8  }
0x220: {  	[tilespmem:s2+$0xFFFFFFE0] =	vst v5  }
0x221: {  	[tilespmem:s2+$0xFFFFFFF0] =	vst v3  }
0x222: {  	[tilespmem:s2+$0x0] =	vst v0  }
0x223: {  	[tilespmem:s2+$0x10] =	vst v1  }
0x224: {  	[tilespmem:s2+$0x20] =	vst v2  }
0x225: {  	[tilespmem:s2+$0xFFFFFFC0] =	vst v4  }
0x226: {  	s2 =	rddreg [dreg:$0x15]  }
0x227: {  	[hbm4b:s2+s16] =	stream.linear.scatter [tilespmem:s30], [sflag:$0x5], $0x1400, $0x38;
	[tilespmem:$0x1D700] =	vst v63  }
0x228: {  	_ =	swait.ge [sflag:s25], $0x1400  }
0x229: {  	[sflag:s25] =	ssyncset.done $0x0  }
0x22a: {  	s3 =	rddreg [dreg:$0x18];
	[sflag:s25] =	ssyncadd.s32 $0xFFFFEC00  }
0x22b: {  	[tilespmem:s26], [sflag:$0x3] =	stream.linear.gather [hbm4b:s3+s16], $0x1400, $0x38;
	[tilespmem:$0x1D700] =	vst v63  }
0x22c: {  	_ =	swait.ge [sflag:s31], $0x1400  }
0x22d: {  	[sflag:s31] =	ssyncset.done $0x0  }
0x22e: {  	s4 =	simm.s32 $0x18740;
	[sflag:s31] =	ssyncadd.s32 $0xFFFFEC00  }
0x22f: {  	v0 =	vld [tilespmem:s4+$0x30]  }
0x230: {  	v1 =	vld [tilespmem:s4+$0xFFFFFFD0]  }
0x231: {  	v2 =	vld [tilespmem:s4+$0xFFFFFFE0]  }
0x232: {  	v3 =	vld [tilespmem:s4+$0xFFFFFFF0]  }
0x233: {  	v4 =	vld [tilespmem:s4+$0x0]  }
0x234: {  	v6 =	vld [tilespmem:s4+$0x10]  }
0x235: {  	v7 =	vld [tilespmem:s4+$0x20]  }
0x236: {  	v8 =	vld [tilespmem:s4+$0xFFFFFFC0]  }
0x237: {  	v9 =	vld.idx.msk [tilespmem:v0+s16+$0x0], $0xffff  }
0x238: {  	v10 =	vld.idx.msk [tilespmem:v1+s16+$0x0], $0xffff  }
0x239: {  	v5 =	vld.idx.msk [tilespmem:v2+s16+$0x0], $0xffff  }
0x23a: {  	v3 =	vld.idx.msk [tilespmem:v3+s16+$0x0], $0xffff  }
0x23b: {  	v0 =	vld.idx.msk [tilespmem:v4+s16+$0x0], $0xffff  }
0x23c: {  	s2 =	simm.s32 $0x1AF40;
	v1 =	vld.idx.msk [tilespmem:v6+s16+$0x0], $0xffff  }
0x23d: {  	v2 =	vld.idx.msk [tilespmem:v7+s16+$0x0], $0xffff;
	[tilespmem:s2+$0x30] =	vst v9  }
0x23e: {  	s3 =	simm.s32 $0x0;
	s4 =	simm.s32 $0x187C0;
	v4 =	vld.idx.msk [tilespmem:v8+s16+$0x0], $0xffff;
	[tilespmem:s2+$0xFFFFFFD0] =	vst v10  }
.LBB2_25:
0x23f: {  	v6 =	vld [tilespmem:s4+$0x30];
	s3 =	sadd.s32 $0x80, s3;
	[tilespmem:s2+$0xFFFFFFE0] =	vst v5  }
0x240: {  	v5 =	vld [tilespmem:s4+$0xFFFFFFD0];
	p3 =	slt.u32 s3, $0x1380;
	[tilespmem:s2+$0xFFFFFFF0] =	vst v3  }
0x241: {  	v3 =	vld [tilespmem:s4+$0xFFFFFFE0];
	[tilespmem:s2+$0x0] =	vst v0  }
0x242: {  	v0 =	vld [tilespmem:s4+$0xFFFFFFF0];
	[tilespmem:s2+$0x10] =	vst v1  }
0x243: {  	v1 =	vld [tilespmem:s4+$0x0];
	[tilespmem:s2+$0x20] =	vst v2  }
0x244: {  	v2 =	vld [tilespmem:s4+$0x10];
	[tilespmem:s2+$0xFFFFFFC0] =	vst v4  }
0x245: {  	v4 =	vld [tilespmem:s4+$0x20]  }
0x246: {  	v7 =	vld [tilespmem:s4+$0xFFFFFFC0]  }
0x247: {  	v6 =	vld.idx.msk [tilespmem:v6+s16+$0x0], $0xffff  }
0x248: {  	v8 =	vld.idx.msk [tilespmem:v5+s16+$0x0], $0xffff  }
0x249: {  	v5 =	vld.idx.msk [tilespmem:v3+s16+$0x0], $0xffff  }
.Ltmp14:
0x24a: {  	v3 =	vld.idx.msk [tilespmem:v0+s16+$0x0], $0xffff;
	(pc) =	sbr.rel @p3 .LBB2_25-.Ltmp14, $4  }
0x24b: {  	v0 =	vld.idx.msk [tilespmem:v1+s16+$0x0], $0xffff  }
0x24c: {  	s2 =	sadd.s32 $0x80, s2;
	v1 =	vld.idx.msk [tilespmem:v2+s16+$0x0], $0xffff  }
0x24d: {  	v2 =	vld.idx.msk [tilespmem:v4+s16+$0x0], $0xffff;
	[tilespmem:s2+$0x30] =	vst v6  }
0x24e: {  	s4 =	sadd.s32 $0x80, s4;
	v4 =	vld.idx.msk [tilespmem:v7+s16+$0x0], $0xffff;
	[tilespmem:s2+$0xFFFFFFD0] =	vst v8  }
0x24f: {  	[tilespmem:s2+$0xFFFFFFE0] =	vst v5  }
0x250: {  	[tilespmem:s2+$0xFFFFFFF0] =	vst v3  }
0x251: {  	[tilespmem:s2+$0x0] =	vst v0  }
0x252: {  	[tilespmem:s2+$0x10] =	vst v1  }
0x253: {  	[tilespmem:s2+$0x20] =	vst v2  }
0x254: {  	[tilespmem:s2+$0xFFFFFFC0] =	vst v4  }
0x255: {  	s2 =	rddreg [dreg:$0x17]  }
0x256: {  	[hbm4b:s2+s16] =	stream.linear.scatter [tilespmem:s28], [sflag:$0x4], $0x1400, $0x38;
	[tilespmem:$0x1D700] =	vst v63  }
0x257: {  	_ =	swait.ge [sflag:s29], $0x1400  }
0x258: {  	[sflag:s29] =	ssyncset.done $0x0  }
0x259: {  	s3 =	rddreg [dreg:$0x1a];
	[sflag:s29] =	ssyncadd.s32 $0xFFFFEC00  }
0x25a: {  	[tilespmem:s23], [sflag:$0x2] =	stream.linear.gather [hbm4b:s3+s16], $0x1400, $0x38;
	[tilespmem:$0x1D700] =	vst v63  }
0x25b: {  	_ =	swait.ge [sflag:s0], $0x1400  }
0x25c: {  	[sflag:s0] =	ssyncset.done $0x0  }
0x25d: {  	s4 =	simm.s32 $0x19B40;
	[sflag:s0] =	ssyncadd.s32 $0xFFFFEC00  }
0x25e: {  	v0 =	vld [tilespmem:s4+$0x30]  }
0x25f: {  	v1 =	vld [tilespmem:s4+$0xFFFFFFD0]  }
0x260: {  	v2 =	vld [tilespmem:s4+$0xFFFFFFE0]  }
0x261: {  	v3 =	vld [tilespmem:s4+$0xFFFFFFF0]  }
0x262: {  	v4 =	vld [tilespmem:s4+$0x0]  }
0x263: {  	v6 =	vld [tilespmem:s4+$0x10]  }
0x264: {  	v7 =	vld [tilespmem:s4+$0x20]  }
0x265: {  	v8 =	vld [tilespmem:s4+$0xFFFFFFC0]  }
0x266: {  	v9 =	vld.idx.msk [tilespmem:v0+s16+$0x0], $0xffff  }
0x267: {  	v10 =	vld.idx.msk [tilespmem:v1+s16+$0x0], $0xffff  }
0x268: {  	v5 =	vld.idx.msk [tilespmem:v2+s16+$0x0], $0xffff  }
0x269: {  	v3 =	vld.idx.msk [tilespmem:v3+s16+$0x0], $0xffff  }
0x26a: {  	v0 =	vld.idx.msk [tilespmem:v4+s16+$0x0], $0xffff  }
0x26b: {  	s2 =	simm.s32 $0x1C340;
	v1 =	vld.idx.msk [tilespmem:v6+s16+$0x0], $0xffff  }
0x26c: {  	v2 =	vld.idx.msk [tilespmem:v7+s16+$0x0], $0xffff;
	[tilespmem:s2+$0x30] =	vst v9  }
0x26d: {  	s3 =	simm.s32 $0x0;
	s4 =	simm.s32 $0x19BC0;
	v4 =	vld.idx.msk [tilespmem:v8+s16+$0x0], $0xffff;
	[tilespmem:s2+$0xFFFFFFD0] =	vst v10  }
.LBB2_27:
0x26e: {  	v6 =	vld [tilespmem:s4+$0x30];
	s3 =	sadd.s32 $0x80, s3;
	[tilespmem:s2+$0xFFFFFFE0] =	vst v5  }
0x26f: {  	v5 =	vld [tilespmem:s4+$0xFFFFFFD0];
	p3 =	slt.u32 s3, $0x1380;
	[tilespmem:s2+$0xFFFFFFF0] =	vst v3  }
0x270: {  	v3 =	vld [tilespmem:s4+$0xFFFFFFE0];
	[tilespmem:s2+$0x0] =	vst v0  }
0x271: {  	v0 =	vld [tilespmem:s4+$0xFFFFFFF0];
	[tilespmem:s2+$0x10] =	vst v1  }
0x272: {  	v1 =	vld [tilespmem:s4+$0x0];
	[tilespmem:s2+$0x20] =	vst v2  }
0x273: {  	v2 =	vld [tilespmem:s4+$0x10];
	[tilespmem:s2+$0xFFFFFFC0] =	vst v4  }
0x274: {  	v4 =	vld [tilespmem:s4+$0x20]  }
0x275: {  	v7 =	vld [tilespmem:s4+$0xFFFFFFC0]  }
0x276: {  	v6 =	vld.idx.msk [tilespmem:v6+s16+$0x0], $0xffff  }
0x277: {  	v8 =	vld.idx.msk [tilespmem:v5+s16+$0x0], $0xffff  }
0x278: {  	v5 =	vld.idx.msk [tilespmem:v3+s16+$0x0], $0xffff  }
.Ltmp15:
0x279: {  	v3 =	vld.idx.msk [tilespmem:v0+s16+$0x0], $0xffff;
	(pc) =	sbr.rel @p3 .LBB2_27-.Ltmp15, $4  }
0x27a: {  	v0 =	vld.idx.msk [tilespmem:v1+s16+$0x0], $0xffff  }
0x27b: {  	s2 =	sadd.s32 $0x80, s2;
	v1 =	vld.idx.msk [tilespmem:v2+s16+$0x0], $0xffff  }
0x27c: {  	v2 =	vld.idx.msk [tilespmem:v4+s16+$0x0], $0xffff;
	[tilespmem:s2+$0x30] =	vst v6  }
0x27d: {  	s4 =	sadd.s32 $0x80, s4;
	v4 =	vld.idx.msk [tilespmem:v7+s16+$0x0], $0xffff;
	[tilespmem:s2+$0xFFFFFFD0] =	vst v8  }
0x27e: {  	[tilespmem:s2+$0xFFFFFFE0] =	vst v5  }
0x27f: {  	[tilespmem:s2+$0xFFFFFFF0] =	vst v3  }
0x280: {  	[tilespmem:s2+$0x0] =	vst v0  }
0x281: {  	[tilespmem:s2+$0x10] =	vst v1  }
0x282: {  	[tilespmem:s2+$0x20] =	vst v2  }
0x283: {  	[tilespmem:s2+$0xFFFFFFC0] =	vst v4  }
0x284: {  	s2 =	rddreg [dreg:$0x19]  }
0x285: {  	[hbm4b:s2+s16] =	stream.linear.scatter [tilespmem:s30], [sflag:$0x5], $0x1400, $0x38;
	[tilespmem:$0x1D700] =	vst v63  }
0x286: {  	_ =	swait.ge [sflag:s25], $0x1400  }
0x287: {  	[sflag:s25] =	ssyncset.done $0x0  }
0x288: {  	s3 =	rddreg [dreg:$0x1c];
	[sflag:s25] =	ssyncadd.s32 $0xFFFFEC00  }
0x289: {  	[tilespmem:s26], [sflag:$0x3] =	stream.linear.gather [hbm4b:s3+s16], $0x1400, $0x38;
	[tilespmem:$0x1D700] =	vst v63  }
0x28a: {  	_ =	swait.ge [sflag:s31], $0x1400  }
0x28b: {  	[sflag:s31] =	ssyncset.done $0x0  }
0x28c: {  	s4 =	simm.s32 $0x18740;
	[sflag:s31] =	ssyncadd.s32 $0xFFFFEC00  }
0x28d: {  	v0 =	vld [tilespmem:s4+$0x30]  }
0x28e: {  	v1 =	vld [tilespmem:s4+$0xFFFFFFD0]  }
0x28f: {  	v2 =	vld [tilespmem:s4+$0xFFFFFFE0]  }
0x290: {  	v3 =	vld [tilespmem:s4+$0xFFFFFFF0]  }
0x291: {  	v4 =	vld [tilespmem:s4+$0x0]  }
0x292: {  	v6 =	vld [tilespmem:s4+$0x10]  }
0x293: {  	v7 =	vld [tilespmem:s4+$0x20]  }
0x294: {  	v8 =	vld [tilespmem:s4+$0xFFFFFFC0]  }
0x295: {  	v9 =	vld.idx.msk [tilespmem:v0+s16+$0x0], $0xffff  }
0x296: {  	v10 =	vld.idx.msk [tilespmem:v1+s16+$0x0], $0xffff  }
0x297: {  	v5 =	vld.idx.msk [tilespmem:v2+s16+$0x0], $0xffff  }
0x298: {  	v3 =	vld.idx.msk [tilespmem:v3+s16+$0x0], $0xffff  }
0x299: {  	v0 =	vld.idx.msk [tilespmem:v4+s16+$0x0], $0xffff  }
0x29a: {  	s2 =	simm.s32 $0x1AF40;
	v1 =	vld.idx.msk [tilespmem:v6+s16+$0x0], $0xffff  }
0x29b: {  	v2 =	vld.idx.msk [tilespmem:v7+s16+$0x0], $0xffff;
	[tilespmem:s2+$0x30] =	vst v9  }
0x29c: {  	s3 =	simm.s32 $0x0;
	s4 =	simm.s32 $0x187C0;
	v4 =	vld.idx.msk [tilespmem:v8+s16+$0x0], $0xffff;
	[tilespmem:s2+$0xFFFFFFD0] =	vst v10  }
.LBB2_29:
0x29d: {  	v6 =	vld [tilespmem:s4+$0x30];
	s3 =	sadd.s32 $0x80, s3;
	[tilespmem:s2+$0xFFFFFFE0] =	vst v5  }
0x29e: {  	v5 =	vld [tilespmem:s4+$0xFFFFFFD0];
	p3 =	slt.u32 s3, $0x1380;
	[tilespmem:s2+$0xFFFFFFF0] =	vst v3  }
0x29f: {  	v3 =	vld [tilespmem:s4+$0xFFFFFFE0];
	[tilespmem:s2+$0x0] =	vst v0  }
0x2a0: {  	v0 =	vld [tilespmem:s4+$0xFFFFFFF0];
	[tilespmem:s2+$0x10] =	vst v1  }
0x2a1: {  	v1 =	vld [tilespmem:s4+$0x0];
	[tilespmem:s2+$0x20] =	vst v2  }
0x2a2: {  	v2 =	vld [tilespmem:s4+$0x10];
	[tilespmem:s2+$0xFFFFFFC0] =	vst v4  }
0x2a3: {  	v4 =	vld [tilespmem:s4+$0x20]  }
0x2a4: {  	v7 =	vld [tilespmem:s4+$0xFFFFFFC0]  }
0x2a5: {  	v6 =	vld.idx.msk [tilespmem:v6+s16+$0x0], $0xffff  }
0x2a6: {  	v8 =	vld.idx.msk [tilespmem:v5+s16+$0x0], $0xffff  }
0x2a7: {  	v5 =	vld.idx.msk [tilespmem:v3+s16+$0x0], $0xffff  }
.Ltmp16:
0x2a8: {  	v3 =	vld.idx.msk [tilespmem:v0+s16+$0x0], $0xffff;
	(pc) =	sbr.rel @p3 .LBB2_29-.Ltmp16, $4  }
0x2a9: {  	v0 =	vld.idx.msk [tilespmem:v1+s16+$0x0], $0xffff  }
0x2aa: {  	s2 =	sadd.s32 $0x80, s2;
	v1 =	vld.idx.msk [tilespmem:v2+s16+$0x0], $0xffff  }
0x2ab: {  	v2 =	vld.idx.msk [tilespmem:v4+s16+$0x0], $0xffff;
	[tilespmem:s2+$0x30] =	vst v6  }
0x2ac: {  	s4 =	sadd.s32 $0x80, s4;
	v4 =	vld.idx.msk [tilespmem:v7+s16+$0x0], $0xffff;
	[tilespmem:s2+$0xFFFFFFD0] =	vst v8  }
0x2ad: {  	[tilespmem:s2+$0xFFFFFFE0] =	vst v5  }
0x2ae: {  	[tilespmem:s2+$0xFFFFFFF0] =	vst v3  }
0x2af: {  	[tilespmem:s2+$0x0] =	vst v0  }
0x2b0: {  	[tilespmem:s2+$0x10] =	vst v1  }
0x2b1: {  	[tilespmem:s2+$0x20] =	vst v2  }
0x2b2: {  	[tilespmem:s2+$0xFFFFFFC0] =	vst v4  }
0x2b3: {  	s2 =	rddreg [dreg:$0x1b]  }
0x2b4: {  	[hbm4b:s2+s16] =	stream.linear.scatter [tilespmem:s28], [sflag:$0x4], $0x1400, $0x38;
	[tilespmem:$0x1D700] =	vst v63  }
0x2b5: {  	_ =	swait.ge [sflag:s29], $0x1400  }
0x2b6: {  	[sflag:s29] =	ssyncset.done $0x0  }
0x2b7: {  	s3 =	rddreg [dreg:$0x1e];
	[sflag:s29] =	ssyncadd.s32 $0xFFFFEC00  }
0x2b8: {  	[tilespmem:s23], [sflag:$0x2] =	stream.linear.gather [hbm4b:s3+s16], $0x1400, $0x38;
	[tilespmem:$0x1D700] =	vst v63  }
0x2b9: {  	_ =	swait.ge [sflag:s0], $0x1400  }
0x2ba: {  	[sflag:s0] =	ssyncset.done $0x0  }
0x2bb: {  	s4 =	simm.s32 $0x19B40;
	[sflag:s0] =	ssyncadd.s32 $0xFFFFEC00  }
0x2bc: {  	v0 =	vld [tilespmem:s4+$0x30]  }
0x2bd: {  	v1 =	vld [tilespmem:s4+$0xFFFFFFD0]  }
0x2be: {  	v2 =	vld [tilespmem:s4+$0xFFFFFFE0]  }
0x2bf: {  	v3 =	vld [tilespmem:s4+$0xFFFFFFF0]  }
0x2c0: {  	v4 =	vld [tilespmem:s4+$0x0]  }
0x2c1: {  	v6 =	vld [tilespmem:s4+$0x10]  }
0x2c2: {  	v7 =	vld [tilespmem:s4+$0x20]  }
0x2c3: {  	v8 =	vld [tilespmem:s4+$0xFFFFFFC0]  }
0x2c4: {  	v9 =	vld.idx.msk [tilespmem:v0+s16+$0x0], $0xffff  }
0x2c5: {  	v10 =	vld.idx.msk [tilespmem:v1+s16+$0x0], $0xffff  }
0x2c6: {  	v5 =	vld.idx.msk [tilespmem:v2+s16+$0x0], $0xffff  }
0x2c7: {  	v3 =	vld.idx.msk [tilespmem:v3+s16+$0x0], $0xffff  }
0x2c8: {  	v0 =	vld.idx.msk [tilespmem:v4+s16+$0x0], $0xffff  }
0x2c9: {  	s2 =	simm.s32 $0x1C340;
	v1 =	vld.idx.msk [tilespmem:v6+s16+$0x0], $0xffff  }
0x2ca: {  	v2 =	vld.idx.msk [tilespmem:v7+s16+$0x0], $0xffff;
	[tilespmem:s2+$0x30] =	vst v9  }
0x2cb: {  	s3 =	simm.s32 $0x0;
	s4 =	simm.s32 $0x19BC0;
	v4 =	vld.idx.msk [tilespmem:v8+s16+$0x0], $0xffff;
	[tilespmem:s2+$0xFFFFFFD0] =	vst v10  }
.LBB2_31:
0x2cc: {  	v6 =	vld [tilespmem:s4+$0x30];
	s3 =	sadd.s32 $0x80, s3;
	[tilespmem:s2+$0xFFFFFFE0] =	vst v5  }
0x2cd: {  	v5 =	vld [tilespmem:s4+$0xFFFFFFD0];
	p3 =	slt.u32 s3, $0x1380;
	[tilespmem:s2+$0xFFFFFFF0] =	vst v3  }
0x2ce: {  	v3 =	vld [tilespmem:s4+$0xFFFFFFE0];
	[tilespmem:s2+$0x0] =	vst v0  }
0x2cf: {  	v0 =	vld [tilespmem:s4+$0xFFFFFFF0];
	[tilespmem:s2+$0x10] =	vst v1  }
0x2d0: {  	v1 =	vld [tilespmem:s4+$0x0];
	[tilespmem:s2+$0x20] =	vst v2  }
0x2d1: {  	v2 =	vld [tilespmem:s4+$0x10];
	[tilespmem:s2+$0xFFFFFFC0] =	vst v4  }
0x2d2: {  	v4 =	vld [tilespmem:s4+$0x20]  }
0x2d3: {  	v7 =	vld [tilespmem:s4+$0xFFFFFFC0]  }
0x2d4: {  	v6 =	vld.idx.msk [tilespmem:v6+s16+$0x0], $0xffff  }
0x2d5: {  	v8 =	vld.idx.msk [tilespmem:v5+s16+$0x0], $0xffff  }
0x2d6: {  	v5 =	vld.idx.msk [tilespmem:v3+s16+$0x0], $0xffff  }
.Ltmp17:
0x2d7: {  	v3 =	vld.idx.msk [tilespmem:v0+s16+$0x0], $0xffff;
	(pc) =	sbr.rel @p3 .LBB2_31-.Ltmp17, $4  }
0x2d8: {  	v0 =	vld.idx.msk [tilespmem:v1+s16+$0x0], $0xffff  }
0x2d9: {  	s2 =	sadd.s32 $0x80, s2;
	v1 =	vld.idx.msk [tilespmem:v2+s16+$0x0], $0xffff  }
0x2da: {  	v2 =	vld.idx.msk [tilespmem:v4+s16+$0x0], $0xffff;
	[tilespmem:s2+$0x30] =	vst v6  }
0x2db: {  	s4 =	sadd.s32 $0x80, s4;
	v4 =	vld.idx.msk [tilespmem:v7+s16+$0x0], $0xffff;
	[tilespmem:s2+$0xFFFFFFD0] =	vst v8  }
0x2dc: {  	[tilespmem:s2+$0xFFFFFFE0] =	vst v5  }
0x2dd: {  	[tilespmem:s2+$0xFFFFFFF0] =	vst v3  }
0x2de: {  	[tilespmem:s2+$0x0] =	vst v0  }
0x2df: {  	[tilespmem:s2+$0x10] =	vst v1  }
0x2e0: {  	[tilespmem:s2+$0x20] =	vst v2  }
0x2e1: {  	[tilespmem:s2+$0xFFFFFFC0] =	vst v4  }
0x2e2: {  	s2 =	rddreg [dreg:$0x1d]  }
0x2e3: {  	[hbm4b:s2+s16] =	stream.linear.scatter [tilespmem:s30], [sflag:$0x5], $0x1400, $0x38;
	[tilespmem:$0x1D700] =	vst v63  }
0x2e4: {  	_ =	swait.ge [sflag:s25], $0x1400  }
0x2e5: {  	[sflag:s25] =	ssyncset.done $0x0  }
0x2e6: {  	s3 =	rddreg [dreg:$0x1f];
	[sflag:s25] =	ssyncadd.s32 $0xFFFFEC00  }
0x2e7: {  	[tilespmem:s26], [sflag:$0x3] =	stream.linear.gather [hbm4b:s3+s16], $0x1400, $0x38;
	[tilespmem:$0x1D700] =	vst v63  }
0x2e8: {  	_ =	swait.ge [sflag:s31], $0x1400  }
0x2e9: {  	[sflag:s31] =	ssyncset.done $0x0  }
0x2ea: {  	s4 =	simm.s32 $0x18740;
	[sflag:s31] =	ssyncadd.s32 $0xFFFFEC00  }
0x2eb: {  	v0 =	vld [tilespmem:s4+$0x30]  }
0x2ec: {  	v1 =	vld [tilespmem:s4+$0xFFFFFFD0]  }
0x2ed: {  	v2 =	vld [tilespmem:s4+$0xFFFFFFE0]  }
0x2ee: {  	v3 =	vld [tilespmem:s4+$0xFFFFFFF0]  }
0x2ef: {  	v4 =	vld [tilespmem:s4+$0x0]  }
0x2f0: {  	v6 =	vld [tilespmem:s4+$0x10]  }
0x2f1: {  	v7 =	vld [tilespmem:s4+$0x20]  }
0x2f2: {  	v8 =	vld [tilespmem:s4+$0xFFFFFFC0]  }
0x2f3: {  	v9 =	vld.idx.msk [tilespmem:v0+s16+$0x0], $0xffff  }
0x2f4: {  	v10 =	vld.idx.msk [tilespmem:v1+s16+$0x0], $0xffff  }
0x2f5: {  	v5 =	vld.idx.msk [tilespmem:v2+s16+$0x0], $0xffff  }
0x2f6: {  	v3 =	vld.idx.msk [tilespmem:v3+s16+$0x0], $0xffff  }
0x2f7: {  	v0 =	vld.idx.msk [tilespmem:v4+s16+$0x0], $0xffff  }
0x2f8: {  	s2 =	simm.s32 $0x1AF40;
	v1 =	vld.idx.msk [tilespmem:v6+s16+$0x0], $0xffff  }
0x2f9: {  	v2 =	vld.idx.msk [tilespmem:v7+s16+$0x0], $0xffff;
	[tilespmem:s2+$0x30] =	vst v9  }
0x2fa: {  	s3 =	simm.s32 $0x0;
	s4 =	simm.s32 $0x187C0;
	v4 =	vld.idx.msk [tilespmem:v8+s16+$0x0], $0xffff;
	[tilespmem:s2+$0xFFFFFFD0] =	vst v10  }
.LBB2_33:
0x2fb: {  	v6 =	vld [tilespmem:s4+$0x30];
	s3 =	sadd.s32 $0x80, s3;
	[tilespmem:s2+$0xFFFFFFE0] =	vst v5  }
0x2fc: {  	v5 =	vld [tilespmem:s4+$0xFFFFFFD0];
	p3 =	slt.u32 s3, $0x1380;
	[tilespmem:s2+$0xFFFFFFF0] =	vst v3  }
0x2fd: {  	v3 =	vld [tilespmem:s4+$0xFFFFFFE0];
	[tilespmem:s2+$0x0] =	vst v0  }
0x2fe: {  	v0 =	vld [tilespmem:s4+$0xFFFFFFF0];
	[tilespmem:s2+$0x10] =	vst v1  }
0x2ff: {  	v1 =	vld [tilespmem:s4+$0x0];
	[tilespmem:s2+$0x20] =	vst v2  }
0x300: {  	v2 =	vld [tilespmem:s4+$0x10];
	[tilespmem:s2+$0xFFFFFFC0] =	vst v4  }
0x301: {  	v4 =	vld [tilespmem:s4+$0x20]  }
0x302: {  	v7 =	vld [tilespmem:s4+$0xFFFFFFC0]  }
0x303: {  	v6 =	vld.idx.msk [tilespmem:v6+s16+$0x0], $0xffff  }
0x304: {  	v8 =	vld.idx.msk [tilespmem:v5+s16+$0x0], $0xffff  }
0x305: {  	v5 =	vld.idx.msk [tilespmem:v3+s16+$0x0], $0xffff  }
.Ltmp18:
0x306: {  	v3 =	vld.idx.msk [tilespmem:v0+s16+$0x0], $0xffff;
	(pc) =	sbr.rel @p3 .LBB2_33-.Ltmp18, $4  }
0x307: {  	v0 =	vld.idx.msk [tilespmem:v1+s16+$0x0], $0xffff  }
0x308: {  	s2 =	sadd.s32 $0x80, s2;
	v1 =	vld.idx.msk [tilespmem:v2+s16+$0x0], $0xffff  }
0x309: {  	v2 =	vld.idx.msk [tilespmem:v4+s16+$0x0], $0xffff;
	[tilespmem:s2+$0x30] =	vst v6  }
0x30a: {  	s4 =	sadd.s32 $0x80, s4;
	v4 =	vld.idx.msk [tilespmem:v7+s16+$0x0], $0xffff;
	[tilespmem:s2+$0xFFFFFFD0] =	vst v8  }
0x30b: {  	[tilespmem:s2+$0xFFFFFFE0] =	vst v5  }
0x30c: {  	[tilespmem:s2+$0xFFFFFFF0] =	vst v3  }
0x30d: {  	[tilespmem:s2+$0x0] =	vst v0  }
0x30e: {  	[tilespmem:s2+$0x10] =	vst v1  }
0x30f: {  	[tilespmem:s2+$0x20] =	vst v2  }
0x310: {  	[tilespmem:s2+$0xFFFFFFC0] =	vst v4  }
0x311: {  	s2 =	sld [smem:$0x7F9];
	_ =	sdelay $0x2  }
0x312: {  	[hbm4b:s2+s16] =	stream.linear.scatter [tilespmem:s28], [sflag:$0x4], $0x1400, $0x38;
	[tilespmem:$0x1D700] =	vst v63  }
0x313: {  	_ =	swait.ge [sflag:s29], $0x1400  }
0x314: {  	[sflag:s29] =	ssyncset.done $0x0  }
0x315: {  	[sflag:s29] =	ssyncadd.s32 $0xFFFFEC00  }
0x316: {  	_ =	swait.ge [sflag:s0], $0x1400  }
0x317: {  	[sflag:s0] =	ssyncset.done $0x0  }
0x318: {  	s4 =	simm.s32 $0x19B40;
	[sflag:s0] =	ssyncadd.s32 $0xFFFFEC00  }
0x319: {  	v0 =	vld [tilespmem:s4+$0x30]  }
0x31a: {  	v1 =	vld [tilespmem:s4+$0xFFFFFFD0]  }
0x31b: {  	v2 =	vld [tilespmem:s4+$0xFFFFFFE0]  }
0x31c: {  	v3 =	vld [tilespmem:s4+$0xFFFFFFF0]  }
0x31d: {  	v4 =	vld [tilespmem:s4+$0x0]  }
0x31e: {  	v6 =	vld [tilespmem:s4+$0x10]  }
0x31f: {  	v7 =	vld [tilespmem:s4+$0x20]  }
0x320: {  	v8 =	vld [tilespmem:s4+$0xFFFFFFC0]  }
0x321: {  	v9 =	vld.idx.msk [tilespmem:v0+s16+$0x0], $0xffff  }
0x322: {  	v10 =	vld.idx.msk [tilespmem:v1+s16+$0x0], $0xffff  }
0x323: {  	v5 =	vld.idx.msk [tilespmem:v2+s16+$0x0], $0xffff  }
0x324: {  	v3 =	vld.idx.msk [tilespmem:v3+s16+$0x0], $0xffff  }
0x325: {  	v0 =	vld.idx.msk [tilespmem:v4+s16+$0x0], $0xffff  }
0x326: {  	s2 =	simm.s32 $0x1C340;
	v1 =	vld.idx.msk [tilespmem:v6+s16+$0x0], $0xffff  }
0x327: {  	v2 =	vld.idx.msk [tilespmem:v7+s16+$0x0], $0xffff;
	[tilespmem:s2+$0x30] =	vst v9  }
0x328: {  	s3 =	simm.s32 $0x0;
	s4 =	simm.s32 $0x19BC0;
	v4 =	vld.idx.msk [tilespmem:v8+s16+$0x0], $0xffff;
	[tilespmem:s2+$0xFFFFFFD0] =	vst v10  }
.LBB2_35:
0x329: {  	v6 =	vld [tilespmem:s4+$0x30];
	s3 =	sadd.s32 $0x80, s3;
	[tilespmem:s2+$0xFFFFFFE0] =	vst v5  }
0x32a: {  	v5 =	vld [tilespmem:s4+$0xFFFFFFD0];
	p3 =	slt.u32 s3, $0x1380;
	[tilespmem:s2+$0xFFFFFFF0] =	vst v3  }
0x32b: {  	v3 =	vld [tilespmem:s4+$0xFFFFFFE0];
	[tilespmem:s2+$0x0] =	vst v0  }
0x32c: {  	v0 =	vld [tilespmem:s4+$0xFFFFFFF0];
	[tilespmem:s2+$0x10] =	vst v1  }
0x32d: {  	v1 =	vld [tilespmem:s4+$0x0];
	[tilespmem:s2+$0x20] =	vst v2  }
0x32e: {  	v2 =	vld [tilespmem:s4+$0x10];
	[tilespmem:s2+$0xFFFFFFC0] =	vst v4  }
0x32f: {  	v4 =	vld [tilespmem:s4+$0x20]  }
0x330: {  	v7 =	vld [tilespmem:s4+$0xFFFFFFC0]  }
0x331: {  	v6 =	vld.idx.msk [tilespmem:v6+s16+$0x0], $0xffff  }
0x332: {  	v8 =	vld.idx.msk [tilespmem:v5+s16+$0x0], $0xffff  }
0x333: {  	v5 =	vld.idx.msk [tilespmem:v3+s16+$0x0], $0xffff  }
.Ltmp19:
0x334: {  	v3 =	vld.idx.msk [tilespmem:v0+s16+$0x0], $0xffff;
	(pc) =	sbr.rel @p3 .LBB2_35-.Ltmp19, $4  }
0x335: {  	v0 =	vld.idx.msk [tilespmem:v1+s16+$0x0], $0xffff  }
0x336: {  	s2 =	sadd.s32 $0x80, s2;
	v1 =	vld.idx.msk [tilespmem:v2+s16+$0x0], $0xffff  }
0x337: {  	v2 =	vld.idx.msk [tilespmem:v4+s16+$0x0], $0xffff;
	[tilespmem:s2+$0x30] =	vst v6  }
0x338: {  	s4 =	sadd.s32 $0x80, s4;
	v4 =	vld.idx.msk [tilespmem:v7+s16+$0x0], $0xffff;
	[tilespmem:s2+$0xFFFFFFD0] =	vst v8  }
0x339: {  	[tilespmem:s2+$0xFFFFFFE0] =	vst v5  }
0x33a: {  	[tilespmem:s2+$0xFFFFFFF0] =	vst v3  }
0x33b: {  	[tilespmem:s2+$0x0] =	vst v0  }
0x33c: {  	[tilespmem:s2+$0x10] =	vst v1  }
0x33d: {  	[tilespmem:s2+$0x20] =	vst v2  }
0x33e: {  	[tilespmem:s2+$0xFFFFFFC0] =	vst v4  }
0x33f: {  	s2 =	sld [smem:$0x7FA];
	_ =	sdelay $0x2  }
0x340: {  	[hbm4b:s2+s16] =	stream.linear.scatter [tilespmem:s30], [sflag:$0x5], $0x1400, $0x38;
	[tilespmem:$0x1D700] =	vst v63  }
0x341: {  	_ =	swait.ge [sflag:s31], $0x1400  }
0x342: {  	[sflag:s31] =	ssyncset.done $0x0  }
0x343: {  	[sflag:s31] =	ssyncadd.s32 $0xFFFFEC00  }
0x344: {  	_ =	swait.ge [sflag:s0], $0x1400  }
0x345: {  	[sflag:s0] =	ssyncset.done $0x0  }
0x346: {  	[sflag:s0] =	ssyncadd.s32 $0xFFFFEC00  }
.LBB2_37:
.Ltmp20:
0x347: {  	(pc) =	sbr.rel @p1 .LBB2_55-.Ltmp20, $1  }
0x348: {  	_ =	sdelay $0x3  }
0x349: {  	s2 =	sld [smem:$0x7FB]  }
0x34a: {  	[tilespmem:s16], [sflag:$0x1] =	stream.linear.gather [hbm4b:s21+s16], $0x18700, $0x38;
	[tilespmem:$0x1D700] =	vst v63  }
0x34b: {  	_ = 	snop  }
0x34c: {  	[tilespmem:s23], [sflag:$0x2] =	stream.linear.gather [hbm4b:s2+s16], $0x1400, $0x38;
	[tilespmem:$0x1D700] =	vst v63  }
0x34d: {  	_ =	swait.ge [sflag:s24], $0x18700  }
0x34e: {  	[sflag:s24] =	ssyncset.done $0x0  }
0x34f: {  	[sflag:s24] =	ssyncadd.s32 $0xFFFE7900  }
0x350: {  	_ =	swait.ge [sflag:s25], $0x1400  }
0x351: {  	s3 =	sld [smem:$0x7FD]  }
0x352: {  	[sflag:s25] =	ssyncset.done $0x0  }
0x353: {  	s4 =	simm.s32 $0x18740;
	[sflag:s25] =	ssyncadd.s32 $0xFFFFEC00  }
0x354: {  	[tilespmem:s26], [sflag:$0x3] =	stream.linear.gather [hbm4b:s3+s16], $0x1400, $0x38;
	[tilespmem:$0x1D700] =	vst v63  }
0x355: {  	v0 =	vld [tilespmem:s4+$0x30]  }
0x356: {  	v1 =	vld [tilespmem:s4+$0xFFFFFFD0]  }
0x357: {  	v2 =	vld [tilespmem:s4+$0xFFFFFFE0]  }
0x358: {  	v3 =	vld [tilespmem:s4+$0xFFFFFFF0]  }
0x359: {  	v4 =	vld [tilespmem:s4+$0x0]  }
0x35a: {  	v6 =	vld [tilespmem:s4+$0x10]  }
0x35b: {  	v7 =	vld [tilespmem:s4+$0x20]  }
0x35c: {  	v8 =	vld [tilespmem:s4+$0xFFFFFFC0]  }
0x35d: {  	v9 =	vld.idx.msk [tilespmem:v0+s16+$0x0], $0xffff  }
0x35e: {  	v10 =	vld.idx.msk [tilespmem:v1+s16+$0x0], $0xffff  }
0x35f: {  	v5 =	vld.idx.msk [tilespmem:v2+s16+$0x0], $0xffff  }
0x360: {  	v3 =	vld.idx.msk [tilespmem:v3+s16+$0x0], $0xffff  }
0x361: {  	v0 =	vld.idx.msk [tilespmem:v4+s16+$0x0], $0xffff  }
0x362: {  	s2 =	simm.s32 $0x1AF40;
	v1 =	vld.idx.msk [tilespmem:v6+s16+$0x0], $0xffff  }
0x363: {  	v2 =	vld.idx.msk [tilespmem:v7+s16+$0x0], $0xffff;
	[tilespmem:s2+$0x30] =	vst v9  }
0x364: {  	s3 =	simm.s32 $0x0;
	s4 =	simm.s32 $0x187C0;
	v4 =	vld.idx.msk [tilespmem:v8+s16+$0x0], $0xffff;
	[tilespmem:s2+$0xFFFFFFD0] =	vst v10  }
.LBB2_39:
0x365: {  	v6 =	vld [tilespmem:s4+$0x30];
	s3 =	sadd.s32 $0x80, s3;
	[tilespmem:s2+$0xFFFFFFE0] =	vst v5  }
0x366: {  	v5 =	vld [tilespmem:s4+$0xFFFFFFD0];
	p3 =	slt.u32 s3, $0x1380;
	[tilespmem:s2+$0xFFFFFFF0] =	vst v3  }
0x367: {  	v3 =	vld [tilespmem:s4+$0xFFFFFFE0];
	[tilespmem:s2+$0x0] =	vst v0  }
0x368: {  	v0 =	vld [tilespmem:s4+$0xFFFFFFF0];
	[tilespmem:s2+$0x10] =	vst v1  }
0x369: {  	v1 =	vld [tilespmem:s4+$0x0];
	[tilespmem:s2+$0x20] =	vst v2  }
0x36a: {  	v2 =	vld [tilespmem:s4+$0x10];
	[tilespmem:s2+$0xFFFFFFC0] =	vst v4  }
0x36b: {  	v4 =	vld [tilespmem:s4+$0x20]  }
0x36c: {  	v7 =	vld [tilespmem:s4+$0xFFFFFFC0]  }
0x36d: {  	v6 =	vld.idx.msk [tilespmem:v6+s16+$0x0], $0xffff  }
0x36e: {  	v8 =	vld.idx.msk [tilespmem:v5+s16+$0x0], $0xffff  }
0x36f: {  	v5 =	vld.idx.msk [tilespmem:v3+s16+$0x0], $0xffff  }
.Ltmp21:
0x370: {  	v3 =	vld.idx.msk [tilespmem:v0+s16+$0x0], $0xffff;
	(pc) =	sbr.rel @p3 .LBB2_39-.Ltmp21, $4  }
0x371: {  	v0 =	vld.idx.msk [tilespmem:v1+s16+$0x0], $0xffff  }
0x372: {  	s2 =	sadd.s32 $0x80, s2;
	v1 =	vld.idx.msk [tilespmem:v2+s16+$0x0], $0xffff  }
0x373: {  	v2 =	vld.idx.msk [tilespmem:v4+s16+$0x0], $0xffff;
	[tilespmem:s2+$0x30] =	vst v6  }
0x374: {  	s4 =	sadd.s32 $0x80, s4;
	v4 =	vld.idx.msk [tilespmem:v7+s16+$0x0], $0xffff;
	[tilespmem:s2+$0xFFFFFFD0] =	vst v8  }
0x375: {  	[tilespmem:s2+$0xFFFFFFE0] =	vst v5  }
0x376: {  	[tilespmem:s2+$0xFFFFFFF0] =	vst v3  }
0x377: {  	[tilespmem:s2+$0x0] =	vst v0  }
0x378: {  	[tilespmem:s2+$0x10] =	vst v1  }
0x379: {  	[tilespmem:s2+$0x20] =	vst v2  }
0x37a: {  	[tilespmem:s2+$0xFFFFFFC0] =	vst v4  }
0x37b: {  	s2 =	sld [smem:$0x7FC];
	_ =	sdelay $0x2  }
0x37c: {  	[hbm4b:s2+s16] =	stream.linear.scatter [tilespmem:s28], [sflag:$0x4], $0x1400, $0x38;
	[tilespmem:$0x1D700] =	vst v63  }
0x37d: {  	_ =	swait.ge [sflag:s29], $0x1400  }
0x37e: {  	[sflag:s29] =	ssyncset.done $0x0  }
0x37f: {  	s4 =	simm.s32 $0x19B40;
	[sflag:s29] =	ssyncadd.s32 $0xFFFFEC00  }
0x380: {  	[tilespmem:s23], [sflag:$0x2] =	stream.linear.gather [hbm4b:s6+s16], $0x1400, $0x38;
	[tilespmem:$0x1D700] =	vst v63  }
0x381: {  	v0 =	vld [tilespmem:s4+$0x30]  }
0x382: {  	v1 =	vld [tilespmem:s4+$0xFFFFFFD0]  }
0x383: {  	v2 =	vld [tilespmem:s4+$0xFFFFFFE0]  }
0x384: {  	v3 =	vld [tilespmem:s4+$0xFFFFFFF0]  }
0x385: {  	v4 =	vld [tilespmem:s4+$0x0]  }
0x386: {  	v6 =	vld [tilespmem:s4+$0x10]  }
0x387: {  	v7 =	vld [tilespmem:s4+$0x20]  }
0x388: {  	v8 =	vld [tilespmem:s4+$0xFFFFFFC0]  }
0x389: {  	v9 =	vld.idx.msk [tilespmem:v0+s16+$0x0], $0xffff  }
0x38a: {  	v10 =	vld.idx.msk [tilespmem:v1+s16+$0x0], $0xffff  }
0x38b: {  	v5 =	vld.idx.msk [tilespmem:v2+s16+$0x0], $0xffff  }
0x38c: {  	v3 =	vld.idx.msk [tilespmem:v3+s16+$0x0], $0xffff  }
0x38d: {  	v0 =	vld.idx.msk [tilespmem:v4+s16+$0x0], $0xffff  }
0x38e: {  	s2 =	simm.s32 $0x1C340;
	v1 =	vld.idx.msk [tilespmem:v6+s16+$0x0], $0xffff  }
0x38f: {  	v2 =	vld.idx.msk [tilespmem:v7+s16+$0x0], $0xffff;
	[tilespmem:s2+$0x30] =	vst v9  }
0x390: {  	s3 =	simm.s32 $0x0;
	s4 =	simm.s32 $0x19BC0;
	v4 =	vld.idx.msk [tilespmem:v8+s16+$0x0], $0xffff;
	[tilespmem:s2+$0xFFFFFFD0] =	vst v10  }
.LBB2_41:
0x391: {  	v6 =	vld [tilespmem:s4+$0x30];
	s3 =	sadd.s32 $0x80, s3;
	[tilespmem:s2+$0xFFFFFFE0] =	vst v5  }
0x392: {  	v5 =	vld [tilespmem:s4+$0xFFFFFFD0];
	p3 =	slt.u32 s3, $0x1380;
	[tilespmem:s2+$0xFFFFFFF0] =	vst v3  }
0x393: {  	v3 =	vld [tilespmem:s4+$0xFFFFFFE0];
	[tilespmem:s2+$0x0] =	vst v0  }
0x394: {  	v0 =	vld [tilespmem:s4+$0xFFFFFFF0];
	[tilespmem:s2+$0x10] =	vst v1  }
0x395: {  	v1 =	vld [tilespmem:s4+$0x0];
	[tilespmem:s2+$0x20] =	vst v2  }
0x396: {  	v2 =	vld [tilespmem:s4+$0x10];
	[tilespmem:s2+$0xFFFFFFC0] =	vst v4  }
0x397: {  	v4 =	vld [tilespmem:s4+$0x20]  }
0x398: {  	v7 =	vld [tilespmem:s4+$0xFFFFFFC0]  }
0x399: {  	v6 =	vld.idx.msk [tilespmem:v6+s16+$0x0], $0xffff  }
0x39a: {  	v8 =	vld.idx.msk [tilespmem:v5+s16+$0x0], $0xffff  }
0x39b: {  	v5 =	vld.idx.msk [tilespmem:v3+s16+$0x0], $0xffff  }
.Ltmp22:
0x39c: {  	v3 =	vld.idx.msk [tilespmem:v0+s16+$0x0], $0xffff;
	(pc) =	sbr.rel @p3 .LBB2_41-.Ltmp22, $4  }
0x39d: {  	v0 =	vld.idx.msk [tilespmem:v1+s16+$0x0], $0xffff  }
0x39e: {  	s2 =	sadd.s32 $0x80, s2;
	v1 =	vld.idx.msk [tilespmem:v2+s16+$0x0], $0xffff  }
0x39f: {  	v2 =	vld.idx.msk [tilespmem:v4+s16+$0x0], $0xffff;
	[tilespmem:s2+$0x30] =	vst v6  }
0x3a0: {  	s4 =	sadd.s32 $0x80, s4;
	v4 =	vld.idx.msk [tilespmem:v7+s16+$0x0], $0xffff;
	[tilespmem:s2+$0xFFFFFFD0] =	vst v8  }
0x3a1: {  	[tilespmem:s2+$0xFFFFFFE0] =	vst v5  }
0x3a2: {  	[tilespmem:s2+$0xFFFFFFF0] =	vst v3  }
0x3a3: {  	[tilespmem:s2+$0x0] =	vst v0  }
0x3a4: {  	[tilespmem:s2+$0x10] =	vst v1  }
0x3a5: {  	[tilespmem:s2+$0x20] =	vst v2  }
0x3a6: {  	[tilespmem:s2+$0xFFFFFFC0] =	vst v4  }
0x3a7: {  	[hbm4b:s5+s16] =	stream.linear.scatter [tilespmem:s30], [sflag:$0x5], $0x1400, $0x38;
	[tilespmem:$0x1D700] =	vst v63  }
0x3a8: {  	_ =	swait.ge [sflag:s25], $0x1400  }
0x3a9: {  	[sflag:s25] =	ssyncset.done $0x0  }
0x3aa: {  	[sflag:s25] =	ssyncadd.s32 $0xFFFFEC00  }
0x3ab: {  	[tilespmem:s26], [sflag:$0x3] =	stream.linear.gather [hbm4b:s8+s16], $0x1400, $0x38;
	[tilespmem:$0x1D700] =	vst v63  }
0x3ac: {  	_ =	swait.ge [sflag:s31], $0x1400  }
0x3ad: {  	[sflag:s31] =	ssyncset.done $0x0  }
0x3ae: {  	s4 =	simm.s32 $0x18740;
	[sflag:s31] =	ssyncadd.s32 $0xFFFFEC00  }
0x3af: {  	v0 =	vld [tilespmem:s4+$0x30]  }
0x3b0: {  	v1 =	vld [tilespmem:s4+$0xFFFFFFD0]  }
0x3b1: {  	v2 =	vld [tilespmem:s4+$0xFFFFFFE0]  }
0x3b2: {  	v3 =	vld [tilespmem:s4+$0xFFFFFFF0]  }
0x3b3: {  	v4 =	vld [tilespmem:s4+$0x0]  }
0x3b4: {  	v6 =	vld [tilespmem:s4+$0x10]  }
0x3b5: {  	v7 =	vld [tilespmem:s4+$0x20]  }
0x3b6: {  	v8 =	vld [tilespmem:s4+$0xFFFFFFC0]  }
0x3b7: {  	v9 =	vld.idx.msk [tilespmem:v0+s16+$0x0], $0xffff  }
0x3b8: {  	v10 =	vld.idx.msk [tilespmem:v1+s16+$0x0], $0xffff  }
0x3b9: {  	v5 =	vld.idx.msk [tilespmem:v2+s16+$0x0], $0xffff  }
0x3ba: {  	v3 =	vld.idx.msk [tilespmem:v3+s16+$0x0], $0xffff  }
0x3bb: {  	v0 =	vld.idx.msk [tilespmem:v4+s16+$0x0], $0xffff  }
0x3bc: {  	s2 =	simm.s32 $0x1AF40;
	v1 =	vld.idx.msk [tilespmem:v6+s16+$0x0], $0xffff  }
0x3bd: {  	v2 =	vld.idx.msk [tilespmem:v7+s16+$0x0], $0xffff;
	[tilespmem:s2+$0x30] =	vst v9  }
0x3be: {  	s3 =	simm.s32 $0x0;
	s4 =	simm.s32 $0x187C0;
	v4 =	vld.idx.msk [tilespmem:v8+s16+$0x0], $0xffff;
	[tilespmem:s2+$0xFFFFFFD0] =	vst v10  }
.LBB2_43:
0x3bf: {  	v6 =	vld [tilespmem:s4+$0x30];
	s3 =	sadd.s32 $0x80, s3;
	[tilespmem:s2+$0xFFFFFFE0] =	vst v5  }
0x3c0: {  	v5 =	vld [tilespmem:s4+$0xFFFFFFD0];
	p3 =	slt.u32 s3, $0x1380;
	[tilespmem:s2+$0xFFFFFFF0] =	vst v3  }
0x3c1: {  	v3 =	vld [tilespmem:s4+$0xFFFFFFE0];
	[tilespmem:s2+$0x0] =	vst v0  }
0x3c2: {  	v0 =	vld [tilespmem:s4+$0xFFFFFFF0];
	[tilespmem:s2+$0x10] =	vst v1  }
0x3c3: {  	v1 =	vld [tilespmem:s4+$0x0];
	[tilespmem:s2+$0x20] =	vst v2  }
0x3c4: {  	v2 =	vld [tilespmem:s4+$0x10];
	[tilespmem:s2+$0xFFFFFFC0] =	vst v4  }
0x3c5: {  	v4 =	vld [tilespmem:s4+$0x20]  }
0x3c6: {  	v7 =	vld [tilespmem:s4+$0xFFFFFFC0]  }
0x3c7: {  	v6 =	vld.idx.msk [tilespmem:v6+s16+$0x0], $0xffff  }
0x3c8: {  	v8 =	vld.idx.msk [tilespmem:v5+s16+$0x0], $0xffff  }
0x3c9: {  	v5 =	vld.idx.msk [tilespmem:v3+s16+$0x0], $0xffff  }
.Ltmp23:
0x3ca: {  	v3 =	vld.idx.msk [tilespmem:v0+s16+$0x0], $0xffff;
	(pc) =	sbr.rel @p3 .LBB2_43-.Ltmp23, $4  }
0x3cb: {  	v0 =	vld.idx.msk [tilespmem:v1+s16+$0x0], $0xffff  }
0x3cc: {  	s2 =	sadd.s32 $0x80, s2;
	v1 =	vld.idx.msk [tilespmem:v2+s16+$0x0], $0xffff  }
0x3cd: {  	v2 =	vld.idx.msk [tilespmem:v4+s16+$0x0], $0xffff;
	[tilespmem:s2+$0x30] =	vst v6  }
0x3ce: {  	s4 =	sadd.s32 $0x80, s4;
	v4 =	vld.idx.msk [tilespmem:v7+s16+$0x0], $0xffff;
	[tilespmem:s2+$0xFFFFFFD0] =	vst v8  }
0x3cf: {  	[tilespmem:s2+$0xFFFFFFE0] =	vst v5  }
0x3d0: {  	[tilespmem:s2+$0xFFFFFFF0] =	vst v3  }
0x3d1: {  	[tilespmem:s2+$0x0] =	vst v0  }
0x3d2: {  	[tilespmem:s2+$0x10] =	vst v1  }
0x3d3: {  	[tilespmem:s2+$0x20] =	vst v2  }
0x3d4: {  	[tilespmem:s2+$0xFFFFFFC0] =	vst v4  }
0x3d5: {  	[hbm4b:s7+s16] =	stream.linear.scatter [tilespmem:s28], [sflag:$0x4], $0x1400, $0x38;
	[tilespmem:$0x1D700] =	vst v63  }
0x3d6: {  	_ =	swait.ge [sflag:s29], $0x1400  }
0x3d7: {  	[sflag:s29] =	ssyncset.done $0x0  }
0x3d8: {  	[sflag:s29] =	ssyncadd.s32 $0xFFFFEC00  }
0x3d9: {  	[tilespmem:s23], [sflag:$0x2] =	stream.linear.gather [hbm4b:s10+s16], $0x1400, $0x38;
	[tilespmem:$0x1D700] =	vst v63  }
0x3da: {  	_ =	swait.ge [sflag:s0], $0x1400  }
0x3db: {  	[sflag:s0] =	ssyncset.done $0x0  }
0x3dc: {  	s4 =	simm.s32 $0x19B40;
	[sflag:s0] =	ssyncadd.s32 $0xFFFFEC00  }
0x3dd: {  	v0 =	vld [tilespmem:s4+$0x30]  }
0x3de: {  	v1 =	vld [tilespmem:s4+$0xFFFFFFD0]  }
0x3df: {  	v2 =	vld [tilespmem:s4+$0xFFFFFFE0]  }
0x3e0: {  	v3 =	vld [tilespmem:s4+$0xFFFFFFF0]  }
0x3e1: {  	v4 =	vld [tilespmem:s4+$0x0]  }
0x3e2: {  	v6 =	vld [tilespmem:s4+$0x10]  }
0x3e3: {  	v7 =	vld [tilespmem:s4+$0x20]  }
0x3e4: {  	v8 =	vld [tilespmem:s4+$0xFFFFFFC0]  }
0x3e5: {  	v9 =	vld.idx.msk [tilespmem:v0+s16+$0x0], $0xffff  }
0x3e6: {  	v10 =	vld.idx.msk [tilespmem:v1+s16+$0x0], $0xffff  }
0x3e7: {  	v5 =	vld.idx.msk [tilespmem:v2+s16+$0x0], $0xffff  }
0x3e8: {  	v3 =	vld.idx.msk [tilespmem:v3+s16+$0x0], $0xffff  }
0x3e9: {  	v0 =	vld.idx.msk [tilespmem:v4+s16+$0x0], $0xffff  }
0x3ea: {  	s2 =	simm.s32 $0x1C340;
	v1 =	vld.idx.msk [tilespmem:v6+s16+$0x0], $0xffff  }
0x3eb: {  	v2 =	vld.idx.msk [tilespmem:v7+s16+$0x0], $0xffff;
	[tilespmem:s2+$0x30] =	vst v9  }
0x3ec: {  	s3 =	simm.s32 $0x0;
	s4 =	simm.s32 $0x19BC0;
	v4 =	vld.idx.msk [tilespmem:v8+s16+$0x0], $0xffff;
	[tilespmem:s2+$0xFFFFFFD0] =	vst v10  }
.LBB2_45:
0x3ed: {  	v6 =	vld [tilespmem:s4+$0x30];
	s3 =	sadd.s32 $0x80, s3;
	[tilespmem:s2+$0xFFFFFFE0] =	vst v5  }
0x3ee: {  	v5 =	vld [tilespmem:s4+$0xFFFFFFD0];
	p3 =	slt.u32 s3, $0x1380;
	[tilespmem:s2+$0xFFFFFFF0] =	vst v3  }
0x3ef: {  	v3 =	vld [tilespmem:s4+$0xFFFFFFE0];
	[tilespmem:s2+$0x0] =	vst v0  }
0x3f0: {  	v0 =	vld [tilespmem:s4+$0xFFFFFFF0];
	[tilespmem:s2+$0x10] =	vst v1  }
0x3f1: {  	v1 =	vld [tilespmem:s4+$0x0];
	[tilespmem:s2+$0x20] =	vst v2  }
0x3f2: {  	v2 =	vld [tilespmem:s4+$0x10];
	[tilespmem:s2+$0xFFFFFFC0] =	vst v4  }
0x3f3: {  	v4 =	vld [tilespmem:s4+$0x20]  }
0x3f4: {  	v7 =	vld [tilespmem:s4+$0xFFFFFFC0]  }
0x3f5: {  	v6 =	vld.idx.msk [tilespmem:v6+s16+$0x0], $0xffff  }
0x3f6: {  	v8 =	vld.idx.msk [tilespmem:v5+s16+$0x0], $0xffff  }
0x3f7: {  	v5 =	vld.idx.msk [tilespmem:v3+s16+$0x0], $0xffff  }
.Ltmp24:
0x3f8: {  	v3 =	vld.idx.msk [tilespmem:v0+s16+$0x0], $0xffff;
	(pc) =	sbr.rel @p3 .LBB2_45-.Ltmp24, $4  }
0x3f9: {  	v0 =	vld.idx.msk [tilespmem:v1+s16+$0x0], $0xffff  }
0x3fa: {  	s2 =	sadd.s32 $0x80, s2;
	v1 =	vld.idx.msk [tilespmem:v2+s16+$0x0], $0xffff  }
0x3fb: {  	v2 =	vld.idx.msk [tilespmem:v4+s16+$0x0], $0xffff;
	[tilespmem:s2+$0x30] =	vst v6  }
0x3fc: {  	s4 =	sadd.s32 $0x80, s4;
	v4 =	vld.idx.msk [tilespmem:v7+s16+$0x0], $0xffff;
	[tilespmem:s2+$0xFFFFFFD0] =	vst v8  }
0x3fd: {  	[tilespmem:s2+$0xFFFFFFE0] =	vst v5  }
0x3fe: {  	[tilespmem:s2+$0xFFFFFFF0] =	vst v3  }
0x3ff: {  	[tilespmem:s2+$0x0] =	vst v0  }
0x400: {  	[tilespmem:s2+$0x10] =	vst v1  }
0x401: {  	[tilespmem:s2+$0x20] =	vst v2  }
0x402: {  	[tilespmem:s2+$0xFFFFFFC0] =	vst v4  }
0x403: {  	[hbm4b:s9+s16] =	stream.linear.scatter [tilespmem:s30], [sflag:$0x5], $0x1400, $0x38;
	[tilespmem:$0x1D700] =	vst v63  }
0x404: {  	_ =	swait.ge [sflag:s25], $0x1400  }
0x405: {  	[sflag:s25] =	ssyncset.done $0x0  }
0x406: {  	[sflag:s25] =	ssyncadd.s32 $0xFFFFEC00  }
0x407: {  	[tilespmem:s26], [sflag:$0x3] =	stream.linear.gather [hbm4b:s12+s16], $0x1400, $0x38;
	[tilespmem:$0x1D700] =	vst v63  }
0x408: {  	_ =	swait.ge [sflag:s31], $0x1400  }
0x409: {  	[sflag:s31] =	ssyncset.done $0x0  }
0x40a: {  	s4 =	simm.s32 $0x18740;
	[sflag:s31] =	ssyncadd.s32 $0xFFFFEC00  }
0x40b: {  	v0 =	vld [tilespmem:s4+$0x30]  }
0x40c: {  	v1 =	vld [tilespmem:s4+$0xFFFFFFD0]  }
0x40d: {  	v2 =	vld [tilespmem:s4+$0xFFFFFFE0]  }
0x40e: {  	v3 =	vld [tilespmem:s4+$0xFFFFFFF0]  }
0x40f: {  	v4 =	vld [tilespmem:s4+$0x0]  }
0x410: {  	v6 =	vld [tilespmem:s4+$0x10]  }
0x411: {  	v7 =	vld [tilespmem:s4+$0x20]  }
0x412: {  	v8 =	vld [tilespmem:s4+$0xFFFFFFC0]  }
0x413: {  	v9 =	vld.idx.msk [tilespmem:v0+s16+$0x0], $0xffff  }
0x414: {  	v10 =	vld.idx.msk [tilespmem:v1+s16+$0x0], $0xffff  }
0x415: {  	v5 =	vld.idx.msk [tilespmem:v2+s16+$0x0], $0xffff  }
0x416: {  	v3 =	vld.idx.msk [tilespmem:v3+s16+$0x0], $0xffff  }
0x417: {  	v0 =	vld.idx.msk [tilespmem:v4+s16+$0x0], $0xffff  }
0x418: {  	s2 =	simm.s32 $0x1AF40;
	v1 =	vld.idx.msk [tilespmem:v6+s16+$0x0], $0xffff  }
0x419: {  	v2 =	vld.idx.msk [tilespmem:v7+s16+$0x0], $0xffff;
	[tilespmem:s2+$0x30] =	vst v9  }
0x41a: {  	s3 =	simm.s32 $0x0;
	s4 =	simm.s32 $0x187C0;
	v4 =	vld.idx.msk [tilespmem:v8+s16+$0x0], $0xffff;
	[tilespmem:s2+$0xFFFFFFD0] =	vst v10  }
.LBB2_47:
0x41b: {  	v6 =	vld [tilespmem:s4+$0x30];
	s3 =	sadd.s32 $0x80, s3;
	[tilespmem:s2+$0xFFFFFFE0] =	vst v5  }
0x41c: {  	v5 =	vld [tilespmem:s4+$0xFFFFFFD0];
	p3 =	slt.u32 s3, $0x1380;
	[tilespmem:s2+$0xFFFFFFF0] =	vst v3  }
0x41d: {  	v3 =	vld [tilespmem:s4+$0xFFFFFFE0];
	[tilespmem:s2+$0x0] =	vst v0  }
0x41e: {  	v0 =	vld [tilespmem:s4+$0xFFFFFFF0];
	[tilespmem:s2+$0x10] =	vst v1  }
0x41f: {  	v1 =	vld [tilespmem:s4+$0x0];
	[tilespmem:s2+$0x20] =	vst v2  }
0x420: {  	v2 =	vld [tilespmem:s4+$0x10];
	[tilespmem:s2+$0xFFFFFFC0] =	vst v4  }
0x421: {  	v4 =	vld [tilespmem:s4+$0x20]  }
0x422: {  	v7 =	vld [tilespmem:s4+$0xFFFFFFC0]  }
0x423: {  	v6 =	vld.idx.msk [tilespmem:v6+s16+$0x0], $0xffff  }
0x424: {  	v8 =	vld.idx.msk [tilespmem:v5+s16+$0x0], $0xffff  }
0x425: {  	v5 =	vld.idx.msk [tilespmem:v3+s16+$0x0], $0xffff  }
.Ltmp25:
0x426: {  	v3 =	vld.idx.msk [tilespmem:v0+s16+$0x0], $0xffff;
	(pc) =	sbr.rel @p3 .LBB2_47-.Ltmp25, $4  }
0x427: {  	v0 =	vld.idx.msk [tilespmem:v1+s16+$0x0], $0xffff  }
0x428: {  	s2 =	sadd.s32 $0x80, s2;
	v1 =	vld.idx.msk [tilespmem:v2+s16+$0x0], $0xffff  }
0x429: {  	v2 =	vld.idx.msk [tilespmem:v4+s16+$0x0], $0xffff;
	[tilespmem:s2+$0x30] =	vst v6  }
0x42a: {  	s4 =	sadd.s32 $0x80, s4;
	v4 =	vld.idx.msk [tilespmem:v7+s16+$0x0], $0xffff;
	[tilespmem:s2+$0xFFFFFFD0] =	vst v8  }
0x42b: {  	[tilespmem:s2+$0xFFFFFFE0] =	vst v5  }
0x42c: {  	[tilespmem:s2+$0xFFFFFFF0] =	vst v3  }
0x42d: {  	[tilespmem:s2+$0x0] =	vst v0  }
0x42e: {  	[tilespmem:s2+$0x10] =	vst v1  }
0x42f: {  	[tilespmem:s2+$0x20] =	vst v2  }
0x430: {  	[tilespmem:s2+$0xFFFFFFC0] =	vst v4  }
0x431: {  	[hbm4b:s11+s16] =	stream.linear.scatter [tilespmem:s28], [sflag:$0x4], $0x1400, $0x38;
	[tilespmem:$0x1D700] =	vst v63  }
0x432: {  	_ =	swait.ge [sflag:s29], $0x1400  }
0x433: {  	[sflag:s29] =	ssyncset.done $0x0  }
0x434: {  	[sflag:s29] =	ssyncadd.s32 $0xFFFFEC00  }
0x435: {  	[tilespmem:s23], [sflag:$0x2] =	stream.linear.gather [hbm4b:s14+s16], $0x1400, $0x38;
	[tilespmem:$0x1D700] =	vst v63  }
0x436: {  	_ =	swait.ge [sflag:s0], $0x1400  }
0x437: {  	[sflag:s0] =	ssyncset.done $0x0  }
0x438: {  	s4 =	simm.s32 $0x19B40;
	[sflag:s0] =	ssyncadd.s32 $0xFFFFEC00  }
0x439: {  	v0 =	vld [tilespmem:s4+$0x30]  }
0x43a: {  	v1 =	vld [tilespmem:s4+$0xFFFFFFD0]  }
0x43b: {  	v2 =	vld [tilespmem:s4+$0xFFFFFFE0]  }
0x43c: {  	v3 =	vld [tilespmem:s4+$0xFFFFFFF0]  }
0x43d: {  	v4 =	vld [tilespmem:s4+$0x0]  }
0x43e: {  	v6 =	vld [tilespmem:s4+$0x10]  }
0x43f: {  	v7 =	vld [tilespmem:s4+$0x20]  }
0x440: {  	v8 =	vld [tilespmem:s4+$0xFFFFFFC0]  }
0x441: {  	v9 =	vld.idx.msk [tilespmem:v0+s16+$0x0], $0xffff  }
0x442: {  	v10 =	vld.idx.msk [tilespmem:v1+s16+$0x0], $0xffff  }
0x443: {  	v5 =	vld.idx.msk [tilespmem:v2+s16+$0x0], $0xffff  }
0x444: {  	v3 =	vld.idx.msk [tilespmem:v3+s16+$0x0], $0xffff  }
0x445: {  	v0 =	vld.idx.msk [tilespmem:v4+s16+$0x0], $0xffff  }
0x446: {  	s2 =	simm.s32 $0x1C340;
	v1 =	vld.idx.msk [tilespmem:v6+s16+$0x0], $0xffff  }
0x447: {  	v2 =	vld.idx.msk [tilespmem:v7+s16+$0x0], $0xffff;
	[tilespmem:s2+$0x30] =	vst v9  }
0x448: {  	s3 =	simm.s32 $0x0;
	s4 =	simm.s32 $0x19BC0;
	v4 =	vld.idx.msk [tilespmem:v8+s16+$0x0], $0xffff;
	[tilespmem:s2+$0xFFFFFFD0] =	vst v10  }
.LBB2_49:
0x449: {  	v6 =	vld [tilespmem:s4+$0x30];
	s3 =	sadd.s32 $0x80, s3;
	[tilespmem:s2+$0xFFFFFFE0] =	vst v5  }
0x44a: {  	v5 =	vld [tilespmem:s4+$0xFFFFFFD0];
	p3 =	slt.u32 s3, $0x1380;
	[tilespmem:s2+$0xFFFFFFF0] =	vst v3  }
0x44b: {  	v3 =	vld [tilespmem:s4+$0xFFFFFFE0];
	[tilespmem:s2+$0x0] =	vst v0  }
0x44c: {  	v0 =	vld [tilespmem:s4+$0xFFFFFFF0];
	[tilespmem:s2+$0x10] =	vst v1  }
0x44d: {  	v1 =	vld [tilespmem:s4+$0x0];
	[tilespmem:s2+$0x20] =	vst v2  }
0x44e: {  	v2 =	vld [tilespmem:s4+$0x10];
	[tilespmem:s2+$0xFFFFFFC0] =	vst v4  }
0x44f: {  	v4 =	vld [tilespmem:s4+$0x20]  }
0x450: {  	v7 =	vld [tilespmem:s4+$0xFFFFFFC0]  }
0x451: {  	v6 =	vld.idx.msk [tilespmem:v6+s16+$0x0], $0xffff  }
0x452: {  	v8 =	vld.idx.msk [tilespmem:v5+s16+$0x0], $0xffff  }
0x453: {  	v5 =	vld.idx.msk [tilespmem:v3+s16+$0x0], $0xffff  }
.Ltmp26:
0x454: {  	v3 =	vld.idx.msk [tilespmem:v0+s16+$0x0], $0xffff;
	(pc) =	sbr.rel @p3 .LBB2_49-.Ltmp26, $4  }
0x455: {  	v0 =	vld.idx.msk [tilespmem:v1+s16+$0x0], $0xffff  }
0x456: {  	s2 =	sadd.s32 $0x80, s2;
	v1 =	vld.idx.msk [tilespmem:v2+s16+$0x0], $0xffff  }
0x457: {  	v2 =	vld.idx.msk [tilespmem:v4+s16+$0x0], $0xffff;
	[tilespmem:s2+$0x30] =	vst v6  }
0x458: {  	s4 =	sadd.s32 $0x80, s4;
	v4 =	vld.idx.msk [tilespmem:v7+s16+$0x0], $0xffff;
	[tilespmem:s2+$0xFFFFFFD0] =	vst v8  }
0x459: {  	[tilespmem:s2+$0xFFFFFFE0] =	vst v5  }
0x45a: {  	[tilespmem:s2+$0xFFFFFFF0] =	vst v3  }
0x45b: {  	[tilespmem:s2+$0x0] =	vst v0  }
0x45c: {  	[tilespmem:s2+$0x10] =	vst v1  }
0x45d: {  	[tilespmem:s2+$0x20] =	vst v2  }
0x45e: {  	[tilespmem:s2+$0xFFFFFFC0] =	vst v4  }
0x45f: {  	[hbm4b:s13+s16] =	stream.linear.scatter [tilespmem:s30], [sflag:$0x5], $0x1400, $0x38;
	[tilespmem:$0x1D700] =	vst v63  }
0x460: {  	_ =	swait.ge [sflag:s25], $0x1400  }
0x461: {  	[sflag:s25] =	ssyncset.done $0x0  }
0x462: {  	[sflag:s25] =	ssyncadd.s32 $0xFFFFEC00  }
0x463: {  	[tilespmem:s26], [sflag:$0x3] =	stream.linear.gather [hbm4b:s15+s16], $0x1400, $0x38;
	[tilespmem:$0x1D700] =	vst v63  }
0x464: {  	_ =	swait.ge [sflag:s31], $0x1400  }
0x465: {  	[sflag:s31] =	ssyncset.done $0x0  }
0x466: {  	s4 =	simm.s32 $0x18740;
	[sflag:s31] =	ssyncadd.s32 $0xFFFFEC00  }
0x467: {  	v0 =	vld [tilespmem:s4+$0x30]  }
0x468: {  	v1 =	vld [tilespmem:s4+$0xFFFFFFD0]  }
0x469: {  	v2 =	vld [tilespmem:s4+$0xFFFFFFE0]  }
0x46a: {  	v3 =	vld [tilespmem:s4+$0xFFFFFFF0]  }
0x46b: {  	v4 =	vld [tilespmem:s4+$0x0]  }
0x46c: {  	v6 =	vld [tilespmem:s4+$0x10]  }
0x46d: {  	v7 =	vld [tilespmem:s4+$0x20]  }
0x46e: {  	v8 =	vld [tilespmem:s4+$0xFFFFFFC0]  }
0x46f: {  	v9 =	vld.idx.msk [tilespmem:v0+s16+$0x0], $0xffff  }
0x470: {  	v10 =	vld.idx.msk [tilespmem:v1+s16+$0x0], $0xffff  }
0x471: {  	v5 =	vld.idx.msk [tilespmem:v2+s16+$0x0], $0xffff  }
0x472: {  	v3 =	vld.idx.msk [tilespmem:v3+s16+$0x0], $0xffff  }
0x473: {  	v0 =	vld.idx.msk [tilespmem:v4+s16+$0x0], $0xffff  }
0x474: {  	s2 =	simm.s32 $0x1AF40;
	v1 =	vld.idx.msk [tilespmem:v6+s16+$0x0], $0xffff  }
0x475: {  	v2 =	vld.idx.msk [tilespmem:v7+s16+$0x0], $0xffff;
	[tilespmem:s2+$0x30] =	vst v9  }
0x476: {  	s3 =	simm.s32 $0x0;
	s4 =	simm.s32 $0x187C0;
	v4 =	vld.idx.msk [tilespmem:v8+s16+$0x0], $0xffff;
	[tilespmem:s2+$0xFFFFFFD0] =	vst v10  }
.LBB2_51:
0x477: {  	v6 =	vld [tilespmem:s4+$0x30];
	s3 =	sadd.s32 $0x80, s3;
	[tilespmem:s2+$0xFFFFFFE0] =	vst v5  }
0x478: {  	v5 =	vld [tilespmem:s4+$0xFFFFFFD0];
	p3 =	slt.u32 s3, $0x1380;
	[tilespmem:s2+$0xFFFFFFF0] =	vst v3  }
0x479: {  	v3 =	vld [tilespmem:s4+$0xFFFFFFE0];
	[tilespmem:s2+$0x0] =	vst v0  }
0x47a: {  	v0 =	vld [tilespmem:s4+$0xFFFFFFF0];
	[tilespmem:s2+$0x10] =	vst v1  }
0x47b: {  	v1 =	vld [tilespmem:s4+$0x0];
	[tilespmem:s2+$0x20] =	vst v2  }
0x47c: {  	v2 =	vld [tilespmem:s4+$0x10];
	[tilespmem:s2+$0xFFFFFFC0] =	vst v4  }
0x47d: {  	v4 =	vld [tilespmem:s4+$0x20]  }
0x47e: {  	v7 =	vld [tilespmem:s4+$0xFFFFFFC0]  }
0x47f: {  	v6 =	vld.idx.msk [tilespmem:v6+s16+$0x0], $0xffff  }
0x480: {  	v8 =	vld.idx.msk [tilespmem:v5+s16+$0x0], $0xffff  }
0x481: {  	v5 =	vld.idx.msk [tilespmem:v3+s16+$0x0], $0xffff  }
.Ltmp27:
0x482: {  	v3 =	vld.idx.msk [tilespmem:v0+s16+$0x0], $0xffff;
	(pc) =	sbr.rel @p3 .LBB2_51-.Ltmp27, $4  }
0x483: {  	v0 =	vld.idx.msk [tilespmem:v1+s16+$0x0], $0xffff  }
0x484: {  	s2 =	sadd.s32 $0x80, s2;
	v1 =	vld.idx.msk [tilespmem:v2+s16+$0x0], $0xffff  }
0x485: {  	v2 =	vld.idx.msk [tilespmem:v4+s16+$0x0], $0xffff;
	[tilespmem:s2+$0x30] =	vst v6  }
0x486: {  	s4 =	sadd.s32 $0x80, s4;
	v4 =	vld.idx.msk [tilespmem:v7+s16+$0x0], $0xffff;
	[tilespmem:s2+$0xFFFFFFD0] =	vst v8  }
0x487: {  	[tilespmem:s2+$0xFFFFFFE0] =	vst v5  }
0x488: {  	[tilespmem:s2+$0xFFFFFFF0] =	vst v3  }
0x489: {  	[tilespmem:s2+$0x0] =	vst v0  }
0x48a: {  	[tilespmem:s2+$0x10] =	vst v1  }
0x48b: {  	[tilespmem:s2+$0x20] =	vst v2  }
0x48c: {  	[tilespmem:s2+$0xFFFFFFC0] =	vst v4  }
0x48d: {  	[hbm4b:s17+s16] =	stream.linear.scatter [tilespmem:s28], [sflag:$0x4], $0x1400, $0x38;
	[tilespmem:$0x1D700] =	vst v63  }
0x48e: {  	_ =	swait.ge [sflag:s29], $0x1400  }
0x48f: {  	[sflag:s29] =	ssyncset.done $0x0  }
0x490: {  	[sflag:s29] =	ssyncadd.s32 $0xFFFFEC00  }
0x491: {  	_ =	swait.ge [sflag:s0], $0x1400  }
0x492: {  	[sflag:s0] =	ssyncset.done $0x0  }
0x493: {  	s4 =	simm.s32 $0x19B40;
	[sflag:s0] =	ssyncadd.s32 $0xFFFFEC00  }
0x494: {  	v0 =	vld [tilespmem:s4+$0x30]  }
0x495: {  	v1 =	vld [tilespmem:s4+$0xFFFFFFD0]  }
0x496: {  	v2 =	vld [tilespmem:s4+$0xFFFFFFE0]  }
0x497: {  	v3 =	vld [tilespmem:s4+$0xFFFFFFF0]  }
0x498: {  	v4 =	vld [tilespmem:s4+$0x0]  }
0x499: {  	v6 =	vld [tilespmem:s4+$0x10]  }
0x49a: {  	v7 =	vld [tilespmem:s4+$0x20]  }
0x49b: {  	v8 =	vld [tilespmem:s4+$0xFFFFFFC0]  }
0x49c: {  	v9 =	vld.idx.msk [tilespmem:v0+s16+$0x0], $0xffff  }
0x49d: {  	v10 =	vld.idx.msk [tilespmem:v1+s16+$0x0], $0xffff  }
0x49e: {  	v5 =	vld.idx.msk [tilespmem:v2+s16+$0x0], $0xffff  }
0x49f: {  	v3 =	vld.idx.msk [tilespmem:v3+s16+$0x0], $0xffff  }
0x4a0: {  	v0 =	vld.idx.msk [tilespmem:v4+s16+$0x0], $0xffff  }
0x4a1: {  	s2 =	simm.s32 $0x1C340;
	v1 =	vld.idx.msk [tilespmem:v6+s16+$0x0], $0xffff  }
0x4a2: {  	v2 =	vld.idx.msk [tilespmem:v7+s16+$0x0], $0xffff;
	[tilespmem:s2+$0x30] =	vst v9  }
0x4a3: {  	s3 =	simm.s32 $0x0;
	s4 =	simm.s32 $0x19BC0;
	v4 =	vld.idx.msk [tilespmem:v8+s16+$0x0], $0xffff;
	[tilespmem:s2+$0xFFFFFFD0] =	vst v10  }
.LBB2_53:
0x4a4: {  	v6 =	vld [tilespmem:s4+$0x30];
	s3 =	sadd.s32 $0x80, s3;
	[tilespmem:s2+$0xFFFFFFE0] =	vst v5  }
0x4a5: {  	v5 =	vld [tilespmem:s4+$0xFFFFFFD0];
	p3 =	slt.u32 s3, $0x1380;
	[tilespmem:s2+$0xFFFFFFF0] =	vst v3  }
0x4a6: {  	v3 =	vld [tilespmem:s4+$0xFFFFFFE0];
	[tilespmem:s2+$0x0] =	vst v0  }
0x4a7: {  	v0 =	vld [tilespmem:s4+$0xFFFFFFF0];
	[tilespmem:s2+$0x10] =	vst v1  }
0x4a8: {  	v1 =	vld [tilespmem:s4+$0x0];
	[tilespmem:s2+$0x20] =	vst v2  }
0x4a9: {  	v2 =	vld [tilespmem:s4+$0x10];
	[tilespmem:s2+$0xFFFFFFC0] =	vst v4  }
0x4aa: {  	v4 =	vld [tilespmem:s4+$0x20]  }
0x4ab: {  	v7 =	vld [tilespmem:s4+$0xFFFFFFC0]  }
0x4ac: {  	v6 =	vld.idx.msk [tilespmem:v6+s16+$0x0], $0xffff  }
0x4ad: {  	v8 =	vld.idx.msk [tilespmem:v5+s16+$0x0], $0xffff  }
0x4ae: {  	v5 =	vld.idx.msk [tilespmem:v3+s16+$0x0], $0xffff  }
.Ltmp28:
0x4af: {  	v3 =	vld.idx.msk [tilespmem:v0+s16+$0x0], $0xffff;
	(pc) =	sbr.rel @p3 .LBB2_53-.Ltmp28, $4  }
0x4b0: {  	v0 =	vld.idx.msk [tilespmem:v1+s16+$0x0], $0xffff  }
0x4b1: {  	s2 =	sadd.s32 $0x80, s2;
	v1 =	vld.idx.msk [tilespmem:v2+s16+$0x0], $0xffff  }
0x4b2: {  	v2 =	vld.idx.msk [tilespmem:v4+s16+$0x0], $0xffff;
	[tilespmem:s2+$0x30] =	vst v6  }
0x4b3: {  	s4 =	sadd.s32 $0x80, s4;
	v4 =	vld.idx.msk [tilespmem:v7+s16+$0x0], $0xffff;
	[tilespmem:s2+$0xFFFFFFD0] =	vst v8  }
.Ltmp29:
0x4b4: {  	_ = 	snop;
	(pc) =	sbr.rel .LBB2_54-.Ltmp29, $1  }
0x4b5: {  	_ =	sdelay $0x3  }
.LBB2_56:
0x4b6: {  	_ =	sfence.sel $0x180000  }
0x4b7: {  	[bflag:$0x0] =	sbarrier.arrive $0xFFFF  }
0x4b8: {  	_ =	strace $0x9000004A  }
0x4b9: {  	s0 =	stileid.u32;
	[bflag:$0x2] =	sbarrier.arrive $0xFFFF  }
0x4ba: {  	p0 =	sne.s32 s0, $0x0;
	s0 =	rddreg [dreg:$0x1]  }
0x4bb: {  	s0 =	sadd.s32 @!p0 $0x100000, s0  }
0x4bc: {  	[sflag:s0] =	ssyncadd.tile.s32 @!p0 $0x1;
	_ =	shalt  }
.Lfunc_end2:
_tile_overlayer_lowered:
.L_overlay_start_2:
0x4bd: {  	(tag) =	ssettag $0x2  }
0x4be: {  	s0 =	rddreg [dreg:$0x0];
	s2 =	stileid.u32  }
0x4bf: {  	s1 =	rddreg [dreg:$0x1];
	p0 =	sne.s32 s2, $0x0  }
0x4c0: {  	s3 =	rddreg [dreg:$0x2];
	[bflag:$0x3] =	sbarrier.arrive $0xFFFF;
	s2 =	simm.s32 @!p0 $0x1C06  }
0x4c1: {  	[timem:s3], [sflag:s2] =	dma.local @!p0 [hbm:s0], s1  }
0x4c2: {  	s0 =	simm.s32 @!p0 $0x6  }
0x4c3: {  	_ =	swait.ge @!p0 [sflag:s0], s1  }
0x4c4: {  	s1 =	ssub.s32 @!p0 $0x0, s1;
	[sflag:s0] =	ssyncset.done @!p0 $0x0  }
0x4c5: {  	[sflag:s0] =	ssyncadd.s32 @!p0 s1  }
0x4c6: {  	[bflag:$0x3] =	sbarrier.arrive $0xFFFF  }
0x4c7: {  	_ =	shalt  }

// kernel: kernel.9.cloned.1.call-start
scs
__scs_entry_jumppad:
0x0: {  	(pc) =	sbr.rel $0x88, $3  }
0x1: {  	(tag) =	ssettag $0x0;
	lr =	simm.s32 $0x1  }
0x2: {  	[smem:$0x3F9D] =	sst lr;
	_ =	strace $0xD0000000  }
0x3: {  	_ = 	snop  }
0x4: {  	_ = 	snop  }
0x5: {  	_ = 	snop  }
0x6: {  	_ = 	snop  }
0x7: {  	_ = 	snop  }
__scs_overlays_trampoline_lowered:
0x8: {  	[smem:$0x3FAC] =	sst s0  }
0x9: {  	[smem:$0x3FAD] =	sst s1  }
0xa: {  	[smem:$0x3FAE] =	sst s2  }
0xb: {  	[smem:$0x3FAF] =	sst s3  }
0xc: {  	[smem:$0x3FB0] =	sst s4  }
0xd: {  	[smem:$0x3FB1] =	sst s5  }
0xe: {  	[smem:$0x3FB2] =	sst s6  }
0xf: {  	[smem:$0x3FB3] =	sst s7  }
0x10: {  	[smem:$0x3FB4] =	sst s8  }
0x11: {  	[smem:$0x3FB5] =	sst s9;
	s0 =	simm.s32 @!p0 $0x0  }
0x12: {  	s1 =	sld [smem:$0x3F9B];
	s0 =	simm.s32 @p0 $0x1  }
0x13: {  	[smem:$0x3FB6] =	sst s0;
	s0 =	simm.s32 @!p1 $0x0  }
0x14: {  	s2 =	sld [smem:$0x3F9A];
	s0 =	simm.s32 @p1 $0x1  }
0x15: {  	[smem:$0x3FB7] =	sst s0;
	s0 =	simm.s32 @!p2 $0x0  }
0x16: {  	s3 =	sld [smem:$0x3FDB];
	s0 =	simm.s32 @p2 $0x1  }
0x17: {  	s4 =	simm.s32 $0x1BF5;
	[smem:$0x3FB9] =	sst s0  }
0x18: {  	s0 =	sld [smem:$0x3F9C];
	_ =	swait.ge [sflag:s4], $0x0  }
0x19: {  	s7 =	sld [smem:$0x3F9D]  }
0x1a: {  	s8 =	sadd.s32 $0xFFFFE003, lr  }
0x1b: {  	s9 =	sadd.s32 $0xFFFFFEF7, lr;
	s5 =	simm.s32 $0xFFFFFFFF;
	p2 =	slt.u32 s8, $0xFFFFF086  }
0x1c: {  	p1 =	slt.u32 s9, $0xF7A;
	s5 =	simm.s32 @!p2 $0x0  }
0x1d: {  	s5 =	simm.s32 @p1 $0x1;
	p0 =	seq.s32 s7, s2  }
0x1e: {  	s7 =	smul.u32 @!p0 $0xF7A, s2;
	p2 =	seq.s32 @!p0 s5, $0x0  }
0x1f: {  	s9 =	smul.u32 $0xF7A, s1;
	s8 =	simm.s32 @!p0 $0x1BF5;
	p2 =	por !p2, p0  }
0x20: {  	[sflag:s8] =	ssyncset.s32 @!p0 $0xFFFFF086;
	s6 =	sadd.s32 @!p0 s3, s7;
	s7 =	simm.s32 @!p0 $0x108  }
0x21: {  	s3 =	sadd.s32 s3, s9;
	s6 =	sadd.s32 @!p0 $0x88, s6;
	s7 =	simm.s32 @p2 $0x1082  }
0x22: {  	[simem:s7], [sflag:s8] =	dma.local @!p0 [hbm:s6], $0xF7A  }
0x23: {  	s9 =	sor.u32 $0xD0000000, s2;
	s6 =	simm.s32 $0x108;
	_ =	swait.ge @!p0 [sflag:s8], $0x0  }
0x24: {  	s3 =	sadd.s32 $0x88, s3;
	s6 =	simm.s32 @!p1 $0x1082;
	[sflag:s4] =	ssyncset.s32 $0xFFFFF086  }
0x25: {  	[simem:s6], [sflag:s4] =	dma.local [hbm:s3], $0xF7A  }
0x26: {  	[smem:$0x3F9D] =	sst s1;
	(tag) =	ssettag s2;
	_ =	strace s9  }
0x27: {  	s1 =	sld [smem:$0x3FAD]  }
0x28: {  	s2 =	sld [smem:$0x3FAE]  }
0x29: {  	s4 =	sld [smem:$0x3FB0]  }
0x2a: {  	p0 =	seq.s32 s5, $0x0;
	s5 =	sld [smem:$0x3FB1]  }
0x2b: {  	s6 =	sld [smem:$0x3FB2]  }
0x2c: {  	s7 =	sld [smem:$0x3FB3]  }
0x2d: {  	s3 =	simm.s32 $0x108;
	s8 =	sld [smem:$0x3FB4]  }
0x2e: {  	s3 =	simm.s32 @!p0 $0x1082;
	s9 =	sld [smem:$0x3FB5]  }
0x2f: {  	lr =	sadd.s32 s0, s3;
	s0 =	sld [smem:$0x3FAC]  }
0x30: {  	s3 =	sld [smem:$0x3FAF]  }
0x31: {  	[smem:$0x3FB8] =	sst s10  }
0x32: {  	s10 =	sld [smem:$0x3FB6];
	_ =	sdelay $0x3  }
0x33: {  	p0 =	seq.s32 s10, $0x1;
	s10 =	sld [smem:$0x3FB8];
	_ =	sdelay $0x3  }
0x34: {  	[smem:$0x3FB8] =	sst s10  }
0x35: {  	s10 =	sld [smem:$0x3FB7];
	_ =	sdelay $0x3  }
0x36: {  	p1 =	seq.s32 s10, $0x1;
	s10 =	sld [smem:$0x3FB8];
	_ =	sdelay $0x3  }
0x37: {  	[smem:$0x3FB8] =	sst s10  }
0x38: {  	s10 =	sld [smem:$0x3FB9]  }
0x39: {  	_ = 	snop;
	(pc) =	sbr.ind lr, $3  }
0x3a: {  	_ = 	snop  }
0x3b: {  	_ = 	snop  }
0x3c: {  	p2 =	seq.s32 s10, $0x1;
	s10 =	sld [smem:$0x3FB8]  }
0x3d: {  	_ =	shalt  }
0x3e: {  	_ =	shalt  }
0x3f: {  	_ =	shalt  }
0x40: {  	_ =	shalt  }
0x41: {  	_ =	shalt  }
0x42: {  	_ =	shalt  }
0x43: {  	_ =	shalt  }
0x44: {  	_ =	shalt  }
0x45: {  	_ =	shalt  }
0x46: {  	_ =	shalt  }
0x47: {  	_ =	shalt  }
0x48: {  	_ =	shalt  }
0x49: {  	_ =	shalt  }
0x4a: {  	_ =	shalt  }
0x4b: {  	_ =	shalt  }
0x4c: {  	_ =	shalt  }
0x4d: {  	_ =	shalt  }
0x4e: {  	_ =	shalt  }
0x4f: {  	_ =	shalt  }
0x50: {  	_ =	shalt  }
0x51: {  	_ =	shalt  }
0x52: {  	_ =	shalt  }
0x53: {  	_ =	shalt  }
0x54: {  	_ =	shalt  }
0x55: {  	_ =	shalt  }
0x56: {  	_ =	shalt  }
0x57: {  	_ =	shalt  }
0x58: {  	_ =	shalt  }
0x59: {  	_ =	shalt  }
0x5a: {  	_ =	shalt  }
0x5b: {  	_ =	shalt  }
0x5c: {  	_ =	shalt  }
0x5d: {  	_ =	shalt  }
0x5e: {  	_ =	shalt  }
0x5f: {  	_ =	shalt  }
0x60: {  	_ =	shalt  }
0x61: {  	_ =	shalt  }
0x62: {  	_ =	shalt  }
0x63: {  	_ =	shalt  }
0x64: {  	_ =	shalt  }
0x65: {  	_ =	shalt  }
0x66: {  	_ =	shalt  }
0x67: {  	_ =	shalt  }
0x68: {  	_ =	shalt  }
0x69: {  	_ =	shalt  }
0x6a: {  	_ =	shalt  }
0x6b: {  	_ =	shalt  }
0x6c: {  	_ =	shalt  }
0x6d: {  	_ =	shalt  }
0x6e: {  	_ =	shalt  }
0x6f: {  	_ =	shalt  }
0x70: {  	_ =	shalt  }
0x71: {  	_ =	shalt  }
0x72: {  	_ =	shalt  }
0x73: {  	_ =	shalt  }
0x74: {  	_ =	shalt  }
0x75: {  	_ =	shalt  }
0x76: {  	_ =	shalt  }
0x77: {  	_ =	shalt  }
0x78: {  	_ =	shalt  }
0x79: {  	_ =	shalt  }
0x7a: {  	_ =	shalt  }
0x7b: {  	_ =	shalt  }
0x7c: {  	_ =	shalt  }
0x7d: {  	_ =	shalt  }
0x7e: {  	_ =	shalt  }
0x7f: {  	_ =	shalt  }
0x80: {  	_ =	shalt  }
0x81: {  	_ =	shalt  }
0x82: {  	_ =	shalt  }
0x83: {  	_ =	shalt  }
0x84: {  	_ =	shalt  }
0x85: {  	_ =	shalt  }
0x86: {  	_ =	shalt  }
0x87: {  	_ =	shalt  }
.Lfunc_end0:
.L_simem_size_0:
called_computation.1_lowered:
.L_overlay_start_0:
0x88: {  	s2 =	sld [smem:$0x3FD9]  }
0x89: {  	s3 =	sld [smem:$0x3FFE];
	_ =	sdelay $0x1  }
0x8a: {  	s1 =	srdreg.scid  }
0x8b: {  	s0 =	sand.u32 $0x1, s1  }
0x8c: {  	s17 =	sshll.u32 s0, $0xA;
	s2 =	sadd.s32 s3, s2  }
0x8d: {  	s2 =	sadd.s32 s2, s17  }
0x8e: {  	[smem:$0x3FC4] =	sst s2  }
0x8f: {  	_ = 	snop  }
0x90: {  	s2 =	sld [smem:$0x3FD0];
	(tm) =	ssettm $0x1  }
0x91: {  	s18 =	sld [smem:$0x3FFB];
	_ =	sdelay $0x3  }
0x92: {  	_ =	strace s18  }
0x93: {  	s3 =	sld [smem:$0x3FFC];
	_ =	sdelay $0x3  }
0x94: {  	_ =	strace s3  }
0x95: {  	s3 =	sld [smem:$0x3FFD];
	_ =	sdelay $0x3  }
0x96: {  	_ =	strace s3  }
0x97: {  	_ =	strace $0x8FFFFFFF  }
0x98: {  	s19 =	sld [smem:$0x3FDB];
	_ =	sdelay $0x1  }
0x99: {  	s4 =	simm.s32 $_scs_section_size  }
0x9a: {  	s5 =	simm.s32 $_size__tile_overlayer_lowered;
	s6 =	simm.s32 $_tile_overlayer_lowered  }
0x9b: {  	s22 =	simm.s32 $0x1BFF;
	s21 =	sshll.u32 s6, $0x1;
	s3 =	sadd.s32 s4, s19  }
0x9c: {  	s7 =	simm.s32 $0x0;
	s20 =	sshll.u32 s5, $0x1;
	s5 =	sadd.s32 s21, s3  }
0x9d: {  	[timem:s7], [sflag:s22] =	dma.local [hbm:s5], s20  }
0x9e: {  	_ =	swait.ge [sflag:s22], s20  }
0x9f: {  	s4 =	ssub.s32 $0x0, s20;
	[sflag:s22] =	ssyncset.done $0x0  }
0xa0: {  	[sflag:s22] =	ssyncadd.s32 s4;
	_ =	sdelay $0x1  }
0xa1: {  	s23 =	simm.s32 $0x1B8B  }
0xa2: {  	_ =	swait.ge [sflag:s23], $0x1  }
0xa3: {  	[sflag:s23] =	ssyncset.done $0x0  }
0xa4: {  	s25 =	simm.s32 $0x1B8E;
	s24 =	sld [smem:$0x3FFE];
	[sflag:s23] =	ssyncadd.s32 $0xFFFFFFFF  }
0xa5: {  	s26 =	simm.s32 $execute0_lowered;
	[smem:$0x3FD2] =	sst s25  }
0xa6: {  	s5 =	sshll.u32 s26, $0x1;
	_ =	strace $0x80000046;
	[dreg:$0x1] =	wrdreg $0xFFFFFFFF  }
0xa7: {  	s28 =	simm.s32 $_size_execute0_lowered;
	s3 =	sadd.s32 s3, s5;
	[dreg:$0x0] =	wrdreg $0x0  }
0xa8: {  	s5 =	sshll.u32 s28, $0x1;
	[dreg:$0x2] =	wrdreg s3  }
0xa9: {  	[dreg:$0x3] =	wrdreg s5  }
0xaa: {  	[dreg:$0x4] =	wrdreg $0xC0  }
0xab: {  	_ =	task [dreg:s7], $0x5FFFF  }
0xac: {  	[dreg:$0x1] =	wrdreg $0xFFFFFFFF  }
0xad: {  	[dreg:$0x0] =	wrdreg $0x60  }
0xae: {  	[dreg:$0x2] =	wrdreg s24  }
0xaf: {  	[dreg:$0x3] =	wrdreg s2  }
0xb0: {  	[dreg:$0x4] =	wrdreg $0xA  }
0xb1: {  	_ =	task.clear_ibuf [dreg:s7], $0x5FFFF;
	_ =	strace $0x90000046  }
0xb2: {  	s29 =	simm.s32 $0xA;
	_ =	strace $0x80000048  }
0xb3: {  	_ =	swait.ge [sflag:s29], $0x1  }
0xb4: {  	[sflag:s29] =	ssyncadd.s32 $0xFFFFFFFF  }
0xb5: {  	_ =	strace $0x90000048  }
0xb6: {  	_ =	sfence  }
0xb7: {  	s30 =	sld [smem:$0x0];
	_ =	sdelay $0x2  }
0xb8: {  	s31 =	sshll.u32 s1, $0xD;
	s1 =	sshrl.u32 s1, $0x2  }
0xb9: {  	s3 =	sand.u32 $0x4000, s31;
	s1 =	sadd.s32 s1, s30  }
0xba: {  	s0 =	sor.u32 s3, s0;
	s1 =	sshll.u32 s1, $0x11  }
0xbb: {  	s0 =	sor.u32 s1, s0  }
0xbc: {  	s0 =	sadd.s32 $0x8F2B, s0  }
0xbd: {  	[sflag:s0] =	ssyncadd.remote.s32 $0x1  }
0xbe: {  	_ =	sfence.sel $0xFFFF  }
0xbf: {  	[dreg:$0x0] =	wrdreg $0xFFFFFFFF;
	(pc) =	sbr.abs _section_cstart, $3  }
0xc0: {  	[dreg:$0x1] =	wrdreg $0xFFFFFFFF  }
0xc1: {  	_ =	task.clear_ibuf [dreg:s7], $0x2FFFF;
	_ =	strace $0x9FFFFFFF  }
0xc2: {  	(tm) =	ssettm $0x7FFFFFFF  }
0xc3: {  	_ =	shalt  }
tec
execute0_lowered:
.L_overlay_start_1:
0x0: {  	(tag) =	ssettag $0x1  }
0x1: {  	s0 =	srdreg.scid  }
0x2: {  	s23 =	stileid.u32;
	s4 =	rddreg [dreg:$0x1];
	s28 =	simm.s32 $0x1AF00  }
0x3: {  	s29 =	simm.s32 $0x3;
	s2 =	sand.u32 $0x1, s0;
	s1 =	sshll.u32 s23, $0x1  }
0x4: {  	s30 =	simm.s32 $0x1C300;
	s31 =	simm.s32 $0x4;
	s3 =	sor.u32 s2, s1  }
0x5: {  	s0 =	rddreg [dreg:$0x0];
	p2 =	sgt.u32 s23, $0x4;
	s12 =	smul.u32 $0xA000, s3  }
0x6: {  	s23 =	simm.s32 $0x18700;
	s5 =	sadd.s32 $0xC800, s0;
	s3 =	smul.u32 $0x1400, s3  }
0x7: {  	s6 =	sadd.s32 $0x25800, s0;
	s2 =	ssub.s32 $0x2, s2;
	s9 =	sadd.s32 $0x32000, s0  }
0x8: {  	s7 =	sshrl.u32 s2, $0x1;
	s8 =	sshrl.u32 s12, $0x3;
	s20 =	sadd.s32 s4, s3  }
0x9: {  	s3 =	sadd.s32 s6, s3;
	s19 =	sor.u32 $0x280, s8;
	[dreg:$0x3] =	wrdreg s20  }
0xa: {  	s24 =	sadd.s32 $0x500, s8;
	[dreg:$0x5] =	wrdreg s3;
	s21 =	sadd.s32 s4, s19  }
0xb: {  	s22 =	ssub.s32 s2, s7;
	s25 =	sadd.s32 s4, s24;
	[dreg:$0x4] =	wrdreg s21  }
0xc: {  	s26 =	sadd.s32 $0x780, s8;
	s2 =	sadd.s32 s6, s19;
	[dreg:$0x6] =	wrdreg s25  }
0xd: {  	s22 =	smax.u32 s22, $0x1;
	s10 =	sadd.s32 s4, s26;
	[dreg:$0x7] =	wrdreg s2  }
0xe: {  	s11 =	sadd.s32 $0xA00, s8;
	s7 =	sadd.s32 s6, s24;
	[dreg:$0x8] =	wrdreg s10  }
0xf: {  	s14 =	sadd.s32 $0xC80, s8;
	s13 =	sadd.s32 s4, s11;
	[dreg:$0x9] =	wrdreg s7  }
0x10: {  	s16 =	sadd.s32 $0xF00, s8;
	s3 =	sadd.s32 s6, s26;
	[dreg:$0xa] =	wrdreg s13  }
0x11: {  	s18 =	sadd.s32 $0x1180, s8;
	s15 =	sadd.s32 s4, s14;
	[dreg:$0xb] =	wrdreg s3  }
0x12: {  	s20 =	sadd.s32 $0xFFF9D400, s12;
	s17 =	sadd.s32 s4, s16;
	[dreg:$0xc] =	wrdreg s15  }
0x13: {  	s8 =	sadd.s32 $0xFFFA1000, s12;
	s4 =	sadd.s32 s4, s18;
	[dreg:$0xe] =	wrdreg s17  }
0x14: {  	s19 =	sadd.s32 $0xFFF9C000, s12;
	s2 =	sadd.s32 s6, s11;
	[dreg:$0x10] =	wrdreg s4  }
0x15: {  	s7 =	sadd.s32 s6, s14;
	s3 =	sadd.s32 s6, s16;
	[dreg:$0xd] =	wrdreg s2  }
0x16: {  	s21 =	sadd.s32 $0xFFF9E800, s12;
	s10 =	sshrl.u32 s8, $0x3;
	[dreg:$0xf] =	wrdreg s7  }
0x17: {  	s11 =	sadd.s32 $0xFFFA2400, s12;
	s16 =	sadd.s32 $0xFFFA3800, s12;
	[dreg:$0x11] =	wrdreg s3  }
0x18: {  	s2 =	sadd.s32 s6, s18;
	s3 =	sshrl.u32 s20, $0x3;
	s25 =	sshrl.u32 s21, $0x3  }
0x19: {  	s6 =	sadd.s32 $0xFFF9FC00, s12;
	s15 =	sadd.s32 s5, s10;
	[dreg:$0x12] =	wrdreg s2  }
0x1a: {  	s14 =	sshrl.u32 s11, $0x3;
	s26 =	sadd.s32 s5, s3;
	[dreg:$0x1b] =	wrdreg s15  }
0x1b: {  	s18 =	sadd.s32 $0xFFFA4C00, s12;
	s3 =	sadd.s32 s9, s3;
	[dreg:$0x15] =	wrdreg s26  }
0x1c: {  	s2 =	sshrl.u32 s19, $0x3;
	s7 =	sadd.s32 s5, s25;
	[dreg:$0x16] =	wrdreg s3  }
0x1d: {  	s17 =	sadd.s32 s5, s14;
	s19 =	sshrl.u32 s18, $0x3;
	[dreg:$0x17] =	wrdreg s7  }
0x1e: {  	s18 =	sadd.s32 $0x3E800, s0;
	s24 =	sadd.s32 s5, s2;
	[dreg:$0x1d] =	wrdreg s17  }
0x1f: {  	s2 =	sadd.s32 s9, s2;
	s3 =	sshrl.u32 s6, $0x3;
	[dreg:$0x13] =	wrdreg s24  }
0x20: {  	s21 =	sadd.s32 s5, s19;
	s26 =	sadd.s32 $0x19000, s0;
	[dreg:$0x14] =	wrdreg s2  }
0x21: {  	s2 =	sadd.s32 s9, s25;
	s13 =	sadd.s32 s5, s3;
	[smem:$0x7F8] =	sst s21  }
0x22: {  	s3 =	sadd.s32 s9, s3;
	s24 =	sadd.s32 $0xFFF38000, s12;
	[dreg:$0x18] =	wrdreg s2  }
0x23: {  	s25 =	sadd.s32 $0xFFF39400, s12;
	s21 =	sadd.s32 $0xFFF3E400, s12;
	[dreg:$0x19] =	wrdreg s13  }
0x24: {  	[dreg:$0x1a] =	wrdreg s3;
	s2 =	sadd.s32 s9, s10;
	s3 =	sadd.s32 s9, s14  }
0x25: {  	s14 =	sadd.s32 $0xFFF3A800, s12;
	[dreg:$0x1c] =	wrdreg s2;
	s2 =	sshrl.u32 s16, $0x3  }
0x26: {  	[dreg:$0x1e] =	wrdreg s3;
	s3 =	sadd.s32 s9, s19;
	s16 =	sadd.s32 $0xFFF3BC00, s12  }
0x27: {  	s19 =	sadd.s32 $0xFFF3D000, s12;
	s20 =	sadd.s32 s5, s2;
	[smem:$0x7FA] =	sst s3  }
0x28: {  	s2 =	sadd.s32 s9, s2;
	s3 =	sshrl.u32 s25, $0x3;
	[dreg:$0x1f] =	wrdreg s20  }
0x29: {  	s17 =	sshrl.u32 s16, $0x3;
	s16 =	simm.s32 $0x0;
	[smem:$0x7F9] =	sst s2  }
0x2a: {  	s2 =	sshrl.u32 s24, $0x3;
	s15 =	sadd.s32 s26, s3;
	s5 =	sadd.s32 s18, s3  }
0x2b: {  	s20 =	sshrl.u32 s19, $0x3;
	s8 =	sadd.s32 s26, s17;
	s9 =	sadd.s32 s18, s17  }
0x2c: {  	s3 =	sshrl.u32 s21, $0x3;
	[smem:$0x7FF] =	sst s16;
	s19 =	sadd.s32 $0x3200, s0  }
0x2d: {  	s21 =	sadd.s32 $0x9600, s0;
	s13 =	sadd.s32 s26, s2;
	s2 =	sadd.s32 s18, s2  }
0x2e: {  	[smem:$0x7FD] =	sst s15;
	s10 =	sadd.s32 s26, s20;
	s11 =	sadd.s32 s18, s20  }
0x2f: {  	s20 =	sadd.s32 $0x6400, s0;
	s0 =	simm.s32 $0x5;
	[smem:$0x7FB] =	sst s13  }
0x30: {  	[smem:$0x7FC] =	sst s2;
	s2 =	sshrl.u32 s14, $0x3;
	s13 =	sadd.s32 $0xFFF3F800, s12  }
0x31: {  	s14 =	sadd.s32 $0xFFF40C00, s12;
	s12 =	sadd.s32 s26, s3;
	s6 =	sadd.s32 s26, s2  }
0x32: {  	s7 =	sadd.s32 s18, s2;
	s24 =	sshrl.u32 s13, $0x3;
	s13 =	sadd.s32 s18, s3  }
.Ltmp0:
0x33: {  	s25 =	sshrl.u32 s14, $0x3;
	_ =	strace $0x80000047;
	(pc) =	sbr.rel .LBB2_1-.Ltmp0, $4  }
0x34: {  	s14 =	sadd.s32 s26, s24;
	s15 =	sadd.s32 s26, s25;
	s17 =	sadd.s32 s18, s24  }
0x35: {  	s18 =	sadd.s32 s18, s25;
	s26 =	sadd.s32 $0xFFFFFFF6, s1;
	s1 =	sadd.s32 $0xFFFFFFEC, s1  }
0x36: {  	s24 =	simm.s32 $0x1;
	s25 =	simm.s32 $0x2;
	p0 =	sgt.u32 s26, $0x9  }
0x37: {  	p1 =	sgt.u32 s1, $0x9;
	s26 =	simm.s32 $0x19B00;
	s1 =	simm.s32 $0x0  }
.LBB2_54:
0x38: {  	[tilespmem:s2+$0xFFFFFFE0] =	vst v5  }
0x39: {  	[tilespmem:s2+$0xFFFFFFF0] =	vst v3  }
0x3a: {  	[tilespmem:s2+$0x0] =	vst v0  }
0x3b: {  	[tilespmem:s2+$0x10] =	vst v1  }
0x3c: {  	[tilespmem:s2+$0x20] =	vst v2  }
0x3d: {  	[tilespmem:s2+$0xFFFFFFC0] =	vst v4  }
0x3e: {  	[hbm4b:s18+s16] =	stream.linear.scatter [tilespmem:s30], [sflag:$0x5], $0x1400, $0x38;
	[tilespmem:$0x1D700] =	vst v63  }
0x3f: {  	_ =	swait.ge [sflag:s31], $0x1400  }
0x40: {  	[sflag:s31] =	ssyncset.done $0x0  }
0x41: {  	[sflag:s31] =	ssyncadd.s32 $0xFFFFEC00  }
0x42: {  	_ =	swait.ge [sflag:s0], $0x1400  }
0x43: {  	[sflag:s0] =	ssyncset.done $0x0  }
0x44: {  	[sflag:s0] =	ssyncadd.s32 $0xFFFFEC00  }
.LBB2_55:
0x45: {  	s1 =	sadd.s32 $0x1, s1  }
0x46: {  	p3 =	sne.s32 s1, s22  }
.Ltmp1:
0x47: {  	_ = 	snop;
	(pc) =	sbr.rel @!p3 .LBB2_56-.Ltmp1, $1  }
0x48: {  	_ =	sdelay $0x3  }
.LBB2_1:
.Ltmp2:
0x49: {  	(pc) =	sbr.rel @p2 .LBB2_19-.Ltmp2, $1  }
0x4a: {  	_ =	sdelay $0x3  }
0x4b: {  	[tilespmem:s16], [sflag:$0x1] =	stream.linear.gather [hbm4b:s19+s16], $0x18700, $0x38;
	[tilespmem:$0x1D700] =	vst v63  }
0x4c: {  	s2 =	rddreg [dreg:$0x3]  }
0x4d: {  	[tilespmem:s23], [sflag:$0x2] =	stream.linear.gather [hbm4b:s2+s16], $0x1400, $0x38;
	[tilespmem:$0x1D700] =	vst v63  }
0x4e: {  	_ =	swait.ge [sflag:s24], $0x18700  }
0x4f: {  	[sflag:s24] =	ssyncset.done $0x0  }
0x50: {  	[sflag:s24] =	ssyncadd.s32 $0xFFFE7900  }
0x51: {  	_ =	swait.ge [sflag:s25], $0x1400  }
0x52: {  	[sflag:s25] =	ssyncset.done $0x0  }
0x53: {  	s4 =	simm.s32 $0x18740;
	s3 =	rddreg [dreg:$0x4];
	[sflag:s25] =	ssyncadd.s32 $0xFFFFEC00  }
0x54: {  	[tilespmem:s26], [sflag:$0x3] =	stream.linear.gather [hbm4b:s3+s16], $0x1400, $0x38;
	[tilespmem:$0x1D700] =	vst v63  }
0x55: {  	v0 =	vld [tilespmem:s4+$0x30]  }
0x56: {  	v1 =	vld [tilespmem:s4+$0xFFFFFFD0]  }
0x57: {  	v2 =	vld [tilespmem:s4+$0xFFFFFFE0]  }
0x58: {  	v3 =	vld [tilespmem:s4+$0xFFFFFFF0]  }
0x59: {  	v4 =	vld [tilespmem:s4+$0x0]  }
0x5a: {  	v6 =	vld [tilespmem:s4+$0x10]  }
0x5b: {  	v7 =	vld [tilespmem:s4+$0x20]  }
0x5c: {  	v8 =	vld [tilespmem:s4+$0xFFFFFFC0]  }
0x5d: {  	v9 =	vld.idx.msk [tilespmem:v0+s16+$0x0], $0xffff  }
0x5e: {  	v10 =	vld.idx.msk [tilespmem:v1+s16+$0x0], $0xffff  }
0x5f: {  	v5 =	vld.idx.msk [tilespmem:v2+s16+$0x0], $0xffff  }
0x60: {  	v3 =	vld.idx.msk [tilespmem:v3+s16+$0x0], $0xffff  }
0x61: {  	v0 =	vld.idx.msk [tilespmem:v4+s16+$0x0], $0xffff  }
0x62: {  	s2 =	simm.s32 $0x1AF40;
	v1 =	vld.idx.msk [tilespmem:v6+s16+$0x0], $0xffff  }
0x63: {  	v2 =	vld.idx.msk [tilespmem:v7+s16+$0x0], $0xffff;
	[tilespmem:s2+$0x30] =	vst v9  }
0x64: {  	s3 =	simm.s32 $0x0;
	s4 =	simm.s32 $0x187C0;
	v4 =	vld.idx.msk [tilespmem:v8+s16+$0x0], $0xffff;
	[tilespmem:s2+$0xFFFFFFD0] =	vst v10  }
.LBB2_3:
0x65: {  	v6 =	vld [tilespmem:s4+$0x30];
	s3 =	sadd.s32 $0x80, s3;
	[tilespmem:s2+$0xFFFFFFE0] =	vst v5  }
0x66: {  	v5 =	vld [tilespmem:s4+$0xFFFFFFD0];
	p3 =	slt.u32 s3, $0x1380;
	[tilespmem:s2+$0xFFFFFFF0] =	vst v3  }
0x67: {  	v3 =	vld [tilespmem:s4+$0xFFFFFFE0];
	[tilespmem:s2+$0x0] =	vst v0  }
0x68: {  	v0 =	vld [tilespmem:s4+$0xFFFFFFF0];
	[tilespmem:s2+$0x10] =	vst v1  }
0x69: {  	v1 =	vld [tilespmem:s4+$0x0];
	[tilespmem:s2+$0x20] =	vst v2  }
0x6a: {  	v2 =	vld [tilespmem:s4+$0x10];
	[tilespmem:s2+$0xFFFFFFC0] =	vst v4  }
0x6b: {  	v4 =	vld [tilespmem:s4+$0x20]  }
0x6c: {  	v7 =	vld [tilespmem:s4+$0xFFFFFFC0]  }
0x6d: {  	v6 =	vld.idx.msk [tilespmem:v6+s16+$0x0], $0xffff  }
0x6e: {  	v8 =	vld.idx.msk [tilespmem:v5+s16+$0x0], $0xffff  }
0x6f: {  	v5 =	vld.idx.msk [tilespmem:v3+s16+$0x0], $0xffff  }
.Ltmp3:
0x70: {  	v3 =	vld.idx.msk [tilespmem:v0+s16+$0x0], $0xffff;
	(pc) =	sbr.rel @p3 .LBB2_3-.Ltmp3, $4  }
0x71: {  	v0 =	vld.idx.msk [tilespmem:v1+s16+$0x0], $0xffff  }
0x72: {  	s2 =	sadd.s32 $0x80, s2;
	v1 =	vld.idx.msk [tilespmem:v2+s16+$0x0], $0xffff  }
0x73: {  	v2 =	vld.idx.msk [tilespmem:v4+s16+$0x0], $0xffff;
	[tilespmem:s2+$0x30] =	vst v6  }
0x74: {  	s4 =	sadd.s32 $0x80, s4;
	v4 =	vld.idx.msk [tilespmem:v7+s16+$0x0], $0xffff;
	[tilespmem:s2+$0xFFFFFFD0] =	vst v8  }
0x75: {  	[tilespmem:s2+$0xFFFFFFE0] =	vst v5  }
0x76: {  	[tilespmem:s2+$0xFFFFFFF0] =	vst v3  }
0x77: {  	[tilespmem:s2+$0x0] =	vst v0  }
0x78: {  	[tilespmem:s2+$0x10] =	vst v1  }
0x79: {  	[tilespmem:s2+$0x20] =	vst v2  }
0x7a: {  	[tilespmem:s2+$0xFFFFFFC0] =	vst v4  }
0x7b: {  	s2 =	rddreg [dreg:$0x5]  }
0x7c: {  	[hbm4b:s2+s16] =	stream.linear.scatter [tilespmem:s28], [sflag:$0x4], $0x1400, $0x38;
	[tilespmem:$0x1D700] =	vst v63  }
0x7d: {  	_ =	swait.ge [sflag:s29], $0x1400  }
0x7e: {  	[sflag:s29] =	ssyncset.done $0x0  }
0x7f: {  	s4 =	simm.s32 $0x19B40;
	s3 =	rddreg [dreg:$0x6];
	[sflag:s29] =	ssyncadd.s32 $0xFFFFEC00  }
0x80: {  	[tilespmem:s23], [sflag:$0x2] =	stream.linear.gather [hbm4b:s3+s16], $0x1400, $0x38;
	[tilespmem:$0x1D700] =	vst v63  }
0x81: {  	v0 =	vld [tilespmem:s4+$0x30]  }
0x82: {  	v1 =	vld [tilespmem:s4+$0xFFFFFFD0]  }
0x83: {  	v2 =	vld [tilespmem:s4+$0xFFFFFFE0]  }
0x84: {  	v3 =	vld [tilespmem:s4+$0xFFFFFFF0]  }
0x85: {  	v4 =	vld [tilespmem:s4+$0x0]  }
0x86: {  	v6 =	vld [tilespmem:s4+$0x10]  }
0x87: {  	v7 =	vld [tilespmem:s4+$0x20]  }
0x88: {  	v8 =	vld [tilespmem:s4+$0xFFFFFFC0]  }
0x89: {  	v9 =	vld.idx.msk [tilespmem:v0+s16+$0x0], $0xffff  }
0x8a: {  	v10 =	vld.idx.msk [tilespmem:v1+s16+$0x0], $0xffff  }
0x8b: {  	v5 =	vld.idx.msk [tilespmem:v2+s16+$0x0], $0xffff  }
0x8c: {  	v3 =	vld.idx.msk [tilespmem:v3+s16+$0x0], $0xffff  }
0x8d: {  	v0 =	vld.idx.msk [tilespmem:v4+s16+$0x0], $0xffff  }
0x8e: {  	s2 =	simm.s32 $0x1C340;
	v1 =	vld.idx.msk [tilespmem:v6+s16+$0x0], $0xffff  }
0x8f: {  	v2 =	vld.idx.msk [tilespmem:v7+s16+$0x0], $0xffff;
	[tilespmem:s2+$0x30] =	vst v9  }
0x90: {  	s3 =	simm.s32 $0x0;
	s4 =	simm.s32 $0x19BC0;
	v4 =	vld.idx.msk [tilespmem:v8+s16+$0x0], $0xffff;
	[tilespmem:s2+$0xFFFFFFD0] =	vst v10  }
.LBB2_5:
0x91: {  	v6 =	vld [tilespmem:s4+$0x30];
	s3 =	sadd.s32 $0x80, s3;
	[tilespmem:s2+$0xFFFFFFE0] =	vst v5  }
0x92: {  	v5 =	vld [tilespmem:s4+$0xFFFFFFD0];
	p3 =	slt.u32 s3, $0x1380;
	[tilespmem:s2+$0xFFFFFFF0] =	vst v3  }
0x93: {  	v3 =	vld [tilespmem:s4+$0xFFFFFFE0];
	[tilespmem:s2+$0x0] =	vst v0  }
0x94: {  	v0 =	vld [tilespmem:s4+$0xFFFFFFF0];
	[tilespmem:s2+$0x10] =	vst v1  }
0x95: {  	v1 =	vld [tilespmem:s4+$0x0];
	[tilespmem:s2+$0x20] =	vst v2  }
0x96: {  	v2 =	vld [tilespmem:s4+$0x10];
	[tilespmem:s2+$0xFFFFFFC0] =	vst v4  }
0x97: {  	v4 =	vld [tilespmem:s4+$0x20]  }
0x98: {  	v7 =	vld [tilespmem:s4+$0xFFFFFFC0]  }
0x99: {  	v6 =	vld.idx.msk [tilespmem:v6+s16+$0x0], $0xffff  }
0x9a: {  	v8 =	vld.idx.msk [tilespmem:v5+s16+$0x0], $0xffff  }
0x9b: {  	v5 =	vld.idx.msk [tilespmem:v3+s16+$0x0], $0xffff  }
.Ltmp4:
0x9c: {  	v3 =	vld.idx.msk [tilespmem:v0+s16+$0x0], $0xffff;
	(pc) =	sbr.rel @p3 .LBB2_5-.Ltmp4, $4  }
0x9d: {  	v0 =	vld.idx.msk [tilespmem:v1+s16+$0x0], $0xffff  }
0x9e: {  	s2 =	sadd.s32 $0x80, s2;
	v1 =	vld.idx.msk [tilespmem:v2+s16+$0x0], $0xffff  }
0x9f: {  	v2 =	vld.idx.msk [tilespmem:v4+s16+$0x0], $0xffff;
	[tilespmem:s2+$0x30] =	vst v6  }
0xa0: {  	s4 =	sadd.s32 $0x80, s4;
	v4 =	vld.idx.msk [tilespmem:v7+s16+$0x0], $0xffff;
	[tilespmem:s2+$0xFFFFFFD0] =	vst v8  }
0xa1: {  	[tilespmem:s2+$0xFFFFFFE0] =	vst v5  }
0xa2: {  	[tilespmem:s2+$0xFFFFFFF0] =	vst v3  }
0xa3: {  	[tilespmem:s2+$0x0] =	vst v0  }
0xa4: {  	[tilespmem:s2+$0x10] =	vst v1  }
0xa5: {  	[tilespmem:s2+$0x20] =	vst v2  }
0xa6: {  	[tilespmem:s2+$0xFFFFFFC0] =	vst v4  }
0xa7: {  	s2 =	rddreg [dreg:$0x7]  }
0xa8: {  	[hbm4b:s2+s16] =	stream.linear.scatter [tilespmem:s30], [sflag:$0x5], $0x1400, $0x38;
	[tilespmem:$0x1D700] =	vst v63  }
0xa9: {  	_ =	swait.ge [sflag:s25], $0x1400  }
0xaa: {  	[sflag:s25] =	ssyncset.done $0x0  }
0xab: {  	s3 =	rddreg [dreg:$0x8];
	[sflag:s25] =	ssyncadd.s32 $0xFFFFEC00  }
0xac: {  	[tilespmem:s26], [sflag:$0x3] =	stream.linear.gather [hbm4b:s3+s16], $0x1400, $0x38;
	[tilespmem:$0x1D700] =	vst v63  }
0xad: {  	_ =	swait.ge [sflag:s31], $0x1400  }
0xae: {  	[sflag:s31] =	ssyncset.done $0x0  }
0xaf: {  	s4 =	simm.s32 $0x18740;
	[sflag:s31] =	ssyncadd.s32 $0xFFFFEC00  }
0xb0: {  	v0 =	vld [tilespmem:s4+$0x30]  }
0xb1: {  	v1 =	vld [tilespmem:s4+$0xFFFFFFD0]  }
0xb2: {  	v2 =	vld [tilespmem:s4+$0xFFFFFFE0]  }
0xb3: {  	v3 =	vld [tilespmem:s4+$0xFFFFFFF0]  }
0xb4: {  	v4 =	vld [tilespmem:s4+$0x0]  }
0xb5: {  	v6 =	vld [tilespmem:s4+$0x10]  }
0xb6: {  	v7 =	vld [tilespmem:s4+$0x20]  }
0xb7: {  	v8 =	vld [tilespmem:s4+$0xFFFFFFC0]  }
0xb8: {  	v9 =	vld.idx.msk [tilespmem:v0+s16+$0x0], $0xffff  }
0xb9: {  	v10 =	vld.idx.msk [tilespmem:v1+s16+$0x0], $0xffff  }
0xba: {  	v5 =	vld.idx.msk [tilespmem:v2+s16+$0x0], $0xffff  }
0xbb: {  	v3 =	vld.idx.msk [tilespmem:v3+s16+$0x0], $0xffff  }
0xbc: {  	v0 =	vld.idx.msk [tilespmem:v4+s16+$0x0], $0xffff  }
0xbd: {  	s2 =	simm.s32 $0x1AF40;
	v1 =	vld.idx.msk [tilespmem:v6+s16+$0x0], $0xffff  }
0xbe: {  	v2 =	vld.idx.msk [tilespmem:v7+s16+$0x0], $0xffff;
	[tilespmem:s2+$0x30] =	vst v9  }
0xbf: {  	s3 =	simm.s32 $0x0;
	s4 =	simm.s32 $0x187C0;
	v4 =	vld.idx.msk [tilespmem:v8+s16+$0x0], $0xffff;
	[tilespmem:s2+$0xFFFFFFD0] =	vst v10  }
.LBB2_7:
0xc0: {  	v6 =	vld [tilespmem:s4+$0x30];
	s3 =	sadd.s32 $0x80, s3;
	[tilespmem:s2+$0xFFFFFFE0] =	vst v5  }
0xc1: {  	v5 =	vld [tilespmem:s4+$0xFFFFFFD0];
	p3 =	slt.u32 s3, $0x1380;
	[tilespmem:s2+$0xFFFFFFF0] =	vst v3  }
0xc2: {  	v3 =	vld [tilespmem:s4+$0xFFFFFFE0];
	[tilespmem:s2+$0x0] =	vst v0  }
0xc3: {  	v0 =	vld [tilespmem:s4+$0xFFFFFFF0];
	[tilespmem:s2+$0x10] =	vst v1  }
0xc4: {  	v1 =	vld [tilespmem:s4+$0x0];
	[tilespmem:s2+$0x20] =	vst v2  }
0xc5: {  	v2 =	vld [tilespmem:s4+$0x10];
	[tilespmem:s2+$0xFFFFFFC0] =	vst v4  }
0xc6: {  	v4 =	vld [tilespmem:s4+$0x20]  }
0xc7: {  	v7 =	vld [tilespmem:s4+$0xFFFFFFC0]  }
0xc8: {  	v6 =	vld.idx.msk [tilespmem:v6+s16+$0x0], $0xffff  }
0xc9: {  	v8 =	vld.idx.msk [tilespmem:v5+s16+$0x0], $0xffff  }
0xca: {  	v5 =	vld.idx.msk [tilespmem:v3+s16+$0x0], $0xffff  }
.Ltmp5:
0xcb: {  	v3 =	vld.idx.msk [tilespmem:v0+s16+$0x0], $0xffff;
	(pc) =	sbr.rel @p3 .LBB2_7-.Ltmp5, $4  }
0xcc: {  	v0 =	vld.idx.msk [tilespmem:v1+s16+$0x0], $0xffff  }
0xcd: {  	s2 =	sadd.s32 $0x80, s2;
	v1 =	vld.idx.msk [tilespmem:v2+s16+$0x0], $0xffff  }
0xce: {  	v2 =	vld.idx.msk [tilespmem:v4+s16+$0x0], $0xffff;
	[tilespmem:s2+$0x30] =	vst v6  }
0xcf: {  	s4 =	sadd.s32 $0x80, s4;
	v4 =	vld.idx.msk [tilespmem:v7+s16+$0x0], $0xffff;
	[tilespmem:s2+$0xFFFFFFD0] =	vst v8  }
0xd0: {  	[tilespmem:s2+$0xFFFFFFE0] =	vst v5  }
0xd1: {  	[tilespmem:s2+$0xFFFFFFF0] =	vst v3  }
0xd2: {  	[tilespmem:s2+$0x0] =	vst v0  }
0xd3: {  	[tilespmem:s2+$0x10] =	vst v1  }
0xd4: {  	[tilespmem:s2+$0x20] =	vst v2  }
0xd5: {  	[tilespmem:s2+$0xFFFFFFC0] =	vst v4  }
0xd6: {  	s2 =	rddreg [dreg:$0x9]  }
0xd7: {  	[hbm4b:s2+s16] =	stream.linear.scatter [tilespmem:s28], [sflag:$0x4], $0x1400, $0x38;
	[tilespmem:$0x1D700] =	vst v63  }
0xd8: {  	_ =	swait.ge [sflag:s29], $0x1400  }
0xd9: {  	[sflag:s29] =	ssyncset.done $0x0  }
0xda: {  	s3 =	rddreg [dreg:$0xa];
	[sflag:s29] =	ssyncadd.s32 $0xFFFFEC00  }
0xdb: {  	[tilespmem:s23], [sflag:$0x2] =	stream.linear.gather [hbm4b:s3+s16], $0x1400, $0x38;
	[tilespmem:$0x1D700] =	vst v63  }
0xdc: {  	_ =	swait.ge [sflag:s0], $0x1400  }
0xdd: {  	[sflag:s0] =	ssyncset.done $0x0  }
0xde: {  	s4 =	simm.s32 $0x19B40;
	[sflag:s0] =	ssyncadd.s32 $0xFFFFEC00  }
0xdf: {  	v0 =	vld [tilespmem:s4+$0x30]  }
0xe0: {  	v1 =	vld [tilespmem:s4+$0xFFFFFFD0]  }
0xe1: {  	v2 =	vld [tilespmem:s4+$0xFFFFFFE0]  }
0xe2: {  	v3 =	vld [tilespmem:s4+$0xFFFFFFF0]  }
0xe3: {  	v4 =	vld [tilespmem:s4+$0x0]  }
0xe4: {  	v6 =	vld [tilespmem:s4+$0x10]  }
0xe5: {  	v7 =	vld [tilespmem:s4+$0x20]  }
0xe6: {  	v8 =	vld [tilespmem:s4+$0xFFFFFFC0]  }
0xe7: {  	v9 =	vld.idx.msk [tilespmem:v0+s16+$0x0], $0xffff  }
0xe8: {  	v10 =	vld.idx.msk [tilespmem:v1+s16+$0x0], $0xffff  }
0xe9: {  	v5 =	vld.idx.msk [tilespmem:v2+s16+$0x0], $0xffff  }
0xea: {  	v3 =	vld.idx.msk [tilespmem:v3+s16+$0x0], $0xffff  }
0xeb: {  	v0 =	vld.idx.msk [tilespmem:v4+s16+$0x0], $0xffff  }
0xec: {  	s2 =	simm.s32 $0x1C340;
	v1 =	vld.idx.msk [tilespmem:v6+s16+$0x0], $0xffff  }
0xed: {  	v2 =	vld.idx.msk [tilespmem:v7+s16+$0x0], $0xffff;
	[tilespmem:s2+$0x30] =	vst v9  }
0xee: {  	s3 =	simm.s32 $0x0;
	s4 =	simm.s32 $0x19BC0;
	v4 =	vld.idx.msk [tilespmem:v8+s16+$0x0], $0xffff;
	[tilespmem:s2+$0xFFFFFFD0] =	vst v10  }
.LBB2_9:
0xef: {  	v6 =	vld [tilespmem:s4+$0x30];
	s3 =	sadd.s32 $0x80, s3;
	[tilespmem:s2+$0xFFFFFFE0] =	vst v5  }
0xf0: {  	v5 =	vld [tilespmem:s4+$0xFFFFFFD0];
	p3 =	slt.u32 s3, $0x1380;
	[tilespmem:s2+$0xFFFFFFF0] =	vst v3  }
0xf1: {  	v3 =	vld [tilespmem:s4+$0xFFFFFFE0];
	[tilespmem:s2+$0x0] =	vst v0  }
0xf2: {  	v0 =	vld [tilespmem:s4+$0xFFFFFFF0];
	[tilespmem:s2+$0x10] =	vst v1  }
0xf3: {  	v1 =	vld [tilespmem:s4+$0x0];
	[tilespmem:s2+$0x20] =	vst v2  }
0xf4: {  	v2 =	vld [tilespmem:s4+$0x10];
	[tilespmem:s2+$0xFFFFFFC0] =	vst v4  }
0xf5: {  	v4 =	vld [tilespmem:s4+$0x20]  }
0xf6: {  	v7 =	vld [tilespmem:s4+$0xFFFFFFC0]  }
0xf7: {  	v6 =	vld.idx.msk [tilespmem:v6+s16+$0x0], $0xffff  }
0xf8: {  	v8 =	vld.idx.msk [tilespmem:v5+s16+$0x0], $0xffff  }
0xf9: {  	v5 =	vld.idx.msk [tilespmem:v3+s16+$0x0], $0xffff  }
.Ltmp6:
0xfa: {  	v3 =	vld.idx.msk [tilespmem:v0+s16+$0x0], $0xffff;
	(pc) =	sbr.rel @p3 .LBB2_9-.Ltmp6, $4  }
0xfb: {  	v0 =	vld.idx.msk [tilespmem:v1+s16+$0x0], $0xffff  }
0xfc: {  	s2 =	sadd.s32 $0x80, s2;
	v1 =	vld.idx.msk [tilespmem:v2+s16+$0x0], $0xffff  }
0xfd: {  	v2 =	vld.idx.msk [tilespmem:v4+s16+$0x0], $0xffff;
	[tilespmem:s2+$0x30] =	vst v6  }
0xfe: {  	s4 =	sadd.s32 $0x80, s4;
	v4 =	vld.idx.msk [tilespmem:v7+s16+$0x0], $0xffff;
	[tilespmem:s2+$0xFFFFFFD0] =	vst v8  }
0xff: {  	[tilespmem:s2+$0xFFFFFFE0] =	vst v5  }
0x100: {  	[tilespmem:s2+$0xFFFFFFF0] =	vst v3  }
0x101: {  	[tilespmem:s2+$0x0] =	vst v0  }
0x102: {  	[tilespmem:s2+$0x10] =	vst v1  }
0x103: {  	[tilespmem:s2+$0x20] =	vst v2  }
0x104: {  	[tilespmem:s2+$0xFFFFFFC0] =	vst v4  }
0x105: {  	s2 =	rddreg [dreg:$0xb]  }
0x106: {  	[hbm4b:s2+s16] =	stream.linear.scatter [tilespmem:s30], [sflag:$0x5], $0x1400, $0x38;
	[tilespmem:$0x1D700] =	vst v63  }
0x107: {  	_ =	swait.ge [sflag:s25], $0x1400  }
0x108: {  	[sflag:s25] =	ssyncset.done $0x0  }
0x109: {  	s3 =	rddreg [dreg:$0xc];
	[sflag:s25] =	ssyncadd.s32 $0xFFFFEC00  }
0x10a: {  	[tilespmem:s26], [sflag:$0x3] =	stream.linear.gather [hbm4b:s3+s16], $0x1400, $0x38;
	[tilespmem:$0x1D700] =	vst v63  }
0x10b: {  	_ =	swait.ge [sflag:s31], $0x1400  }
0x10c: {  	[sflag:s31] =	ssyncset.done $0x0  }
0x10d: {  	s4 =	simm.s32 $0x18740;
	[sflag:s31] =	ssyncadd.s32 $0xFFFFEC00  }
0x10e: {  	v0 =	vld [tilespmem:s4+$0x30]  }
0x10f: {  	v1 =	vld [tilespmem:s4+$0xFFFFFFD0]  }
0x110: {  	v2 =	vld [tilespmem:s4+$0xFFFFFFE0]  }
0x111: {  	v3 =	vld [tilespmem:s4+$0xFFFFFFF0]  }
0x112: {  	v4 =	vld [tilespmem:s4+$0x0]  }
0x113: {  	v6 =	vld [tilespmem:s4+$0x10]  }
0x114: {  	v7 =	vld [tilespmem:s4+$0x20]  }
0x115: {  	v8 =	vld [tilespmem:s4+$0xFFFFFFC0]  }
0x116: {  	v9 =	vld.idx.msk [tilespmem:v0+s16+$0x0], $0xffff  }
0x117: {  	v10 =	vld.idx.msk [tilespmem:v1+s16+$0x0], $0xffff  }
0x118: {  	v5 =	vld.idx.msk [tilespmem:v2+s16+$0x0], $0xffff  }
0x119: {  	v3 =	vld.idx.msk [tilespmem:v3+s16+$0x0], $0xffff  }
0x11a: {  	v0 =	vld.idx.msk [tilespmem:v4+s16+$0x0], $0xffff  }
0x11b: {  	s2 =	simm.s32 $0x1AF40;
	v1 =	vld.idx.msk [tilespmem:v6+s16+$0x0], $0xffff  }
0x11c: {  	v2 =	vld.idx.msk [tilespmem:v7+s16+$0x0], $0xffff;
	[tilespmem:s2+$0x30] =	vst v9  }
0x11d: {  	s3 =	simm.s32 $0x0;
	s4 =	simm.s32 $0x187C0;
	v4 =	vld.idx.msk [tilespmem:v8+s16+$0x0], $0xffff;
	[tilespmem:s2+$0xFFFFFFD0] =	vst v10  }
.LBB2_11:
0x11e: {  	v6 =	vld [tilespmem:s4+$0x30];
	s3 =	sadd.s32 $0x80, s3;
	[tilespmem:s2+$0xFFFFFFE0] =	vst v5  }
0x11f: {  	v5 =	vld [tilespmem:s4+$0xFFFFFFD0];
	p3 =	slt.u32 s3, $0x1380;
	[tilespmem:s2+$0xFFFFFFF0] =	vst v3  }
0x120: {  	v3 =	vld [tilespmem:s4+$0xFFFFFFE0];
	[tilespmem:s2+$0x0] =	vst v0  }
0x121: {  	v0 =	vld [tilespmem:s4+$0xFFFFFFF0];
	[tilespmem:s2+$0x10] =	vst v1  }
0x122: {  	v1 =	vld [tilespmem:s4+$0x0];
	[tilespmem:s2+$0x20] =	vst v2  }
0x123: {  	v2 =	vld [tilespmem:s4+$0x10];
	[tilespmem:s2+$0xFFFFFFC0] =	vst v4  }
0x124: {  	v4 =	vld [tilespmem:s4+$0x20]  }
0x125: {  	v7 =	vld [tilespmem:s4+$0xFFFFFFC0]  }
0x126: {  	v6 =	vld.idx.msk [tilespmem:v6+s16+$0x0], $0xffff  }
0x127: {  	v8 =	vld.idx.msk [tilespmem:v5+s16+$0x0], $0xffff  }
0x128: {  	v5 =	vld.idx.msk [tilespmem:v3+s16+$0x0], $0xffff  }
.Ltmp7:
0x129: {  	v3 =	vld.idx.msk [tilespmem:v0+s16+$0x0], $0xffff;
	(pc) =	sbr.rel @p3 .LBB2_11-.Ltmp7, $4  }
0x12a: {  	v0 =	vld.idx.msk [tilespmem:v1+s16+$0x0], $0xffff  }
0x12b: {  	s2 =	sadd.s32 $0x80, s2;
	v1 =	vld.idx.msk [tilespmem:v2+s16+$0x0], $0xffff  }
0x12c: {  	v2 =	vld.idx.msk [tilespmem:v4+s16+$0x0], $0xffff;
	[tilespmem:s2+$0x30] =	vst v6  }
0x12d: {  	s4 =	sadd.s32 $0x80, s4;
	v4 =	vld.idx.msk [tilespmem:v7+s16+$0x0], $0xffff;
	[tilespmem:s2+$0xFFFFFFD0] =	vst v8  }
0x12e: {  	[tilespmem:s2+$0xFFFFFFE0] =	vst v5  }
0x12f: {  	[tilespmem:s2+$0xFFFFFFF0] =	vst v3  }
0x130: {  	[tilespmem:s2+$0x0] =	vst v0  }
0x131: {  	[tilespmem:s2+$0x10] =	vst v1  }
0x132: {  	[tilespmem:s2+$0x20] =	vst v2  }
0x133: {  	[tilespmem:s2+$0xFFFFFFC0] =	vst v4  }
0x134: {  	s2 =	rddreg [dreg:$0xd]  }
0x135: {  	[hbm4b:s2+s16] =	stream.linear.scatter [tilespmem:s28], [sflag:$0x4], $0x1400, $0x38;
	[tilespmem:$0x1D700] =	vst v63  }
0x136: {  	_ =	swait.ge [sflag:s29], $0x1400  }
0x137: {  	[sflag:s29] =	ssyncset.done $0x0  }
0x138: {  	s3 =	rddreg [dreg:$0xe];
	[sflag:s29] =	ssyncadd.s32 $0xFFFFEC00  }
0x139: {  	[tilespmem:s23], [sflag:$0x2] =	stream.linear.gather [hbm4b:s3+s16], $0x1400, $0x38;
	[tilespmem:$0x1D700] =	vst v63  }
0x13a: {  	_ =	swait.ge [sflag:s0], $0x1400  }
0x13b: {  	[sflag:s0] =	ssyncset.done $0x0  }
0x13c: {  	s4 =	simm.s32 $0x19B40;
	[sflag:s0] =	ssyncadd.s32 $0xFFFFEC00  }
0x13d: {  	v0 =	vld [tilespmem:s4+$0x30]  }
0x13e: {  	v1 =	vld [tilespmem:s4+$0xFFFFFFD0]  }
0x13f: {  	v2 =	vld [tilespmem:s4+$0xFFFFFFE0]  }
0x140: {  	v3 =	vld [tilespmem:s4+$0xFFFFFFF0]  }
0x141: {  	v4 =	vld [tilespmem:s4+$0x0]  }
0x142: {  	v6 =	vld [tilespmem:s4+$0x10]  }
0x143: {  	v7 =	vld [tilespmem:s4+$0x20]  }
0x144: {  	v8 =	vld [tilespmem:s4+$0xFFFFFFC0]  }
0x145: {  	v9 =	vld.idx.msk [tilespmem:v0+s16+$0x0], $0xffff  }
0x146: {  	v10 =	vld.idx.msk [tilespmem:v1+s16+$0x0], $0xffff  }
0x147: {  	v5 =	vld.idx.msk [tilespmem:v2+s16+$0x0], $0xffff  }
0x148: {  	v3 =	vld.idx.msk [tilespmem:v3+s16+$0x0], $0xffff  }
0x149: {  	v0 =	vld.idx.msk [tilespmem:v4+s16+$0x0], $0xffff  }
0x14a: {  	s2 =	simm.s32 $0x1C340;
	v1 =	vld.idx.msk [tilespmem:v6+s16+$0x0], $0xffff  }
0x14b: {  	v2 =	vld.idx.msk [tilespmem:v7+s16+$0x0], $0xffff;
	[tilespmem:s2+$0x30] =	vst v9  }
0x14c: {  	s3 =	simm.s32 $0x0;
	s4 =	simm.s32 $0x19BC0;
	v4 =	vld.idx.msk [tilespmem:v8+s16+$0x0], $0xffff;
	[tilespmem:s2+$0xFFFFFFD0] =	vst v10  }
.LBB2_13:
0x14d: {  	v6 =	vld [tilespmem:s4+$0x30];
	s3 =	sadd.s32 $0x80, s3;
	[tilespmem:s2+$0xFFFFFFE0] =	vst v5  }
0x14e: {  	v5 =	vld [tilespmem:s4+$0xFFFFFFD0];
	p3 =	slt.u32 s3, $0x1380;
	[tilespmem:s2+$0xFFFFFFF0] =	vst v3  }
0x14f: {  	v3 =	vld [tilespmem:s4+$0xFFFFFFE0];
	[tilespmem:s2+$0x0] =	vst v0  }
0x150: {  	v0 =	vld [tilespmem:s4+$0xFFFFFFF0];
	[tilespmem:s2+$0x10] =	vst v1  }
0x151: {  	v1 =	vld [tilespmem:s4+$0x0];
	[tilespmem:s2+$0x20] =	vst v2  }
0x152: {  	v2 =	vld [tilespmem:s4+$0x10];
	[tilespmem:s2+$0xFFFFFFC0] =	vst v4  }
0x153: {  	v4 =	vld [tilespmem:s4+$0x20]  }
0x154: {  	v7 =	vld [tilespmem:s4+$0xFFFFFFC0]  }
0x155: {  	v6 =	vld.idx.msk [tilespmem:v6+s16+$0x0], $0xffff  }
0x156: {  	v8 =	vld.idx.msk [tilespmem:v5+s16+$0x0], $0xffff  }
0x157: {  	v5 =	vld.idx.msk [tilespmem:v3+s16+$0x0], $0xffff  }
.Ltmp8:
0x158: {  	v3 =	vld.idx.msk [tilespmem:v0+s16+$0x0], $0xffff;
	(pc) =	sbr.rel @p3 .LBB2_13-.Ltmp8, $4  }
0x159: {  	v0 =	vld.idx.msk [tilespmem:v1+s16+$0x0], $0xffff  }
0x15a: {  	s2 =	sadd.s32 $0x80, s2;
	v1 =	vld.idx.msk [tilespmem:v2+s16+$0x0], $0xffff  }
0x15b: {  	v2 =	vld.idx.msk [tilespmem:v4+s16+$0x0], $0xffff;
	[tilespmem:s2+$0x30] =	vst v6  }
0x15c: {  	s4 =	sadd.s32 $0x80, s4;
	v4 =	vld.idx.msk [tilespmem:v7+s16+$0x0], $0xffff;
	[tilespmem:s2+$0xFFFFFFD0] =	vst v8  }
0x15d: {  	[tilespmem:s2+$0xFFFFFFE0] =	vst v5  }
0x15e: {  	[tilespmem:s2+$0xFFFFFFF0] =	vst v3  }
0x15f: {  	[tilespmem:s2+$0x0] =	vst v0  }
0x160: {  	[tilespmem:s2+$0x10] =	vst v1  }
0x161: {  	[tilespmem:s2+$0x20] =	vst v2  }
0x162: {  	[tilespmem:s2+$0xFFFFFFC0] =	vst v4  }
0x163: {  	s2 =	rddreg [dreg:$0xf]  }
0x164: {  	[hbm4b:s2+s16] =	stream.linear.scatter [tilespmem:s30], [sflag:$0x5], $0x1400, $0x38;
	[tilespmem:$0x1D700] =	vst v63  }
0x165: {  	_ =	swait.ge [sflag:s25], $0x1400  }
0x166: {  	[sflag:s25] =	ssyncset.done $0x0  }
0x167: {  	s3 =	rddreg [dreg:$0x10];
	[sflag:s25] =	ssyncadd.s32 $0xFFFFEC00  }
0x168: {  	[tilespmem:s26], [sflag:$0x3] =	stream.linear.gather [hbm4b:s3+s16], $0x1400, $0x38;
	[tilespmem:$0x1D700] =	vst v63  }
0x169: {  	_ =	swait.ge [sflag:s31], $0x1400  }
0x16a: {  	[sflag:s31] =	ssyncset.done $0x0  }
0x16b: {  	s4 =	simm.s32 $0x18740;
	[sflag:s31] =	ssyncadd.s32 $0xFFFFEC00  }
0x16c: {  	v0 =	vld [tilespmem:s4+$0x30]  }
0x16d: {  	v1 =	vld [tilespmem:s4+$0xFFFFFFD0]  }
0x16e: {  	v2 =	vld [tilespmem:s4+$0xFFFFFFE0]  }
0x16f: {  	v3 =	vld [tilespmem:s4+$0xFFFFFFF0]  }
0x170: {  	v4 =	vld [tilespmem:s4+$0x0]  }
0x171: {  	v6 =	vld [tilespmem:s4+$0x10]  }
0x172: {  	v7 =	vld [tilespmem:s4+$0x20]  }
0x173: {  	v8 =	vld [tilespmem:s4+$0xFFFFFFC0]  }
0x174: {  	v9 =	vld.idx.msk [tilespmem:v0+s16+$0x0], $0xffff  }
0x175: {  	v10 =	vld.idx.msk [tilespmem:v1+s16+$0x0], $0xffff  }
0x176: {  	v5 =	vld.idx.msk [tilespmem:v2+s16+$0x0], $0xffff  }
0x177: {  	v3 =	vld.idx.msk [tilespmem:v3+s16+$0x0], $0xffff  }
0x178: {  	v0 =	vld.idx.msk [tilespmem:v4+s16+$0x0], $0xffff  }
0x179: {  	s2 =	simm.s32 $0x1AF40;
	v1 =	vld.idx.msk [tilespmem:v6+s16+$0x0], $0xffff  }
0x17a: {  	v2 =	vld.idx.msk [tilespmem:v7+s16+$0x0], $0xffff;
	[tilespmem:s2+$0x30] =	vst v9  }
0x17b: {  	s3 =	simm.s32 $0x0;
	s4 =	simm.s32 $0x187C0;
	v4 =	vld.idx.msk [tilespmem:v8+s16+$0x0], $0xffff;
	[tilespmem:s2+$0xFFFFFFD0] =	vst v10  }
.LBB2_15:
0x17c: {  	v6 =	vld [tilespmem:s4+$0x30];
	s3 =	sadd.s32 $0x80, s3;
	[tilespmem:s2+$0xFFFFFFE0] =	vst v5  }
0x17d: {  	v5 =	vld [tilespmem:s4+$0xFFFFFFD0];
	p3 =	slt.u32 s3, $0x1380;
	[tilespmem:s2+$0xFFFFFFF0] =	vst v3  }
0x17e: {  	v3 =	vld [tilespmem:s4+$0xFFFFFFE0];
	[tilespmem:s2+$0x0] =	vst v0  }
0x17f: {  	v0 =	vld [tilespmem:s4+$0xFFFFFFF0];
	[tilespmem:s2+$0x10] =	vst v1  }
0x180: {  	v1 =	vld [tilespmem:s4+$0x0];
	[tilespmem:s2+$0x20] =	vst v2  }
0x181: {  	v2 =	vld [tilespmem:s4+$0x10];
	[tilespmem:s2+$0xFFFFFFC0] =	vst v4  }
0x182: {  	v4 =	vld [tilespmem:s4+$0x20]  }
0x183: {  	v7 =	vld [tilespmem:s4+$0xFFFFFFC0]  }
0x184: {  	v6 =	vld.idx.msk [tilespmem:v6+s16+$0x0], $0xffff  }
0x185: {  	v8 =	vld.idx.msk [tilespmem:v5+s16+$0x0], $0xffff  }
0x186: {  	v5 =	vld.idx.msk [tilespmem:v3+s16+$0x0], $0xffff  }
.Ltmp9:
0x187: {  	v3 =	vld.idx.msk [tilespmem:v0+s16+$0x0], $0xffff;
	(pc) =	sbr.rel @p3 .LBB2_15-.Ltmp9, $4  }
0x188: {  	v0 =	vld.idx.msk [tilespmem:v1+s16+$0x0], $0xffff  }
0x189: {  	s2 =	sadd.s32 $0x80, s2;
	v1 =	vld.idx.msk [tilespmem:v2+s16+$0x0], $0xffff  }
0x18a: {  	v2 =	vld.idx.msk [tilespmem:v4+s16+$0x0], $0xffff;
	[tilespmem:s2+$0x30] =	vst v6  }
0x18b: {  	s4 =	sadd.s32 $0x80, s4;
	v4 =	vld.idx.msk [tilespmem:v7+s16+$0x0], $0xffff;
	[tilespmem:s2+$0xFFFFFFD0] =	vst v8  }
0x18c: {  	[tilespmem:s2+$0xFFFFFFE0] =	vst v5  }
0x18d: {  	[tilespmem:s2+$0xFFFFFFF0] =	vst v3  }
0x18e: {  	[tilespmem:s2+$0x0] =	vst v0  }
0x18f: {  	[tilespmem:s2+$0x10] =	vst v1  }
0x190: {  	[tilespmem:s2+$0x20] =	vst v2  }
0x191: {  	[tilespmem:s2+$0xFFFFFFC0] =	vst v4  }
0x192: {  	s2 =	rddreg [dreg:$0x11]  }
0x193: {  	[hbm4b:s2+s16] =	stream.linear.scatter [tilespmem:s28], [sflag:$0x4], $0x1400, $0x38;
	[tilespmem:$0x1D700] =	vst v63  }
0x194: {  	_ =	swait.ge [sflag:s29], $0x1400  }
0x195: {  	[sflag:s29] =	ssyncset.done $0x0  }
0x196: {  	[sflag:s29] =	ssyncadd.s32 $0xFFFFEC00  }
0x197: {  	_ =	swait.ge [sflag:s0], $0x1400  }
0x198: {  	[sflag:s0] =	ssyncset.done $0x0  }
0x199: {  	s4 =	simm.s32 $0x19B40;
	[sflag:s0] =	ssyncadd.s32 $0xFFFFEC00  }
0x19a: {  	v0 =	vld [tilespmem:s4+$0x30]  }
0x19b: {  	v1 =	vld [tilespmem:s4+$0xFFFFFFD0]  }
0x19c: {  	v2 =	vld [tilespmem:s4+$0xFFFFFFE0]  }
0x19d: {  	v3 =	vld [tilespmem:s4+$0xFFFFFFF0]  }
0x19e: {  	v4 =	vld [tilespmem:s4+$0x0]  }
0x19f: {  	v6 =	vld [tilespmem:s4+$0x10]  }
0x1a0: {  	v7 =	vld [tilespmem:s4+$0x20]  }
0x1a1: {  	v8 =	vld [tilespmem:s4+$0xFFFFFFC0]  }
0x1a2: {  	v9 =	vld.idx.msk [tilespmem:v0+s16+$0x0], $0xffff  }
0x1a3: {  	v10 =	vld.idx.msk [tilespmem:v1+s16+$0x0], $0xffff  }
0x1a4: {  	v5 =	vld.idx.msk [tilespmem:v2+s16+$0x0], $0xffff  }
0x1a5: {  	v3 =	vld.idx.msk [tilespmem:v3+s16+$0x0], $0xffff  }
0x1a6: {  	v0 =	vld.idx.msk [tilespmem:v4+s16+$0x0], $0xffff  }
0x1a7: {  	s2 =	simm.s32 $0x1C340;
	v1 =	vld.idx.msk [tilespmem:v6+s16+$0x0], $0xffff  }
0x1a8: {  	v2 =	vld.idx.msk [tilespmem:v7+s16+$0x0], $0xffff;
	[tilespmem:s2+$0x30] =	vst v9  }
0x1a9: {  	s3 =	simm.s32 $0x0;
	s4 =	simm.s32 $0x19BC0;
	v4 =	vld.idx.msk [tilespmem:v8+s16+$0x0], $0xffff;
	[tilespmem:s2+$0xFFFFFFD0] =	vst v10  }
.LBB2_17:
0x1aa: {  	v6 =	vld [tilespmem:s4+$0x30];
	s3 =	sadd.s32 $0x80, s3;
	[tilespmem:s2+$0xFFFFFFE0] =	vst v5  }
0x1ab: {  	v5 =	vld [tilespmem:s4+$0xFFFFFFD0];
	p3 =	slt.u32 s3, $0x1380;
	[tilespmem:s2+$0xFFFFFFF0] =	vst v3  }
0x1ac: {  	v3 =	vld [tilespmem:s4+$0xFFFFFFE0];
	[tilespmem:s2+$0x0] =	vst v0  }
0x1ad: {  	v0 =	vld [tilespmem:s4+$0xFFFFFFF0];
	[tilespmem:s2+$0x10] =	vst v1  }
0x1ae: {  	v1 =	vld [tilespmem:s4+$0x0];
	[tilespmem:s2+$0x20] =	vst v2  }
0x1af: {  	v2 =	vld [tilespmem:s4+$0x10];
	[tilespmem:s2+$0xFFFFFFC0] =	vst v4  }
0x1b0: {  	v4 =	vld [tilespmem:s4+$0x20]  }
0x1b1: {  	v7 =	vld [tilespmem:s4+$0xFFFFFFC0]  }
0x1b2: {  	v6 =	vld.idx.msk [tilespmem:v6+s16+$0x0], $0xffff  }
0x1b3: {  	v8 =	vld.idx.msk [tilespmem:v5+s16+$0x0], $0xffff  }
0x1b4: {  	v5 =	vld.idx.msk [tilespmem:v3+s16+$0x0], $0xffff  }
.Ltmp10:
0x1b5: {  	v3 =	vld.idx.msk [tilespmem:v0+s16+$0x0], $0xffff;
	(pc) =	sbr.rel @p3 .LBB2_17-.Ltmp10, $4  }
0x1b6: {  	v0 =	vld.idx.msk [tilespmem:v1+s16+$0x0], $0xffff  }
0x1b7: {  	s2 =	sadd.s32 $0x80, s2;
	v1 =	vld.idx.msk [tilespmem:v2+s16+$0x0], $0xffff  }
0x1b8: {  	v2 =	vld.idx.msk [tilespmem:v4+s16+$0x0], $0xffff;
	[tilespmem:s2+$0x30] =	vst v6  }
0x1b9: {  	s4 =	sadd.s32 $0x80, s4;
	v4 =	vld.idx.msk [tilespmem:v7+s16+$0x0], $0xffff;
	[tilespmem:s2+$0xFFFFFFD0] =	vst v8  }
0x1ba: {  	[tilespmem:s2+$0xFFFFFFE0] =	vst v5  }
0x1bb: {  	[tilespmem:s2+$0xFFFFFFF0] =	vst v3  }
0x1bc: {  	[tilespmem:s2+$0x0] =	vst v0  }
0x1bd: {  	[tilespmem:s2+$0x10] =	vst v1  }
0x1be: {  	[tilespmem:s2+$0x20] =	vst v2  }
0x1bf: {  	[tilespmem:s2+$0xFFFFFFC0] =	vst v4  }
0x1c0: {  	s2 =	rddreg [dreg:$0x12]  }
0x1c1: {  	[hbm4b:s2+s16] =	stream.linear.scatter [tilespmem:s30], [sflag:$0x5], $0x1400, $0x38;
	[tilespmem:$0x1D700] =	vst v63  }
0x1c2: {  	_ =	swait.ge [sflag:s31], $0x1400  }
0x1c3: {  	[sflag:s31] =	ssyncset.done $0x0  }
0x1c4: {  	[sflag:s31] =	ssyncadd.s32 $0xFFFFEC00  }
0x1c5: {  	_ =	swait.ge [sflag:s0], $0x1400  }
0x1c6: {  	[sflag:s0] =	ssyncset.done $0x0  }
0x1c7: {  	[sflag:s0] =	ssyncadd.s32 $0xFFFFEC00  }
.LBB2_19:
.Ltmp11:
0x1c8: {  	(pc) =	sbr.rel @p0 .LBB2_37-.Ltmp11, $1  }
0x1c9: {  	_ =	sdelay $0x3  }
0x1ca: {  	[tilespmem:s16], [sflag:$0x1] =	stream.linear.gather [hbm4b:s20+s16], $0x18700, $0x38;
	[tilespmem:$0x1D700] =	vst v63  }
0x1cb: {  	s2 =	rddreg [dreg:$0x13]  }
0x1cc: {  	[tilespmem:s23], [sflag:$0x2] =	stream.linear.gather [hbm4b:s2+s16], $0x1400, $0x38;
	[tilespmem:$0x1D700] =	vst v63  }
0x1cd: {  	_ =	swait.ge [sflag:s24], $0x18700  }
0x1ce: {  	[sflag:s24] =	ssyncset.done $0x0  }
0x1cf: {  	[sflag:s24] =	ssyncadd.s32 $0xFFFE7900  }
0x1d0: {  	_ =	swait.ge [sflag:s25], $0x1400  }
0x1d1: {  	[sflag:s25] =	ssyncset.done $0x0  }
0x1d2: {  	s4 =	simm.s32 $0x18740;
	s3 =	rddreg [dreg:$0x15];
	[sflag:s25] =	ssyncadd.s32 $0xFFFFEC00  }
0x1d3: {  	[tilespmem:s26], [sflag:$0x3] =	stream.linear.gather [hbm4b:s3+s16], $0x1400, $0x38;
	[tilespmem:$0x1D700] =	vst v63  }
0x1d4: {  	v0 =	vld [tilespmem:s4+$0x30]  }
0x1d5: {  	v1 =	vld [tilespmem:s4+$0xFFFFFFD0]  }
0x1d6: {  	v2 =	vld [tilespmem:s4+$0xFFFFFFE0]  }
0x1d7: {  	v3 =	vld [tilespmem:s4+$0xFFFFFFF0]  }
0x1d8: {  	v4 =	vld [tilespmem:s4+$0x0]  }
0x1d9: {  	v6 =	vld [tilespmem:s4+$0x10]  }
0x1da: {  	v7 =	vld [tilespmem:s4+$0x20]  }
0x1db: {  	v8 =	vld [tilespmem:s4+$0xFFFFFFC0]  }
0x1dc: {  	v9 =	vld.idx.msk [tilespmem:v0+s16+$0x0], $0xffff  }
0x1dd: {  	v10 =	vld.idx.msk [tilespmem:v1+s16+$0x0], $0xffff  }
0x1de: {  	v5 =	vld.idx.msk [tilespmem:v2+s16+$0x0], $0xffff  }
0x1df: {  	v3 =	vld.idx.msk [tilespmem:v3+s16+$0x0], $0xffff  }
0x1e0: {  	v0 =	vld.idx.msk [tilespmem:v4+s16+$0x0], $0xffff  }
0x1e1: {  	s2 =	simm.s32 $0x1AF40;
	v1 =	vld.idx.msk [tilespmem:v6+s16+$0x0], $0xffff  }
0x1e2: {  	v2 =	vld.idx.msk [tilespmem:v7+s16+$0x0], $0xffff;
	[tilespmem:s2+$0x30] =	vst v9  }
0x1e3: {  	s3 =	simm.s32 $0x0;
	s4 =	simm.s32 $0x187C0;
	v4 =	vld.idx.msk [tilespmem:v8+s16+$0x0], $0xffff;
	[tilespmem:s2+$0xFFFFFFD0] =	vst v10  }
.LBB2_21:
0x1e4: {  	v6 =	vld [tilespmem:s4+$0x30];
	s3 =	sadd.s32 $0x80, s3;
	[tilespmem:s2+$0xFFFFFFE0] =	vst v5  }
0x1e5: {  	v5 =	vld [tilespmem:s4+$0xFFFFFFD0];
	p3 =	slt.u32 s3, $0x1380;
	[tilespmem:s2+$0xFFFFFFF0] =	vst v3  }
0x1e6: {  	v3 =	vld [tilespmem:s4+$0xFFFFFFE0];
	[tilespmem:s2+$0x0] =	vst v0  }
0x1e7: {  	v0 =	vld [tilespmem:s4+$0xFFFFFFF0];
	[tilespmem:s2+$0x10] =	vst v1  }
0x1e8: {  	v1 =	vld [tilespmem:s4+$0x0];
	[tilespmem:s2+$0x20] =	vst v2  }
0x1e9: {  	v2 =	vld [tilespmem:s4+$0x10];
	[tilespmem:s2+$0xFFFFFFC0] =	vst v4  }
0x1ea: {  	v4 =	vld [tilespmem:s4+$0x20]  }
0x1eb: {  	v7 =	vld [tilespmem:s4+$0xFFFFFFC0]  }
0x1ec: {  	v6 =	vld.idx.msk [tilespmem:v6+s16+$0x0], $0xffff  }
0x1ed: {  	v8 =	vld.idx.msk [tilespmem:v5+s16+$0x0], $0xffff  }
0x1ee: {  	v5 =	vld.idx.msk [tilespmem:v3+s16+$0x0], $0xffff  }
.Ltmp12:
0x1ef: {  	v3 =	vld.idx.msk [tilespmem:v0+s16+$0x0], $0xffff;
	(pc) =	sbr.rel @p3 .LBB2_21-.Ltmp12, $4  }
0x1f0: {  	v0 =	vld.idx.msk [tilespmem:v1+s16+$0x0], $0xffff  }
0x1f1: {  	s2 =	sadd.s32 $0x80, s2;
	v1 =	vld.idx.msk [tilespmem:v2+s16+$0x0], $0xffff  }
0x1f2: {  	v2 =	vld.idx.msk [tilespmem:v4+s16+$0x0], $0xffff;
	[tilespmem:s2+$0x30] =	vst v6  }
0x1f3: {  	s4 =	sadd.s32 $0x80, s4;
	v4 =	vld.idx.msk [tilespmem:v7+s16+$0x0], $0xffff;
	[tilespmem:s2+$0xFFFFFFD0] =	vst v8  }
0x1f4: {  	[tilespmem:s2+$0xFFFFFFE0] =	vst v5  }
0x1f5: {  	[tilespmem:s2+$0xFFFFFFF0] =	vst v3  }
0x1f6: {  	[tilespmem:s2+$0x0] =	vst v0  }
0x1f7: {  	[tilespmem:s2+$0x10] =	vst v1  }
0x1f8: {  	[tilespmem:s2+$0x20] =	vst v2  }
0x1f9: {  	[tilespmem:s2+$0xFFFFFFC0] =	vst v4  }
0x1fa: {  	s2 =	rddreg [dreg:$0x14]  }
0x1fb: {  	[hbm4b:s2+s16] =	stream.linear.scatter [tilespmem:s28], [sflag:$0x4], $0x1400, $0x38;
	[tilespmem:$0x1D700] =	vst v63  }
0x1fc: {  	_ =	swait.ge [sflag:s29], $0x1400  }
0x1fd: {  	[sflag:s29] =	ssyncset.done $0x0  }
0x1fe: {  	s4 =	simm.s32 $0x19B40;
	s3 =	rddreg [dreg:$0x17];
	[sflag:s29] =	ssyncadd.s32 $0xFFFFEC00  }
0x1ff: {  	[tilespmem:s23], [sflag:$0x2] =	stream.linear.gather [hbm4b:s3+s16], $0x1400, $0x38;
	[tilespmem:$0x1D700] =	vst v63  }
0x200: {  	v0 =	vld [tilespmem:s4+$0x30]  }
0x201: {  	v1 =	vld [tilespmem:s4+$0xFFFFFFD0]  }
0x202: {  	v2 =	vld [tilespmem:s4+$0xFFFFFFE0]  }
0x203: {  	v3 =	vld [tilespmem:s4+$0xFFFFFFF0]  }
0x204: {  	v4 =	vld [tilespmem:s4+$0x0]  }
0x205: {  	v6 =	vld [tilespmem:s4+$0x10]  }
0x206: {  	v7 =	vld [tilespmem:s4+$0x20]  }
0x207: {  	v8 =	vld [tilespmem:s4+$0xFFFFFFC0]  }
0x208: {  	v9 =	vld.idx.msk [tilespmem:v0+s16+$0x0], $0xffff  }
0x209: {  	v10 =	vld.idx.msk [tilespmem:v1+s16+$0x0], $0xffff  }
0x20a: {  	v5 =	vld.idx.msk [tilespmem:v2+s16+$0x0], $0xffff  }
0x20b: {  	v3 =	vld.idx.msk [tilespmem:v3+s16+$0x0], $0xffff  }
0x20c: {  	v0 =	vld.idx.msk [tilespmem:v4+s16+$0x0], $0xffff  }
0x20d: {  	s2 =	simm.s32 $0x1C340;
	v1 =	vld.idx.msk [tilespmem:v6+s16+$0x0], $0xffff  }
0x20e: {  	v2 =	vld.idx.msk [tilespmem:v7+s16+$0x0], $0xffff;
	[tilespmem:s2+$0x30] =	vst v9  }
0x20f: {  	s3 =	simm.s32 $0x0;
	s4 =	simm.s32 $0x19BC0;
	v4 =	vld.idx.msk [tilespmem:v8+s16+$0x0], $0xffff;
	[tilespmem:s2+$0xFFFFFFD0] =	vst v10  }
.LBB2_23:
0x210: {  	v6 =	vld [tilespmem:s4+$0x30];
	s3 =	sadd.s32 $0x80, s3;
	[tilespmem:s2+$0xFFFFFFE0] =	vst v5  }
0x211: {  	v5 =	vld [tilespmem:s4+$0xFFFFFFD0];
	p3 =	slt.u32 s3, $0x1380;
	[tilespmem:s2+$0xFFFFFFF0] =	vst v3  }
0x212: {  	v3 =	vld [tilespmem:s4+$0xFFFFFFE0];
	[tilespmem:s2+$0x0] =	vst v0  }
0x213: {  	v0 =	vld [tilespmem:s4+$0xFFFFFFF0];
	[tilespmem:s2+$0x10] =	vst v1  }
0x214: {  	v1 =	vld [tilespmem:s4+$0x0];
	[tilespmem:s2+$0x20] =	vst v2  }
0x215: {  	v2 =	vld [tilespmem:s4+$0x10];
	[tilespmem:s2+$0xFFFFFFC0] =	vst v4  }
0x216: {  	v4 =	vld [tilespmem:s4+$0x20]  }
0x217: {  	v7 =	vld [tilespmem:s4+$0xFFFFFFC0]  }
0x218: {  	v6 =	vld.idx.msk [tilespmem:v6+s16+$0x0], $0xffff  }
0x219: {  	v8 =	vld.idx.msk [tilespmem:v5+s16+$0x0], $0xffff  }
0x21a: {  	v5 =	vld.idx.msk [tilespmem:v3+s16+$0x0], $0xffff  }
.Ltmp13:
0x21b: {  	v3 =	vld.idx.msk [tilespmem:v0+s16+$0x0], $0xffff;
	(pc) =	sbr.rel @p3 .LBB2_23-.Ltmp13, $4  }
0x21c: {  	v0 =	vld.idx.msk [tilespmem:v1+s16+$0x0], $0xffff  }
0x21d: {  	s2 =	sadd.s32 $0x80, s2;
	v1 =	vld.idx.msk [tilespmem:v2+s16+$0x0], $0xffff  }
0x21e: {  	v2 =	vld.idx.msk [tilespmem:v4+s16+$0x0], $0xffff;
	[tilespmem:s2+$0x30] =	vst v6  }
0x21f: {  	s4 =	sadd.s32 $0x80, s4;
	v4 =	vld.idx.msk [tilespmem:v7+s16+$0x0], $0xffff;
	[tilespmem:s2+$0xFFFFFFD0] =	vst v8  }
0x220: {  	[tilespmem:s2+$0xFFFFFFE0] =	vst v5  }
0x221: {  	[tilespmem:s2+$0xFFFFFFF0] =	vst v3  }
0x222: {  	[tilespmem:s2+$0x0] =	vst v0  }
0x223: {  	[tilespmem:s2+$0x10] =	vst v1  }
0x224: {  	[tilespmem:s2+$0x20] =	vst v2  }
0x225: {  	[tilespmem:s2+$0xFFFFFFC0] =	vst v4  }
0x226: {  	s2 =	rddreg [dreg:$0x16]  }
0x227: {  	[hbm4b:s2+s16] =	stream.linear.scatter [tilespmem:s30], [sflag:$0x5], $0x1400, $0x38;
	[tilespmem:$0x1D700] =	vst v63  }
0x228: {  	_ =	swait.ge [sflag:s25], $0x1400  }
0x229: {  	[sflag:s25] =	ssyncset.done $0x0  }
0x22a: {  	s3 =	rddreg [dreg:$0x19];
	[sflag:s25] =	ssyncadd.s32 $0xFFFFEC00  }
0x22b: {  	[tilespmem:s26], [sflag:$0x3] =	stream.linear.gather [hbm4b:s3+s16], $0x1400, $0x38;
	[tilespmem:$0x1D700] =	vst v63  }
0x22c: {  	_ =	swait.ge [sflag:s31], $0x1400  }
0x22d: {  	[sflag:s31] =	ssyncset.done $0x0  }
0x22e: {  	s4 =	simm.s32 $0x18740;
	[sflag:s31] =	ssyncadd.s32 $0xFFFFEC00  }
0x22f: {  	v0 =	vld [tilespmem:s4+$0x30]  }
0x230: {  	v1 =	vld [tilespmem:s4+$0xFFFFFFD0]  }
0x231: {  	v2 =	vld [tilespmem:s4+$0xFFFFFFE0]  }
0x232: {  	v3 =	vld [tilespmem:s4+$0xFFFFFFF0]  }
0x233: {  	v4 =	vld [tilespmem:s4+$0x0]  }
0x234: {  	v6 =	vld [tilespmem:s4+$0x10]  }
0x235: {  	v7 =	vld [tilespmem:s4+$0x20]  }
0x236: {  	v8 =	vld [tilespmem:s4+$0xFFFFFFC0]  }
0x237: {  	v9 =	vld.idx.msk [tilespmem:v0+s16+$0x0], $0xffff  }
0x238: {  	v10 =	vld.idx.msk [tilespmem:v1+s16+$0x0], $0xffff  }
0x239: {  	v5 =	vld.idx.msk [tilespmem:v2+s16+$0x0], $0xffff  }
0x23a: {  	v3 =	vld.idx.msk [tilespmem:v3+s16+$0x0], $0xffff  }
0x23b: {  	v0 =	vld.idx.msk [tilespmem:v4+s16+$0x0], $0xffff  }
0x23c: {  	s2 =	simm.s32 $0x1AF40;
	v1 =	vld.idx.msk [tilespmem:v6+s16+$0x0], $0xffff  }
0x23d: {  	v2 =	vld.idx.msk [tilespmem:v7+s16+$0x0], $0xffff;
	[tilespmem:s2+$0x30] =	vst v9  }
0x23e: {  	s3 =	simm.s32 $0x0;
	s4 =	simm.s32 $0x187C0;
	v4 =	vld.idx.msk [tilespmem:v8+s16+$0x0], $0xffff;
	[tilespmem:s2+$0xFFFFFFD0] =	vst v10  }
.LBB2_25:
0x23f: {  	v6 =	vld [tilespmem:s4+$0x30];
	s3 =	sadd.s32 $0x80, s3;
	[tilespmem:s2+$0xFFFFFFE0] =	vst v5  }
0x240: {  	v5 =	vld [tilespmem:s4+$0xFFFFFFD0];
	p3 =	slt.u32 s3, $0x1380;
	[tilespmem:s2+$0xFFFFFFF0] =	vst v3  }
0x241: {  	v3 =	vld [tilespmem:s4+$0xFFFFFFE0];
	[tilespmem:s2+$0x0] =	vst v0  }
0x242: {  	v0 =	vld [tilespmem:s4+$0xFFFFFFF0];
	[tilespmem:s2+$0x10] =	vst v1  }
0x243: {  	v1 =	vld [tilespmem:s4+$0x0];
	[tilespmem:s2+$0x20] =	vst v2  }
0x244: {  	v2 =	vld [tilespmem:s4+$0x10];
	[tilespmem:s2+$0xFFFFFFC0] =	vst v4  }
0x245: {  	v4 =	vld [tilespmem:s4+$0x20]  }
0x246: {  	v7 =	vld [tilespmem:s4+$0xFFFFFFC0]  }
0x247: {  	v6 =	vld.idx.msk [tilespmem:v6+s16+$0x0], $0xffff  }
0x248: {  	v8 =	vld.idx.msk [tilespmem:v5+s16+$0x0], $0xffff  }
0x249: {  	v5 =	vld.idx.msk [tilespmem:v3+s16+$0x0], $0xffff  }
.Ltmp14:
0x24a: {  	v3 =	vld.idx.msk [tilespmem:v0+s16+$0x0], $0xffff;
	(pc) =	sbr.rel @p3 .LBB2_25-.Ltmp14, $4  }
0x24b: {  	v0 =	vld.idx.msk [tilespmem:v1+s16+$0x0], $0xffff  }
0x24c: {  	s2 =	sadd.s32 $0x80, s2;
	v1 =	vld.idx.msk [tilespmem:v2+s16+$0x0], $0xffff  }
0x24d: {  	v2 =	vld.idx.msk [tilespmem:v4+s16+$0x0], $0xffff;
	[tilespmem:s2+$0x30] =	vst v6  }
0x24e: {  	s4 =	sadd.s32 $0x80, s4;
	v4 =	vld.idx.msk [tilespmem:v7+s16+$0x0], $0xffff;
	[tilespmem:s2+$0xFFFFFFD0] =	vst v8  }
0x24f: {  	[tilespmem:s2+$0xFFFFFFE0] =	vst v5  }
0x250: {  	[tilespmem:s2+$0xFFFFFFF0] =	vst v3  }
0x251: {  	[tilespmem:s2+$0x0] =	vst v0  }
0x252: {  	[tilespmem:s2+$0x10] =	vst v1  }
0x253: {  	[tilespmem:s2+$0x20] =	vst v2  }
0x254: {  	[tilespmem:s2+$0xFFFFFFC0] =	vst v4  }
0x255: {  	s2 =	rddreg [dreg:$0x18]  }
0x256: {  	[hbm4b:s2+s16] =	stream.linear.scatter [tilespmem:s28], [sflag:$0x4], $0x1400, $0x38;
	[tilespmem:$0x1D700] =	vst v63  }
0x257: {  	_ =	swait.ge [sflag:s29], $0x1400  }
0x258: {  	[sflag:s29] =	ssyncset.done $0x0  }
0x259: {  	s3 =	rddreg [dreg:$0x1b];
	[sflag:s29] =	ssyncadd.s32 $0xFFFFEC00  }
0x25a: {  	[tilespmem:s23], [sflag:$0x2] =	stream.linear.gather [hbm4b:s3+s16], $0x1400, $0x38;
	[tilespmem:$0x1D700] =	vst v63  }
0x25b: {  	_ =	swait.ge [sflag:s0], $0x1400  }
0x25c: {  	[sflag:s0] =	ssyncset.done $0x0  }
0x25d: {  	s4 =	simm.s32 $0x19B40;
	[sflag:s0] =	ssyncadd.s32 $0xFFFFEC00  }
0x25e: {  	v0 =	vld [tilespmem:s4+$0x30]  }
0x25f: {  	v1 =	vld [tilespmem:s4+$0xFFFFFFD0]  }
0x260: {  	v2 =	vld [tilespmem:s4+$0xFFFFFFE0]  }
0x261: {  	v3 =	vld [tilespmem:s4+$0xFFFFFFF0]  }
0x262: {  	v4 =	vld [tilespmem:s4+$0x0]  }
0x263: {  	v6 =	vld [tilespmem:s4+$0x10]  }
0x264: {  	v7 =	vld [tilespmem:s4+$0x20]  }
0x265: {  	v8 =	vld [tilespmem:s4+$0xFFFFFFC0]  }
0x266: {  	v9 =	vld.idx.msk [tilespmem:v0+s16+$0x0], $0xffff  }
0x267: {  	v10 =	vld.idx.msk [tilespmem:v1+s16+$0x0], $0xffff  }
0x268: {  	v5 =	vld.idx.msk [tilespmem:v2+s16+$0x0], $0xffff  }
0x269: {  	v3 =	vld.idx.msk [tilespmem:v3+s16+$0x0], $0xffff  }
0x26a: {  	v0 =	vld.idx.msk [tilespmem:v4+s16+$0x0], $0xffff  }
0x26b: {  	s2 =	simm.s32 $0x1C340;
	v1 =	vld.idx.msk [tilespmem:v6+s16+$0x0], $0xffff  }
0x26c: {  	v2 =	vld.idx.msk [tilespmem:v7+s16+$0x0], $0xffff;
	[tilespmem:s2+$0x30] =	vst v9  }
0x26d: {  	s3 =	simm.s32 $0x0;
	s4 =	simm.s32 $0x19BC0;
	v4 =	vld.idx.msk [tilespmem:v8+s16+$0x0], $0xffff;
	[tilespmem:s2+$0xFFFFFFD0] =	vst v10  }
.LBB2_27:
0x26e: {  	v6 =	vld [tilespmem:s4+$0x30];
	s3 =	sadd.s32 $0x80, s3;
	[tilespmem:s2+$0xFFFFFFE0] =	vst v5  }
0x26f: {  	v5 =	vld [tilespmem:s4+$0xFFFFFFD0];
	p3 =	slt.u32 s3, $0x1380;
	[tilespmem:s2+$0xFFFFFFF0] =	vst v3  }
0x270: {  	v3 =	vld [tilespmem:s4+$0xFFFFFFE0];
	[tilespmem:s2+$0x0] =	vst v0  }
0x271: {  	v0 =	vld [tilespmem:s4+$0xFFFFFFF0];
	[tilespmem:s2+$0x10] =	vst v1  }
0x272: {  	v1 =	vld [tilespmem:s4+$0x0];
	[tilespmem:s2+$0x20] =	vst v2  }
0x273: {  	v2 =	vld [tilespmem:s4+$0x10];
	[tilespmem:s2+$0xFFFFFFC0] =	vst v4  }
0x274: {  	v4 =	vld [tilespmem:s4+$0x20]  }
0x275: {  	v7 =	vld [tilespmem:s4+$0xFFFFFFC0]  }
0x276: {  	v6 =	vld.idx.msk [tilespmem:v6+s16+$0x0], $0xffff  }
0x277: {  	v8 =	vld.idx.msk [tilespmem:v5+s16+$0x0], $0xffff  }
0x278: {  	v5 =	vld.idx.msk [tilespmem:v3+s16+$0x0], $0xffff  }
.Ltmp15:
0x279: {  	v3 =	vld.idx.msk [tilespmem:v0+s16+$0x0], $0xffff;
	(pc) =	sbr.rel @p3 .LBB2_27-.Ltmp15, $4  }
0x27a: {  	v0 =	vld.idx.msk [tilespmem:v1+s16+$0x0], $0xffff  }
0x27b: {  	s2 =	sadd.s32 $0x80, s2;
	v1 =	vld.idx.msk [tilespmem:v2+s16+$0x0], $0xffff  }
0x27c: {  	v2 =	vld.idx.msk [tilespmem:v4+s16+$0x0], $0xffff;
	[tilespmem:s2+$0x30] =	vst v6  }
0x27d: {  	s4 =	sadd.s32 $0x80, s4;
	v4 =	vld.idx.msk [tilespmem:v7+s16+$0x0], $0xffff;
	[tilespmem:s2+$0xFFFFFFD0] =	vst v8  }
0x27e: {  	[tilespmem:s2+$0xFFFFFFE0] =	vst v5  }
0x27f: {  	[tilespmem:s2+$0xFFFFFFF0] =	vst v3  }
0x280: {  	[tilespmem:s2+$0x0] =	vst v0  }
0x281: {  	[tilespmem:s2+$0x10] =	vst v1  }
0x282: {  	[tilespmem:s2+$0x20] =	vst v2  }
0x283: {  	[tilespmem:s2+$0xFFFFFFC0] =	vst v4  }
0x284: {  	s2 =	rddreg [dreg:$0x1a]  }
0x285: {  	[hbm4b:s2+s16] =	stream.linear.scatter [tilespmem:s30], [sflag:$0x5], $0x1400, $0x38;
	[tilespmem:$0x1D700] =	vst v63  }
0x286: {  	_ =	swait.ge [sflag:s25], $0x1400  }
0x287: {  	[sflag:s25] =	ssyncset.done $0x0  }
0x288: {  	s3 =	rddreg [dreg:$0x1d];
	[sflag:s25] =	ssyncadd.s32 $0xFFFFEC00  }
0x289: {  	[tilespmem:s26], [sflag:$0x3] =	stream.linear.gather [hbm4b:s3+s16], $0x1400, $0x38;
	[tilespmem:$0x1D700] =	vst v63  }
0x28a: {  	_ =	swait.ge [sflag:s31], $0x1400  }
0x28b: {  	[sflag:s31] =	ssyncset.done $0x0  }
0x28c: {  	s4 =	simm.s32 $0x18740;
	[sflag:s31] =	ssyncadd.s32 $0xFFFFEC00  }
0x28d: {  	v0 =	vld [tilespmem:s4+$0x30]  }
0x28e: {  	v1 =	vld [tilespmem:s4+$0xFFFFFFD0]  }
0x28f: {  	v2 =	vld [tilespmem:s4+$0xFFFFFFE0]  }
0x290: {  	v3 =	vld [tilespmem:s4+$0xFFFFFFF0]  }
0x291: {  	v4 =	vld [tilespmem:s4+$0x0]  }
0x292: {  	v6 =	vld [tilespmem:s4+$0x10]  }
0x293: {  	v7 =	vld [tilespmem:s4+$0x20]  }
0x294: {  	v8 =	vld [tilespmem:s4+$0xFFFFFFC0]  }
0x295: {  	v9 =	vld.idx.msk [tilespmem:v0+s16+$0x0], $0xffff  }
0x296: {  	v10 =	vld.idx.msk [tilespmem:v1+s16+$0x0], $0xffff  }
0x297: {  	v5 =	vld.idx.msk [tilespmem:v2+s16+$0x0], $0xffff  }
0x298: {  	v3 =	vld.idx.msk [tilespmem:v3+s16+$0x0], $0xffff  }
0x299: {  	v0 =	vld.idx.msk [tilespmem:v4+s16+$0x0], $0xffff  }
0x29a: {  	s2 =	simm.s32 $0x1AF40;
	v1 =	vld.idx.msk [tilespmem:v6+s16+$0x0], $0xffff  }
0x29b: {  	v2 =	vld.idx.msk [tilespmem:v7+s16+$0x0], $0xffff;
	[tilespmem:s2+$0x30] =	vst v9  }
0x29c: {  	s3 =	simm.s32 $0x0;
	s4 =	simm.s32 $0x187C0;
	v4 =	vld.idx.msk [tilespmem:v8+s16+$0x0], $0xffff;
	[tilespmem:s2+$0xFFFFFFD0] =	vst v10  }
.LBB2_29:
0x29d: {  	v6 =	vld [tilespmem:s4+$0x30];
	s3 =	sadd.s32 $0x80, s3;
	[tilespmem:s2+$0xFFFFFFE0] =	vst v5  }
0x29e: {  	v5 =	vld [tilespmem:s4+$0xFFFFFFD0];
	p3 =	slt.u32 s3, $0x1380;
	[tilespmem:s2+$0xFFFFFFF0] =	vst v3  }
0x29f: {  	v3 =	vld [tilespmem:s4+$0xFFFFFFE0];
	[tilespmem:s2+$0x0] =	vst v0  }
0x2a0: {  	v0 =	vld [tilespmem:s4+$0xFFFFFFF0];
	[tilespmem:s2+$0x10] =	vst v1  }
0x2a1: {  	v1 =	vld [tilespmem:s4+$0x0];
	[tilespmem:s2+$0x20] =	vst v2  }
0x2a2: {  	v2 =	vld [tilespmem:s4+$0x10];
	[tilespmem:s2+$0xFFFFFFC0] =	vst v4  }
0x2a3: {  	v4 =	vld [tilespmem:s4+$0x20]  }
0x2a4: {  	v7 =	vld [tilespmem:s4+$0xFFFFFFC0]  }
0x2a5: {  	v6 =	vld.idx.msk [tilespmem:v6+s16+$0x0], $0xffff  }
0x2a6: {  	v8 =	vld.idx.msk [tilespmem:v5+s16+$0x0], $0xffff  }
0x2a7: {  	v5 =	vld.idx.msk [tilespmem:v3+s16+$0x0], $0xffff  }
.Ltmp16:
0x2a8: {  	v3 =	vld.idx.msk [tilespmem:v0+s16+$0x0], $0xffff;
	(pc) =	sbr.rel @p3 .LBB2_29-.Ltmp16, $4  }
0x2a9: {  	v0 =	vld.idx.msk [tilespmem:v1+s16+$0x0], $0xffff  }
0x2aa: {  	s2 =	sadd.s32 $0x80, s2;
	v1 =	vld.idx.msk [tilespmem:v2+s16+$0x0], $0xffff  }
0x2ab: {  	v2 =	vld.idx.msk [tilespmem:v4+s16+$0x0], $0xffff;
	[tilespmem:s2+$0x30] =	vst v6  }
0x2ac: {  	s4 =	sadd.s32 $0x80, s4;
	v4 =	vld.idx.msk [tilespmem:v7+s16+$0x0], $0xffff;
	[tilespmem:s2+$0xFFFFFFD0] =	vst v8  }
0x2ad: {  	[tilespmem:s2+$0xFFFFFFE0] =	vst v5  }
0x2ae: {  	[tilespmem:s2+$0xFFFFFFF0] =	vst v3  }
0x2af: {  	[tilespmem:s2+$0x0] =	vst v0  }
0x2b0: {  	[tilespmem:s2+$0x10] =	vst v1  }
0x2b1: {  	[tilespmem:s2+$0x20] =	vst v2  }
0x2b2: {  	[tilespmem:s2+$0xFFFFFFC0] =	vst v4  }
0x2b3: {  	s2 =	rddreg [dreg:$0x1c]  }
0x2b4: {  	[hbm4b:s2+s16] =	stream.linear.scatter [tilespmem:s28], [sflag:$0x4], $0x1400, $0x38;
	[tilespmem:$0x1D700] =	vst v63  }
0x2b5: {  	_ =	swait.ge [sflag:s29], $0x1400  }
0x2b6: {  	[sflag:s29] =	ssyncset.done $0x0  }
0x2b7: {  	s3 =	rddreg [dreg:$0x1f];
	[sflag:s29] =	ssyncadd.s32 $0xFFFFEC00  }
0x2b8: {  	[tilespmem:s23], [sflag:$0x2] =	stream.linear.gather [hbm4b:s3+s16], $0x1400, $0x38;
	[tilespmem:$0x1D700] =	vst v63  }
0x2b9: {  	_ =	swait.ge [sflag:s0], $0x1400  }
0x2ba: {  	[sflag:s0] =	ssyncset.done $0x0  }
0x2bb: {  	s4 =	simm.s32 $0x19B40;
	[sflag:s0] =	ssyncadd.s32 $0xFFFFEC00  }
0x2bc: {  	v0 =	vld [tilespmem:s4+$0x30]  }
0x2bd: {  	v1 =	vld [tilespmem:s4+$0xFFFFFFD0]  }
0x2be: {  	v2 =	vld [tilespmem:s4+$0xFFFFFFE0]  }
0x2bf: {  	v3 =	vld [tilespmem:s4+$0xFFFFFFF0]  }
0x2c0: {  	v4 =	vld [tilespmem:s4+$0x0]  }
0x2c1: {  	v6 =	vld [tilespmem:s4+$0x10]  }
0x2c2: {  	v7 =	vld [tilespmem:s4+$0x20]  }
0x2c3: {  	v8 =	vld [tilespmem:s4+$0xFFFFFFC0]  }
0x2c4: {  	v9 =	vld.idx.msk [tilespmem:v0+s16+$0x0], $0xffff  }
0x2c5: {  	v10 =	vld.idx.msk [tilespmem:v1+s16+$0x0], $0xffff  }
0x2c6: {  	v5 =	vld.idx.msk [tilespmem:v2+s16+$0x0], $0xffff  }
0x2c7: {  	v3 =	vld.idx.msk [tilespmem:v3+s16+$0x0], $0xffff  }
0x2c8: {  	v0 =	vld.idx.msk [tilespmem:v4+s16+$0x0], $0xffff  }
0x2c9: {  	s2 =	simm.s32 $0x1C340;
	v1 =	vld.idx.msk [tilespmem:v6+s16+$0x0], $0xffff  }
0x2ca: {  	v2 =	vld.idx.msk [tilespmem:v7+s16+$0x0], $0xffff;
	[tilespmem:s2+$0x30] =	vst v9  }
0x2cb: {  	s3 =	simm.s32 $0x0;
	s4 =	simm.s32 $0x19BC0;
	v4 =	vld.idx.msk [tilespmem:v8+s16+$0x0], $0xffff;
	[tilespmem:s2+$0xFFFFFFD0] =	vst v10  }
.LBB2_31:
0x2cc: {  	v6 =	vld [tilespmem:s4+$0x30];
	s3 =	sadd.s32 $0x80, s3;
	[tilespmem:s2+$0xFFFFFFE0] =	vst v5  }
0x2cd: {  	v5 =	vld [tilespmem:s4+$0xFFFFFFD0];
	p3 =	slt.u32 s3, $0x1380;
	[tilespmem:s2+$0xFFFFFFF0] =	vst v3  }
0x2ce: {  	v3 =	vld [tilespmem:s4+$0xFFFFFFE0];
	[tilespmem:s2+$0x0] =	vst v0  }
0x2cf: {  	v0 =	vld [tilespmem:s4+$0xFFFFFFF0];
	[tilespmem:s2+$0x10] =	vst v1  }
0x2d0: {  	v1 =	vld [tilespmem:s4+$0x0];
	[tilespmem:s2+$0x20] =	vst v2  }
0x2d1: {  	v2 =	vld [tilespmem:s4+$0x10];
	[tilespmem:s2+$0xFFFFFFC0] =	vst v4  }
0x2d2: {  	v4 =	vld [tilespmem:s4+$0x20]  }
0x2d3: {  	v7 =	vld [tilespmem:s4+$0xFFFFFFC0]  }
0x2d4: {  	v6 =	vld.idx.msk [tilespmem:v6+s16+$0x0], $0xffff  }
0x2d5: {  	v8 =	vld.idx.msk [tilespmem:v5+s16+$0x0], $0xffff  }
0x2d6: {  	v5 =	vld.idx.msk [tilespmem:v3+s16+$0x0], $0xffff  }
.Ltmp17:
0x2d7: {  	v3 =	vld.idx.msk [tilespmem:v0+s16+$0x0], $0xffff;
	(pc) =	sbr.rel @p3 .LBB2_31-.Ltmp17, $4  }
0x2d8: {  	v0 =	vld.idx.msk [tilespmem:v1+s16+$0x0], $0xffff  }
0x2d9: {  	s2 =	sadd.s32 $0x80, s2;
	v1 =	vld.idx.msk [tilespmem:v2+s16+$0x0], $0xffff  }
0x2da: {  	v2 =	vld.idx.msk [tilespmem:v4+s16+$0x0], $0xffff;
	[tilespmem:s2+$0x30] =	vst v6  }
0x2db: {  	s4 =	sadd.s32 $0x80, s4;
	v4 =	vld.idx.msk [tilespmem:v7+s16+$0x0], $0xffff;
	[tilespmem:s2+$0xFFFFFFD0] =	vst v8  }
0x2dc: {  	[tilespmem:s2+$0xFFFFFFE0] =	vst v5  }
0x2dd: {  	[tilespmem:s2+$0xFFFFFFF0] =	vst v3  }
0x2de: {  	[tilespmem:s2+$0x0] =	vst v0  }
0x2df: {  	[tilespmem:s2+$0x10] =	vst v1  }
0x2e0: {  	[tilespmem:s2+$0x20] =	vst v2  }
0x2e1: {  	[tilespmem:s2+$0xFFFFFFC0] =	vst v4  }
0x2e2: {  	s2 =	rddreg [dreg:$0x1e]  }
0x2e3: {  	[hbm4b:s2+s16] =	stream.linear.scatter [tilespmem:s30], [sflag:$0x5], $0x1400, $0x38;
	[tilespmem:$0x1D700] =	vst v63  }
0x2e4: {  	_ =	swait.ge [sflag:s25], $0x1400  }
0x2e5: {  	s3 =	sld [smem:$0x7F8]  }
0x2e6: {  	[sflag:s25] =	ssyncset.done $0x0  }
0x2e7: {  	[sflag:s25] =	ssyncadd.s32 $0xFFFFEC00  }
0x2e8: {  	[tilespmem:s26], [sflag:$0x3] =	stream.linear.gather [hbm4b:s3+s16], $0x1400, $0x38;
	[tilespmem:$0x1D700] =	vst v63  }
0x2e9: {  	_ =	swait.ge [sflag:s31], $0x1400  }
0x2ea: {  	[sflag:s31] =	ssyncset.done $0x0  }
0x2eb: {  	s4 =	simm.s32 $0x18740;
	[sflag:s31] =	ssyncadd.s32 $0xFFFFEC00  }
0x2ec: {  	v0 =	vld [tilespmem:s4+$0x30]  }
0x2ed: {  	v1 =	vld [tilespmem:s4+$0xFFFFFFD0]  }
0x2ee: {  	v2 =	vld [tilespmem:s4+$0xFFFFFFE0]  }
0x2ef: {  	v3 =	vld [tilespmem:s4+$0xFFFFFFF0]  }
0x2f0: {  	v4 =	vld [tilespmem:s4+$0x0]  }
0x2f1: {  	v6 =	vld [tilespmem:s4+$0x10]  }
0x2f2: {  	v7 =	vld [tilespmem:s4+$0x20]  }
0x2f3: {  	v8 =	vld [tilespmem:s4+$0xFFFFFFC0]  }
0x2f4: {  	v9 =	vld.idx.msk [tilespmem:v0+s16+$0x0], $0xffff  }
0x2f5: {  	v10 =	vld.idx.msk [tilespmem:v1+s16+$0x0], $0xffff  }
0x2f6: {  	v5 =	vld.idx.msk [tilespmem:v2+s16+$0x0], $0xffff  }
0x2f7: {  	v3 =	vld.idx.msk [tilespmem:v3+s16+$0x0], $0xffff  }
0x2f8: {  	v0 =	vld.idx.msk [tilespmem:v4+s16+$0x0], $0xffff  }
0x2f9: {  	s2 =	simm.s32 $0x1AF40;
	v1 =	vld.idx.msk [tilespmem:v6+s16+$0x0], $0xffff  }
0x2fa: {  	v2 =	vld.idx.msk [tilespmem:v7+s16+$0x0], $0xffff;
	[tilespmem:s2+$0x30] =	vst v9  }
0x2fb: {  	s3 =	simm.s32 $0x0;
	s4 =	simm.s32 $0x187C0;
	v4 =	vld.idx.msk [tilespmem:v8+s16+$0x0], $0xffff;
	[tilespmem:s2+$0xFFFFFFD0] =	vst v10  }
.LBB2_33:
0x2fc: {  	v6 =	vld [tilespmem:s4+$0x30];
	s3 =	sadd.s32 $0x80, s3;
	[tilespmem:s2+$0xFFFFFFE0] =	vst v5  }
0x2fd: {  	v5 =	vld [tilespmem:s4+$0xFFFFFFD0];
	p3 =	slt.u32 s3, $0x1380;
	[tilespmem:s2+$0xFFFFFFF0] =	vst v3  }
0x2fe: {  	v3 =	vld [tilespmem:s4+$0xFFFFFFE0];
	[tilespmem:s2+$0x0] =	vst v0  }
0x2ff: {  	v0 =	vld [tilespmem:s4+$0xFFFFFFF0];
	[tilespmem:s2+$0x10] =	vst v1  }
0x300: {  	v1 =	vld [tilespmem:s4+$0x0];
	[tilespmem:s2+$0x20] =	vst v2  }
0x301: {  	v2 =	vld [tilespmem:s4+$0x10];
	[tilespmem:s2+$0xFFFFFFC0] =	vst v4  }
0x302: {  	v4 =	vld [tilespmem:s4+$0x20]  }
0x303: {  	v7 =	vld [tilespmem:s4+$0xFFFFFFC0]  }
0x304: {  	v6 =	vld.idx.msk [tilespmem:v6+s16+$0x0], $0xffff  }
0x305: {  	v8 =	vld.idx.msk [tilespmem:v5+s16+$0x0], $0xffff  }
0x306: {  	v5 =	vld.idx.msk [tilespmem:v3+s16+$0x0], $0xffff  }
.Ltmp18:
0x307: {  	v3 =	vld.idx.msk [tilespmem:v0+s16+$0x0], $0xffff;
	(pc) =	sbr.rel @p3 .LBB2_33-.Ltmp18, $4  }
0x308: {  	v0 =	vld.idx.msk [tilespmem:v1+s16+$0x0], $0xffff  }
0x309: {  	s2 =	sadd.s32 $0x80, s2;
	v1 =	vld.idx.msk [tilespmem:v2+s16+$0x0], $0xffff  }
0x30a: {  	v2 =	vld.idx.msk [tilespmem:v4+s16+$0x0], $0xffff;
	[tilespmem:s2+$0x30] =	vst v6  }
0x30b: {  	s4 =	sadd.s32 $0x80, s4;
	v4 =	vld.idx.msk [tilespmem:v7+s16+$0x0], $0xffff;
	[tilespmem:s2+$0xFFFFFFD0] =	vst v8  }
0x30c: {  	[tilespmem:s2+$0xFFFFFFE0] =	vst v5  }
0x30d: {  	[tilespmem:s2+$0xFFFFFFF0] =	vst v3  }
0x30e: {  	[tilespmem:s2+$0x0] =	vst v0  }
0x30f: {  	[tilespmem:s2+$0x10] =	vst v1  }
0x310: {  	[tilespmem:s2+$0x20] =	vst v2  }
0x311: {  	[tilespmem:s2+$0xFFFFFFC0] =	vst v4  }
0x312: {  	s2 =	sld [smem:$0x7F9];
	_ =	sdelay $0x2  }
0x313: {  	[hbm4b:s2+s16] =	stream.linear.scatter [tilespmem:s28], [sflag:$0x4], $0x1400, $0x38;
	[tilespmem:$0x1D700] =	vst v63  }
0x314: {  	_ =	swait.ge [sflag:s29], $0x1400  }
0x315: {  	[sflag:s29] =	ssyncset.done $0x0  }
0x316: {  	[sflag:s29] =	ssyncadd.s32 $0xFFFFEC00  }
0x317: {  	_ =	swait.ge [sflag:s0], $0x1400  }
0x318: {  	[sflag:s0] =	ssyncset.done $0x0  }
0x319: {  	s4 =	simm.s32 $0x19B40;
	[sflag:s0] =	ssyncadd.s32 $0xFFFFEC00  }
0x31a: {  	v0 =	vld [tilespmem:s4+$0x30]  }
0x31b: {  	v1 =	vld [tilespmem:s4+$0xFFFFFFD0]  }
0x31c: {  	v2 =	vld [tilespmem:s4+$0xFFFFFFE0]  }
0x31d: {  	v3 =	vld [tilespmem:s4+$0xFFFFFFF0]  }
0x31e: {  	v4 =	vld [tilespmem:s4+$0x0]  }
0x31f: {  	v6 =	vld [tilespmem:s4+$0x10]  }
0x320: {  	v7 =	vld [tilespmem:s4+$0x20]  }
0x321: {  	v8 =	vld [tilespmem:s4+$0xFFFFFFC0]  }
0x322: {  	v9 =	vld.idx.msk [tilespmem:v0+s16+$0x0], $0xffff  }
0x323: {  	v10 =	vld.idx.msk [tilespmem:v1+s16+$0x0], $0xffff  }
0x324: {  	v5 =	vld.idx.msk [tilespmem:v2+s16+$0x0], $0xffff  }
0x325: {  	v3 =	vld.idx.msk [tilespmem:v3+s16+$0x0], $0xffff  }
0x326: {  	v0 =	vld.idx.msk [tilespmem:v4+s16+$0x0], $0xffff  }
0x327: {  	s2 =	simm.s32 $0x1C340;
	v1 =	vld.idx.msk [tilespmem:v6+s16+$0x0], $0xffff  }
0x328: {  	v2 =	vld.idx.msk [tilespmem:v7+s16+$0x0], $0xffff;
	[tilespmem:s2+$0x30] =	vst v9  }
0x329: {  	s3 =	simm.s32 $0x0;
	s4 =	simm.s32 $0x19BC0;
	v4 =	vld.idx.msk [tilespmem:v8+s16+$0x0], $0xffff;
	[tilespmem:s2+$0xFFFFFFD0] =	vst v10  }
.LBB2_35:
0x32a: {  	v6 =	vld [tilespmem:s4+$0x30];
	s3 =	sadd.s32 $0x80, s3;
	[tilespmem:s2+$0xFFFFFFE0] =	vst v5  }
0x32b: {  	v5 =	vld [tilespmem:s4+$0xFFFFFFD0];
	p3 =	slt.u32 s3, $0x1380;
	[tilespmem:s2+$0xFFFFFFF0] =	vst v3  }
0x32c: {  	v3 =	vld [tilespmem:s4+$0xFFFFFFE0];
	[tilespmem:s2+$0x0] =	vst v0  }
0x32d: {  	v0 =	vld [tilespmem:s4+$0xFFFFFFF0];
	[tilespmem:s2+$0x10] =	vst v1  }
0x32e: {  	v1 =	vld [tilespmem:s4+$0x0];
	[tilespmem:s2+$0x20] =	vst v2  }
0x32f: {  	v2 =	vld [tilespmem:s4+$0x10];
	[tilespmem:s2+$0xFFFFFFC0] =	vst v4  }
0x330: {  	v4 =	vld [tilespmem:s4+$0x20]  }
0x331: {  	v7 =	vld [tilespmem:s4+$0xFFFFFFC0]  }
0x332: {  	v6 =	vld.idx.msk [tilespmem:v6+s16+$0x0], $0xffff  }
0x333: {  	v8 =	vld.idx.msk [tilespmem:v5+s16+$0x0], $0xffff  }
0x334: {  	v5 =	vld.idx.msk [tilespmem:v3+s16+$0x0], $0xffff  }
.Ltmp19:
0x335: {  	v3 =	vld.idx.msk [tilespmem:v0+s16+$0x0], $0xffff;
	(pc) =	sbr.rel @p3 .LBB2_35-.Ltmp19, $4  }
0x336: {  	v0 =	vld.idx.msk [tilespmem:v1+s16+$0x0], $0xffff  }
0x337: {  	s2 =	sadd.s32 $0x80, s2;
	v1 =	vld.idx.msk [tilespmem:v2+s16+$0x0], $0xffff  }
0x338: {  	v2 =	vld.idx.msk [tilespmem:v4+s16+$0x0], $0xffff;
	[tilespmem:s2+$0x30] =	vst v6  }
0x339: {  	s4 =	sadd.s32 $0x80, s4;
	v4 =	vld.idx.msk [tilespmem:v7+s16+$0x0], $0xffff;
	[tilespmem:s2+$0xFFFFFFD0] =	vst v8  }
0x33a: {  	[tilespmem:s2+$0xFFFFFFE0] =	vst v5  }
0x33b: {  	[tilespmem:s2+$0xFFFFFFF0] =	vst v3  }
0x33c: {  	[tilespmem:s2+$0x0] =	vst v0  }
0x33d: {  	[tilespmem:s2+$0x10] =	vst v1  }
0x33e: {  	[tilespmem:s2+$0x20] =	vst v2  }
0x33f: {  	[tilespmem:s2+$0xFFFFFFC0] =	vst v4  }
0x340: {  	s2 =	sld [smem:$0x7FA];
	_ =	sdelay $0x2  }
0x341: {  	[hbm4b:s2+s16] =	stream.linear.scatter [tilespmem:s30], [sflag:$0x5], $0x1400, $0x38;
	[tilespmem:$0x1D700] =	vst v63  }
0x342: {  	_ =	swait.ge [sflag:s31], $0x1400  }
0x343: {  	[sflag:s31] =	ssyncset.done $0x0  }
0x344: {  	[sflag:s31] =	ssyncadd.s32 $0xFFFFEC00  }
0x345: {  	_ =	swait.ge [sflag:s0], $0x1400  }
0x346: {  	[sflag:s0] =	ssyncset.done $0x0  }
0x347: {  	[sflag:s0] =	ssyncadd.s32 $0xFFFFEC00  }
.LBB2_37:
.Ltmp20:
0x348: {  	(pc) =	sbr.rel @p1 .LBB2_55-.Ltmp20, $1  }
0x349: {  	_ =	sdelay $0x3  }
0x34a: {  	s2 =	sld [smem:$0x7FB]  }
0x34b: {  	[tilespmem:s16], [sflag:$0x1] =	stream.linear.gather [hbm4b:s21+s16], $0x18700, $0x38;
	[tilespmem:$0x1D700] =	vst v63  }
0x34c: {  	_ = 	snop  }
0x34d: {  	[tilespmem:s23], [sflag:$0x2] =	stream.linear.gather [hbm4b:s2+s16], $0x1400, $0x38;
	[tilespmem:$0x1D700] =	vst v63  }
0x34e: {  	_ =	swait.ge [sflag:s24], $0x18700  }
0x34f: {  	[sflag:s24] =	ssyncset.done $0x0  }
0x350: {  	[sflag:s24] =	ssyncadd.s32 $0xFFFE7900  }
0x351: {  	_ =	swait.ge [sflag:s25], $0x1400  }
0x352: {  	s3 =	sld [smem:$0x7FD]  }
0x353: {  	[sflag:s25] =	ssyncset.done $0x0  }
0x354: {  	s4 =	simm.s32 $0x18740;
	[sflag:s25] =	ssyncadd.s32 $0xFFFFEC00  }
0x355: {  	[tilespmem:s26], [sflag:$0x3] =	stream.linear.gather [hbm4b:s3+s16], $0x1400, $0x38;
	[tilespmem:$0x1D700] =	vst v63  }
0x356: {  	v0 =	vld [tilespmem:s4+$0x30]  }
0x357: {  	v1 =	vld [tilespmem:s4+$0xFFFFFFD0]  }
0x358: {  	v2 =	vld [tilespmem:s4+$0xFFFFFFE0]  }
0x359: {  	v3 =	vld [tilespmem:s4+$0xFFFFFFF0]  }
0x35a: {  	v4 =	vld [tilespmem:s4+$0x0]  }
0x35b: {  	v6 =	vld [tilespmem:s4+$0x10]  }
0x35c: {  	v7 =	vld [tilespmem:s4+$0x20]  }
0x35d: {  	v8 =	vld [tilespmem:s4+$0xFFFFFFC0]  }
0x35e: {  	v9 =	vld.idx.msk [tilespmem:v0+s16+$0x0], $0xffff  }
0x35f: {  	v10 =	vld.idx.msk [tilespmem:v1+s16+$0x0], $0xffff  }
0x360: {  	v5 =	vld.idx.msk [tilespmem:v2+s16+$0x0], $0xffff  }
0x361: {  	v3 =	vld.idx.msk [tilespmem:v3+s16+$0x0], $0xffff  }
0x362: {  	v0 =	vld.idx.msk [tilespmem:v4+s16+$0x0], $0xffff  }
0x363: {  	s2 =	simm.s32 $0x1AF40;
	v1 =	vld.idx.msk [tilespmem:v6+s16+$0x0], $0xffff  }
0x364: {  	v2 =	vld.idx.msk [tilespmem:v7+s16+$0x0], $0xffff;
	[tilespmem:s2+$0x30] =	vst v9  }
0x365: {  	s3 =	simm.s32 $0x0;
	s4 =	simm.s32 $0x187C0;
	v4 =	vld.idx.msk [tilespmem:v8+s16+$0x0], $0xffff;
	[tilespmem:s2+$0xFFFFFFD0] =	vst v10  }
.LBB2_39:
0x366: {  	v6 =	vld [tilespmem:s4+$0x30];
	s3 =	sadd.s32 $0x80, s3;
	[tilespmem:s2+$0xFFFFFFE0] =	vst v5  }
0x367: {  	v5 =	vld [tilespmem:s4+$0xFFFFFFD0];
	p3 =	slt.u32 s3, $0x1380;
	[tilespmem:s2+$0xFFFFFFF0] =	vst v3  }
0x368: {  	v3 =	vld [tilespmem:s4+$0xFFFFFFE0];
	[tilespmem:s2+$0x0] =	vst v0  }
0x369: {  	v0 =	vld [tilespmem:s4+$0xFFFFFFF0];
	[tilespmem:s2+$0x10] =	vst v1  }
0x36a: {  	v1 =	vld [tilespmem:s4+$0x0];
	[tilespmem:s2+$0x20] =	vst v2  }
0x36b: {  	v2 =	vld [tilespmem:s4+$0x10];
	[tilespmem:s2+$0xFFFFFFC0] =	vst v4  }
0x36c: {  	v4 =	vld [tilespmem:s4+$0x20]  }
0x36d: {  	v7 =	vld [tilespmem:s4+$0xFFFFFFC0]  }
0x36e: {  	v6 =	vld.idx.msk [tilespmem:v6+s16+$0x0], $0xffff  }
0x36f: {  	v8 =	vld.idx.msk [tilespmem:v5+s16+$0x0], $0xffff  }
0x370: {  	v5 =	vld.idx.msk [tilespmem:v3+s16+$0x0], $0xffff  }
.Ltmp21:
0x371: {  	v3 =	vld.idx.msk [tilespmem:v0+s16+$0x0], $0xffff;
	(pc) =	sbr.rel @p3 .LBB2_39-.Ltmp21, $4  }
0x372: {  	v0 =	vld.idx.msk [tilespmem:v1+s16+$0x0], $0xffff  }
0x373: {  	s2 =	sadd.s32 $0x80, s2;
	v1 =	vld.idx.msk [tilespmem:v2+s16+$0x0], $0xffff  }
0x374: {  	v2 =	vld.idx.msk [tilespmem:v4+s16+$0x0], $0xffff;
	[tilespmem:s2+$0x30] =	vst v6  }
0x375: {  	s4 =	sadd.s32 $0x80, s4;
	v4 =	vld.idx.msk [tilespmem:v7+s16+$0x0], $0xffff;
	[tilespmem:s2+$0xFFFFFFD0] =	vst v8  }
0x376: {  	[tilespmem:s2+$0xFFFFFFE0] =	vst v5  }
0x377: {  	[tilespmem:s2+$0xFFFFFFF0] =	vst v3  }
0x378: {  	[tilespmem:s2+$0x0] =	vst v0  }
0x379: {  	[tilespmem:s2+$0x10] =	vst v1  }
0x37a: {  	[tilespmem:s2+$0x20] =	vst v2  }
0x37b: {  	[tilespmem:s2+$0xFFFFFFC0] =	vst v4  }
0x37c: {  	s2 =	sld [smem:$0x7FC];
	_ =	sdelay $0x2  }
0x37d: {  	[hbm4b:s2+s16] =	stream.linear.scatter [tilespmem:s28], [sflag:$0x4], $0x1400, $0x38;
	[tilespmem:$0x1D700] =	vst v63  }
0x37e: {  	_ =	swait.ge [sflag:s29], $0x1400  }
0x37f: {  	[sflag:s29] =	ssyncset.done $0x0  }
0x380: {  	s4 =	simm.s32 $0x19B40;
	[sflag:s29] =	ssyncadd.s32 $0xFFFFEC00  }
0x381: {  	[tilespmem:s23], [sflag:$0x2] =	stream.linear.gather [hbm4b:s6+s16], $0x1400, $0x38;
	[tilespmem:$0x1D700] =	vst v63  }
0x382: {  	v0 =	vld [tilespmem:s4+$0x30]  }
0x383: {  	v1 =	vld [tilespmem:s4+$0xFFFFFFD0]  }
0x384: {  	v2 =	vld [tilespmem:s4+$0xFFFFFFE0]  }
0x385: {  	v3 =	vld [tilespmem:s4+$0xFFFFFFF0]  }
0x386: {  	v4 =	vld [tilespmem:s4+$0x0]  }
0x387: {  	v6 =	vld [tilespmem:s4+$0x10]  }
0x388: {  	v7 =	vld [tilespmem:s4+$0x20]  }
0x389: {  	v8 =	vld [tilespmem:s4+$0xFFFFFFC0]  }
0x38a: {  	v9 =	vld.idx.msk [tilespmem:v0+s16+$0x0], $0xffff  }
0x38b: {  	v10 =	vld.idx.msk [tilespmem:v1+s16+$0x0], $0xffff  }
0x38c: {  	v5 =	vld.idx.msk [tilespmem:v2+s16+$0x0], $0xffff  }
0x38d: {  	v3 =	vld.idx.msk [tilespmem:v3+s16+$0x0], $0xffff  }
0x38e: {  	v0 =	vld.idx.msk [tilespmem:v4+s16+$0x0], $0xffff  }
0x38f: {  	s2 =	simm.s32 $0x1C340;
	v1 =	vld.idx.msk [tilespmem:v6+s16+$0x0], $0xffff  }
0x390: {  	v2 =	vld.idx.msk [tilespmem:v7+s16+$0x0], $0xffff;
	[tilespmem:s2+$0x30] =	vst v9  }
0x391: {  	s3 =	simm.s32 $0x0;
	s4 =	simm.s32 $0x19BC0;
	v4 =	vld.idx.msk [tilespmem:v8+s16+$0x0], $0xffff;
	[tilespmem:s2+$0xFFFFFFD0] =	vst v10  }
.LBB2_41:
0x392: {  	v6 =	vld [tilespmem:s4+$0x30];
	s3 =	sadd.s32 $0x80, s3;
	[tilespmem:s2+$0xFFFFFFE0] =	vst v5  }
0x393: {  	v5 =	vld [tilespmem:s4+$0xFFFFFFD0];
	p3 =	slt.u32 s3, $0x1380;
	[tilespmem:s2+$0xFFFFFFF0] =	vst v3  }
0x394: {  	v3 =	vld [tilespmem:s4+$0xFFFFFFE0];
	[tilespmem:s2+$0x0] =	vst v0  }
0x395: {  	v0 =	vld [tilespmem:s4+$0xFFFFFFF0];
	[tilespmem:s2+$0x10] =	vst v1  }
0x396: {  	v1 =	vld [tilespmem:s4+$0x0];
	[tilespmem:s2+$0x20] =	vst v2  }
0x397: {  	v2 =	vld [tilespmem:s4+$0x10];
	[tilespmem:s2+$0xFFFFFFC0] =	vst v4  }
0x398: {  	v4 =	vld [tilespmem:s4+$0x20]  }
0x399: {  	v7 =	vld [tilespmem:s4+$0xFFFFFFC0]  }
0x39a: {  	v6 =	vld.idx.msk [tilespmem:v6+s16+$0x0], $0xffff  }
0x39b: {  	v8 =	vld.idx.msk [tilespmem:v5+s16+$0x0], $0xffff  }
0x39c: {  	v5 =	vld.idx.msk [tilespmem:v3+s16+$0x0], $0xffff  }
.Ltmp22:
0x39d: {  	v3 =	vld.idx.msk [tilespmem:v0+s16+$0x0], $0xffff;
	(pc) =	sbr.rel @p3 .LBB2_41-.Ltmp22, $4  }
0x39e: {  	v0 =	vld.idx.msk [tilespmem:v1+s16+$0x0], $0xffff  }
0x39f: {  	s2 =	sadd.s32 $0x80, s2;
	v1 =	vld.idx.msk [tilespmem:v2+s16+$0x0], $0xffff  }
0x3a0: {  	v2 =	vld.idx.msk [tilespmem:v4+s16+$0x0], $0xffff;
	[tilespmem:s2+$0x30] =	vst v6  }
0x3a1: {  	s4 =	sadd.s32 $0x80, s4;
	v4 =	vld.idx.msk [tilespmem:v7+s16+$0x0], $0xffff;
	[tilespmem:s2+$0xFFFFFFD0] =	vst v8  }
0x3a2: {  	[tilespmem:s2+$0xFFFFFFE0] =	vst v5  }
0x3a3: {  	[tilespmem:s2+$0xFFFFFFF0] =	vst v3  }
0x3a4: {  	[tilespmem:s2+$0x0] =	vst v0  }
0x3a5: {  	[tilespmem:s2+$0x10] =	vst v1  }
0x3a6: {  	[tilespmem:s2+$0x20] =	vst v2  }
0x3a7: {  	[tilespmem:s2+$0xFFFFFFC0] =	vst v4  }
0x3a8: {  	[hbm4b:s5+s16] =	stream.linear.scatter [tilespmem:s30], [sflag:$0x5], $0x1400, $0x38;
	[tilespmem:$0x1D700] =	vst v63  }
0x3a9: {  	_ =	swait.ge [sflag:s25], $0x1400  }
0x3aa: {  	[sflag:s25] =	ssyncset.done $0x0  }
0x3ab: {  	[sflag:s25] =	ssyncadd.s32 $0xFFFFEC00  }
0x3ac: {  	[tilespmem:s26], [sflag:$0x3] =	stream.linear.gather [hbm4b:s8+s16], $0x1400, $0x38;
	[tilespmem:$0x1D700] =	vst v63  }
0x3ad: {  	_ =	swait.ge [sflag:s31], $0x1400  }
0x3ae: {  	[sflag:s31] =	ssyncset.done $0x0  }
0x3af: {  	s4 =	simm.s32 $0x18740;
	[sflag:s31] =	ssyncadd.s32 $0xFFFFEC00  }
0x3b0: {  	v0 =	vld [tilespmem:s4+$0x30]  }
0x3b1: {  	v1 =	vld [tilespmem:s4+$0xFFFFFFD0]  }
0x3b2: {  	v2 =	vld [tilespmem:s4+$0xFFFFFFE0]  }
0x3b3: {  	v3 =	vld [tilespmem:s4+$0xFFFFFFF0]  }
0x3b4: {  	v4 =	vld [tilespmem:s4+$0x0]  }
0x3b5: {  	v6 =	vld [tilespmem:s4+$0x10]  }
0x3b6: {  	v7 =	vld [tilespmem:s4+$0x20]  }
0x3b7: {  	v8 =	vld [tilespmem:s4+$0xFFFFFFC0]  }
0x3b8: {  	v9 =	vld.idx.msk [tilespmem:v0+s16+$0x0], $0xffff  }
0x3b9: {  	v10 =	vld.idx.msk [tilespmem:v1+s16+$0x0], $0xffff  }
0x3ba: {  	v5 =	vld.idx.msk [tilespmem:v2+s16+$0x0], $0xffff  }
0x3bb: {  	v3 =	vld.idx.msk [tilespmem:v3+s16+$0x0], $0xffff  }
0x3bc: {  	v0 =	vld.idx.msk [tilespmem:v4+s16+$0x0], $0xffff  }
0x3bd: {  	s2 =	simm.s32 $0x1AF40;
	v1 =	vld.idx.msk [tilespmem:v6+s16+$0x0], $0xffff  }
0x3be: {  	v2 =	vld.idx.msk [tilespmem:v7+s16+$0x0], $0xffff;
	[tilespmem:s2+$0x30] =	vst v9  }
0x3bf: {  	s3 =	simm.s32 $0x0;
	s4 =	simm.s32 $0x187C0;
	v4 =	vld.idx.msk [tilespmem:v8+s16+$0x0], $0xffff;
	[tilespmem:s2+$0xFFFFFFD0] =	vst v10  }
.LBB2_43:
0x3c0: {  	v6 =	vld [tilespmem:s4+$0x30];
	s3 =	sadd.s32 $0x80, s3;
	[tilespmem:s2+$0xFFFFFFE0] =	vst v5  }
0x3c1: {  	v5 =	vld [tilespmem:s4+$0xFFFFFFD0];
	p3 =	slt.u32 s3, $0x1380;
	[tilespmem:s2+$0xFFFFFFF0] =	vst v3  }
0x3c2: {  	v3 =	vld [tilespmem:s4+$0xFFFFFFE0];
	[tilespmem:s2+$0x0] =	vst v0  }
0x3c3: {  	v0 =	vld [tilespmem:s4+$0xFFFFFFF0];
	[tilespmem:s2+$0x10] =	vst v1  }
0x3c4: {  	v1 =	vld [tilespmem:s4+$0x0];
	[tilespmem:s2+$0x20] =	vst v2  }
0x3c5: {  	v2 =	vld [tilespmem:s4+$0x10];
	[tilespmem:s2+$0xFFFFFFC0] =	vst v4  }
0x3c6: {  	v4 =	vld [tilespmem:s4+$0x20]  }
0x3c7: {  	v7 =	vld [tilespmem:s4+$0xFFFFFFC0]  }
0x3c8: {  	v6 =	vld.idx.msk [tilespmem:v6+s16+$0x0], $0xffff  }
0x3c9: {  	v8 =	vld.idx.msk [tilespmem:v5+s16+$0x0], $0xffff  }
0x3ca: {  	v5 =	vld.idx.msk [tilespmem:v3+s16+$0x0], $0xffff  }
.Ltmp23:
0x3cb: {  	v3 =	vld.idx.msk [tilespmem:v0+s16+$0x0], $0xffff;
	(pc) =	sbr.rel @p3 .LBB2_43-.Ltmp23, $4  }
0x3cc: {  	v0 =	vld.idx.msk [tilespmem:v1+s16+$0x0], $0xffff  }
0x3cd: {  	s2 =	sadd.s32 $0x80, s2;
	v1 =	vld.idx.msk [tilespmem:v2+s16+$0x0], $0xffff  }
0x3ce: {  	v2 =	vld.idx.msk [tilespmem:v4+s16+$0x0], $0xffff;
	[tilespmem:s2+$0x30] =	vst v6  }
0x3cf: {  	s4 =	sadd.s32 $0x80, s4;
	v4 =	vld.idx.msk [tilespmem:v7+s16+$0x0], $0xffff;
	[tilespmem:s2+$0xFFFFFFD0] =	vst v8  }
0x3d0: {  	[tilespmem:s2+$0xFFFFFFE0] =	vst v5  }
0x3d1: {  	[tilespmem:s2+$0xFFFFFFF0] =	vst v3  }
0x3d2: {  	[tilespmem:s2+$0x0] =	vst v0  }
0x3d3: {  	[tilespmem:s2+$0x10] =	vst v1  }
0x3d4: {  	[tilespmem:s2+$0x20] =	vst v2  }
0x3d5: {  	[tilespmem:s2+$0xFFFFFFC0] =	vst v4  }
0x3d6: {  	[hbm4b:s7+s16] =	stream.linear.scatter [tilespmem:s28], [sflag:$0x4], $0x1400, $0x38;
	[tilespmem:$0x1D700] =	vst v63  }
0x3d7: {  	_ =	swait.ge [sflag:s29], $0x1400  }
0x3d8: {  	[sflag:s29] =	ssyncset.done $0x0  }
0x3d9: {  	[sflag:s29] =	ssyncadd.s32 $0xFFFFEC00  }
0x3da: {  	[tilespmem:s23], [sflag:$0x2] =	stream.linear.gather [hbm4b:s10+s16], $0x1400, $0x38;
	[tilespmem:$0x1D700] =	vst v63  }
0x3db: {  	_ =	swait.ge [sflag:s0], $0x1400  }
0x3dc: {  	[sflag:s0] =	ssyncset.done $0x0  }
0x3dd: {  	s4 =	simm.s32 $0x19B40;
	[sflag:s0] =	ssyncadd.s32 $0xFFFFEC00  }
0x3de: {  	v0 =	vld [tilespmem:s4+$0x30]  }
0x3df: {  	v1 =	vld [tilespmem:s4+$0xFFFFFFD0]  }
0x3e0: {  	v2 =	vld [tilespmem:s4+$0xFFFFFFE0]  }
0x3e1: {  	v3 =	vld [tilespmem:s4+$0xFFFFFFF0]  }
0x3e2: {  	v4 =	vld [tilespmem:s4+$0x0]  }
0x3e3: {  	v6 =	vld [tilespmem:s4+$0x10]  }
0x3e4: {  	v7 =	vld [tilespmem:s4+$0x20]  }
0x3e5: {  	v8 =	vld [tilespmem:s4+$0xFFFFFFC0]  }
0x3e6: {  	v9 =	vld.idx.msk [tilespmem:v0+s16+$0x0], $0xffff  }
0x3e7: {  	v10 =	vld.idx.msk [tilespmem:v1+s16+$0x0], $0xffff  }
0x3e8: {  	v5 =	vld.idx.msk [tilespmem:v2+s16+$0x0], $0xffff  }
0x3e9: {  	v3 =	vld.idx.msk [tilespmem:v3+s16+$0x0], $0xffff  }
0x3ea: {  	v0 =	vld.idx.msk [tilespmem:v4+s16+$0x0], $0xffff  }
0x3eb: {  	s2 =	simm.s32 $0x1C340;
	v1 =	vld.idx.msk [tilespmem:v6+s16+$0x0], $0xffff  }
0x3ec: {  	v2 =	vld.idx.msk [tilespmem:v7+s16+$0x0], $0xffff;
	[tilespmem:s2+$0x30] =	vst v9  }
0x3ed: {  	s3 =	simm.s32 $0x0;
	s4 =	simm.s32 $0x19BC0;
	v4 =	vld.idx.msk [tilespmem:v8+s16+$0x0], $0xffff;
	[tilespmem:s2+$0xFFFFFFD0] =	vst v10  }
.LBB2_45:
0x3ee: {  	v6 =	vld [tilespmem:s4+$0x30];
	s3 =	sadd.s32 $0x80, s3;
	[tilespmem:s2+$0xFFFFFFE0] =	vst v5  }
0x3ef: {  	v5 =	vld [tilespmem:s4+$0xFFFFFFD0];
	p3 =	slt.u32 s3, $0x1380;
	[tilespmem:s2+$0xFFFFFFF0] =	vst v3  }
0x3f0: {  	v3 =	vld [tilespmem:s4+$0xFFFFFFE0];
	[tilespmem:s2+$0x0] =	vst v0  }
0x3f1: {  	v0 =	vld [tilespmem:s4+$0xFFFFFFF0];
	[tilespmem:s2+$0x10] =	vst v1  }
0x3f2: {  	v1 =	vld [tilespmem:s4+$0x0];
	[tilespmem:s2+$0x20] =	vst v2  }
0x3f3: {  	v2 =	vld [tilespmem:s4+$0x10];
	[tilespmem:s2+$0xFFFFFFC0] =	vst v4  }
0x3f4: {  	v4 =	vld [tilespmem:s4+$0x20]  }
0x3f5: {  	v7 =	vld [tilespmem:s4+$0xFFFFFFC0]  }
0x3f6: {  	v6 =	vld.idx.msk [tilespmem:v6+s16+$0x0], $0xffff  }
0x3f7: {  	v8 =	vld.idx.msk [tilespmem:v5+s16+$0x0], $0xffff  }
0x3f8: {  	v5 =	vld.idx.msk [tilespmem:v3+s16+$0x0], $0xffff  }
.Ltmp24:
0x3f9: {  	v3 =	vld.idx.msk [tilespmem:v0+s16+$0x0], $0xffff;
	(pc) =	sbr.rel @p3 .LBB2_45-.Ltmp24, $4  }
0x3fa: {  	v0 =	vld.idx.msk [tilespmem:v1+s16+$0x0], $0xffff  }
0x3fb: {  	s2 =	sadd.s32 $0x80, s2;
	v1 =	vld.idx.msk [tilespmem:v2+s16+$0x0], $0xffff  }
0x3fc: {  	v2 =	vld.idx.msk [tilespmem:v4+s16+$0x0], $0xffff;
	[tilespmem:s2+$0x30] =	vst v6  }
0x3fd: {  	s4 =	sadd.s32 $0x80, s4;
	v4 =	vld.idx.msk [tilespmem:v7+s16+$0x0], $0xffff;
	[tilespmem:s2+$0xFFFFFFD0] =	vst v8  }
0x3fe: {  	[tilespmem:s2+$0xFFFFFFE0] =	vst v5  }
0x3ff: {  	[tilespmem:s2+$0xFFFFFFF0] =	vst v3  }
0x400: {  	[tilespmem:s2+$0x0] =	vst v0  }
0x401: {  	[tilespmem:s2+$0x10] =	vst v1  }
0x402: {  	[tilespmem:s2+$0x20] =	vst v2  }
0x403: {  	[tilespmem:s2+$0xFFFFFFC0] =	vst v4  }
0x404: {  	[hbm4b:s9+s16] =	stream.linear.scatter [tilespmem:s30], [sflag:$0x5], $0x1400, $0x38;
	[tilespmem:$0x1D700] =	vst v63  }
0x405: {  	_ =	swait.ge [sflag:s25], $0x1400  }
0x406: {  	[sflag:s25] =	ssyncset.done $0x0  }
0x407: {  	[sflag:s25] =	ssyncadd.s32 $0xFFFFEC00  }
0x408: {  	[tilespmem:s26], [sflag:$0x3] =	stream.linear.gather [hbm4b:s12+s16], $0x1400, $0x38;
	[tilespmem:$0x1D700] =	vst v63  }
0x409: {  	_ =	swait.ge [sflag:s31], $0x1400  }
0x40a: {  	[sflag:s31] =	ssyncset.done $0x0  }
0x40b: {  	s4 =	simm.s32 $0x18740;
	[sflag:s31] =	ssyncadd.s32 $0xFFFFEC00  }
0x40c: {  	v0 =	vld [tilespmem:s4+$0x30]  }
0x40d: {  	v1 =	vld [tilespmem:s4+$0xFFFFFFD0]  }
0x40e: {  	v2 =	vld [tilespmem:s4+$0xFFFFFFE0]  }
0x40f: {  	v3 =	vld [tilespmem:s4+$0xFFFFFFF0]  }
0x410: {  	v4 =	vld [tilespmem:s4+$0x0]  }
0x411: {  	v6 =	vld [tilespmem:s4+$0x10]  }
0x412: {  	v7 =	vld [tilespmem:s4+$0x20]  }
0x413: {  	v8 =	vld [tilespmem:s4+$0xFFFFFFC0]  }
0x414: {  	v9 =	vld.idx.msk [tilespmem:v0+s16+$0x0], $0xffff  }
0x415: {  	v10 =	vld.idx.msk [tilespmem:v1+s16+$0x0], $0xffff  }
0x416: {  	v5 =	vld.idx.msk [tilespmem:v2+s16+$0x0], $0xffff  }
0x417: {  	v3 =	vld.idx.msk [tilespmem:v3+s16+$0x0], $0xffff  }
0x418: {  	v0 =	vld.idx.msk [tilespmem:v4+s16+$0x0], $0xffff  }
0x419: {  	s2 =	simm.s32 $0x1AF40;
	v1 =	vld.idx.msk [tilespmem:v6+s16+$0x0], $0xffff  }
0x41a: {  	v2 =	vld.idx.msk [tilespmem:v7+s16+$0x0], $0xffff;
	[tilespmem:s2+$0x30] =	vst v9  }
0x41b: {  	s3 =	simm.s32 $0x0;
	s4 =	simm.s32 $0x187C0;
	v4 =	vld.idx.msk [tilespmem:v8+s16+$0x0], $0xffff;
	[tilespmem:s2+$0xFFFFFFD0] =	vst v10  }
.LBB2_47:
0x41c: {  	v6 =	vld [tilespmem:s4+$0x30];
	s3 =	sadd.s32 $0x80, s3;
	[tilespmem:s2+$0xFFFFFFE0] =	vst v5  }
0x41d: {  	v5 =	vld [tilespmem:s4+$0xFFFFFFD0];
	p3 =	slt.u32 s3, $0x1380;
	[tilespmem:s2+$0xFFFFFFF0] =	vst v3  }
0x41e: {  	v3 =	vld [tilespmem:s4+$0xFFFFFFE0];
	[tilespmem:s2+$0x0] =	vst v0  }
0x41f: {  	v0 =	vld [tilespmem:s4+$0xFFFFFFF0];
	[tilespmem:s2+$0x10] =	vst v1  }
0x420: {  	v1 =	vld [tilespmem:s4+$0x0];
	[tilespmem:s2+$0x20] =	vst v2  }
0x421: {  	v2 =	vld [tilespmem:s4+$0x10];
	[tilespmem:s2+$0xFFFFFFC0] =	vst v4  }
0x422: {  	v4 =	vld [tilespmem:s4+$0x20]  }
0x423: {  	v7 =	vld [tilespmem:s4+$0xFFFFFFC0]  }
0x424: {  	v6 =	vld.idx.msk [tilespmem:v6+s16+$0x0], $0xffff  }
0x425: {  	v8 =	vld.idx.msk [tilespmem:v5+s16+$0x0], $0xffff  }
0x426: {  	v5 =	vld.idx.msk [tilespmem:v3+s16+$0x0], $0xffff  }
.Ltmp25:
0x427: {  	v3 =	vld.idx.msk [tilespmem:v0+s16+$0x0], $0xffff;
	(pc) =	sbr.rel @p3 .LBB2_47-.Ltmp25, $4  }
0x428: {  	v0 =	vld.idx.msk [tilespmem:v1+s16+$0x0], $0xffff  }
0x429: {  	s2 =	sadd.s32 $0x80, s2;
	v1 =	vld.idx.msk [tilespmem:v2+s16+$0x0], $0xffff  }
0x42a: {  	v2 =	vld.idx.msk [tilespmem:v4+s16+$0x0], $0xffff;
	[tilespmem:s2+$0x30] =	vst v6  }
0x42b: {  	s4 =	sadd.s32 $0x80, s4;
	v4 =	vld.idx.msk [tilespmem:v7+s16+$0x0], $0xffff;
	[tilespmem:s2+$0xFFFFFFD0] =	vst v8  }
0x42c: {  	[tilespmem:s2+$0xFFFFFFE0] =	vst v5  }
0x42d: {  	[tilespmem:s2+$0xFFFFFFF0] =	vst v3  }
0x42e: {  	[tilespmem:s2+$0x0] =	vst v0  }
0x42f: {  	[tilespmem:s2+$0x10] =	vst v1  }
0x430: {  	[tilespmem:s2+$0x20] =	vst v2  }
0x431: {  	[tilespmem:s2+$0xFFFFFFC0] =	vst v4  }
0x432: {  	[hbm4b:s11+s16] =	stream.linear.scatter [tilespmem:s28], [sflag:$0x4], $0x1400, $0x38;
	[tilespmem:$0x1D700] =	vst v63  }
0x433: {  	_ =	swait.ge [sflag:s29], $0x1400  }
0x434: {  	[sflag:s29] =	ssyncset.done $0x0  }
0x435: {  	[sflag:s29] =	ssyncadd.s32 $0xFFFFEC00  }
0x436: {  	[tilespmem:s23], [sflag:$0x2] =	stream.linear.gather [hbm4b:s14+s16], $0x1400, $0x38;
	[tilespmem:$0x1D700] =	vst v63  }
0x437: {  	_ =	swait.ge [sflag:s0], $0x1400  }
0x438: {  	[sflag:s0] =	ssyncset.done $0x0  }
0x439: {  	s4 =	simm.s32 $0x19B40;
	[sflag:s0] =	ssyncadd.s32 $0xFFFFEC00  }
0x43a: {  	v0 =	vld [tilespmem:s4+$0x30]  }
0x43b: {  	v1 =	vld [tilespmem:s4+$0xFFFFFFD0]  }
0x43c: {  	v2 =	vld [tilespmem:s4+$0xFFFFFFE0]  }
0x43d: {  	v3 =	vld [tilespmem:s4+$0xFFFFFFF0]  }
0x43e: {  	v4 =	vld [tilespmem:s4+$0x0]  }
0x43f: {  	v6 =	vld [tilespmem:s4+$0x10]  }
0x440: {  	v7 =	vld [tilespmem:s4+$0x20]  }
0x441: {  	v8 =	vld [tilespmem:s4+$0xFFFFFFC0]  }
0x442: {  	v9 =	vld.idx.msk [tilespmem:v0+s16+$0x0], $0xffff  }
0x443: {  	v10 =	vld.idx.msk [tilespmem:v1+s16+$0x0], $0xffff  }
0x444: {  	v5 =	vld.idx.msk [tilespmem:v2+s16+$0x0], $0xffff  }
0x445: {  	v3 =	vld.idx.msk [tilespmem:v3+s16+$0x0], $0xffff  }
0x446: {  	v0 =	vld.idx.msk [tilespmem:v4+s16+$0x0], $0xffff  }
0x447: {  	s2 =	simm.s32 $0x1C340;
	v1 =	vld.idx.msk [tilespmem:v6+s16+$0x0], $0xffff  }
0x448: {  	v2 =	vld.idx.msk [tilespmem:v7+s16+$0x0], $0xffff;
	[tilespmem:s2+$0x30] =	vst v9  }
0x449: {  	s3 =	simm.s32 $0x0;
	s4 =	simm.s32 $0x19BC0;
	v4 =	vld.idx.msk [tilespmem:v8+s16+$0x0], $0xffff;
	[tilespmem:s2+$0xFFFFFFD0] =	vst v10  }
.LBB2_49:
0x44a: {  	v6 =	vld [tilespmem:s4+$0x30];
	s3 =	sadd.s32 $0x80, s3;
	[tilespmem:s2+$0xFFFFFFE0] =	vst v5  }
0x44b: {  	v5 =	vld [tilespmem:s4+$0xFFFFFFD0];
	p3 =	slt.u32 s3, $0x1380;
	[tilespmem:s2+$0xFFFFFFF0] =	vst v3  }
0x44c: {  	v3 =	vld [tilespmem:s4+$0xFFFFFFE0];
	[tilespmem:s2+$0x0] =	vst v0  }
0x44d: {  	v0 =	vld [tilespmem:s4+$0xFFFFFFF0];
	[tilespmem:s2+$0x10] =	vst v1  }
0x44e: {  	v1 =	vld [tilespmem:s4+$0x0];
	[tilespmem:s2+$0x20] =	vst v2  }
0x44f: {  	v2 =	vld [tilespmem:s4+$0x10];
	[tilespmem:s2+$0xFFFFFFC0] =	vst v4  }
0x450: {  	v4 =	vld [tilespmem:s4+$0x20]  }
0x451: {  	v7 =	vld [tilespmem:s4+$0xFFFFFFC0]  }
0x452: {  	v6 =	vld.idx.msk [tilespmem:v6+s16+$0x0], $0xffff  }
0x453: {  	v8 =	vld.idx.msk [tilespmem:v5+s16+$0x0], $0xffff  }
0x454: {  	v5 =	vld.idx.msk [tilespmem:v3+s16+$0x0], $0xffff  }
.Ltmp26:
0x455: {  	v3 =	vld.idx.msk [tilespmem:v0+s16+$0x0], $0xffff;
	(pc) =	sbr.rel @p3 .LBB2_49-.Ltmp26, $4  }
0x456: {  	v0 =	vld.idx.msk [tilespmem:v1+s16+$0x0], $0xffff  }
0x457: {  	s2 =	sadd.s32 $0x80, s2;
	v1 =	vld.idx.msk [tilespmem:v2+s16+$0x0], $0xffff  }
0x458: {  	v2 =	vld.idx.msk [tilespmem:v4+s16+$0x0], $0xffff;
	[tilespmem:s2+$0x30] =	vst v6  }
0x459: {  	s4 =	sadd.s32 $0x80, s4;
	v4 =	vld.idx.msk [tilespmem:v7+s16+$0x0], $0xffff;
	[tilespmem:s2+$0xFFFFFFD0] =	vst v8  }
0x45a: {  	[tilespmem:s2+$0xFFFFFFE0] =	vst v5  }
0x45b: {  	[tilespmem:s2+$0xFFFFFFF0] =	vst v3  }
0x45c: {  	[tilespmem:s2+$0x0] =	vst v0  }
0x45d: {  	[tilespmem:s2+$0x10] =	vst v1  }
0x45e: {  	[tilespmem:s2+$0x20] =	vst v2  }
0x45f: {  	[tilespmem:s2+$0xFFFFFFC0] =	vst v4  }
0x460: {  	[hbm4b:s13+s16] =	stream.linear.scatter [tilespmem:s30], [sflag:$0x5], $0x1400, $0x38;
	[tilespmem:$0x1D700] =	vst v63  }
0x461: {  	_ =	swait.ge [sflag:s25], $0x1400  }
0x462: {  	[sflag:s25] =	ssyncset.done $0x0  }
0x463: {  	[sflag:s25] =	ssyncadd.s32 $0xFFFFEC00  }
0x464: {  	[tilespmem:s26], [sflag:$0x3] =	stream.linear.gather [hbm4b:s15+s16], $0x1400, $0x38;
	[tilespmem:$0x1D700] =	vst v63  }
0x465: {  	_ =	swait.ge [sflag:s31], $0x1400  }
0x466: {  	[sflag:s31] =	ssyncset.done $0x0  }
0x467: {  	s4 =	simm.s32 $0x18740;
	[sflag:s31] =	ssyncadd.s32 $0xFFFFEC00  }
0x468: {  	v0 =	vld [tilespmem:s4+$0x30]  }
0x469: {  	v1 =	vld [tilespmem:s4+$0xFFFFFFD0]  }
0x46a: {  	v2 =	vld [tilespmem:s4+$0xFFFFFFE0]  }
0x46b: {  	v3 =	vld [tilespmem:s4+$0xFFFFFFF0]  }
0x46c: {  	v4 =	vld [tilespmem:s4+$0x0]  }
0x46d: {  	v6 =	vld [tilespmem:s4+$0x10]  }
0x46e: {  	v7 =	vld [tilespmem:s4+$0x20]  }
0x46f: {  	v8 =	vld [tilespmem:s4+$0xFFFFFFC0]  }
0x470: {  	v9 =	vld.idx.msk [tilespmem:v0+s16+$0x0], $0xffff  }
0x471: {  	v10 =	vld.idx.msk [tilespmem:v1+s16+$0x0], $0xffff  }
0x472: {  	v5 =	vld.idx.msk [tilespmem:v2+s16+$0x0], $0xffff  }
0x473: {  	v3 =	vld.idx.msk [tilespmem:v3+s16+$0x0], $0xffff  }
0x474: {  	v0 =	vld.idx.msk [tilespmem:v4+s16+$0x0], $0xffff  }
0x475: {  	s2 =	simm.s32 $0x1AF40;
	v1 =	vld.idx.msk [tilespmem:v6+s16+$0x0], $0xffff  }
0x476: {  	v2 =	vld.idx.msk [tilespmem:v7+s16+$0x0], $0xffff;
	[tilespmem:s2+$0x30] =	vst v9  }
0x477: {  	s3 =	simm.s32 $0x0;
	s4 =	simm.s32 $0x187C0;
	v4 =	vld.idx.msk [tilespmem:v8+s16+$0x0], $0xffff;
	[tilespmem:s2+$0xFFFFFFD0] =	vst v10  }
.LBB2_51:
0x478: {  	v6 =	vld [tilespmem:s4+$0x30];
	s3 =	sadd.s32 $0x80, s3;
	[tilespmem:s2+$0xFFFFFFE0] =	vst v5  }
0x479: {  	v5 =	vld [tilespmem:s4+$0xFFFFFFD0];
	p3 =	slt.u32 s3, $0x1380;
	[tilespmem:s2+$0xFFFFFFF0] =	vst v3  }
0x47a: {  	v3 =	vld [tilespmem:s4+$0xFFFFFFE0];
	[tilespmem:s2+$0x0] =	vst v0  }
0x47b: {  	v0 =	vld [tilespmem:s4+$0xFFFFFFF0];
	[tilespmem:s2+$0x10] =	vst v1  }
0x47c: {  	v1 =	vld [tilespmem:s4+$0x0];
	[tilespmem:s2+$0x20] =	vst v2  }
0x47d: {  	v2 =	vld [tilespmem:s4+$0x10];
	[tilespmem:s2+$0xFFFFFFC0] =	vst v4  }
0x47e: {  	v4 =	vld [tilespmem:s4+$0x20]  }
0x47f: {  	v7 =	vld [tilespmem:s4+$0xFFFFFFC0]  }
0x480: {  	v6 =	vld.idx.msk [tilespmem:v6+s16+$0x0], $0xffff  }
0x481: {  	v8 =	vld.idx.msk [tilespmem:v5+s16+$0x0], $0xffff  }
0x482: {  	v5 =	vld.idx.msk [tilespmem:v3+s16+$0x0], $0xffff  }
.Ltmp27:
0x483: {  	v3 =	vld.idx.msk [tilespmem:v0+s16+$0x0], $0xffff;
	(pc) =	sbr.rel @p3 .LBB2_51-.Ltmp27, $4  }
0x484: {  	v0 =	vld.idx.msk [tilespmem:v1+s16+$0x0], $0xffff  }
0x485: {  	s2 =	sadd.s32 $0x80, s2;
	v1 =	vld.idx.msk [tilespmem:v2+s16+$0x0], $0xffff  }
0x486: {  	v2 =	vld.idx.msk [tilespmem:v4+s16+$0x0], $0xffff;
	[tilespmem:s2+$0x30] =	vst v6  }
0x487: {  	s4 =	sadd.s32 $0x80, s4;
	v4 =	vld.idx.msk [tilespmem:v7+s16+$0x0], $0xffff;
	[tilespmem:s2+$0xFFFFFFD0] =	vst v8  }
0x488: {  	[tilespmem:s2+$0xFFFFFFE0] =	vst v5  }
0x489: {  	[tilespmem:s2+$0xFFFFFFF0] =	vst v3  }
0x48a: {  	[tilespmem:s2+$0x0] =	vst v0  }
0x48b: {  	[tilespmem:s2+$0x10] =	vst v1  }
0x48c: {  	[tilespmem:s2+$0x20] =	vst v2  }
0x48d: {  	[tilespmem:s2+$0xFFFFFFC0] =	vst v4  }
0x48e: {  	[hbm4b:s17+s16] =	stream.linear.scatter [tilespmem:s28], [sflag:$0x4], $0x1400, $0x38;
	[tilespmem:$0x1D700] =	vst v63  }
0x48f: {  	_ =	swait.ge [sflag:s29], $0x1400  }
0x490: {  	[sflag:s29] =	ssyncset.done $0x0  }
0x491: {  	[sflag:s29] =	ssyncadd.s32 $0xFFFFEC00  }
0x492: {  	_ =	swait.ge [sflag:s0], $0x1400  }
0x493: {  	[sflag:s0] =	ssyncset.done $0x0  }
0x494: {  	s4 =	simm.s32 $0x19B40;
	[sflag:s0] =	ssyncadd.s32 $0xFFFFEC00  }
0x495: {  	v0 =	vld [tilespmem:s4+$0x30]  }
0x496: {  	v1 =	vld [tilespmem:s4+$0xFFFFFFD0]  }
0x497: {  	v2 =	vld [tilespmem:s4+$0xFFFFFFE0]  }
0x498: {  	v3 =	vld [tilespmem:s4+$0xFFFFFFF0]  }
0x499: {  	v4 =	vld [tilespmem:s4+$0x0]  }
0x49a: {  	v6 =	vld [tilespmem:s4+$0x10]  }
0x49b: {  	v7 =	vld [tilespmem:s4+$0x20]  }
0x49c: {  	v8 =	vld [tilespmem:s4+$0xFFFFFFC0]  }
0x49d: {  	v9 =	vld.idx.msk [tilespmem:v0+s16+$0x0], $0xffff  }
0x49e: {  	v10 =	vld.idx.msk [tilespmem:v1+s16+$0x0], $0xffff  }
0x49f: {  	v5 =	vld.idx.msk [tilespmem:v2+s16+$0x0], $0xffff  }
0x4a0: {  	v3 =	vld.idx.msk [tilespmem:v3+s16+$0x0], $0xffff  }
0x4a1: {  	v0 =	vld.idx.msk [tilespmem:v4+s16+$0x0], $0xffff  }
0x4a2: {  	s2 =	simm.s32 $0x1C340;
	v1 =	vld.idx.msk [tilespmem:v6+s16+$0x0], $0xffff  }
0x4a3: {  	v2 =	vld.idx.msk [tilespmem:v7+s16+$0x0], $0xffff;
	[tilespmem:s2+$0x30] =	vst v9  }
0x4a4: {  	s3 =	simm.s32 $0x0;
	s4 =	simm.s32 $0x19BC0;
	v4 =	vld.idx.msk [tilespmem:v8+s16+$0x0], $0xffff;
	[tilespmem:s2+$0xFFFFFFD0] =	vst v10  }
.LBB2_53:
0x4a5: {  	v6 =	vld [tilespmem:s4+$0x30];
	s3 =	sadd.s32 $0x80, s3;
	[tilespmem:s2+$0xFFFFFFE0] =	vst v5  }
0x4a6: {  	v5 =	vld [tilespmem:s4+$0xFFFFFFD0];
	p3 =	slt.u32 s3, $0x1380;
	[tilespmem:s2+$0xFFFFFFF0] =	vst v3  }
0x4a7: {  	v3 =	vld [tilespmem:s4+$0xFFFFFFE0];
	[tilespmem:s2+$0x0] =	vst v0  }
0x4a8: {  	v0 =	vld [tilespmem:s4+$0xFFFFFFF0];
	[tilespmem:s2+$0x10] =	vst v1  }
0x4a9: {  	v1 =	vld [tilespmem:s4+$0x0];
	[tilespmem:s2+$0x20] =	vst v2  }
0x4aa: {  	v2 =	vld [tilespmem:s4+$0x10];
	[tilespmem:s2+$0xFFFFFFC0] =	vst v4  }
0x4ab: {  	v4 =	vld [tilespmem:s4+$0x20]  }
0x4ac: {  	v7 =	vld [tilespmem:s4+$0xFFFFFFC0]  }
0x4ad: {  	v6 =	vld.idx.msk [tilespmem:v6+s16+$0x0], $0xffff  }
0x4ae: {  	v8 =	vld.idx.msk [tilespmem:v5+s16+$0x0], $0xffff  }
0x4af: {  	v5 =	vld.idx.msk [tilespmem:v3+s16+$0x0], $0xffff  }
.Ltmp28:
0x4b0: {  	v3 =	vld.idx.msk [tilespmem:v0+s16+$0x0], $0xffff;
	(pc) =	sbr.rel @p3 .LBB2_53-.Ltmp28, $4  }
0x4b1: {  	v0 =	vld.idx.msk [tilespmem:v1+s16+$0x0], $0xffff  }
0x4b2: {  	s2 =	sadd.s32 $0x80, s2;
	v1 =	vld.idx.msk [tilespmem:v2+s16+$0x0], $0xffff  }
0x4b3: {  	v2 =	vld.idx.msk [tilespmem:v4+s16+$0x0], $0xffff;
	[tilespmem:s2+$0x30] =	vst v6  }
0x4b4: {  	s4 =	sadd.s32 $0x80, s4;
	v4 =	vld.idx.msk [tilespmem:v7+s16+$0x0], $0xffff;
	[tilespmem:s2+$0xFFFFFFD0] =	vst v8  }
.Ltmp29:
0x4b5: {  	_ = 	snop;
	(pc) =	sbr.rel .LBB2_54-.Ltmp29, $1  }
0x4b6: {  	_ =	sdelay $0x3  }
.LBB2_56:
0x4b7: {  	_ =	sfence.sel $0x180000  }
0x4b8: {  	[bflag:$0x0] =	sbarrier.arrive $0xFFFF  }
0x4b9: {  	_ =	strace $0x90000047  }
0x4ba: {  	s0 =	stileid.u32;
	[bflag:$0x2] =	sbarrier.arrive $0xFFFF  }
0x4bb: {  	p0 =	sne.s32 s0, $0x0;
	s0 =	rddreg [dreg:$0x2]  }
0x4bc: {  	s0 =	sadd.s32 @!p0 $0x100000, s0  }
0x4bd: {  	[sflag:s0] =	ssyncadd.tile.s32 @!p0 $0x1;
	_ =	shalt  }
.Lfunc_end2:
_tile_overlayer_lowered:
.L_overlay_start_2:
0x4be: {  	(tag) =	ssettag $0x2  }
0x4bf: {  	s0 =	rddreg [dreg:$0x0];
	s2 =	stileid.u32  }
0x4c0: {  	s1 =	rddreg [dreg:$0x1];
	p0 =	sne.s32 s2, $0x0  }
0x4c1: {  	s3 =	rddreg [dreg:$0x2];
	[bflag:$0x3] =	sbarrier.arrive $0xFFFF;
	s2 =	simm.s32 @!p0 $0x1C06  }
0x4c2: {  	[timem:s3], [sflag:s2] =	dma.local @!p0 [hbm:s0], s1  }
0x4c3: {  	s0 =	simm.s32 @!p0 $0x6  }
0x4c4: {  	_ =	swait.ge @!p0 [sflag:s0], s1  }
0x4c5: {  	s1 =	ssub.s32 @!p0 $0x0, s1;
	[sflag:s0] =	ssyncset.done @!p0 $0x0  }
0x4c6: {  	[sflag:s0] =	ssyncadd.s32 @!p0 s1  }
0x4c7: {  	[bflag:$0x3] =	sbarrier.arrive $0xFFFF  }
0x4c8: {  	_ =	shalt  }

</sc_bundles>
